<compile_context>
chip_gen: v7x
topology: tpu7x:2x2x1
jax: 0.10.2.dev20260603
libtpu: 0.0.44.dev20260713+nightly
codegen_flags: <defaults>
</compile_context>

<pallas_src>
import functools

import jax
import jax.numpy as jnp
from jax import lax
from jax.experimental import pallas as pl
from jax.experimental.pallas import tpu as pltpu
from jax.experimental.pallas import tpu_sc as plsc

N_NODES = 10000
N_EDGES = 320000
D = 128
LANES = 16

NC, NS = 2, 16
NW = NC * NS
E_PER_W = N_EDGES // NW
CH = 128
NCHUNK = E_PER_W // CH
TAIL = E_PER_W - NCHUNK * CH
NG = 3

_mesh = plsc.VectorSubcoreMesh(core_axis_name="c", subcore_axis_name="s")


@functools.partial(
    pl.kernel,
    out_type=jax.ShapeDtypeStruct((N_EDGES, D), jnp.float32),
    mesh=_mesh,
    scratch_types=[
        pltpu.VMEM((E_PER_W,), jnp.int32),
        pltpu.VMEM((E_PER_W,), jnp.int32),
        pltpu.VMEM((NG, CH, D), jnp.float32),
        pltpu.VMEM((NG, CH, D), jnp.float32),
        pltpu.SemaphoreType.DMA,
        pltpu.SemaphoreType.DMA,
        pltpu.SemaphoreType.DMA,
        pltpu.SemaphoreType.DMA,
        pltpu.SemaphoreType.DMA,
        pltpu.SemaphoreType.DMA,
        pltpu.SemaphoreType.DMA,
        pltpu.SemaphoreType.DMA,
        pltpu.SemaphoreType.DMA,
    ],
)
def _ratios_sc(table, idx_i, idx_j, out, ii_v, jj_v, ri_v, rj_v,
               sgi0, sgi1, sgi2, sgj0, sgj1, sgj2, so0, so1, so2):
    wid = lax.axis_index("s") * NC + lax.axis_index("c")
    base = wid * E_PER_W
    pltpu.sync_copy(idx_i.at[pl.ds(base, E_PER_W)], ii_v)
    pltpu.sync_copy(idx_j.at[pl.ds(base, E_PER_W)], jj_v)
    sgi = (sgi0, sgi1, sgi2)
    sgj = (sgj0, sgj1, sgj2)
    so = (so0, so1, so2)

    def diff_inplace(g, nrows):
        def row_body(r, rcarry):
            for k in range(D // LANES):
                s = pl.ds(k * LANES, LANES)
                plsc.addupdate(ri_v.at[g, r, s], -rj_v[g, r, s])
            return rcarry

        lax.fori_loop(0, nrows, row_body, 0, unroll=4)

    toff = NCHUNK * CH
    pltpu.sync_copy(table.at[ii_v.at[pl.ds(toff, TAIL)]], ri_v.at[0, pl.ds(0, TAIL)])
    pltpu.sync_copy(table.at[jj_v.at[pl.ds(toff, TAIL)]], rj_v.at[0, pl.ds(0, TAIL)])
    diff_inplace(0, TAIL)
    pltpu.sync_copy(ri_v.at[0, pl.ds(0, TAIL)], out.at[pl.ds(base + toff, TAIL)])

    H = CH // 2

    def issue_gathers(c, g):
        off = c * CH
        pltpu.async_copy(table.at[ii_v.at[pl.ds(off, H)]], ri_v.at[g, pl.ds(0, H)], sgi[g])
        pltpu.async_copy(table.at[ii_v.at[pl.ds(off + H, H)]], ri_v.at[g, pl.ds(H, H)], sgi[g])
        pltpu.async_copy(table.at[jj_v.at[pl.ds(off, H)]], rj_v.at[g, pl.ds(0, H)], sgj[g])
        pltpu.async_copy(table.at[jj_v.at[pl.ds(off + H, H)]], rj_v.at[g, pl.ds(H, H)], sgj[g])

    def wait_scatter(g):
        pltpu.make_async_copy(ri_v.at[g], out.at[pl.ds(0, CH)], so[g]).wait()

    issue_gathers(0, 0)
    issue_gathers(1, 1)

    def iter_body(it, carry):
        for u in range(NG):
            c = it * NG + u
            g = u
            pg = (u + 2) % NG
            pltpu.make_async_copy(table.at[ii_v.at[pl.ds(0, H)]], ri_v.at[g, pl.ds(0, H)], sgi[g]).wait()
            pltpu.make_async_copy(table.at[ii_v.at[pl.ds(0, H)]], ri_v.at[g, pl.ds(H, H)], sgi[g]).wait()
            pltpu.make_async_copy(table.at[jj_v.at[pl.ds(0, H)]], rj_v.at[g, pl.ds(0, H)], sgj[g]).wait()
            pltpu.make_async_copy(table.at[jj_v.at[pl.ds(0, H)]], rj_v.at[g, pl.ds(H, H)], sgj[g]).wait()

            diff_inplace(g, CH)
            pltpu.async_copy(ri_v.at[g], out.at[pl.ds(base + c * CH, CH)], so[g])

            @pl.when(c + 2 < NCHUNK)
            def _():
                @pl.when(c >= 1)
                def _():
                    wait_scatter(pg)

                issue_gathers(c + 2, pg)
        return carry

    lax.fori_loop(0, NCHUNK // NG, iter_body, 0, unroll=False)
    wait_scatter(0)
    wait_scatter(1)
    wait_scatter(2)


def _weights_tc_body(w_ref, o_ref):
    o_ref[...] = jnp.broadcast_to(w_ref[...], o_ref.shape)


_W_BLK = 8000


def _weights_tc(weights):
    return pl.pallas_call(
        _weights_tc_body,
        grid=(N_EDGES // _W_BLK,),
        in_specs=[pl.BlockSpec((1, D), lambda i: (0, 0))],
        out_specs=pl.BlockSpec((_W_BLK, D), lambda i: (i, 0)),
        out_shape=jax.ShapeDtypeStruct((N_EDGES, D), jnp.float32),
    )(weights)


def kernel(particles, weights, edges):
    table = particles.reshape(N_NODES, D)
    idx = edges.astype(jnp.int32)
    idx_i = idx[:, 0]
    idx_j = idx[:, 1]
    rm_weights = _weights_tc(weights)
    ratios = _ratios_sc(table, idx_i, idx_j)
    return ratios.reshape(N_EDGES, D, 1), rm_weights

# --- scband reference (transcript-rebuilt; emitter-appended) ---
"""Pipeline reference for scband-relative-measure-map-weights-309237645789 (READ-ONLY COPY).

The authoritative reference and input builder live on the scoring server;
editing this copy changes nothing except your own understanding.
"""

import jax, jax.numpy as jnp
import numpy as np

N_NODES = 10000
N_EDGES = 320000
D_FEAT = 128

def setup_inputs(seed: int = 0) -> dict:
    key = jax.random.key(seed)
    k1, k2, k3 = jax.random.split(key, 3)
    particles = jax.random.normal(k1, (N_NODES, D_FEAT, 1), dtype=jnp.float32)
    weights = jax.random.normal(k2, (1, D_FEAT), dtype=jnp.float32)
    edges = jax.random.randint(k3, (N_EDGES, 2), 0, N_NODES, dtype=jnp.int64)
    return {"particles": particles, "weights": weights, "edges": edges}

def reference(particles, weights, edges):
    # Faithful translation of RelativeMeasureMapWeights.forward
    i = edges[:, 0]
    j = edges[:, 1]
    xi = jnp.take(particles, i, axis=0)  # gather: particles[i, :, :]
    xj = jnp.take(particles, j, axis=0)  # gather: particles[j, :, :]
    ratios = xi - xj
    N = xi.shape[0]
    # weights[0, :].unsqueeze(0).repeat(N, 1)
    RM_weights = jnp.tile(weights[0:1, :], (N, 1))
    return (ratios, RM_weights)

if __name__ == "__main__":
    import jax
    _d = setup_inputs()
    print(jax.jit(kernel)(*tuple(_d.values())))

</pallas_src>

<mosaic_0001>
#map = affine_map<(d0, d1) -> (0, 0)>
#map1 = affine_map<(d0, d1) -> (0)>
module attributes {stable_mosaic.version = 14 : i64} {
  func.func @_ratios_sc(%arg0: i32, %arg1: i32, %arg2: memref<10000x128xf32, #tpu.memory_space<hbm>>, %arg3: memref<320000xi32, #tpu.memory_space<hbm>>, %arg4: memref<320000xi32, #tpu.memory_space<hbm>>, %arg5: memref<320000x128xf32, #tpu.memory_space<hbm>>, %arg6: memref<10000xi32, #tpu.memory_space<vmem>>, %arg7: memref<10000xi32, #tpu.memory_space<vmem>>, %arg8: memref<3x128x128xf32, #tpu.memory_space<vmem>>, %arg9: memref<3x128x128xf32, #tpu.memory_space<vmem>>, %arg10: memref<!tpu.dma_semaphore, #tpu.memory_space<semaphore_mem>>, %arg11: memref<!tpu.dma_semaphore, #tpu.memory_space<semaphore_mem>>, %arg12: memref<!tpu.dma_semaphore, #tpu.memory_space<semaphore_mem>>, %arg13: memref<!tpu.dma_semaphore, #tpu.memory_space<semaphore_mem>>, %arg14: memref<!tpu.dma_semaphore, #tpu.memory_space<semaphore_mem>>, %arg15: memref<!tpu.dma_semaphore, #tpu.memory_space<semaphore_mem>>, %arg16: memref<!tpu.dma_semaphore, #tpu.memory_space<semaphore_mem>>, %arg17: memref<!tpu.dma_semaphore, #tpu.memory_space<semaphore_mem>>, %arg18: memref<!tpu.dma_semaphore, #tpu.memory_space<semaphore_mem>>) attributes {dimension_semantics = [#tpu.dimension_semantics<core_parallel>, #tpu.dimension_semantics<subcore_parallel>], iteration_bounds = array<i64: 2, 16>, scalar_prefetch = 0 : i64, scratch_operands = 13 : i64, tpu.core_type = #tpu.core_type<sc_vector_subcore>, window_params = [{transform_indices = #map}, {transform_indices = #map1}, {transform_indices = #map1}, {transform_indices = #map}]} {
    %mul3A = arith.constant 2 : i32
    %mul3A_0 = arith.muli %arg1, %mul3A : i32
    %add3A = arith.addi %mul3A_0, %arg0 : i32
    %mul3A_1 = arith.constant 10000 : i32
    %mul3A_2 = arith.muli %add3A, %mul3A_1 : i32
    "tpu.region"() ({
      %run_scoped3A_141 = tpu.sem_alloc : memref<!tpu.dma_semaphore, #tpu.memory_space<semaphore_mem>>
      %dma_start3A_142 = tpu.memref_slice %arg3[%mul3A_2] : memref<320000xi32, #tpu.memory_space<hbm>> -> memref<10000xi32, #tpu.memory_space<hbm>>
      %dma_start3A_143 = tpu.memref_slice %arg3[%mul3A_2] : memref<320000xi32, #tpu.memory_space<hbm>> -> memref<10000xi32, #tpu.memory_space<hbm>>
      tpu.enqueue_dma source(%dma_start3A_143 : memref<10000xi32, #tpu.memory_space<hbm>>) target(%arg6 : memref<10000xi32, #tpu.memory_space<vmem>>) target_semaphore(%run_scoped3A_141 : memref<!tpu.dma_semaphore, #tpu.memory_space<semaphore_mem>>)
      %dma_wait3A_144 = tpu.memref_slice %arg3[%mul3A_2] : memref<320000xi32, #tpu.memory_space<hbm>> -> memref<10000xi32, #tpu.memory_space<hbm>>
      %dma_wait3A_145 = tpu.memref_slice %arg3[%mul3A_2] : memref<320000xi32, #tpu.memory_space<hbm>> -> memref<10000xi32, #tpu.memory_space<hbm>>
      tpu.wait_dma2 semaphore(%run_scoped3A_141 : memref<!tpu.dma_semaphore, #tpu.memory_space<semaphore_mem>>) src(%dma_wait3A_145 : memref<10000xi32, #tpu.memory_space<hbm>>) dst(%arg6 : memref<10000xi32, #tpu.memory_space<vmem>>)
      tpu.yield
    }) : () -> ()
    "tpu.region"() ({
      %run_scoped3A_141 = tpu.sem_alloc : memref<!tpu.dma_semaphore, #tpu.memory_space<semaphore_mem>>
      %dma_start3A_142 = tpu.memref_slice %arg4[%mul3A_2] : memref<320000xi32, #tpu.memory_space<hbm>> -> memref<10000xi32, #tpu.memory_space<hbm>>
      %dma_start3A_143 = tpu.memref_slice %arg4[%mul3A_2] : memref<320000xi32, #tpu.memory_space<hbm>> -> memref<10000xi32, #tpu.memory_space<hbm>>
      tpu.enqueue_dma source(%dma_start3A_143 : memref<10000xi32, #tpu.memory_space<hbm>>) target(%arg7 : memref<10000xi32, #tpu.memory_space<vmem>>) target_semaphore(%run_scoped3A_141 : memref<!tpu.dma_semaphore, #tpu.memory_space<semaphore_mem>>)
      %dma_wait3A_144 = tpu.memref_slice %arg4[%mul3A_2] : memref<320000xi32, #tpu.memory_space<hbm>> -> memref<10000xi32, #tpu.memory_space<hbm>>
      %dma_wait3A_145 = tpu.memref_slice %arg4[%mul3A_2] : memref<320000xi32, #tpu.memory_space<hbm>> -> memref<10000xi32, #tpu.memory_space<hbm>>
      tpu.wait_dma2 semaphore(%run_scoped3A_141 : memref<!tpu.dma_semaphore, #tpu.memory_space<semaphore_mem>>) src(%dma_wait3A_145 : memref<10000xi32, #tpu.memory_space<hbm>>) dst(%arg7 : memref<10000xi32, #tpu.memory_space<vmem>>)
      tpu.yield
    }) : () -> ()
    %run_scoped3A = arith.constant 0 : i32
    "tpu.region"() ({
      %run_scoped3A_141 = tpu.sem_alloc : memref<!tpu.dma_semaphore, #tpu.memory_space<semaphore_mem>>
      %dma_start3A_142 = arith.constant 0 : i32
      %dma_start3A_143 = arith.constant 0 : i32
      %dma_start3A_144 = tpu.memref_slice %arg8[%run_scoped3A, %dma_start3A_142, %dma_start3A_143] : memref<3x128x128xf32, #tpu.memory_space<vmem>> -> memref<1x16x128xf32, #tpu.memory_space<vmem>>
      %dma_start3A_145 = tpu.memref_squeeze %dma_start3A_144 : memref<1x16x128xf32, #tpu.memory_space<vmem>> -> memref<16x128xf32, #tpu.memory_space<vmem>>
      %dma_start3A_146 = arith.constant 9984 : i32
      %dma_start3A_147 = tpu.memref_slice %arg6[%dma_start3A_146] : memref<10000xi32, #tpu.memory_space<vmem>> -> memref<16xi32, #tpu.memory_space<vmem>>
      %dma_start3A_148 = arith.constant 0 : i32
      %dma_start3A_149 = arith.constant 0 : i32
      %dma_start3A_150 = tpu.memref_slice %arg2[%dma_start3A_148, %dma_start3A_149] : memref<10000x128xf32, #tpu.memory_space<hbm>> -> memref<10000x128xf32, #tpu.memory_space<hbm>>
      tpu.enqueue_indirect_dma source(%dma_start3A_150 : memref<10000x128xf32, #tpu.memory_space<hbm>>) target(%dma_start3A_145 : memref<16x128xf32, #tpu.memory_space<vmem>>) offsets(%dma_start3A_147 : memref<16xi32, #tpu.memory_space<vmem>>) semaphore(%run_scoped3A_141 : memref<!tpu.dma_semaphore, #tpu.memory_space<semaphore_mem>>)
      %dma_wait3A_151 = arith.constant 0 : i32
      %dma_wait3A_152 = arith.constant 0 : i32
      %dma_wait3A_153 = tpu.memref_slice %arg8[%run_scoped3A, %dma_wait3A_151, %dma_wait3A_152] : memref<3x128x128xf32, #tpu.memory_space<vmem>> -> memref<1x16x128xf32, #tpu.memory_space<vmem>>
      %dma_wait3A_154 = tpu.memref_squeeze %dma_wait3A_153 : memref<1x16x128xf32, #tpu.memory_space<vmem>> -> memref<16x128xf32, #tpu.memory_space<vmem>>
      %dma_wait3A_155 = arith.constant 9984 : i32
      %dma_wait3A_156 = tpu.memref_slice %arg6[%dma_wait3A_155] : memref<10000xi32, #tpu.memory_space<vmem>> -> memref<16xi32, #tpu.memory_space<vmem>>
      %dma_wait3A_157 = arith.constant 0 : i32
      %dma_wait3A_158 = arith.constant 0 : i32
      %dma_wait3A_159 = tpu.memref_slice %arg2[%dma_wait3A_157, %dma_wait3A_158] : memref<10000x128xf32, #tpu.memory_space<hbm>> -> memref<10000x128xf32, #tpu.memory_space<hbm>>
      tpu.wait_indirect_dma semaphore(%run_scoped3A_141 : memref<!tpu.dma_semaphore, #tpu.memory_space<semaphore_mem>>) src(%dma_wait3A_159 : memref<10000x128xf32, #tpu.memory_space<hbm>>) dst(%dma_wait3A_154 : memref<16x128xf32, #tpu.memory_space<vmem>>)
      tpu.yield
    }) : () -> ()
    %run_scoped3A_3 = arith.constant 0 : i32
    "tpu.region"() ({
      %run_scoped3A_141 = tpu.sem_alloc : memref<!tpu.dma_semaphore, #tpu.memory_space<semaphore_mem>>
      %dma_start3A_142 = arith.constant 0 : i32
      %dma_start3A_143 = arith.constant 0 : i32
      %dma_start3A_144 = tpu.memref_slice %arg9[%run_scoped3A_3, %dma_start3A_142, %dma_start3A_143] : memref<3x128x128xf32, #tpu.memory_space<vmem>> -> memref<1x16x128xf32, #tpu.memory_space<vmem>>
      %dma_start3A_145 = tpu.memref_squeeze %dma_start3A_144 : memref<1x16x128xf32, #tpu.memory_space<vmem>> -> memref<16x128xf32, #tpu.memory_space<vmem>>
      %dma_start3A_146 = arith.constant 9984 : i32
      %dma_start3A_147 = tpu.memref_slice %arg7[%dma_start3A_146] : memref<10000xi32, #tpu.memory_space<vmem>> -> memref<16xi32, #tpu.memory_space<vmem>>
      %dma_start3A_148 = arith.constant 0 : i32
      %dma_start3A_149 = arith.constant 0 : i32
      %dma_start3A_150 = tpu.memref_slice %arg2[%dma_start3A_148, %dma_start3A_149] : memref<10000x128xf32, #tpu.memory_space<hbm>> -> memref<10000x128xf32, #tpu.memory_space<hbm>>
      tpu.enqueue_indirect_dma source(%dma_start3A_150 : memref<10000x128xf32, #tpu.memory_space<hbm>>) target(%dma_start3A_145 : memref<16x128xf32, #tpu.memory_space<vmem>>) offsets(%dma_start3A_147 : memref<16xi32, #tpu.memory_space<vmem>>) semaphore(%run_scoped3A_141 : memref<!tpu.dma_semaphore, #tpu.memory_space<semaphore_mem>>)
      %dma_wait3A_151 = arith.constant 0 : i32
      %dma_wait3A_152 = arith.constant 0 : i32
      %dma_wait3A_153 = tpu.memref_slice %arg9[%run_scoped3A_3, %dma_wait3A_151, %dma_wait3A_152] : memref<3x128x128xf32, #tpu.memory_space<vmem>> -> memref<1x16x128xf32, #tpu.memory_space<vmem>>
      %dma_wait3A_154 = tpu.memref_squeeze %dma_wait3A_153 : memref<1x16x128xf32, #tpu.memory_space<vmem>> -> memref<16x128xf32, #tpu.memory_space<vmem>>
      %dma_wait3A_155 = arith.constant 9984 : i32
      %dma_wait3A_156 = tpu.memref_slice %arg7[%dma_wait3A_155] : memref<10000xi32, #tpu.memory_space<vmem>> -> memref<16xi32, #tpu.memory_space<vmem>>
      %dma_wait3A_157 = arith.constant 0 : i32
      %dma_wait3A_158 = arith.constant 0 : i32
      %dma_wait3A_159 = tpu.memref_slice %arg2[%dma_wait3A_157, %dma_wait3A_158] : memref<10000x128xf32, #tpu.memory_space<hbm>> -> memref<10000x128xf32, #tpu.memory_space<hbm>>
      tpu.wait_indirect_dma semaphore(%run_scoped3A_141 : memref<!tpu.dma_semaphore, #tpu.memory_space<semaphore_mem>>) src(%dma_wait3A_159 : memref<10000x128xf32, #tpu.memory_space<hbm>>) dst(%dma_wait3A_154 : memref<16x128xf32, #tpu.memory_space<vmem>>)
      tpu.yield
    }) : () -> ()
    %scan3A = arith.constant 0 : i32
    %scan3A_4 = arith.constant 0 : i32
    %scan3A_5 = arith.constant 16 : i32
    %scan3A_6 = arith.addi %scan3A_4, %scan3A_5 : i32
    %scan3A_7 = arith.constant 4 : i32
    scf.for %scan3A_141 = %scan3A_4 to %scan3A_6 step %scan3A_7  : i32 {
      %get3A = arith.constant 0 : i32
      %get3A_142 = arith.index_cast %get3A : i32 to index
      %get3A_143 = arith.index_cast %scan3A_141 : i32 to index
      %get3A_144 = arith.constant 0 : index
      %get3A_145 = tpu.vector_load %arg9[%get3A_142, %get3A_143, %get3A_144] {strides = array<i32>} : memref<3x128x128xf32, #tpu.memory_space<vmem>>, vector<1x1x16xf32>,
      %get3A_146 = vector.shape_cast %get3A_145 : vector<1x1x16xf32> to vector<16xf32>
      %neg3A = arith.constant 0.000000e+00 : f32
      %neg3A_147 = vector.broadcast %neg3A : f32 to vector<16xf32>
      %neg3A_148 = arith.subf %neg3A_147, %get3A_146 : vector<16xf32>
      %swap3A = arith.constant 0 : i32
      %swap3A_149 = arith.index_cast %swap3A : i32 to index
      %swap3A_150 = arith.index_cast %scan3A_141 : i32 to index
      %swap3A_151 = arith.constant 0 : index
      %swap3A_152 = tpu.vector_load %arg8[%swap3A_149, %swap3A_150, %swap3A_151] {strides = array<i32>} : memref<3x128x128xf32, #tpu.memory_space<vmem>>, vector<1x1x16xf32>,
      %swap3A_153 = vector.shape_cast %swap3A_152 : vector<1x1x16xf32> to vector<16xf32>
      %swap3A_154 = vector.shape_cast %neg3A_148 : vector<16xf32> to vector<1x1x16xf32>
      tpu.vector_store %arg8[%swap3A_149, %swap3A_150, %swap3A_151], %swap3A_154 {add = true, strides = array<i32>} : memref<3x128x128xf32, #tpu.memory_space<vmem>>, vector<1x1x16xf32>,
      %get3A_155 = arith.constant 0 : i32
      %get3A_156 = arith.index_cast %get3A_155 : i32 to index
      %get3A_157 = arith.index_cast %scan3A_141 : i32 to index
      %get3A_158 = arith.constant 16 : index
      %get3A_159 = tpu.vector_load %arg9[%get3A_156, %get3A_157, %get3A_158] {strides = array<i32>} : memref<3x128x128xf32, #tpu.memory_space<vmem>>, vector<1x1x16xf32>,
      %get3A_160 = vector.shape_cast %get3A_159 : vector<1x1x16xf32> to vector<16xf32>
      %neg3A_161 = arith.constant 0.000000e+00 : f32
      %neg3A_162 = vector.broadcast %neg3A_161 : f32 to vector<16xf32>
      %neg3A_163 = arith.subf %neg3A_162, %get3A_160 : vector<16xf32>
      %swap3A_164 = arith.constant 0 : i32
      %swap3A_165 = arith.index_cast %swap3A_164 : i32 to index
      %swap3A_166 = arith.index_cast %scan3A_141 : i32 to index
      %swap3A_167 = arith.constant 16 : index
      %swap3A_168 = tpu.vector_load %arg8[%swap3A_165, %swap3A_166, %swap3A_167] {strides = array<i32>} : memref<3x128x128xf32, #tpu.memory_space<vmem>>, vector<1x1x16xf32>,
      %swap3A_169 = vector.shape_cast %swap3A_168 : vector<1x1x16xf32> to vector<16xf32>
      %swap3A_170 = vector.shape_cast %neg3A_163 : vector<16xf32> to vector<1x1x16xf32>
      tpu.vector_store %arg8[%swap3A_165, %swap3A_166, %swap3A_167], %swap3A_170 {add = true, strides = array<i32>} : memref<3x128x128xf32, #tpu.memory_space<vmem>>, vector<1x1x16xf32>,
      %get3A_171 = arith.constant 0 : i32
      %get3A_172 = arith.index_cast %get3A_171 : i32 to index
      %get3A_173 = arith.index_cast %scan3A_141 : i32 to index
      %get3A_174 = arith.constant 32 : index
      %get3A_175 = tpu.vector_load %arg9[%get3A_172, %get3A_173, %get3A_174] {strides = array<i32>} : memref<3x128x128xf32, #tpu.memory_space<vmem>>, vector<1x1x16xf32>,
      %get3A_176 = vector.shape_cast %get3A_175 : vector<1x1x16xf32> to vector<16xf32>
      %neg3A_177 = arith.constant 0.000000e+00 : f32
      %neg3A_178 = vector.broadcast %neg3A_177 : f32 to vector<16xf32>
      %neg3A_179 = arith.subf %neg3A_178, %get3A_176 : vector<16xf32>
      %swap3A_180 = arith.constant 0 : i32
      %swap3A_181 = arith.index_cast %swap3A_180 : i32 to index
      %swap3A_182 = arith.index_cast %scan3A_141 : i32 to index
      %swap3A_183 = arith.constant 32 : index
      %swap3A_184 = tpu.vector_load %arg8[%swap3A_181, %swap3A_182, %swap3A_183] {strides = array<i32>} : memref<3x128x128xf32, #tpu.memory_space<vmem>>, vector<1x1x16xf32>,
      %swap3A_185 = vector.shape_cast %swap3A_184 : vector<1x1x16xf32> to vector<16xf32>
      %swap3A_186 = vector.shape_cast %neg3A_179 : vector<16xf32> to vector<1x1x16xf32>
      tpu.vector_store %arg8[%swap3A_181, %swap3A_182, %swap3A_183], %swap3A_186 {add = true, strides = array<i32>} : memref<3x128x128xf32, #tpu.memory_space<vmem>>, vector<1x1x16xf32>,
      %get3A_187 = arith.constant 0 : i32
      %get3A_188 = arith.index_cast %get3A_187 : i32 to index
      %get3A_189 = arith.index_cast %scan3A_141 : i32 to index
      %get3A_190 = arith.constant 48 : index
      %get3A_191 = tpu.vector_load %arg9[%get3A_188, %get3A_189, %get3A_190] {strides = array<i32>} : memref<3x128x128xf32, #tpu.memory_space<vmem>>, vector<1x1x16xf32>,
      %get3A_192 = vector.shape_cast %get3A_191 : vector<1x1x16xf32> to vector<16xf32>
      %neg3A_193 = arith.constant 0.000000e+00 : f32
      %neg3A_194 = vector.broadcast %neg3A_193 : f32 to vector<16xf32>
      %neg3A_195 = arith.subf %neg3A_194, %get3A_192 : vector<16xf32>
      %swap3A_196 = arith.constant 0 : i32
      %swap3A_197 = arith.index_cast %swap3A_196 : i32 to index
      %swap3A_198 = arith.index_cast %scan3A_141 : i32 to index
      %swap3A_199 = arith.constant 48 : index
      %swap3A_200 = tpu.vector_load %arg8[%swap3A_197, %swap3A_198, %swap3A_199] {strides = array<i32>} : memref<3x128x128xf32, #tpu.memory_space<vmem>>, vector<1x1x16xf32>,
      %swap3A_201 = vector.shape_cast %swap3A_200 : vector<1x1x16xf32> to vector<16xf32>
      %swap3A_202 = vector.shape_cast %neg3A_195 : vector<16xf32> to vector<1x1x16xf32>
      tpu.vector_store %arg8[%swap3A_197, %swap3A_198, %swap3A_199], %swap3A_202 {add = true, strides = array<i32>} : memref<3x128x128xf32, #tpu.memory_space<vmem>>, vector<1x1x16xf32>,
      %get3A_203 = arith.constant 0 : i32
      %get3A_204 = arith.index_cast %get3A_203 : i32 to index
      %get3A_205 = arith.index_cast %scan3A_141 : i32 to index
      %get3A_206 = arith.constant 64 : index
      %get3A_207 = tpu.vector_load %arg9[%get3A_204, %get3A_205, %get3A_206] {strides = array<i32>} : memref<3x128x128xf32, #tpu.memory_space<vmem>>, vector<1x1x16xf32>,
      %get3A_208 = vector.shape_cast %get3A_207 : vector<1x1x16xf32> to vector<16xf32>
      %neg3A_209 = arith.constant 0.000000e+00 : f32
      %neg3A_210 = vector.broadcast %neg3A_209 : f32 to vector<16xf32>
      %neg3A_211 = arith.subf %neg3A_210, %get3A_208 : vector<16xf32>
      %swap3A_212 = arith.constant 0 : i32
      %swap3A_213 = arith.index_cast %swap3A_212 : i32 to index
      %swap3A_214 = arith.index_cast %scan3A_141 : i32 to index
      %swap3A_215 = arith.constant 64 : index
      %swap3A_216 = tpu.vector_load %arg8[%swap3A_213, %swap3A_214, %swap3A_215] {strides = array<i32>} : memref<3x128x128xf32, #tpu.memory_space<vmem>>, vector<1x1x16xf32>,
      %swap3A_217 = vector.shape_cast %swap3A_216 : vector<1x1x16xf32> to vector<16xf32>
      %swap3A_218 = vector.shape_cast %neg3A_211 : vector<16xf32> to vector<1x1x16xf32>
      tpu.vector_store %arg8[%swap3A_213, %swap3A_214, %swap3A_215], %swap3A_218 {add = true, strides = array<i32>} : memref<3x128x128xf32, #tpu.memory_space<vmem>>, vector<1x1x16xf32>,
      %get3A_219 = arith.constant 0 : i32
      %get3A_220 = arith.index_cast %get3A_219 : i32 to index
      %get3A_221 = arith.index_cast %scan3A_141 : i32 to index
      %get3A_222 = arith.constant 80 : index
      %get3A_223 = tpu.vector_load %arg9[%get3A_220, %get3A_221, %get3A_222] {strides = array<i32>} : memref<3x128x128xf32, #tpu.memory_space<vmem>>, vector<1x1x16xf32>,
      %get3A_224 = vector.shape_cast %get3A_223 : vector<1x1x16xf32> to vector<16xf32>
      %neg3A_225 = arith.constant 0.000000e+00 : f32
      %neg3A_226 = vector.broadcast %neg3A_225 : f32 to vector<16xf32>
      %neg3A_227 = arith.subf %neg3A_226, %get3A_224 : vector<16xf32>
      %swap3A_228 = arith.constant 0 : i32
      %swap3A_229 = arith.index_cast %swap3A_228 : i32 to index
      %swap3A_230 = arith.index_cast %scan3A_141 : i32 to index
      %swap3A_231 = arith.constant 80 : index
      %swap3A_232 = tpu.vector_load %arg8[%swap3A_229, %swap3A_230, %swap3A_231] {strides = array<i32>} : memref<3x128x128xf32, #tpu.memory_space<vmem>>, vector<1x1x16xf32>,
      %swap3A_233 = vector.shape_cast %swap3A_232 : vector<1x1x16xf32> to vector<16xf32>
      %swap3A_234 = vector.shape_cast %neg3A_227 : vector<16xf32> to vector<1x1x16xf32>
      tpu.vector_store %arg8[%swap3A_229, %swap3A_230, %swap3A_231], %swap3A_234 {add = true, strides = array<i32>} : memref<3x128x128xf32, #tpu.memory_space<vmem>>, vector<1x1x16xf32>,
      %get3A_235 = arith.constant 0 : i32
      %get3A_236 = arith.index_cast %get3A_235 : i32 to index
      %get3A_237 = arith.index_cast %scan3A_141 : i32 to index
      %get3A_238 = arith.constant 96 : index
      %get3A_239 = tpu.vector_load %arg9[%get3A_236, %get3A_237, %get3A_238] {strides = array<i32>} : memref<3x128x128xf32, #tpu.memory_space<vmem>>, vector<1x1x16xf32>,
      %get3A_240 = vector.shape_cast %get3A_239 : vector<1x1x16xf32> to vector<16xf32>
      %neg3A_241 = arith.constant 0.000000e+00 : f32
      %neg3A_242 = vector.broadcast %neg3A_241 : f32 to vector<16xf32>
      %neg3A_243 = arith.subf %neg3A_242, %get3A_240 : vector<16xf32>
      %swap3A_244 = arith.constant 0 : i32
      %swap3A_245 = arith.index_cast %swap3A_244 : i32 to index
      %swap3A_246 = arith.index_cast %scan3A_141 : i32 to index
      %swap3A_247 = arith.constant 96 : index
      %swap3A_248 = tpu.vector_load %arg8[%swap3A_245, %swap3A_246, %swap3A_247] {strides = array<i32>} : memref<3x128x128xf32, #tpu.memory_space<vmem>>, vector<1x1x16xf32>,
      %swap3A_249 = vector.shape_cast %swap3A_248 : vector<1x1x16xf32> to vector<16xf32>
      %swap3A_250 = vector.shape_cast %neg3A_243 : vector<16xf32> to vector<1x1x16xf32>
      tpu.vector_store %arg8[%swap3A_245, %swap3A_246, %swap3A_247], %swap3A_250 {add = true, strides = array<i32>} : memref<3x128x128xf32, #tpu.memory_space<vmem>>, vector<1x1x16xf32>,
      %get3A_251 = arith.constant 0 : i32
      %get3A_252 = arith.index_cast %get3A_251 : i32 to index
      %get3A_253 = arith.index_cast %scan3A_141 : i32 to index
      %get3A_254 = arith.constant 112 : index
      %get3A_255 = tpu.vector_load %arg9[%get3A_252, %get3A_253, %get3A_254] {strides = array<i32>} : memref<3x128x128xf32, #tpu.memory_space<vmem>>, vector<1x1x16xf32>,
      %get3A_256 = vector.shape_cast %get3A_255 : vector<1x1x16xf32> to vector<16xf32>
      %neg3A_257 = arith.constant 0.000000e+00 : f32
      %neg3A_258 = vector.broadcast %neg3A_257 : f32 to vector<16xf32>
      %neg3A_259 = arith.subf %neg3A_258, %get3A_256 : vector<16xf32>
      %swap3A_260 = arith.constant 0 : i32
      %swap3A_261 = arith.index_cast %swap3A_260 : i32 to index
      %swap3A_262 = arith.index_cast %scan3A_141 : i32 to index
      %swap3A_263 = arith.constant 112 : index
      %swap3A_264 = tpu.vector_load %arg8[%swap3A_261, %swap3A_262, %swap3A_263] {strides = array<i32>} : memref<3x128x128xf32, #tpu.memory_space<vmem>>, vector<1x1x16xf32>,
      %swap3A_265 = vector.shape_cast %swap3A_264 : vector<1x1x16xf32> to vector<16xf32>
      %swap3A_266 = vector.shape_cast %neg3A_259 : vector<16xf32> to vector<1x1x16xf32>
      tpu.vector_store %arg8[%swap3A_261, %swap3A_262, %swap3A_263], %swap3A_266 {add = true, strides = array<i32>} : memref<3x128x128xf32, #tpu.memory_space<vmem>>, vector<1x1x16xf32>,
      %scan3A_267 = arith.constant 1 : i32
      %scan3A_268 = arith.addi %scan3A_141, %scan3A_267 : i32
      %get3A_269 = arith.constant 0 : i32
      %get3A_270 = arith.index_cast %get3A_269 : i32 to index
      %get3A_271 = arith.index_cast %scan3A_268 : i32 to index
      %get3A_272 = arith.constant 0 : index
      %get3A_273 = tpu.vector_load %arg9[%get3A_270, %get3A_271, %get3A_272] {strides = array<i32>} : memref<3x128x128xf32, #tpu.memory_space<vmem>>, vector<1x1x16xf32>,
      %get3A_274 = vector.shape_cast %get3A_273 : vector<1x1x16xf32> to vector<16xf32>
      %neg3A_275 = arith.constant 0.000000e+00 : f32
      %neg3A_276 = vector.broadcast %neg3A_275 : f32 to vector<16xf32>
      %neg3A_277 = arith.subf %neg3A_276, %get3A_274 : vector<16xf32>
      %swap3A_278 = arith.constant 0 : i32
      %swap3A_279 = arith.index_cast %swap3A_278 : i32 to index
      %swap3A_280 = arith.index_cast %scan3A_268 : i32 to index
      %swap3A_281 = arith.constant 0 : index
      %swap3A_282 = tpu.vector_load %arg8[%swap3A_279, %swap3A_280, %swap3A_281] {strides = array<i32>} : memref<3x128x128xf32, #tpu.memory_space<vmem>>, vector<1x1x16xf32>,
      %swap3A_283 = vector.shape_cast %swap3A_282 : vector<1x1x16xf32> to vector<16xf32>
      %swap3A_284 = vector.shape_cast %neg3A_277 : vector<16xf32> to vector<1x1x16xf32>
      tpu.vector_store %arg8[%swap3A_279, %swap3A_280, %swap3A_281], %swap3A_284 {add = true, strides = array<i32>} : memref<3x128x128xf32, #tpu.memory_space<vmem>>, vector<1x1x16xf32>,
      %get3A_285 = arith.constant 0 : i32
      %get3A_286 = arith.index_cast %get3A_285 : i32 to index
      %get3A_287 = arith.index_cast %scan3A_268 : i32 to index
      %get3A_288 = arith.constant 16 : index
      %get3A_289 = tpu.vector_load %arg9[%get3A_286, %get3A_287, %get3A_288] {strides = array<i32>} : memref<3x128x128xf32, #tpu.memory_space<vmem>>, vector<1x1x16xf32>,
      %get3A_290 = vector.shape_cast %get3A_289 : vector<1x1x16xf32> to vector<16xf32>
      %neg3A_291 = arith.constant 0.000000e+00 : f32
      %neg3A_292 = vector.broadcast %neg3A_291 : f32 to vector<16xf32>
      %neg3A_293 = arith.subf %neg3A_292, %get3A_290 : vector<16xf32>
      %swap3A_294 = arith.constant 0 : i32
      %swap3A_295 = arith.index_cast %swap3A_294 : i32 to index
      %swap3A_296 = arith.index_cast %scan3A_268 : i32 to index
      %swap3A_297 = arith.constant 16 : index
      %swap3A_298 = tpu.vector_load %arg8[%swap3A_295, %swap3A_296, %swap3A_297] {strides = array<i32>} : memref<3x128x128xf32, #tpu.memory_space<vmem>>, vector<1x1x16xf32>,
      %swap3A_299 = vector.shape_cast %swap3A_298 : vector<1x1x16xf32> to vector<16xf32>
      %swap3A_300 = vector.shape_cast %neg3A_293 : vector<16xf32> to vector<1x1x16xf32>
      tpu.vector_store %arg8[%swap3A_295, %swap3A_296, %swap3A_297], %swap3A_300 {add = true, strides = array<i32>} : memref<3x128x128xf32, #tpu.memory_space<vmem>>, vector<1x1x16xf32>,
      %get3A_301 = arith.constant 0 : i32
      %get3A_302 = arith.index_cast %get3A_301 : i32 to index
      %get3A_303 = arith.index_cast %scan3A_268 : i32 to index
      %get3A_304 = arith.constant 32 : index
      %get3A_305 = tpu.vector_load %arg9[%get3A_302, %get3A_303, %get3A_304] {strides = array<i32>} : memref<3x128x128xf32, #tpu.memory_space<vmem>>, vector<1x1x16xf32>,
      %get3A_306 = vector.shape_cast %get3A_305 : vector<1x1x16xf32> to vector<16xf32>
      %neg3A_307 = arith.constant 0.000000e+00 : f32
      %neg3A_308 = vector.broadcast %neg3A_307 : f32 to vector<16xf32>
      %neg3A_309 = arith.subf %neg3A_308, %get3A_306 : vector<16xf32>
      %swap3A_310 = arith.constant 0 : i32
      %swap3A_311 = arith.index_cast %swap3A_310 : i32 to index
      %swap3A_312 = arith.index_cast %scan3A_268 : i32 to index
      %swap3A_313 = arith.constant 32 : index
      %swap3A_314 = tpu.vector_load %arg8[%swap3A_311, %swap3A_312, %swap3A_313] {strides = array<i32>} : memref<3x128x128xf32, #tpu.memory_space<vmem>>, vector<1x1x16xf32>,
      %swap3A_315 = vector.shape_cast %swap3A_314 : vector<1x1x16xf32> to vector<16xf32>
      %swap3A_316 = vector.shape_cast %neg3A_309 : vector<16xf32> to vector<1x1x16xf32>
      tpu.vector_store %arg8[%swap3A_311, %swap3A_312, %swap3A_313], %swap3A_316 {add = true, strides = array<i32>} : memref<3x128x128xf32, #tpu.memory_space<vmem>>, vector<1x1x16xf32>,
      %get3A_317 = arith.constant 0 : i32
      %get3A_318 = arith.index_cast %get3A_317 : i32 to index
      %get3A_319 = arith.index_cast %scan3A_268 : i32 to index
      %get3A_320 = arith.constant 48 : index
      %get3A_321 = tpu.vector_load %arg9[%get3A_318, %get3A_319, %get3A_320] {strides = array<i32>} : memref<3x128x128xf32, #tpu.memory_space<vmem>>, vector<1x1x16xf32>,
      %get3A_322 = vector.shape_cast %get3A_321 : vector<1x1x16xf32> to vector<16xf32>
      %neg3A_323 = arith.constant 0.000000e+00 : f32
      %neg3A_324 = vector.broadcast %neg3A_323 : f32 to vector<16xf32>
      %neg3A_325 = arith.subf %neg3A_324, %get3A_322 : vector<16xf32>
      %swap3A_326 = arith.constant 0 : i32
      %swap3A_327 = arith.index_cast %swap3A_326 : i32 to index
      %swap3A_328 = arith.index_cast %scan3A_268 : i32 to index
      %swap3A_329 = arith.constant 48 : index
      %swap3A_330 = tpu.vector_load %arg8[%swap3A_327, %swap3A_328, %swap3A_329] {strides = array<i32>} : memref<3x128x128xf32, #tpu.memory_space<vmem>>, vector<1x1x16xf32>,
      %swap3A_331 = vector.shape_cast %swap3A_330 : vector<1x1x16xf32> to vector<16xf32>
      %swap3A_332 = vector.shape_cast %neg3A_325 : vector<16xf32> to vector<1x1x16xf32>
      tpu.vector_store %arg8[%swap3A_327, %swap3A_328, %swap3A_329], %swap3A_332 {add = true, strides = array<i32>} : memref<3x128x128xf32, #tpu.memory_space<vmem>>, vector<1x1x16xf32>,
      %get3A_333 = arith.constant 0 : i32
      %get3A_334 = arith.index_cast %get3A_333 : i32 to index
      %get3A_335 = arith.index_cast %scan3A_268 : i32 to index
      %get3A_336 = arith.constant 64 : index
      %get3A_337 = tpu.vector_load %arg9[%get3A_334, %get3A_335, %get3A_336] {strides = array<i32>} : memref<3x128x128xf32, #tpu.memory_space<vmem>>, vector<1x1x16xf32>,
      %get3A_338 = vector.shape_cast %get3A_337 : vector<1x1x16xf32> to vector<16xf32>
      %neg3A_339 = arith.constant 0.000000e+00 : f32
      %neg3A_340 = vector.broadcast %neg3A_339 : f32 to vector<16xf32>
      %neg3A_341 = arith.subf %neg3A_340, %get3A_338 : vector<16xf32>
      %swap3A_342 = arith.constant 0 : i32
      %swap3A_343 = arith.index_cast %swap3A_342 : i32 to index
      %swap3A_344 = arith.index_cast %scan3A_268 : i32 to index
      %swap3A_345 = arith.constant 64 : index
      %swap3A_346 = tpu.vector_load %arg8[%swap3A_343, %swap3A_344, %swap3A_345] {strides = array<i32>} : memref<3x128x128xf32, #tpu.memory_space<vmem>>, vector<1x1x16xf32>,
      %swap3A_347 = vector.shape_cast %swap3A_346 : vector<1x1x16xf32> to vector<16xf32>
      %swap3A_348 = vector.shape_cast %neg3A_341 : vector<16xf32> to vector<1x1x16xf32>
      tpu.vector_store %arg8[%swap3A_343, %swap3A_344, %swap3A_345], %swap3A_348 {add = true, strides = array<i32>} : memref<3x128x128xf32, #tpu.memory_space<vmem>>, vector<1x1x16xf32>,
      %get3A_349 = arith.constant 0 : i32
      %get3A_350 = arith.index_cast %get3A_349 : i32 to index
      %get3A_351 = arith.index_cast %scan3A_268 : i32 to index
      %get3A_352 = arith.constant 80 : index
      %get3A_353 = tpu.vector_load %arg9[%get3A_350, %get3A_351, %get3A_352] {strides = array<i32>} : memref<3x128x128xf32, #tpu.memory_space<vmem>>, vector<1x1x16xf32>,
      %get3A_354 = vector.shape_cast %get3A_353 : vector<1x1x16xf32> to vector<16xf32>
      %neg3A_355 = arith.constant 0.000000e+00 : f32
      %neg3A_356 = vector.broadcast %neg3A_355 : f32 to vector<16xf32>
      %neg3A_357 = arith.subf %neg3A_356, %get3A_354 : vector<16xf32>
      %swap3A_358 = arith.constant 0 : i32
      %swap3A_359 = arith.index_cast %swap3A_358 : i32 to index
      %swap3A_360 = arith.index_cast %scan3A_268 : i32 to index
      %swap3A_361 = arith.constant 80 : index
      %swap3A_362 = tpu.vector_load %arg8[%swap3A_359, %swap3A_360, %swap3A_361] {strides = array<i32>} : memref<3x128x128xf32, #tpu.memory_space<vmem>>, vector<1x1x16xf32>,
      %swap3A_363 = vector.shape_cast %swap3A_362 : vector<1x1x16xf32> to vector<16xf32>
      %swap3A_364 = vector.shape_cast %neg3A_357 : vector<16xf32> to vector<1x1x16xf32>
      tpu.vector_store %arg8[%swap3A_359, %swap3A_360, %swap3A_361], %swap3A_364 {add = true, strides = array<i32>} : memref<3x128x128xf32, #tpu.memory_space<vmem>>, vector<1x1x16xf32>,
      %get3A_365 = arith.constant 0 : i32
      %get3A_366 = arith.index_cast %get3A_365 : i32 to index
      %get3A_367 = arith.index_cast %scan3A_268 : i32 to index
      %get3A_368 = arith.constant 96 : index
      %get3A_369 = tpu.vector_load %arg9[%get3A_366, %get3A_367, %get3A_368] {strides = array<i32>} : memref<3x128x128xf32, #tpu.memory_space<vmem>>, vector<1x1x16xf32>,
      %get3A_370 = vector.shape_cast %get3A_369 : vector<1x1x16xf32> to vector<16xf32>
      %neg3A_371 = arith.constant 0.000000e+00 : f32
      %neg3A_372 = vector.broadcast %neg3A_371 : f32 to vector<16xf32>
      %neg3A_373 = arith.subf %neg3A_372, %get3A_370 : vector<16xf32>
      %swap3A_374 = arith.constant 0 : i32
      %swap3A_375 = arith.index_cast %swap3A_374 : i32 to index
      %swap3A_376 = arith.index_cast %scan3A_268 : i32 to index
      %swap3A_377 = arith.constant 96 : index
      %swap3A_378 = tpu.vector_load %arg8[%swap3A_375, %swap3A_376, %swap3A_377] {strides = array<i32>} : memref<3x128x128xf32, #tpu.memory_space<vmem>>, vector<1x1x16xf32>,
      %swap3A_379 = vector.shape_cast %swap3A_378 : vector<1x1x16xf32> to vector<16xf32>
      %swap3A_380 = vector.shape_cast %neg3A_373 : vector<16xf32> to vector<1x1x16xf32>
      tpu.vector_store %arg8[%swap3A_375, %swap3A_376, %swap3A_377], %swap3A_380 {add = true, strides = array<i32>} : memref<3x128x128xf32, #tpu.memory_space<vmem>>, vector<1x1x16xf32>,
      %get3A_381 = arith.constant 0 : i32
      %get3A_382 = arith.index_cast %get3A_381 : i32 to index
      %get3A_383 = arith.index_cast %scan3A_268 : i32 to index
      %get3A_384 = arith.constant 112 : index
      %get3A_385 = tpu.vector_load %arg9[%get3A_382, %get3A_383, %get3A_384] {strides = array<i32>} : memref<3x128x128xf32, #tpu.memory_space<vmem>>, vector<1x1x16xf32>,
      %get3A_386 = vector.shape_cast %get3A_385 : vector<1x1x16xf32> to vector<16xf32>
      %neg3A_387 = arith.constant 0.000000e+00 : f32
      %neg3A_388 = vector.broadcast %neg3A_387 : f32 to vector<16xf32>
      %neg3A_389 = arith.subf %neg3A_388, %get3A_386 : vector<16xf32>
      %swap3A_390 = arith.constant 0 : i32
      %swap3A_391 = arith.index_cast %swap3A_390 : i32 to index
      %swap3A_392 = arith.index_cast %scan3A_268 : i32 to index
      %swap3A_393 = arith.constant 112 : index
      %swap3A_394 = tpu.vector_load %arg8[%swap3A_391, %swap3A_392, %swap3A_393] {strides = array<i32>} : memref<3x128x128xf32, #tpu.memory_space<vmem>>, vector<1x1x16xf32>,
      %swap3A_395 = vector.shape_cast %swap3A_394 : vector<1x1x16xf32> to vector<16xf32>
      %swap3A_396 = vector.shape_cast %neg3A_389 : vector<16xf32> to vector<1x1x16xf32>
      tpu.vector_store %arg8[%swap3A_391, %swap3A_392, %swap3A_393], %swap3A_396 {add = true, strides = array<i32>} : memref<3x128x128xf32, #tpu.memory_space<vmem>>, vector<1x1x16xf32>,
      %scan3A_397 = arith.constant 2 : i32
      %scan3A_398 = arith.addi %scan3A_141, %scan3A_397 : i32
      %get3A_399 = arith.constant 0 : i32
      %get3A_400 = arith.index_cast %get3A_399 : i32 to index
      %get3A_401 = arith.index_cast %scan3A_398 : i32 to index
      %get3A_402 = arith.constant 0 : index
      %get3A_403 = tpu.vector_load %arg9[%get3A_400, %get3A_401, %get3A_402] {strides = array<i32>} : memref<3x128x128xf32, #tpu.memory_space<vmem>>, vector<1x1x16xf32>,
      %get3A_404 = vector.shape_cast %get3A_403 : vector<1x1x16xf32> to vector<16xf32>
      %neg3A_405 = arith.constant 0.000000e+00 : f32
      %neg3A_406 = vector.broadcast %neg3A_405 : f32 to vector<16xf32>
      %neg3A_407 = arith.subf %neg3A_406, %get3A_404 : vector<16xf32>
      %swap3A_408 = arith.constant 0 : i32
      %swap3A_409 = arith.index_cast %swap3A_408 : i32 to index
      %swap3A_410 = arith.index_cast %scan3A_398 : i32 to index
      %swap3A_411 = arith.constant 0 : index
      %swap3A_412 = tpu.vector_load %arg8[%swap3A_409, %swap3A_410, %swap3A_411] {strides = array<i32>} : memref<3x128x128xf32, #tpu.memory_space<vmem>>, vector<1x1x16xf32>,
      %swap3A_413 = vector.shape_cast %swap3A_412 : vector<1x1x16xf32> to vector<16xf32>
      %swap3A_414 = vector.shape_cast %neg3A_407 : vector<16xf32> to vector<1x1x16xf32>
      tpu.vector_store %arg8[%swap3A_409, %swap3A_410, %swap3A_411], %swap3A_414 {add = true, strides = array<i32>} : memref<3x128x128xf32, #tpu.memory_space<vmem>>, vector<1x1x16xf32>,
      %get3A_415 = arith.constant 0 : i32
      %get3A_416 = arith.index_cast %get3A_415 : i32 to index
      %get3A_417 = arith.index_cast %scan3A_398 : i32 to index
      %get3A_418 = arith.constant 16 : index
      %get3A_419 = tpu.vector_load %arg9[%get3A_416, %get3A_417, %get3A_418] {strides = array<i32>} : memref<3x128x128xf32, #tpu.memory_space<vmem>>, vector<1x1x16xf32>,
      %get3A_420 = vector.shape_cast %get3A_419 : vector<1x1x16xf32> to vector<16xf32>
      %neg3A_421 = arith.constant 0.000000e+00 : f32
      %neg3A_422 = vector.broadcast %neg3A_421 : f32 to vector<16xf32>
      %neg3A_423 = arith.subf %neg3A_422, %get3A_420 : vector<16xf32>
      %swap3A_424 = arith.constant 0 : i32
      %swap3A_425 = arith.index_cast %swap3A_424 : i32 to index
      %swap3A_426 = arith.index_cast %scan3A_398 : i32 to index
      %swap3A_427 = arith.constant 16 : index
      %swap3A_428 = tpu.vector_load %arg8[%swap3A_425, %swap3A_426, %swap3A_427] {strides = array<i32>} : memref<3x128x128xf32, #tpu.memory_space<vmem>>, vector<1x1x16xf32>,
      %swap3A_429 = vector.shape_cast %swap3A_428 : vector<1x1x16xf32> to vector<16xf32>
      %swap3A_430 = vector.shape_cast %neg3A_423 : vector<16xf32> to vector<1x1x16xf32>
      tpu.vector_store %arg8[%swap3A_425, %swap3A_426, %swap3A_427], %swap3A_430 {add = true, strides = array<i32>} : memref<3x128x128xf32, #tpu.memory_space<vmem>>, vector<1x1x16xf32>,
      %get3A_431 = arith.constant 0 : i32
      %get3A_432 = arith.index_cast %get3A_431 : i32 to index
      %get3A_433 = arith.index_cast %scan3A_398 : i32 to index
      %get3A_434 = arith.constant 32 : index
      %get3A_435 = tpu.vector_load %arg9[%get3A_432, %get3A_433, %get3A_434] {strides = array<i32>} : memref<3x128x128xf32, #tpu.memory_space<vmem>>, vector<1x1x16xf32>,
      %get3A_436 = vector.shape_cast %get3A_435 : vector<1x1x16xf32> to vector<16xf32>
      %neg3A_437 = arith.constant 0.000000e+00 : f32
      %neg3A_438 = vector.broadcast %neg3A_437 : f32 to vector<16xf32>
      %neg3A_439 = arith.subf %neg3A_438, %get3A_436 : vector<16xf32>
      %swap3A_440 = arith.constant 0 : i32
      %swap3A_441 = arith.index_cast %swap3A_440 : i32 to index
      %swap3A_442 = arith.index_cast %scan3A_398 : i32 to index
      %swap3A_443 = arith.constant 32 : index
      %swap3A_444 = tpu.vector_load %arg8[%swap3A_441, %swap3A_442, %swap3A_443] {strides = array<i32>} : memref<3x128x128xf32, #tpu.memory_space<vmem>>, vector<1x1x16xf32>,
      %swap3A_445 = vector.shape_cast %swap3A_444 : vector<1x1x16xf32> to vector<16xf32>
      %swap3A_446 = vector.shape_cast %neg3A_439 : vector<16xf32> to vector<1x1x16xf32>
      tpu.vector_store %arg8[%swap3A_441, %swap3A_442, %swap3A_443], %swap3A_446 {add = true, strides = array<i32>} : memref<3x128x128xf32, #tpu.memory_space<vmem>>, vector<1x1x16xf32>,
      %get3A_447 = arith.constant 0 : i32
      %get3A_448 = arith.index_cast %get3A_447 : i32 to index
      %get3A_449 = arith.index_cast %scan3A_398 : i32 to index
      %get3A_450 = arith.constant 48 : index
      %get3A_451 = tpu.vector_load %arg9[%get3A_448, %get3A_449, %get3A_450] {strides = array<i32>} : memref<3x128x128xf32, #tpu.memory_space<vmem>>, vector<1x1x16xf32>,
      %get3A_452 = vector.shape_cast %get3A_451 : vector<1x1x16xf32> to vector<16xf32>
      %neg3A_453 = arith.constant 0.000000e+00 : f32
      %neg3A_454 = vector.broadcast %neg3A_453 : f32 to vector<16xf32>
      %neg3A_455 = arith.subf %neg3A_454, %get3A_452 : vector<16xf32>
      %swap3A_456 = arith.constant 0 : i32
      %swap3A_457 = arith.index_cast %swap3A_456 : i32 to index
      %swap3A_458 = arith.index_cast %scan3A_398 : i32 to index
      %swap3A_459 = arith.constant 48 : index
      %swap3A_460 = tpu.vector_load %arg8[%swap3A_457, %swap3A_458, %swap3A_459] {strides = array<i32>} : memref<3x128x128xf32, #tpu.memory_space<vmem>>, vector<1x1x16xf32>,
      %swap3A_461 = vector.shape_cast %swap3A_460 : vector<1x1x16xf32> to vector<16xf32>
      %swap3A_462 = vector.shape_cast %neg3A_455 : vector<16xf32> to vector<1x1x16xf32>
      tpu.vector_store %arg8[%swap3A_457, %swap3A_458, %swap3A_459], %swap3A_462 {add = true, strides = array<i32>} : memref<3x128x128xf32, #tpu.memory_space<vmem>>, vector<1x1x16xf32>,
      %get3A_463 = arith.constant 0 : i32
      %get3A_464 = arith.index_cast %get3A_463 : i32 to index
      %get3A_465 = arith.index_cast %scan3A_398 : i32 to index
      %get3A_466 = arith.constant 64 : index
      %get3A_467 = tpu.vector_load %arg9[%get3A_464, %get3A_465, %get3A_466] {strides = array<i32>} : memref<3x128x128xf32, #tpu.memory_space<vmem>>, vector<1x1x16xf32>,
      %get3A_468 = vector.shape_cast %get3A_467 : vector<1x1x16xf32> to vector<16xf32>
      %neg3A_469 = arith.constant 0.000000e+00 : f32
      %neg3A_470 = vector.broadcast %neg3A_469 : f32 to vector<16xf32>
      %neg3A_471 = arith.subf %neg3A_470, %get3A_468 : vector<16xf32>
      %swap3A_472 = arith.constant 0 : i32
      %swap3A_473 = arith.index_cast %swap3A_472 : i32 to index
      %swap3A_474 = arith.index_cast %scan3A_398 : i32 to index
      %swap3A_475 = arith.constant 64 : index
      %swap3A_476 = tpu.vector_load %arg8[%swap3A_473, %swap3A_474, %swap3A_475] {strides = array<i32>} : memref<3x128x128xf32, #tpu.memory_space<vmem>>, vector<1x1x16xf32>,
      %swap3A_477 = vector.shape_cast %swap3A_476 : vector<1x1x16xf32> to vector<16xf32>
      %swap3A_478 = vector.shape_cast %neg3A_471 : vector<16xf32> to vector<1x1x16xf32>
      tpu.vector_store %arg8[%swap3A_473, %swap3A_474, %swap3A_475], %swap3A_478 {add = true, strides = array<i32>} : memref<3x128x128xf32, #tpu.memory_space<vmem>>, vector<1x1x16xf32>,
      %get3A_479 = arith.constant 0 : i32
      %get3A_480 = arith.index_cast %get3A_479 : i32 to index
      %get3A_481 = arith.index_cast %scan3A_398 : i32 to index
      %get3A_482 = arith.constant 80 : index
      %get3A_483 = tpu.vector_load %arg9[%get3A_480, %get3A_481, %get3A_482] {strides = array<i32>} : memref<3x128x128xf32, #tpu.memory_space<vmem>>, vector<1x1x16xf32>,
      %get3A_484 = vector.shape_cast %get3A_483 : vector<1x1x16xf32> to vector<16xf32>
      %neg3A_485 = arith.constant 0.000000e+00 : f32
      %neg3A_486 = vector.broadcast %neg3A_485 : f32 to vector<16xf32>
      %neg3A_487 = arith.subf %neg3A_486, %get3A_484 : vector<16xf32>
      %swap3A_488 = arith.constant 0 : i32
      %swap3A_489 = arith.index_cast %swap3A_488 : i32 to index
      %swap3A_490 = arith.index_cast %scan3A_398 : i32 to index
      %swap3A_491 = arith.constant 80 : index
      %swap3A_492 = tpu.vector_load %arg8[%swap3A_489, %swap3A_490, %swap3A_491] {strides = array<i32>} : memref<3x128x128xf32, #tpu.memory_space<vmem>>, vector<1x1x16xf32>,
      %swap3A_493 = vector.shape_cast %swap3A_492 : vector<1x1x16xf32> to vector<16xf32>
      %swap3A_494 = vector.shape_cast %neg3A_487 : vector<16xf32> to vector<1x1x16xf32>
      tpu.vector_store %arg8[%swap3A_489, %swap3A_490, %swap3A_491], %swap3A_494 {add = true, strides = array<i32>} : memref<3x128x128xf32, #tpu.memory_space<vmem>>, vector<1x1x16xf32>,
      %get3A_495 = arith.constant 0 : i32
      %get3A_496 = arith.index_cast %get3A_495 : i32 to index
      %get3A_497 = arith.index_cast %scan3A_398 : i32 to index
      %get3A_498 = arith.constant 96 : index
      %get3A_499 = tpu.vector_load %arg9[%get3A_496, %get3A_497, %get3A_498] {strides = array<i32>} : memref<3x128x128xf32, #tpu.memory_space<vmem>>, vector<1x1x16xf32>,
      %get3A_500 = vector.shape_cast %get3A_499 : vector<1x1x16xf32> to vector<16xf32>
      %neg3A_501 = arith.constant 0.000000e+00 : f32
      %neg3A_502 = vector.broadcast %neg3A_501 : f32 to vector<16xf32>
      %neg3A_503 = arith.subf %neg3A_502, %get3A_500 : vector<16xf32>
      %swap3A_504 = arith.constant 0 : i32
      %swap3A_505 = arith.index_cast %swap3A_504 : i32 to index
      %swap3A_506 = arith.index_cast %scan3A_398 : i32 to index
      %swap3A_507 = arith.constant 96 : index
      %swap3A_508 = tpu.vector_load %arg8[%swap3A_505, %swap3A_506, %swap3A_507] {strides = array<i32>} : memref<3x128x128xf32, #tpu.memory_space<vmem>>, vector<1x1x16xf32>,
      %swap3A_509 = vector.shape_cast %swap3A_508 : vector<1x1x16xf32> to vector<16xf32>
      %swap3A_510 = vector.shape_cast %neg3A_503 : vector<16xf32> to vector<1x1x16xf32>
      tpu.vector_store %arg8[%swap3A_505, %swap3A_506, %swap3A_507], %swap3A_510 {add = true, strides = array<i32>} : memref<3x128x128xf32, #tpu.memory_space<vmem>>, vector<1x1x16xf32>,
      %get3A_511 = arith.constant 0 : i32
      %get3A_512 = arith.index_cast %get3A_511 : i32 to index
      %get3A_513 = arith.index_cast %scan3A_398 : i32 to index
      %get3A_514 = arith.constant 112 : index
      %get3A_515 = tpu.vector_load %arg9[%get3A_512, %get3A_513, %get3A_514] {strides = array<i32>} : memref<3x128x128xf32, #tpu.memory_space<vmem>>, vector<1x1x16xf32>,
      %get3A_516 = vector.shape_cast %get3A_515 : vector<1x1x16xf32> to vector<16xf32>
      %neg3A_517 = arith.constant 0.000000e+00 : f32
      %neg3A_518 = vector.broadcast %neg3A_517 : f32 to vector<16xf32>
      %neg3A_519 = arith.subf %neg3A_518, %get3A_516 : vector<16xf32>
      %swap3A_520 = arith.constant 0 : i32
      %swap3A_521 = arith.index_cast %swap3A_520 : i32 to index
      %swap3A_522 = arith.index_cast %scan3A_398 : i32 to index
      %swap3A_523 = arith.constant 112 : index
      %swap3A_524 = tpu.vector_load %arg8[%swap3A_521, %swap3A_522, %swap3A_523] {strides = array<i32>} : memref<3x128x128xf32, #tpu.memory_space<vmem>>, vector<1x1x16xf32>,
      %swap3A_525 = vector.shape_cast %swap3A_524 : vector<1x1x16xf32> to vector<16xf32>
      %swap3A_526 = vector.shape_cast %neg3A_519 : vector<16xf32> to vector<1x1x16xf32>
      tpu.vector_store %arg8[%swap3A_521, %swap3A_522, %swap3A_523], %swap3A_526 {add = true, strides = array<i32>} : memref<3x128x128xf32, #tpu.memory_space<vmem>>, vector<1x1x16xf32>,
      %scan3A_527 = arith.constant 3 : i32
      %scan3A_528 = arith.addi %scan3A_141, %scan3A_527 : i32
      %get3A_529 = arith.constant 0 : i32
      %get3A_530 = arith.index_cast %get3A_529 : i32 to index
      %get3A_531 = arith.index_cast %scan3A_528 : i32 to index
      %get3A_532 = arith.constant 0 : index
      %get3A_533 = tpu.vector_load %arg9[%get3A_530, %get3A_531, %get3A_532] {strides = array<i32>} : memref<3x128x128xf32, #tpu.memory_space<vmem>>, vector<1x1x16xf32>,
      %get3A_534 = vector.shape_cast %get3A_533 : vector<1x1x16xf32> to vector<16xf32>
      %neg3A_535 = arith.constant 0.000000e+00 : f32
      %neg3A_536 = vector.broadcast %neg3A_535 : f32 to vector<16xf32>
      %neg3A_537 = arith.subf %neg3A_536, %get3A_534 : vector<16xf32>
      %swap3A_538 = arith.constant 0 : i32
      %swap3A_539 = arith.index_cast %swap3A_538 : i32 to index
      %swap3A_540 = arith.index_cast %scan3A_528 : i32 to index
      %swap3A_541 = arith.constant 0 : index
      %swap3A_542 = tpu.vector_load %arg8[%swap3A_539, %swap3A_540, %swap3A_541] {strides = array<i32>} : memref<3x128x128xf32, #tpu.memory_space<vmem>>, vector<1x1x16xf32>,
      %swap3A_543 = vector.shape_cast %swap3A_542 : vector<1x1x16xf32> to vector<16xf32>
      %swap3A_544 = vector.shape_cast %neg3A_537 : vector<16xf32> to vector<1x1x16xf32>
      tpu.vector_store %arg8[%swap3A_539, %swap3A_540, %swap3A_541], %swap3A_544 {add = true, strides = array<i32>} : memref<3x128x128xf32, #tpu.memory_space<vmem>>, vector<1x1x16xf32>,
      %get3A_545 = arith.constant 0 : i32
      %get3A_546 = arith.index_cast %get3A_545 : i32 to index
      %get3A_547 = arith.index_cast %scan3A_528 : i32 to index
      %get3A_548 = arith.constant 16 : index
      %get3A_549 = tpu.vector_load %arg9[%get3A_546, %get3A_547, %get3A_548] {strides = array<i32>} : memref<3x128x128xf32, #tpu.memory_space<vmem>>, vector<1x1x16xf32>,
      %get3A_550 = vector.shape_cast %get3A_549 : vector<1x1x16xf32> to vector<16xf32>
      %neg3A_551 = arith.constant 0.000000e+00 : f32
      %neg3A_552 = vector.broadcast %neg3A_551 : f32 to vector<16xf32>
      %neg3A_553 = arith.subf %neg3A_552, %get3A_550 : vector<16xf32>
      %swap3A_554 = arith.constant 0 : i32
      %swap3A_555 = arith.index_cast %swap3A_554 : i32 to index
      %swap3A_556 = arith.index_cast %scan3A_528 : i32 to index
      %swap3A_557 = arith.constant 16 : index
      %swap3A_558 = tpu.vector_load %arg8[%swap3A_555, %swap3A_556, %swap3A_557] {strides = array<i32>} : memref<3x128x128xf32, #tpu.memory_space<vmem>>, vector<1x1x16xf32>,
      %swap3A_559 = vector.shape_cast %swap3A_558 : vector<1x1x16xf32> to vector<16xf32>
      %swap3A_560 = vector.shape_cast %neg3A_553 : vector<16xf32> to vector<1x1x16xf32>
      tpu.vector_store %arg8[%swap3A_555, %swap3A_556, %swap3A_557], %swap3A_560 {add = true, strides = array<i32>} : memref<3x128x128xf32, #tpu.memory_space<vmem>>, vector<1x1x16xf32>,
      %get3A_561 = arith.constant 0 : i32
      %get3A_562 = arith.index_cast %get3A_561 : i32 to index
      %get3A_563 = arith.index_cast %scan3A_528 : i32 to index
      %get3A_564 = arith.constant 32 : index
      %get3A_565 = tpu.vector_load %arg9[%get3A_562, %get3A_563, %get3A_564] {strides = array<i32>} : memref<3x128x128xf32, #tpu.memory_space<vmem>>, vector<1x1x16xf32>,
      %get3A_566 = vector.shape_cast %get3A_565 : vector<1x1x16xf32> to vector<16xf32>
      %neg3A_567 = arith.constant 0.000000e+00 : f32
      %neg3A_568 = vector.broadcast %neg3A_567 : f32 to vector<16xf32>
      %neg3A_569 = arith.subf %neg3A_568, %get3A_566 : vector<16xf32>
      %swap3A_570 = arith.constant 0 : i32
      %swap3A_571 = arith.index_cast %swap3A_570 : i32 to index
      %swap3A_572 = arith.index_cast %scan3A_528 : i32 to index
      %swap3A_573 = arith.constant 32 : index
      %swap3A_574 = tpu.vector_load %arg8[%swap3A_571, %swap3A_572, %swap3A_573] {strides = array<i32>} : memref<3x128x128xf32, #tpu.memory_space<vmem>>, vector<1x1x16xf32>,
      %swap3A_575 = vector.shape_cast %swap3A_574 : vector<1x1x16xf32> to vector<16xf32>
      %swap3A_576 = vector.shape_cast %neg3A_569 : vector<16xf32> to vector<1x1x16xf32>
      tpu.vector_store %arg8[%swap3A_571, %swap3A_572, %swap3A_573], %swap3A_576 {add = true, strides = array<i32>} : memref<3x128x128xf32, #tpu.memory_space<vmem>>, vector<1x1x16xf32>,
      %get3A_577 = arith.constant 0 : i32
      %get3A_578 = arith.index_cast %get3A_577 : i32 to index
      %get3A_579 = arith.index_cast %scan3A_528 : i32 to index
      %get3A_580 = arith.constant 48 : index
      %get3A_581 = tpu.vector_load %arg9[%get3A_578, %get3A_579, %get3A_580] {strides = array<i32>} : memref<3x128x128xf32, #tpu.memory_space<vmem>>, vector<1x1x16xf32>,
      %get3A_582 = vector.shape_cast %get3A_581 : vector<1x1x16xf32> to vector<16xf32>
      %neg3A_583 = arith.constant 0.000000e+00 : f32
      %neg3A_584 = vector.broadcast %neg3A_583 : f32 to vector<16xf32>
      %neg3A_585 = arith.subf %neg3A_584, %get3A_582 : vector<16xf32>
      %swap3A_586 = arith.constant 0 : i32
      %swap3A_587 = arith.index_cast %swap3A_586 : i32 to index
      %swap3A_588 = arith.index_cast %scan3A_528 : i32 to index
      %swap3A_589 = arith.constant 48 : index
      %swap3A_590 = tpu.vector_load %arg8[%swap3A_587, %swap3A_588, %swap3A_589] {strides = array<i32>} : memref<3x128x128xf32, #tpu.memory_space<vmem>>, vector<1x1x16xf32>,
      %swap3A_591 = vector.shape_cast %swap3A_590 : vector<1x1x16xf32> to vector<16xf32>
      %swap3A_592 = vector.shape_cast %neg3A_585 : vector<16xf32> to vector<1x1x16xf32>
      tpu.vector_store %arg8[%swap3A_587, %swap3A_588, %swap3A_589], %swap3A_592 {add = true, strides = array<i32>} : memref<3x128x128xf32, #tpu.memory_space<vmem>>, vector<1x1x16xf32>,
      %get3A_593 = arith.constant 0 : i32
      %get3A_594 = arith.index_cast %get3A_593 : i32 to index
      %get3A_595 = arith.index_cast %scan3A_528 : i32 to index
      %get3A_596 = arith.constant 64 : index
      %get3A_597 = tpu.vector_load %arg9[%get3A_594, %get3A_595, %get3A_596] {strides = array<i32>} : memref<3x128x128xf32, #tpu.memory_space<vmem>>, vector<1x1x16xf32>,
      %get3A_598 = vector.shape_cast %get3A_597 : vector<1x1x16xf32> to vector<16xf32>
      %neg3A_599 = arith.constant 0.000000e+00 : f32
      %neg3A_600 = vector.broadcast %neg3A_599 : f32 to vector<16xf32>
      %neg3A_601 = arith.subf %neg3A_600, %get3A_598 : vector<16xf32>
      %swap3A_602 = arith.constant 0 : i32
      %swap3A_603 = arith.index_cast %swap3A_602 : i32 to index
      %swap3A_604 = arith.index_cast %scan3A_528 : i32 to index
      %swap3A_605 = arith.constant 64 : index
      %swap3A_606 = tpu.vector_load %arg8[%swap3A_603, %swap3A_604, %swap3A_605] {strides = array<i32>} : memref<3x128x128xf32, #tpu.memory_space<vmem>>, vector<1x1x16xf32>,
      %swap3A_607 = vector.shape_cast %swap3A_606 : vector<1x1x16xf32> to vector<16xf32>
      %swap3A_608 = vector.shape_cast %neg3A_601 : vector<16xf32> to vector<1x1x16xf32>
      tpu.vector_store %arg8[%swap3A_603, %swap3A_604, %swap3A_605], %swap3A_608 {add = true, strides = array<i32>} : memref<3x128x128xf32, #tpu.memory_space<vmem>>, vector<1x1x16xf32>,
      %get3A_609 = arith.constant 0 : i32
      %get3A_610 = arith.index_cast %get3A_609 : i32 to index
      %get3A_611 = arith.index_cast %scan3A_528 : i32 to index
      %get3A_612 = arith.constant 80 : index
      %get3A_613 = tpu.vector_load %arg9[%get3A_610, %get3A_611, %get3A_612] {strides = array<i32>} : memref<3x128x128xf32, #tpu.memory_space<vmem>>, vector<1x1x16xf32>,
      %get3A_614 = vector.shape_cast %get3A_613 : vector<1x1x16xf32> to vector<16xf32>
      %neg3A_615 = arith.constant 0.000000e+00 : f32
      %neg3A_616 = vector.broadcast %neg3A_615 : f32 to vector<16xf32>
      %neg3A_617 = arith.subf %neg3A_616, %get3A_614 : vector<16xf32>
      %swap3A_618 = arith.constant 0 : i32
      %swap3A_619 = arith.index_cast %swap3A_618 : i32 to index
      %swap3A_620 = arith.index_cast %scan3A_528 : i32 to index
      %swap3A_621 = arith.constant 80 : index
      %swap3A_622 = tpu.vector_load %arg8[%swap3A_619, %swap3A_620, %swap3A_621] {strides = array<i32>} : memref<3x128x128xf32, #tpu.memory_space<vmem>>, vector<1x1x16xf32>,
      %swap3A_623 = vector.shape_cast %swap3A_622 : vector<1x1x16xf32> to vector<16xf32>
      %swap3A_624 = vector.shape_cast %neg3A_617 : vector<16xf32> to vector<1x1x16xf32>
      tpu.vector_store %arg8[%swap3A_619, %swap3A_620, %swap3A_621], %swap3A_624 {add = true, strides = array<i32>} : memref<3x128x128xf32, #tpu.memory_space<vmem>>, vector<1x1x16xf32>,
      %get3A_625 = arith.constant 0 : i32
      %get3A_626 = arith.index_cast %get3A_625 : i32 to index
      %get3A_627 = arith.index_cast %scan3A_528 : i32 to index
      %get3A_628 = arith.constant 96 : index
      %get3A_629 = tpu.vector_load %arg9[%get3A_626, %get3A_627, %get3A_628] {strides = array<i32>} : memref<3x128x128xf32, #tpu.memory_space<vmem>>, vector<1x1x16xf32>,
      %get3A_630 = vector.shape_cast %get3A_629 : vector<1x1x16xf32> to vector<16xf32>
      %neg3A_631 = arith.constant 0.000000e+00 : f32
      %neg3A_632 = vector.broadcast %neg3A_631 : f32 to vector<16xf32>
      %neg3A_633 = arith.subf %neg3A_632, %get3A_630 : vector<16xf32>
      %swap3A_634 = arith.constant 0 : i32
      %swap3A_635 = arith.index_cast %swap3A_634 : i32 to index
      %swap3A_636 = arith.index_cast %scan3A_528 : i32 to index
      %swap3A_637 = arith.constant 96 : index
      %swap3A_638 = tpu.vector_load %arg8[%swap3A_635, %swap3A_636, %swap3A_637] {strides = array<i32>} : memref<3x128x128xf32, #tpu.memory_space<vmem>>, vector<1x1x16xf32>,
      %swap3A_639 = vector.shape_cast %swap3A_638 : vector<1x1x16xf32> to vector<16xf32>
      %swap3A_640 = vector.shape_cast %neg3A_633 : vector<16xf32> to vector<1x1x16xf32>
      tpu.vector_store %arg8[%swap3A_635, %swap3A_636, %swap3A_637], %swap3A_640 {add = true, strides = array<i32>} : memref<3x128x128xf32, #tpu.memory_space<vmem>>, vector<1x1x16xf32>,
      %get3A_641 = arith.constant 0 : i32
      %get3A_642 = arith.index_cast %get3A_641 : i32 to index
      %get3A_643 = arith.index_cast %scan3A_528 : i32 to index
      %get3A_644 = arith.constant 112 : index
      %get3A_645 = tpu.vector_load %arg9[%get3A_642, %get3A_643, %get3A_644] {strides = array<i32>} : memref<3x128x128xf32, #tpu.memory_space<vmem>>, vector<1x1x16xf32>,
      %get3A_646 = vector.shape_cast %get3A_645 : vector<1x1x16xf32> to vector<16xf32>
      %neg3A_647 = arith.constant 0.000000e+00 : f32
      %neg3A_648 = vector.broadcast %neg3A_647 : f32 to vector<16xf32>
      %neg3A_649 = arith.subf %neg3A_648, %get3A_646 : vector<16xf32>
      %swap3A_650 = arith.constant 0 : i32
      %swap3A_651 = arith.index_cast %swap3A_650 : i32 to index
      %swap3A_652 = arith.index_cast %scan3A_528 : i32 to index
      %swap3A_653 = arith.constant 112 : index
      %swap3A_654 = tpu.vector_load %arg8[%swap3A_651, %swap3A_652, %swap3A_653] {strides = array<i32>} : memref<3x128x128xf32, #tpu.memory_space<vmem>>, vector<1x1x16xf32>,
      %swap3A_655 = vector.shape_cast %swap3A_654 : vector<1x1x16xf32> to vector<16xf32>
      %swap3A_656 = vector.shape_cast %neg3A_649 : vector<16xf32> to vector<1x1x16xf32>
      tpu.vector_store %arg8[%swap3A_651, %swap3A_652, %swap3A_653], %swap3A_656 {add = true, strides = array<i32>} : memref<3x128x128xf32, #tpu.memory_space<vmem>>, vector<1x1x16xf32>,
    }
    %scan3A_8 = arith.constant 16 : i32
    %add3A_9 = arith.constant 9984 : i32
    %add3A_10 = arith.addi %mul3A_2, %add3A_9 : i32
    %run_scoped3A_11 = arith.constant 0 : i32
    "tpu.region"() ({
      %run_scoped3A_141 = tpu.sem_alloc : memref<!tpu.dma_semaphore, #tpu.memory_space<semaphore_mem>>
      %dma_start3A_142 = arith.constant 0 : i32
      %dma_start3A_143 = arith.constant 0 : i32
      %dma_start3A_144 = tpu.memref_slice %arg8[%run_scoped3A_11, %dma_start3A_142, %dma_start3A_143] : memref<3x128x128xf32, #tpu.memory_space<vmem>> -> memref<1x16x128xf32, #tpu.memory_space<vmem>>
      %dma_start3A_145 = tpu.memref_squeeze %dma_start3A_144 : memref<1x16x128xf32, #tpu.memory_space<vmem>> -> memref<16x128xf32, #tpu.memory_space<vmem>>
      %dma_start3A_146 = arith.constant 0 : i32
      %dma_start3A_147 = tpu.memref_slice %arg5[%add3A_10, %dma_start3A_146] : memref<320000x128xf32, #tpu.memory_space<hbm>> -> memref<16x128xf32, #tpu.memory_space<hbm>>
      %dma_start3A_148 = arith.constant 0 : i32
      %dma_start3A_149 = tpu.memref_slice %arg5[%add3A_10, %dma_start3A_148] : memref<320000x128xf32, #tpu.memory_space<hbm>> -> memref<16x128xf32, #tpu.memory_space<hbm>>
      %dma_start3A_150 = arith.constant 0 : i32
      %dma_start3A_151 = arith.constant 0 : i32
      %dma_start3A_152 = tpu.memref_slice %arg8[%run_scoped3A_11, %dma_start3A_150, %dma_start3A_151] : memref<3x128x128xf32, #tpu.memory_space<vmem>> -> memref<1x16x128xf32, #tpu.memory_space<vmem>>
      %dma_start3A_153 = tpu.memref_squeeze %dma_start3A_152 : memref<1x16x128xf32, #tpu.memory_space<vmem>> -> memref<16x128xf32, #tpu.memory_space<vmem>>
      tpu.enqueue_dma source(%dma_start3A_153 : memref<16x128xf32, #tpu.memory_space<vmem>>) target(%dma_start3A_149 : memref<16x128xf32, #tpu.memory_space<hbm>>) target_semaphore(%run_scoped3A_141 : memref<!tpu.dma_semaphore, #tpu.memory_space<semaphore_mem>>)
      %dma_wait3A_154 = arith.constant 0 : i32
      %dma_wait3A_155 = arith.constant 0 : i32
      %dma_wait3A_156 = tpu.memref_slice %arg8[%run_scoped3A_11, %dma_wait3A_154, %dma_wait3A_155] : memref<3x128x128xf32, #tpu.memory_space<vmem>> -> memref<1x16x128xf32, #tpu.memory_space<vmem>>
      %dma_wait3A_157 = tpu.memref_squeeze %dma_wait3A_156 : memref<1x16x128xf32, #tpu.memory_space<vmem>> -> memref<16x128xf32, #tpu.memory_space<vmem>>
      %dma_wait3A_158 = arith.constant 0 : i32
      %dma_wait3A_159 = tpu.memref_slice %arg5[%add3A_10, %dma_wait3A_158] : memref<320000x128xf32, #tpu.memory_space<hbm>> -> memref<16x128xf32, #tpu.memory_space<hbm>>
      %dma_wait3A_160 = arith.constant 0 : i32
      %dma_wait3A_161 = tpu.memref_slice %arg5[%add3A_10, %dma_wait3A_160] : memref<320000x128xf32, #tpu.memory_space<hbm>> -> memref<16x128xf32, #tpu.memory_space<hbm>>
      %dma_wait3A_162 = arith.constant 0 : i32
      %dma_wait3A_163 = arith.constant 0 : i32
      %dma_wait3A_164 = tpu.memref_slice %arg8[%run_scoped3A_11, %dma_wait3A_162, %dma_wait3A_163] : memref<3x128x128xf32, #tpu.memory_space<vmem>> -> memref<1x16x128xf32, #tpu.memory_space<vmem>>
      %dma_wait3A_165 = tpu.memref_squeeze %dma_wait3A_164 : memref<1x16x128xf32, #tpu.memory_space<vmem>> -> memref<16x128xf32, #tpu.memory_space<vmem>>
      tpu.wait_dma2 semaphore(%run_scoped3A_141 : memref<!tpu.dma_semaphore, #tpu.memory_space<semaphore_mem>>) src(%dma_wait3A_165 : memref<16x128xf32, #tpu.memory_space<vmem>>) dst(%dma_wait3A_161 : memref<16x128xf32, #tpu.memory_space<hbm>>)
      tpu.yield
    }) : () -> ()
    %dma_start3A = arith.constant 0 : i32
    %dma_start3A_12 = arith.constant 0 : i32
    %dma_start3A_13 = arith.constant 0 : i32
    %dma_start3A_14 = tpu.memref_slice %arg8[%dma_start3A, %dma_start3A_12, %dma_start3A_13] : memref<3x128x128xf32, #tpu.memory_space<vmem>> -> memref<1x64x128xf32, #tpu.memory_space<vmem>>
    %dma_start3A_15 = tpu.memref_squeeze %dma_start3A_14 : memref<1x64x128xf32, #tpu.memory_space<vmem>> -> memref<64x128xf32, #tpu.memory_space<vmem>>
    %dma_start3A_16 = arith.constant 0 : i32
    %dma_start3A_17 = tpu.memref_slice %arg6[%dma_start3A_16] : memref<10000xi32, #tpu.memory_space<vmem>> -> memref<64xi32, #tpu.memory_space<vmem>>
    %dma_start3A_18 = arith.constant 0 : i32
    %dma_start3A_19 = arith.constant 0 : i32
    %dma_start3A_20 = tpu.memref_slice %arg2[%dma_start3A_18, %dma_start3A_19] : memref<10000x128xf32, #tpu.memory_space<hbm>> -> memref<10000x128xf32, #tpu.memory_space<hbm>>
    tpu.enqueue_indirect_dma source(%dma_start3A_20 : memref<10000x128xf32, #tpu.memory_space<hbm>>) target(%dma_start3A_15 : memref<64x128xf32, #tpu.memory_space<vmem>>) offsets(%dma_start3A_17 : memref<64xi32, #tpu.memory_space<vmem>>) semaphore(%arg10 : memref<!tpu.dma_semaphore, #tpu.memory_space<semaphore_mem>>)
    %dma_start3A_21 = arith.constant 0 : i32
    %dma_start3A_22 = arith.constant 64 : i32
    %dma_start3A_23 = arith.constant 0 : i32
    %dma_start3A_24 = tpu.memref_slice %arg8[%dma_start3A_21, %dma_start3A_22, %dma_start3A_23] : memref<3x128x128xf32, #tpu.memory_space<vmem>> -> memref<1x64x128xf32, #tpu.memory_space<vmem>>
    %dma_start3A_25 = tpu.memref_squeeze %dma_start3A_24 : memref<1x64x128xf32, #tpu.memory_space<vmem>> -> memref<64x128xf32, #tpu.memory_space<vmem>>
    %dma_start3A_26 = arith.constant 64 : i32
    %dma_start3A_27 = tpu.memref_slice %arg6[%dma_start3A_26] : memref<10000xi32, #tpu.memory_space<vmem>> -> memref<64xi32, #tpu.memory_space<vmem>>
    %dma_start3A_28 = arith.constant 0 : i32
    %dma_start3A_29 = arith.constant 0 : i32
    %dma_start3A_30 = tpu.memref_slice %arg2[%dma_start3A_28, %dma_start3A_29] : memref<10000x128xf32, #tpu.memory_space<hbm>> -> memref<10000x128xf32, #tpu.memory_space<hbm>>
    tpu.enqueue_indirect_dma source(%dma_start3A_30 : memref<10000x128xf32, #tpu.memory_space<hbm>>) target(%dma_start3A_25 : memref<64x128xf32, #tpu.memory_space<vmem>>) offsets(%dma_start3A_27 : memref<64xi32, #tpu.memory_space<vmem>>) semaphore(%arg10 : memref<!tpu.dma_semaphore, #tpu.memory_space<semaphore_mem>>)
    %dma_start3A_31 = arith.constant 0 : i32
    %dma_start3A_32 = arith.constant 0 : i32
    %dma_start3A_33 = arith.constant 0 : i32
    %dma_start3A_34 = tpu.memref_slice %arg9[%dma_start3A_31, %dma_start3A_32, %dma_start3A_33] : memref<3x128x128xf32, #tpu.memory_space<vmem>> -> memref<1x64x128xf32, #tpu.memory_space<vmem>>
    %dma_start3A_35 = tpu.memref_squeeze %dma_start3A_34 : memref<1x64x128xf32, #tpu.memory_space<vmem>> -> memref<64x128xf32, #tpu.memory_space<vmem>>
    %dma_start3A_36 = arith.constant 0 : i32
    %dma_start3A_37 = tpu.memref_slice %arg7[%dma_start3A_36] : memref<10000xi32, #tpu.memory_space<vmem>> -> memref<64xi32, #tpu.memory_space<vmem>>
    %dma_start3A_38 = arith.constant 0 : i32
    %dma_start3A_39 = arith.constant 0 : i32
    %dma_start3A_40 = tpu.memref_slice %arg2[%dma_start3A_38, %dma_start3A_39] : memref<10000x128xf32, #tpu.memory_space<hbm>> -> memref<10000x128xf32, #tpu.memory_space<hbm>>
    tpu.enqueue_indirect_dma source(%dma_start3A_40 : memref<10000x128xf32, #tpu.memory_space<hbm>>) target(%dma_start3A_35 : memref<64x128xf32, #tpu.memory_space<vmem>>) offsets(%dma_start3A_37 : memref<64xi32, #tpu.memory_space<vmem>>) semaphore(%arg13 : memref<!tpu.dma_semaphore, #tpu.memory_space<semaphore_mem>>)
    %dma_start3A_41 = arith.constant 0 : i32
    %dma_start3A_42 = arith.constant 64 : i32
    %dma_start3A_43 = arith.constant 0 : i32
    %dma_start3A_44 = tpu.memref_slice %arg9[%dma_start3A_41, %dma_start3A_42, %dma_start3A_43] : memref<3x128x128xf32, #tpu.memory_space<vmem>> -> memref<1x64x128xf32, #tpu.memory_space<vmem>>
    %dma_start3A_45 = tpu.memref_squeeze %dma_start3A_44 : memref<1x64x128xf32, #tpu.memory_space<vmem>> -> memref<64x128xf32, #tpu.memory_space<vmem>>
    %dma_start3A_46 = arith.constant 64 : i32
    %dma_start3A_47 = tpu.memref_slice %arg7[%dma_start3A_46] : memref<10000xi32, #tpu.memory_space<vmem>> -> memref<64xi32, #tpu.memory_space<vmem>>
    %dma_start3A_48 = arith.constant 0 : i32
    %dma_start3A_49 = arith.constant 0 : i32
    %dma_start3A_50 = tpu.memref_slice %arg2[%dma_start3A_48, %dma_start3A_49] : memref<10000x128xf32, #tpu.memory_space<hbm>> -> memref<10000x128xf32, #tpu.memory_space<hbm>>
    tpu.enqueue_indirect_dma source(%dma_start3A_50 : memref<10000x128xf32, #tpu.memory_space<hbm>>) target(%dma_start3A_45 : memref<64x128xf32, #tpu.memory_space<vmem>>) offsets(%dma_start3A_47 : memref<64xi32, #tpu.memory_space<vmem>>) semaphore(%arg13 : memref<!tpu.dma_semaphore, #tpu.memory_space<semaphore_mem>>)
    %dma_start3A_51 = arith.constant 1 : i32
    %dma_start3A_52 = arith.constant 0 : i32
    %dma_start3A_53 = arith.constant 0 : i32
    %dma_start3A_54 = tpu.memref_slice %arg8[%dma_start3A_51, %dma_start3A_52, %dma_start3A_53] : memref<3x128x128xf32, #tpu.memory_space<vmem>> -> memref<1x64x128xf32, #tpu.memory_space<vmem>>
    %dma_start3A_55 = tpu.memref_squeeze %dma_start3A_54 : memref<1x64x128xf32, #tpu.memory_space<vmem>> -> memref<64x128xf32, #tpu.memory_space<vmem>>
    %dma_start3A_56 = arith.constant 128 : i32
    %dma_start3A_57 = tpu.memref_slice %arg6[%dma_start3A_56] : memref<10000xi32, #tpu.memory_space<vmem>> -> memref<64xi32, #tpu.memory_space<vmem>>
    %dma_start3A_58 = arith.constant 0 : i32
    %dma_start3A_59 = arith.constant 0 : i32
    %dma_start3A_60 = tpu.memref_slice %arg2[%dma_start3A_58, %dma_start3A_59] : memref<10000x128xf32, #tpu.memory_space<hbm>> -> memref<10000x128xf32, #tpu.memory_space<hbm>>
    tpu.enqueue_indirect_dma source(%dma_start3A_60 : memref<10000x128xf32, #tpu.memory_space<hbm>>) target(%dma_start3A_55 : memref<64x128xf32, #tpu.memory_space<vmem>>) offsets(%dma_start3A_57 : memref<64xi32, #tpu.memory_space<vmem>>) semaphore(%arg11 : memref<!tpu.dma_semaphore, #tpu.memory_space<semaphore_mem>>)
    %dma_start3A_61 = arith.constant 1 : i32
    %dma_start3A_62 = arith.constant 64 : i32
    %dma_start3A_63 = arith.constant 0 : i32
    %dma_start3A_64 = tpu.memref_slice %arg8[%dma_start3A_61, %dma_start3A_62, %dma_start3A_63] : memref<3x128x128xf32, #tpu.memory_space<vmem>> -> memref<1x64x128xf32, #tpu.memory_space<vmem>>
    %dma_start3A_65 = tpu.memref_squeeze %dma_start3A_64 : memref<1x64x128xf32, #tpu.memory_space<vmem>> -> memref<64x128xf32, #tpu.memory_space<vmem>>
    %dma_start3A_66 = arith.constant 192 : i32
    %dma_start3A_67 = tpu.memref_slice %arg6[%dma_start3A_66] : memref<10000xi32, #tpu.memory_space<vmem>> -> memref<64xi32, #tpu.memory_space<vmem>>
    %dma_start3A_68 = arith.constant 0 : i32
    %dma_start3A_69 = arith.constant 0 : i32
    %dma_start3A_70 = tpu.memref_slice %arg2[%dma_start3A_68, %dma_start3A_69] : memref<10000x128xf32, #tpu.memory_space<hbm>> -> memref<10000x128xf32, #tpu.memory_space<hbm>>
    tpu.enqueue_indirect_dma source(%dma_start3A_70 : memref<10000x128xf32, #tpu.memory_space<hbm>>) target(%dma_start3A_65 : memref<64x128xf32, #tpu.memory_space<vmem>>) offsets(%dma_start3A_67 : memref<64xi32, #tpu.memory_space<vmem>>) semaphore(%arg11 : memref<!tpu.dma_semaphore, #tpu.memory_space<semaphore_mem>>)
    %dma_start3A_71 = arith.constant 1 : i32
    %dma_start3A_72 = arith.constant 0 : i32
    %dma_start3A_73 = arith.constant 0 : i32
    %dma_start3A_74 = tpu.memref_slice %arg9[%dma_start3A_71, %dma_start3A_72, %dma_start3A_73] : memref<3x128x128xf32, #tpu.memory_space<vmem>> -> memref<1x64x128xf32, #tpu.memory_space<vmem>>
    %dma_start3A_75 = tpu.memref_squeeze %dma_start3A_74 : memref<1x64x128xf32, #tpu.memory_space<vmem>> -> memref<64x128xf32, #tpu.memory_space<vmem>>
    %dma_start3A_76 = arith.constant 128 : i32
    %dma_start3A_77 = tpu.memref_slice %arg7[%dma_start3A_76] : memref<10000xi32, #tpu.memory_space<vmem>> -> memref<64xi32, #tpu.memory_space<vmem>>
    %dma_start3A_78 = arith.constant 0 : i32
    %dma_start3A_79 = arith.constant 0 : i32
    %dma_start3A_80 = tpu.memref_slice %arg2[%dma_start3A_78, %dma_start3A_79] : memref<10000x128xf32, #tpu.memory_space<hbm>> -> memref<10000x128xf32, #tpu.memory_space<hbm>>
    tpu.enqueue_indirect_dma source(%dma_start3A_80 : memref<10000x128xf32, #tpu.memory_space<hbm>>) target(%dma_start3A_75 : memref<64x128xf32, #tpu.memory_space<vmem>>) offsets(%dma_start3A_77 : memref<64xi32, #tpu.memory_space<vmem>>) semaphore(%arg14 : memref<!tpu.dma_semaphore, #tpu.memory_space<semaphore_mem>>)
    %dma_start3A_81 = arith.constant 1 : i32
    %dma_start3A_82 = arith.constant 64 : i32
    %dma_start3A_83 = arith.constant 0 : i32
    %dma_start3A_84 = tpu.memref_slice %arg9[%dma_start3A_81, %dma_start3A_82, %dma_start3A_83] : memref<3x128x128xf32, #tpu.memory_space<vmem>> -> memref<1x64x128xf32, #tpu.memory_space<vmem>>
    %dma_start3A_85 = tpu.memref_squeeze %dma_start3A_84 : memref<1x64x128xf32, #tpu.memory_space<vmem>> -> memref<64x128xf32, #tpu.memory_space<vmem>>
    %dma_start3A_86 = arith.constant 192 : i32
    %dma_start3A_87 = tpu.memref_slice %arg7[%dma_start3A_86] : memref<10000xi32, #tpu.memory_space<vmem>> -> memref<64xi32, #tpu.memory_space<vmem>>
    %dma_start3A_88 = arith.constant 0 : i32
    %dma_start3A_89 = arith.constant 0 : i32
    %dma_start3A_90 = tpu.memref_slice %arg2[%dma_start3A_88, %dma_start3A_89] : memref<10000x128xf32, #tpu.memory_space<hbm>> -> memref<10000x128xf32, #tpu.memory_space<hbm>>
    tpu.enqueue_indirect_dma source(%dma_start3A_90 : memref<10000x128xf32, #tpu.memory_space<hbm>>) target(%dma_start3A_85 : memref<64x128xf32, #tpu.memory_space<vmem>>) offsets(%dma_start3A_87 : memref<64xi32, #tpu.memory_space<vmem>>) semaphore(%arg14 : memref<!tpu.dma_semaphore, #tpu.memory_space<semaphore_mem>>)
    %scan3A_91 = arith.constant 0 : i32
    %scan3A_92 = arith.constant 0 : i32
    %scan3A_93 = arith.constant 26 : i32
    %scan3A_94 = arith.addi %scan3A_92, %scan3A_93 : i32
    %scan3A_95 = arith.constant 1 : i32
    scf.for %scan3A_141 = %scan3A_92 to %scan3A_94 step %scan3A_95  : i32 {
      %mul3A_142 = arith.constant 3 : i32
      %mul3A_143 = arith.muli %scan3A_141, %mul3A_142 : i32
      %add3A_144 = arith.constant 0 : i32
      %add3A_145 = arith.addi %mul3A_143, %add3A_144 : i32
      %dma_wait3A_146 = arith.constant 0 : i32
      %dma_wait3A_147 = arith.constant 0 : i32
      %dma_wait3A_148 = arith.constant 0 : i32
      %dma_wait3A_149 = tpu.memref_slice %arg8[%dma_wait3A_146, %dma_wait3A_147, %dma_wait3A_148] : memref<3x128x128xf32, #tpu.memory_space<vmem>> -> memref<1x64x128xf32, #tpu.memory_space<vmem>>
      %dma_wait3A_150 = tpu.memref_squeeze %dma_wait3A_149 : memref<1x64x128xf32, #tpu.memory_space<vmem>> -> memref<64x128xf32, #tpu.memory_space<vmem>>
      %dma_wait3A_151 = arith.constant 0 : i32
      %dma_wait3A_152 = tpu.memref_slice %arg6[%dma_wait3A_151] : memref<10000xi32, #tpu.memory_space<vmem>> -> memref<64xi32, #tpu.memory_space<vmem>>
      %dma_wait3A_153 = arith.constant 0 : i32
      %dma_wait3A_154 = arith.constant 0 : i32
      %dma_wait3A_155 = tpu.memref_slice %arg2[%dma_wait3A_153, %dma_wait3A_154] : memref<10000x128xf32, #tpu.memory_space<hbm>> -> memref<10000x128xf32, #tpu.memory_space<hbm>>
      tpu.wait_indirect_dma semaphore(%arg10 : memref<!tpu.dma_semaphore, #tpu.memory_space<semaphore_mem>>) src(%dma_wait3A_155 : memref<10000x128xf32, #tpu.memory_space<hbm>>) dst(%dma_wait3A_150 : memref<64x128xf32, #tpu.memory_space<vmem>>)
      %dma_wait3A_156 = arith.constant 0 : i32
      %dma_wait3A_157 = arith.constant 64 : i32
      %dma_wait3A_158 = arith.constant 0 : i32
      %dma_wait3A_159 = tpu.memref_slice %arg8[%dma_wait3A_156, %dma_wait3A_157, %dma_wait3A_158] : memref<3x128x128xf32, #tpu.memory_space<vmem>> -> memref<1x64x128xf32, #tpu.memory_space<vmem>>
      %dma_wait3A_160 = tpu.memref_squeeze %dma_wait3A_159 : memref<1x64x128xf32, #tpu.memory_space<vmem>> -> memref<64x128xf32, #tpu.memory_space<vmem>>
      %dma_wait3A_161 = arith.constant 0 : i32
      %dma_wait3A_162 = tpu.memref_slice %arg6[%dma_wait3A_161] : memref<10000xi32, #tpu.memory_space<vmem>> -> memref<64xi32, #tpu.memory_space<vmem>>
      %dma_wait3A_163 = arith.constant 0 : i32
      %dma_wait3A_164 = arith.constant 0 : i32
      %dma_wait3A_165 = tpu.memref_slice %arg2[%dma_wait3A_163, %dma_wait3A_164] : memref<10000x128xf32, #tpu.memory_space<hbm>> -> memref<10000x128xf32, #tpu.memory_space<hbm>>
      tpu.wait_indirect_dma semaphore(%arg10 : memref<!tpu.dma_semaphore, #tpu.memory_space<semaphore_mem>>) src(%dma_wait3A_165 : memref<10000x128xf32, #tpu.memory_space<hbm>>) dst(%dma_wait3A_160 : memref<64x128xf32, #tpu.memory_space<vmem>>)
      %dma_wait3A_166 = arith.constant 0 : i32
      %dma_wait3A_167 = arith.constant 0 : i32
      %dma_wait3A_168 = arith.constant 0 : i32
      %dma_wait3A_169 = tpu.memref_slice %arg9[%dma_wait3A_166, %dma_wait3A_167, %dma_wait3A_168] : memref<3x128x128xf32, #tpu.memory_space<vmem>> -> memref<1x64x128xf32, #tpu.memory_space<vmem>>
      %dma_wait3A_170 = tpu.memref_squeeze %dma_wait3A_169 : memref<1x64x128xf32, #tpu.memory_space<vmem>> -> memref<64x128xf32, #tpu.memory_space<vmem>>
      %dma_wait3A_171 = arith.constant 0 : i32
      %dma_wait3A_172 = tpu.memref_slice %arg7[%dma_wait3A_171] : memref<10000xi32, #tpu.memory_space<vmem>> -> memref<64xi32, #tpu.memory_space<vmem>>
      %dma_wait3A_173 = arith.constant 0 : i32
      %dma_wait3A_174 = arith.constant 0 : i32
      %dma_wait3A_175 = tpu.memref_slice %arg2[%dma_wait3A_173, %dma_wait3A_174] : memref<10000x128xf32, #tpu.memory_space<hbm>> -> memref<10000x128xf32, #tpu.memory_space<hbm>>
      tpu.wait_indirect_dma semaphore(%arg13 : memref<!tpu.dma_semaphore, #tpu.memory_space<semaphore_mem>>) src(%dma_wait3A_175 : memref<10000x128xf32, #tpu.memory_space<hbm>>) dst(%dma_wait3A_170 : memref<64x128xf32, #tpu.memory_space<vmem>>)
      %dma_wait3A_176 = arith.constant 0 : i32
      %dma_wait3A_177 = arith.constant 64 : i32
      %dma_wait3A_178 = arith.constant 0 : i32
      %dma_wait3A_179 = tpu.memref_slice %arg9[%dma_wait3A_176, %dma_wait3A_177, %dma_wait3A_178] : memref<3x128x128xf32, #tpu.memory_space<vmem>> -> memref<1x64x128xf32, #tpu.memory_space<vmem>>
      %dma_wait3A_180 = tpu.memref_squeeze %dma_wait3A_179 : memref<1x64x128xf32, #tpu.memory_space<vmem>> -> memref<64x128xf32, #tpu.memory_space<vmem>>
      %dma_wait3A_181 = arith.constant 0 : i32
      %dma_wait3A_182 = tpu.memref_slice %arg7[%dma_wait3A_181] : memref<10000xi32, #tpu.memory_space<vmem>> -> memref<64xi32, #tpu.memory_space<vmem>>
      %dma_wait3A_183 = arith.constant 0 : i32
      %dma_wait3A_184 = arith.constant 0 : i32
      %dma_wait3A_185 = tpu.memref_slice %arg2[%dma_wait3A_183, %dma_wait3A_184] : memref<10000x128xf32, #tpu.memory_space<hbm>> -> memref<10000x128xf32, #tpu.memory_space<hbm>>
      tpu.wait_indirect_dma semaphore(%arg13 : memref<!tpu.dma_semaphore, #tpu.memory_space<semaphore_mem>>) src(%dma_wait3A_185 : memref<10000x128xf32, #tpu.memory_space<hbm>>) dst(%dma_wait3A_180 : memref<64x128xf32, #tpu.memory_space<vmem>>)
      %scan3A_186 = arith.constant 0 : i32
      %scan3A_187 = arith.constant 0 : i32
      %scan3A_188 = arith.constant 128 : i32
      %scan3A_189 = arith.addi %scan3A_187, %scan3A_188 : i32
      %scan3A_190 = arith.constant 4 : i32
      scf.for %scan3A_358 = %scan3A_187 to %scan3A_189 step %scan3A_190  : i32 {
        %get3A = arith.constant 0 : i32
        %get3A_359 = arith.index_cast %get3A : i32 to index
        %get3A_360 = arith.index_cast %scan3A_358 : i32 to index
        %get3A_361 = arith.constant 0 : index
        %get3A_362 = tpu.vector_load %arg9[%get3A_359, %get3A_360, %get3A_361] {strides = array<i32>} : memref<3x128x128xf32, #tpu.memory_space<vmem>>, vector<1x1x16xf32>,
        %get3A_363 = vector.shape_cast %get3A_362 : vector<1x1x16xf32> to vector<16xf32>
        %neg3A = arith.constant 0.000000e+00 : f32
        %neg3A_364 = vector.broadcast %neg3A : f32 to vector<16xf32>
        %neg3A_365 = arith.subf %neg3A_364, %get3A_363 : vector<16xf32>
        %swap3A = arith.constant 0 : i32
        %swap3A_366 = arith.index_cast %swap3A : i32 to index
        %swap3A_367 = arith.index_cast %scan3A_358 : i32 to index
        %swap3A_368 = arith.constant 0 : index
        %swap3A_369 = tpu.vector_load %arg8[%swap3A_366, %swap3A_367, %swap3A_368] {strides = array<i32>} : memref<3x128x128xf32, #tpu.memory_space<vmem>>, vector<1x1x16xf32>,
        %swap3A_370 = vector.shape_cast %swap3A_369 : vector<1x1x16xf32> to vector<16xf32>
        %swap3A_371 = vector.shape_cast %neg3A_365 : vector<16xf32> to vector<1x1x16xf32>
        tpu.vector_store %arg8[%swap3A_366, %swap3A_367, %swap3A_368], %swap3A_371 {add = true, strides = array<i32>} : memref<3x128x128xf32, #tpu.memory_space<vmem>>, vector<1x1x16xf32>,
        %get3A_372 = arith.constant 0 : i32
        %get3A_373 = arith.index_cast %get3A_372 : i32 to index
        %get3A_374 = arith.index_cast %scan3A_358 : i32 to index
        %get3A_375 = arith.constant 16 : index
        %get3A_376 = tpu.vector_load %arg9[%get3A_373, %get3A_374, %get3A_375] {strides = array<i32>} : memref<3x128x128xf32, #tpu.memory_space<vmem>>, vector<1x1x16xf32>,
        %get3A_377 = vector.shape_cast %get3A_376 : vector<1x1x16xf32> to vector<16xf32>
        %neg3A_378 = arith.constant 0.000000e+00 : f32
        %neg3A_379 = vector.broadcast %neg3A_378 : f32 to vector<16xf32>
        %neg3A_380 = arith.subf %neg3A_379, %get3A_377 : vector<16xf32>
        %swap3A_381 = arith.constant 0 : i32
        %swap3A_382 = arith.index_cast %swap3A_381 : i32 to index
        %swap3A_383 = arith.index_cast %scan3A_358 : i32 to index
        %swap3A_384 = arith.constant 16 : index
        %swap3A_385 = tpu.vector_load %arg8[%swap3A_382, %swap3A_383, %swap3A_384] {strides = array<i32>} : memref<3x128x128xf32, #tpu.memory_space<vmem>>, vector<1x1x16xf32>,
        %swap3A_386 = vector.shape_cast %swap3A_385 : vector<1x1x16xf32> to vector<16xf32>
        %swap3A_387 = vector.shape_cast %neg3A_380 : vector<16xf32> to vector<1x1x16xf32>
        tpu.vector_store %arg8[%swap3A_382, %swap3A_383, %swap3A_384], %swap3A_387 {add = true, strides = array<i32>} : memref<3x128x128xf32, #tpu.memory_space<vmem>>, vector<1x1x16xf32>,
        %get3A_388 = arith.constant 0 : i32
        %get3A_389 = arith.index_cast %get3A_388 : i32 to index
        %get3A_390 = arith.index_cast %scan3A_358 : i32 to index
        %get3A_391 = arith.constant 32 : index
        %get3A_392 = tpu.vector_load %arg9[%get3A_389, %get3A_390, %get3A_391] {strides = array<i32>} : memref<3x128x128xf32, #tpu.memory_space<vmem>>, vector<1x1x16xf32>,
        %get3A_393 = vector.shape_cast %get3A_392 : vector<1x1x16xf32> to vector<16xf32>
        %neg3A_394 = arith.constant 0.000000e+00 : f32
        %neg3A_395 = vector.broadcast %neg3A_394 : f32 to vector<16xf32>
        %neg3A_396 = arith.subf %neg3A_395, %get3A_393 : vector<16xf32>
        %swap3A_397 = arith.constant 0 : i32
        %swap3A_398 = arith.index_cast %swap3A_397 : i32 to index
        %swap3A_399 = arith.index_cast %scan3A_358 : i32 to index
        %swap3A_400 = arith.constant 32 : index
        %swap3A_401 = tpu.vector_load %arg8[%swap3A_398, %swap3A_399, %swap3A_400] {strides = array<i32>} : memref<3x128x128xf32, #tpu.memory_space<vmem>>, vector<1x1x16xf32>,
        %swap3A_402 = vector.shape_cast %swap3A_401 : vector<1x1x16xf32> to vector<16xf32>
        %swap3A_403 = vector.shape_cast %neg3A_396 : vector<16xf32> to vector<1x1x16xf32>
        tpu.vector_store %arg8[%swap3A_398, %swap3A_399, %swap3A_400], %swap3A_403 {add = true, strides = array<i32>} : memref<3x128x128xf32, #tpu.memory_space<vmem>>, vector<1x1x16xf32>,
        %get3A_404 = arith.constant 0 : i32
        %get3A_405 = arith.index_cast %get3A_404 : i32 to index
        %get3A_406 = arith.index_cast %scan3A_358 : i32 to index
        %get3A_407 = arith.constant 48 : index
        %get3A_408 = tpu.vector_load %arg9[%get3A_405, %get3A_406, %get3A_407] {strides = array<i32>} : memref<3x128x128xf32, #tpu.memory_space<vmem>>, vector<1x1x16xf32>,
        %get3A_409 = vector.shape_cast %get3A_408 : vector<1x1x16xf32> to vector<16xf32>
        %neg3A_410 = arith.constant 0.000000e+00 : f32
        %neg3A_411 = vector.broadcast %neg3A_410 : f32 to vector<16xf32>
        %neg3A_412 = arith.subf %neg3A_411, %get3A_409 : vector<16xf32>
        %swap3A_413 = arith.constant 0 : i32
        %swap3A_414 = arith.index_cast %swap3A_413 : i32 to index
        %swap3A_415 = arith.index_cast %scan3A_358 : i32 to index
        %swap3A_416 = arith.constant 48 : index
        %swap3A_417 = tpu.vector_load %arg8[%swap3A_414, %swap3A_415, %swap3A_416] {strides = array<i32>} : memref<3x128x128xf32, #tpu.memory_space<vmem>>, vector<1x1x16xf32>,
        %swap3A_418 = vector.shape_cast %swap3A_417 : vector<1x1x16xf32> to vector<16xf32>
        %swap3A_419 = vector.shape_cast %neg3A_412 : vector<16xf32> to vector<1x1x16xf32>
        tpu.vector_store %arg8[%swap3A_414, %swap3A_415, %swap3A_416], %swap3A_419 {add = true, strides = array<i32>} : memref<3x128x128xf32, #tpu.memory_space<vmem>>, vector<1x1x16xf32>,
        %get3A_420 = arith.constant 0 : i32
        %get3A_421 = arith.index_cast %get3A_420 : i32 to index
        %get3A_422 = arith.index_cast %scan3A_358 : i32 to index
        %get3A_423 = arith.constant 64 : index
        %get3A_424 = tpu.vector_load %arg9[%get3A_421, %get3A_422, %get3A_423] {strides = array<i32>} : memref<3x128x128xf32, #tpu.memory_space<vmem>>, vector<1x1x16xf32>,
        %get3A_425 = vector.shape_cast %get3A_424 : vector<1x1x16xf32> to vector<16xf32>
        %neg3A_426 = arith.constant 0.000000e+00 : f32
        %neg3A_427 = vector.broadcast %neg3A_426 : f32 to vector<16xf32>
        %neg3A_428 = arith.subf %neg3A_427, %get3A_425 : vector<16xf32>
        %swap3A_429 = arith.constant 0 : i32
        %swap3A_430 = arith.index_cast %swap3A_429 : i32 to index
        %swap3A_431 = arith.index_cast %scan3A_358 : i32 to index
        %swap3A_432 = arith.constant 64 : index
        %swap3A_433 = tpu.vector_load %arg8[%swap3A_430, %swap3A_431, %swap3A_432] {strides = array<i32>} : memref<3x128x128xf32, #tpu.memory_space<vmem>>, vector<1x1x16xf32>,
        %swap3A_434 = vector.shape_cast %swap3A_433 : vector<1x1x16xf32> to vector<16xf32>
        %swap3A_435 = vector.shape_cast %neg3A_428 : vector<16xf32> to vector<1x1x16xf32>
        tpu.vector_store %arg8[%swap3A_430, %swap3A_431, %swap3A_432], %swap3A_435 {add = true, strides = array<i32>} : memref<3x128x128xf32, #tpu.memory_space<vmem>>, vector<1x1x16xf32>,
        %get3A_436 = arith.constant 0 : i32
        %get3A_437 = arith.index_cast %get3A_436 : i32 to index
        %get3A_438 = arith.index_cast %scan3A_358 : i32 to index
        %get3A_439 = arith.constant 80 : index
        %get3A_440 = tpu.vector_load %arg9[%get3A_437, %get3A_438, %get3A_439] {strides = array<i32>} : memref<3x128x128xf32, #tpu.memory_space<vmem>>, vector<1x1x16xf32>,
        %get3A_441 = vector.shape_cast %get3A_440 : vector<1x1x16xf32> to vector<16xf32>
        %neg3A_442 = arith.constant 0.000000e+00 : f32
        %neg3A_443 = vector.broadcast %neg3A_442 : f32 to vector<16xf32>
        %neg3A_444 = arith.subf %neg3A_443, %get3A_441 : vector<16xf32>
        %swap3A_445 = arith.constant 0 : i32
        %swap3A_446 = arith.index_cast %swap3A_445 : i32 to index
        %swap3A_447 = arith.index_cast %scan3A_358 : i32 to index
        %swap3A_448 = arith.constant 80 : index
        %swap3A_449 = tpu.vector_load %arg8[%swap3A_446, %swap3A_447, %swap3A_448] {strides = array<i32>} : memref<3x128x128xf32, #tpu.memory_space<vmem>>, vector<1x1x16xf32>,
        %swap3A_450 = vector.shape_cast %swap3A_449 : vector<1x1x16xf32> to vector<16xf32>
        %swap3A_451 = vector.shape_cast %neg3A_444 : vector<16xf32> to vector<1x1x16xf32>
        tpu.vector_store %arg8[%swap3A_446, %swap3A_447, %swap3A_448], %swap3A_451 {add = true, strides = array<i32>} : memref<3x128x128xf32, #tpu.memory_space<vmem>>, vector<1x1x16xf32>,
        %get3A_452 = arith.constant 0 : i32
        %get3A_453 = arith.index_cast %get3A_452 : i32 to index
        %get3A_454 = arith.index_cast %scan3A_358 : i32 to index
        %get3A_455 = arith.constant 96 : index
        %get3A_456 = tpu.vector_load %arg9[%get3A_453, %get3A_454, %get3A_455] {strides = array<i32>} : memref<3x128x128xf32, #tpu.memory_space<vmem>>, vector<1x1x16xf32>,
        %get3A_457 = vector.shape_cast %get3A_456 : vector<1x1x16xf32> to vector<16xf32>
        %neg3A_458 = arith.constant 0.000000e+00 : f32
        %neg3A_459 = vector.broadcast %neg3A_458 : f32 to vector<16xf32>
        %neg3A_460 = arith.subf %neg3A_459, %get3A_457 : vector<16xf32>
        %swap3A_461 = arith.constant 0 : i32
        %swap3A_462 = arith.index_cast %swap3A_461 : i32 to index
        %swap3A_463 = arith.index_cast %scan3A_358 : i32 to index
        %swap3A_464 = arith.constant 96 : index
        %swap3A_465 = tpu.vector_load %arg8[%swap3A_462, %swap3A_463, %swap3A_464] {strides = array<i32>} : memref<3x128x128xf32, #tpu.memory_space<vmem>>, vector<1x1x16xf32>,
        %swap3A_466 = vector.shape_cast %swap3A_465 : vector<1x1x16xf32> to vector<16xf32>
        %swap3A_467 = vector.shape_cast %neg3A_460 : vector<16xf32> to vector<1x1x16xf32>
        tpu.vector_store %arg8[%swap3A_462, %swap3A_463, %swap3A_464], %swap3A_467 {add = true, strides = array<i32>} : memref<3x128x128xf32, #tpu.memory_space<vmem>>, vector<1x1x16xf32>,
        %get3A_468 = arith.constant 0 : i32
        %get3A_469 = arith.index_cast %get3A_468 : i32 to index
        %get3A_470 = arith.index_cast %scan3A_358 : i32 to index
        %get3A_471 = arith.constant 112 : index
        %get3A_472 = tpu.vector_load %arg9[%get3A_469, %get3A_470, %get3A_471] {strides = array<i32>} : memref<3x128x128xf32, #tpu.memory_space<vmem>>, vector<1x1x16xf32>,
        %get3A_473 = vector.shape_cast %get3A_472 : vector<1x1x16xf32> to vector<16xf32>
        %neg3A_474 = arith.constant 0.000000e+00 : f32
        %neg3A_475 = vector.broadcast %neg3A_474 : f32 to vector<16xf32>
        %neg3A_476 = arith.subf %neg3A_475, %get3A_473 : vector<16xf32>
        %swap3A_477 = arith.constant 0 : i32
        %swap3A_478 = arith.index_cast %swap3A_477 : i32 to index
        %swap3A_479 = arith.index_cast %scan3A_358 : i32 to index
        %swap3A_480 = arith.constant 112 : index
        %swap3A_481 = tpu.vector_load %arg8[%swap3A_478, %swap3A_479, %swap3A_480] {strides = array<i32>} : memref<3x128x128xf32, #tpu.memory_space<vmem>>, vector<1x1x16xf32>,
        %swap3A_482 = vector.shape_cast %swap3A_481 : vector<1x1x16xf32> to vector<16xf32>
        %swap3A_483 = vector.shape_cast %neg3A_476 : vector<16xf32> to vector<1x1x16xf32>
        tpu.vector_store %arg8[%swap3A_478, %swap3A_479, %swap3A_480], %swap3A_483 {add = true, strides = array<i32>} : memref<3x128x128xf32, #tpu.memory_space<vmem>>, vector<1x1x16xf32>,
        %scan3A_484 = arith.constant 1 : i32
        %scan3A_485 = arith.addi %scan3A_358, %scan3A_484 : i32
        %get3A_486 = arith.constant 0 : i32
        %get3A_487 = arith.index_cast %get3A_486 : i32 to index
        %get3A_488 = arith.index_cast %scan3A_485 : i32 to index
        %get3A_489 = arith.constant 0 : index
        %get3A_490 = tpu.vector_load %arg9[%get3A_487, %get3A_488, %get3A_489] {strides = array<i32>} : memref<3x128x128xf32, #tpu.memory_space<vmem>>, vector<1x1x16xf32>,
        %get3A_491 = vector.shape_cast %get3A_490 : vector<1x1x16xf32> to vector<16xf32>
        %neg3A_492 = arith.constant 0.000000e+00 : f32
        %neg3A_493 = vector.broadcast %neg3A_492 : f32 to vector<16xf32>
        %neg3A_494 = arith.subf %neg3A_493, %get3A_491 : vector<16xf32>
        %swap3A_495 = arith.constant 0 : i32
        %swap3A_496 = arith.index_cast %swap3A_495 : i32 to index
        %swap3A_497 = arith.index_cast %scan3A_485 : i32 to index
        %swap3A_498 = arith.constant 0 : index
        %swap3A_499 = tpu.vector_load %arg8[%swap3A_496, %swap3A_497, %swap3A_498] {strides = array<i32>} : memref<3x128x128xf32, #tpu.memory_space<vmem>>, vector<1x1x16xf32>,
        %swap3A_500 = vector.shape_cast %swap3A_499 : vector<1x1x16xf32> to vector<16xf32>
        %swap3A_501 = vector.shape_cast %neg3A_494 : vector<16xf32> to vector<1x1x16xf32>
        tpu.vector_store %arg8[%swap3A_496, %swap3A_497, %swap3A_498], %swap3A_501 {add = true, strides = array<i32>} : memref<3x128x128xf32, #tpu.memory_space<vmem>>, vector<1x1x16xf32>,
        %get3A_502 = arith.constant 0 : i32
        %get3A_503 = arith.index_cast %get3A_502 : i32 to index
        %get3A_504 = arith.index_cast %scan3A_485 : i32 to index
        %get3A_505 = arith.constant 16 : index
        %get3A_506 = tpu.vector_load %arg9[%get3A_503, %get3A_504, %get3A_505] {strides = array<i32>} : memref<3x128x128xf32, #tpu.memory_space<vmem>>, vector<1x1x16xf32>,
        %get3A_507 = vector.shape_cast %get3A_506 : vector<1x1x16xf32> to vector<16xf32>
        %neg3A_508 = arith.constant 0.000000e+00 : f32
        %neg3A_509 = vector.broadcast %neg3A_508 : f32 to vector<16xf32>
        %neg3A_510 = arith.subf %neg3A_509, %get3A_507 : vector<16xf32>
        %swap3A_511 = arith.constant 0 : i32
        %swap3A_512 = arith.index_cast %swap3A_511 : i32 to index
        %swap3A_513 = arith.index_cast %scan3A_485 : i32 to index
        %swap3A_514 = arith.constant 16 : index
        %swap3A_515 = tpu.vector_load %arg8[%swap3A_512, %swap3A_513, %swap3A_514] {strides = array<i32>} : memref<3x128x128xf32, #tpu.memory_space<vmem>>, vector<1x1x16xf32>,
        %swap3A_516 = vector.shape_cast %swap3A_515 : vector<1x1x16xf32> to vector<16xf32>
        %swap3A_517 = vector.shape_cast %neg3A_510 : vector<16xf32> to vector<1x1x16xf32>
        tpu.vector_store %arg8[%swap3A_512, %swap3A_513, %swap3A_514], %swap3A_517 {add = true, strides = array<i32>} : memref<3x128x128xf32, #tpu.memory_space<vmem>>, vector<1x1x16xf32>,
        %get3A_518 = arith.constant 0 : i32
        %get3A_519 = arith.index_cast %get3A_518 : i32 to index
        %get3A_520 = arith.index_cast %scan3A_485 : i32 to index
        %get3A_521 = arith.constant 32 : index
        %get3A_522 = tpu.vector_load %arg9[%get3A_519, %get3A_520, %get3A_521] {strides = array<i32>} : memref<3x128x128xf32, #tpu.memory_space<vmem>>, vector<1x1x16xf32>,
        %get3A_523 = vector.shape_cast %get3A_522 : vector<1x1x16xf32> to vector<16xf32>
        %neg3A_524 = arith.constant 0.000000e+00 : f32
        %neg3A_525 = vector.broadcast %neg3A_524 : f32 to vector<16xf32>
        %neg3A_526 = arith.subf %neg3A_525, %get3A_523 : vector<16xf32>
        %swap3A_527 = arith.constant 0 : i32
        %swap3A_528 = arith.index_cast %swap3A_527 : i32 to index
        %swap3A_529 = arith.index_cast %scan3A_485 : i32 to index
        %swap3A_530 = arith.constant 32 : index
        %swap3A_531 = tpu.vector_load %arg8[%swap3A_528, %swap3A_529, %swap3A_530] {strides = array<i32>} : memref<3x128x128xf32, #tpu.memory_space<vmem>>, vector<1x1x16xf32>,
        %swap3A_532 = vector.shape_cast %swap3A_531 : vector<1x1x16xf32> to vector<16xf32>
        %swap3A_533 = vector.shape_cast %neg3A_526 : vector<16xf32> to vector<1x1x16xf32>
        tpu.vector_store %arg8[%swap3A_528, %swap3A_529, %swap3A_530], %swap3A_533 {add = true, strides = array<i32>} : memref<3x128x128xf32, #tpu.memory_space<vmem>>, vector<1x1x16xf32>,
        %get3A_534 = arith.constant 0 : i32
        %get3A_535 = arith.index_cast %get3A_534 : i32 to index
        %get3A_536 = arith.index_cast %scan3A_485 : i32 to index
        %get3A_537 = arith.constant 48 : index
        %get3A_538 = tpu.vector_load %arg9[%get3A_535, %get3A_536, %get3A_537] {strides = array<i32>} : memref<3x128x128xf32, #tpu.memory_space<vmem>>, vector<1x1x16xf32>,
        %get3A_539 = vector.shape_cast %get3A_538 : vector<1x1x16xf32> to vector<16xf32>
        %neg3A_540 = arith.constant 0.000000e+00 : f32
        %neg3A_541 = vector.broadcast %neg3A_540 : f32 to vector<16xf32>
        %neg3A_542 = arith.subf %neg3A_541, %get3A_539 : vector<16xf32>
        %swap3A_543 = arith.constant 0 : i32
        %swap3A_544 = arith.index_cast %swap3A_543 : i32 to index
        %swap3A_545 = arith.index_cast %scan3A_485 : i32 to index
        %swap3A_546 = arith.constant 48 : index
        %swap3A_547 = tpu.vector_load %arg8[%swap3A_544, %swap3A_545, %swap3A_546] {strides = array<i32>} : memref<3x128x128xf32, #tpu.memory_space<vmem>>, vector<1x1x16xf32>,
        %swap3A_548 = vector.shape_cast %swap3A_547 : vector<1x1x16xf32> to vector<16xf32>
        %swap3A_549 = vector.shape_cast %neg3A_542 : vector<16xf32> to vector<1x1x16xf32>
        tpu.vector_store %arg8[%swap3A_544, %swap3A_545, %swap3A_546], %swap3A_549 {add = true, strides = array<i32>} : memref<3x128x128xf32, #tpu.memory_space<vmem>>, vector<1x1x16xf32>,
        %get3A_550 = arith.constant 0 : i32
        %get3A_551 = arith.index_cast %get3A_550 : i32 to index
        %get3A_552 = arith.index_cast %scan3A_485 : i32 to index
        %get3A_553 = arith.constant 64 : index
        %get3A_554 = tpu.vector_load %arg9[%get3A_551, %get3A_552, %get3A_553] {strides = array<i32>} : memref<3x128x128xf32, #tpu.memory_space<vmem>>, vector<1x1x16xf32>,
        %get3A_555 = vector.shape_cast %get3A_554 : vector<1x1x16xf32> to vector<16xf32>
        %neg3A_556 = arith.constant 0.000000e+00 : f32
        %neg3A_557 = vector.broadcast %neg3A_556 : f32 to vector<16xf32>
        %neg3A_558 = arith.subf %neg3A_557, %get3A_555 : vector<16xf32>
        %swap3A_559 = arith.constant 0 : i32
        %swap3A_560 = arith.index_cast %swap3A_559 : i32 to index
        %swap3A_561 = arith.index_cast %scan3A_485 : i32 to index
        %swap3A_562 = arith.constant 64 : index
        %swap3A_563 = tpu.vector_load %arg8[%swap3A_560, %swap3A_561, %swap3A_562] {strides = array<i32>} : memref<3x128x128xf32, #tpu.memory_space<vmem>>, vector<1x1x16xf32>,
        %swap3A_564 = vector.shape_cast %swap3A_563 : vector<1x1x16xf32> to vector<16xf32>
        %swap3A_565 = vector.shape_cast %neg3A_558 : vector<16xf32> to vector<1x1x16xf32>
        tpu.vector_store %arg8[%swap3A_560, %swap3A_561, %swap3A_562], %swap3A_565 {add = true, strides = array<i32>} : memref<3x128x128xf32, #tpu.memory_space<vmem>>, vector<1x1x16xf32>,
        %get3A_566 = arith.constant 0 : i32
        %get3A_567 = arith.index_cast %get3A_566 : i32 to index
        %get3A_568 = arith.index_cast %scan3A_485 : i32 to index
        %get3A_569 = arith.constant 80 : index
        %get3A_570 = tpu.vector_load %arg9[%get3A_567, %get3A_568, %get3A_569] {strides = array<i32>} : memref<3x128x128xf32, #tpu.memory_space<vmem>>, vector<1x1x16xf32>,
        %get3A_571 = vector.shape_cast %get3A_570 : vector<1x1x16xf32> to vector<16xf32>
        %neg3A_572 = arith.constant 0.000000e+00 : f32
        %neg3A_573 = vector.broadcast %neg3A_572 : f32 to vector<16xf32>
        %neg3A_574 = arith.subf %neg3A_573, %get3A_571 : vector<16xf32>
        %swap3A_575 = arith.constant 0 : i32
        %swap3A_576 = arith.index_cast %swap3A_575 : i32 to index
        %swap3A_577 = arith.index_cast %scan3A_485 : i32 to index
        %swap3A_578 = arith.constant 80 : index
        %swap3A_579 = tpu.vector_load %arg8[%swap3A_576, %swap3A_577, %swap3A_578] {strides = array<i32>} : memref<3x128x128xf32, #tpu.memory_space<vmem>>, vector<1x1x16xf32>,
        %swap3A_580 = vector.shape_cast %swap3A_579 : vector<1x1x16xf32> to vector<16xf32>
        %swap3A_581 = vector.shape_cast %neg3A_574 : vector<16xf32> to vector<1x1x16xf32>
        tpu.vector_store %arg8[%swap3A_576, %swap3A_577, %swap3A_578], %swap3A_581 {add = true, strides = array<i32>} : memref<3x128x128xf32, #tpu.memory_space<vmem>>, vector<1x1x16xf32>,
        %get3A_582 = arith.constant 0 : i32
        %get3A_583 = arith.index_cast %get3A_582 : i32 to index
        %get3A_584 = arith.index_cast %scan3A_485 : i32 to index
        %get3A_585 = arith.constant 96 : index
        %get3A_586 = tpu.vector_load %arg9[%get3A_583, %get3A_584, %get3A_585] {strides = array<i32>} : memref<3x128x128xf32, #tpu.memory_space<vmem>>, vector<1x1x16xf32>,
        %get3A_587 = vector.shape_cast %get3A_586 : vector<1x1x16xf32> to vector<16xf32>
        %neg3A_588 = arith.constant 0.000000e+00 : f32
        %neg3A_589 = vector.broadcast %neg3A_588 : f32 to vector<16xf32>
        %neg3A_590 = arith.subf %neg3A_589, %get3A_587 : vector<16xf32>
        %swap3A_591 = arith.constant 0 : i32
        %swap3A_592 = arith.index_cast %swap3A_591 : i32 to index
        %swap3A_593 = arith.index_cast %scan3A_485 : i32 to index
        %swap3A_594 = arith.constant 96 : index
        %swap3A_595 = tpu.vector_load %arg8[%swap3A_592, %swap3A_593, %swap3A_594] {strides = array<i32>} : memref<3x128x128xf32, #tpu.memory_space<vmem>>, vector<1x1x16xf32>,
        %swap3A_596 = vector.shape_cast %swap3A_595 : vector<1x1x16xf32> to vector<16xf32>
        %swap3A_597 = vector.shape_cast %neg3A_590 : vector<16xf32> to vector<1x1x16xf32>
        tpu.vector_store %arg8[%swap3A_592, %swap3A_593, %swap3A_594], %swap3A_597 {add = true, strides = array<i32>} : memref<3x128x128xf32, #tpu.memory_space<vmem>>, vector<1x1x16xf32>,
        %get3A_598 = arith.constant 0 : i32
        %get3A_599 = arith.index_cast %get3A_598 : i32 to index
        %get3A_600 = arith.index_cast %scan3A_485 : i32 to index
        %get3A_601 = arith.constant 112 : index
        %get3A_602 = tpu.vector_load %arg9[%get3A_599, %get3A_600, %get3A_601] {strides = array<i32>} : memref<3x128x128xf32, #tpu.memory_space<vmem>>, vector<1x1x16xf32>,
        %get3A_603 = vector.shape_cast %get3A_602 : vector<1x1x16xf32> to vector<16xf32>
        %neg3A_604 = arith.constant 0.000000e+00 : f32
        %neg3A_605 = vector.broadcast %neg3A_604 : f32 to vector<16xf32>
        %neg3A_606 = arith.subf %neg3A_605, %get3A_603 : vector<16xf32>
        %swap3A_607 = arith.constant 0 : i32
        %swap3A_608 = arith.index_cast %swap3A_607 : i32 to index
        %swap3A_609 = arith.index_cast %scan3A_485 : i32 to index
        %swap3A_610 = arith.constant 112 : index
        %swap3A_611 = tpu.vector_load %arg8[%swap3A_608, %swap3A_609, %swap3A_610] {strides = array<i32>} : memref<3x128x128xf32, #tpu.memory_space<vmem>>, vector<1x1x16xf32>,
        %swap3A_612 = vector.shape_cast %swap3A_611 : vector<1x1x16xf32> to vector<16xf32>
        %swap3A_613 = vector.shape_cast %neg3A_606 : vector<16xf32> to vector<1x1x16xf32>
        tpu.vector_store %arg8[%swap3A_608, %swap3A_609, %swap3A_610], %swap3A_613 {add = true, strides = array<i32>} : memref<3x128x128xf32, #tpu.memory_space<vmem>>, vector<1x1x16xf32>,
        %scan3A_614 = arith.constant 2 : i32
        %scan3A_615 = arith.addi %scan3A_358, %scan3A_614 : i32
        %get3A_616 = arith.constant 0 : i32
        %get3A_617 = arith.index_cast %get3A_616 : i32 to index
        %get3A_618 = arith.index_cast %scan3A_615 : i32 to index
        %get3A_619 = arith.constant 0 : index
        %get3A_620 = tpu.vector_load %arg9[%get3A_617, %get3A_618, %get3A_619] {strides = array<i32>} : memref<3x128x128xf32, #tpu.memory_space<vmem>>, vector<1x1x16xf32>,
        %get3A_621 = vector.shape_cast %get3A_620 : vector<1x1x16xf32> to vector<16xf32>
        %neg3A_622 = arith.constant 0.000000e+00 : f32
        %neg3A_623 = vector.broadcast %neg3A_622 : f32 to vector<16xf32>
        %neg3A_624 = arith.subf %neg3A_623, %get3A_621 : vector<16xf32>
        %swap3A_625 = arith.constant 0 : i32
        %swap3A_626 = arith.index_cast %swap3A_625 : i32 to index
        %swap3A_627 = arith.index_cast %scan3A_615 : i32 to index
        %swap3A_628 = arith.constant 0 : index
        %swap3A_629 = tpu.vector_load %arg8[%swap3A_626, %swap3A_627, %swap3A_628] {strides = array<i32>} : memref<3x128x128xf32, #tpu.memory_space<vmem>>, vector<1x1x16xf32>,
        %swap3A_630 = vector.shape_cast %swap3A_629 : vector<1x1x16xf32> to vector<16xf32>
        %swap3A_631 = vector.shape_cast %neg3A_624 : vector<16xf32> to vector<1x1x16xf32>
        tpu.vector_store %arg8[%swap3A_626, %swap3A_627, %swap3A_628], %swap3A_631 {add = true, strides = array<i32>} : memref<3x128x128xf32, #tpu.memory_space<vmem>>, vector<1x1x16xf32>,
        %get3A_632 = arith.constant 0 : i32
        %get3A_633 = arith.index_cast %get3A_632 : i32 to index
        %get3A_634 = arith.index_cast %scan3A_615 : i32 to index
        %get3A_635 = arith.constant 16 : index
        %get3A_636 = tpu.vector_load %arg9[%get3A_633, %get3A_634, %get3A_635] {strides = array<i32>} : memref<3x128x128xf32, #tpu.memory_space<vmem>>, vector<1x1x16xf32>,
        %get3A_637 = vector.shape_cast %get3A_636 : vector<1x1x16xf32> to vector<16xf32>
        %neg3A_638 = arith.constant 0.000000e+00 : f32
        %neg3A_639 = vector.broadcast %neg3A_638 : f32 to vector<16xf32>
        %neg3A_640 = arith.subf %neg3A_639, %get3A_637 : vector<16xf32>
        %swap3A_641 = arith.constant 0 : i32
        %swap3A_642 = arith.index_cast %swap3A_641 : i32 to index
        %swap3A_643 = arith.index_cast %scan3A_615 : i32 to index
        %swap3A_644 = arith.constant 16 : index
        %swap3A_645 = tpu.vector_load %arg8[%swap3A_642, %swap3A_643, %swap3A_644] {strides = array<i32>} : memref<3x128x128xf32, #tpu.memory_space<vmem>>, vector<1x1x16xf32>,
        %swap3A_646 = vector.shape_cast %swap3A_645 : vector<1x1x16xf32> to vector<16xf32>
        %swap3A_647 = vector.shape_cast %neg3A_640 : vector<16xf32> to vector<1x1x16xf32>
        tpu.vector_store %arg8[%swap3A_642, %swap3A_643, %swap3A_644], %swap3A_647 {add = true, strides = array<i32>} : memref<3x128x128xf32, #tpu.memory_space<vmem>>, vector<1x1x16xf32>,
        %get3A_648 = arith.constant 0 : i32
        %get3A_649 = arith.index_cast %get3A_648 : i32 to index
        %get3A_650 = arith.index_cast %scan3A_615 : i32 to index
        %get3A_651 = arith.constant 32 : index
        %get3A_652 = tpu.vector_load %arg9[%get3A_649, %get3A_650, %get3A_651] {strides = array<i32>} : memref<3x128x128xf32, #tpu.memory_space<vmem>>, vector<1x1x16xf32>,
        %get3A_653 = vector.shape_cast %get3A_652 : vector<1x1x16xf32> to vector<16xf32>
        %neg3A_654 = arith.constant 0.000000e+00 : f32
        %neg3A_655 = vector.broadcast %neg3A_654 : f32 to vector<16xf32>
        %neg3A_656 = arith.subf %neg3A_655, %get3A_653 : vector<16xf32>
        %swap3A_657 = arith.constant 0 : i32
        %swap3A_658 = arith.index_cast %swap3A_657 : i32 to index
        %swap3A_659 = arith.index_cast %scan3A_615 : i32 to index
        %swap3A_660 = arith.constant 32 : index
        %swap3A_661 = tpu.vector_load %arg8[%swap3A_658, %swap3A_659, %swap3A_660] {strides = array<i32>} : memref<3x128x128xf32, #tpu.memory_space<vmem>>, vector<1x1x16xf32>,
        %swap3A_662 = vector.shape_cast %swap3A_661 : vector<1x1x16xf32> to vector<16xf32>
        %swap3A_663 = vector.shape_cast %neg3A_656 : vector<16xf32> to vector<1x1x16xf32>
        tpu.vector_store %arg8[%swap3A_658, %swap3A_659, %swap3A_660], %swap3A_663 {add = true, strides = array<i32>} : memref<3x128x128xf32, #tpu.memory_space<vmem>>, vector<1x1x16xf32>,
        %get3A_664 = arith.constant 0 : i32
        %get3A_665 = arith.index_cast %get3A_664 : i32 to index
        %get3A_666 = arith.index_cast %scan3A_615 : i32 to index
        %get3A_667 = arith.constant 48 : index
        %get3A_668 = tpu.vector_load %arg9[%get3A_665, %get3A_666, %get3A_667] {strides = array<i32>} : memref<3x128x128xf32, #tpu.memory_space<vmem>>, vector<1x1x16xf32>,
        %get3A_669 = vector.shape_cast %get3A_668 : vector<1x1x16xf32> to vector<16xf32>
        %neg3A_670 = arith.constant 0.000000e+00 : f32
        %neg3A_671 = vector.broadcast %neg3A_670 : f32 to vector<16xf32>
        %neg3A_672 = arith.subf %neg3A_671, %get3A_669 : vector<16xf32>
        %swap3A_673 = arith.constant 0 : i32
        %swap3A_674 = arith.index_cast %swap3A_673 : i32 to index
        %swap3A_675 = arith.index_cast %scan3A_615 : i32 to index
        %swap3A_676 = arith.constant 48 : index
        %swap3A_677 = tpu.vector_load %arg8[%swap3A_674, %swap3A_675, %swap3A_676] {strides = array<i32>} : memref<3x128x128xf32, #tpu.memory_space<vmem>>, vector<1x1x16xf32>,
        %swap3A_678 = vector.shape_cast %swap3A_677 : vector<1x1x16xf32> to vector<16xf32>
        %swap3A_679 = vector.shape_cast %neg3A_672 : vector<16xf32> to vector<1x1x16xf32>
        tpu.vector_store %arg8[%swap3A_674, %swap3A_675, %swap3A_676], %swap3A_679 {add = true, strides = array<i32>} : memref<3x128x128xf32, #tpu.memory_space<vmem>>, vector<1x1x16xf32>,
        %get3A_680 = arith.constant 0 : i32
        %get3A_681 = arith.index_cast %get3A_680 : i32 to index
        %get3A_682 = arith.index_cast %scan3A_615 : i32 to index
        %get3A_683 = arith.constant 64 : index
        %get3A_684 = tpu.vector_load %arg9[%get3A_681, %get3A_682, %get3A_683] {strides = array<i32>} : memref<3x128x128xf32, #tpu.memory_space<vmem>>, vector<1x1x16xf32>,
        %get3A_685 = vector.shape_cast %get3A_684 : vector<1x1x16xf32> to vector<16xf32>
        %neg3A_686 = arith.constant 0.000000e+00 : f32
        %neg3A_687 = vector.broadcast %neg3A_686 : f32 to vector<16xf32>
        %neg3A_688 = arith.subf %neg3A_687, %get3A_685 : vector<16xf32>
        %swap3A_689 = arith.constant 0 : i32
        %swap3A_690 = arith.index_cast %swap3A_689 : i32 to index
        %swap3A_691 = arith.index_cast %scan3A_615 : i32 to index
        %swap3A_692 = arith.constant 64 : index
        %swap3A_693 = tpu.vector_load %arg8[%swap3A_690, %swap3A_691, %swap3A_692] {strides = array<i32>} : memref<3x128x128xf32, #tpu.memory_space<vmem>>, vector<1x1x16xf32>,
        %swap3A_694 = vector.shape_cast %swap3A_693 : vector<1x1x16xf32> to vector<16xf32>
        %swap3A_695 = vector.shape_cast %neg3A_688 : vector<16xf32> to vector<1x1x16xf32>
        tpu.vector_store %arg8[%swap3A_690, %swap3A_691, %swap3A_692], %swap3A_695 {add = true, strides = array<i32>} : memref<3x128x128xf32, #tpu.memory_space<vmem>>, vector<1x1x16xf32>,
        %get3A_696 = arith.constant 0 : i32
        %get3A_697 = arith.index_cast %get3A_696 : i32 to index
        %get3A_698 = arith.index_cast %scan3A_615 : i32 to index
        %get3A_699 = arith.constant 80 : index
        %get3A_700 = tpu.vector_load %arg9[%get3A_697, %get3A_698, %get3A_699] {strides = array<i32>} : memref<3x128x128xf32, #tpu.memory_space<vmem>>, vector<1x1x16xf32>,
        %get3A_701 = vector.shape_cast %get3A_700 : vector<1x1x16xf32> to vector<16xf32>
        %neg3A_702 = arith.constant 0.000000e+00 : f32
        %neg3A_703 = vector.broadcast %neg3A_702 : f32 to vector<16xf32>
        %neg3A_704 = arith.subf %neg3A_703, %get3A_701 : vector<16xf32>
        %swap3A_705 = arith.constant 0 : i32
        %swap3A_706 = arith.index_cast %swap3A_705 : i32 to index
        %swap3A_707 = arith.index_cast %scan3A_615 : i32 to index
        %swap3A_708 = arith.constant 80 : index
        %swap3A_709 = tpu.vector_load %arg8[%swap3A_706, %swap3A_707, %swap3A_708] {strides = array<i32>} : memref<3x128x128xf32, #tpu.memory_space<vmem>>, vector<1x1x16xf32>,
        %swap3A_710 = vector.shape_cast %swap3A_709 : vector<1x1x16xf32> to vector<16xf32>
        %swap3A_711 = vector.shape_cast %neg3A_704 : vector<16xf32> to vector<1x1x16xf32>
        tpu.vector_store %arg8[%swap3A_706, %swap3A_707, %swap3A_708], %swap3A_711 {add = true, strides = array<i32>} : memref<3x128x128xf32, #tpu.memory_space<vmem>>, vector<1x1x16xf32>,
        %get3A_712 = arith.constant 0 : i32
        %get3A_713 = arith.index_cast %get3A_712 : i32 to index
        %get3A_714 = arith.index_cast %scan3A_615 : i32 to index
        %get3A_715 = arith.constant 96 : index
        %get3A_716 = tpu.vector_load %arg9[%get3A_713, %get3A_714, %get3A_715] {strides = array<i32>} : memref<3x128x128xf32, #tpu.memory_space<vmem>>, vector<1x1x16xf32>,
        %get3A_717 = vector.shape_cast %get3A_716 : vector<1x1x16xf32> to vector<16xf32>
        %neg3A_718 = arith.constant 0.000000e+00 : f32
        %neg3A_719 = vector.broadcast %neg3A_718 : f32 to vector<16xf32>
        %neg3A_720 = arith.subf %neg3A_719, %get3A_717 : vector<16xf32>
        %swap3A_721 = arith.constant 0 : i32
        %swap3A_722 = arith.index_cast %swap3A_721 : i32 to index
        %swap3A_723 = arith.index_cast %scan3A_615 : i32 to index
        %swap3A_724 = arith.constant 96 : index
        %swap3A_725 = tpu.vector_load %arg8[%swap3A_722, %swap3A_723, %swap3A_724] {strides = array<i32>} : memref<3x128x128xf32, #tpu.memory_space<vmem>>, vector<1x1x16xf32>,
        %swap3A_726 = vector.shape_cast %swap3A_725 : vector<1x1x16xf32> to vector<16xf32>
        %swap3A_727 = vector.shape_cast %neg3A_720 : vector<16xf32> to vector<1x1x16xf32>
        tpu.vector_store %arg8[%swap3A_722, %swap3A_723, %swap3A_724], %swap3A_727 {add = true, strides = array<i32>} : memref<3x128x128xf32, #tpu.memory_space<vmem>>, vector<1x1x16xf32>,
        %get3A_728 = arith.constant 0 : i32
        %get3A_729 = arith.index_cast %get3A_728 : i32 to index
        %get3A_730 = arith.index_cast %scan3A_615 : i32 to index
        %get3A_731 = arith.constant 112 : index
        %get3A_732 = tpu.vector_load %arg9[%get3A_729, %get3A_730, %get3A_731] {strides = array<i32>} : memref<3x128x128xf32, #tpu.memory_space<vmem>>, vector<1x1x16xf32>,
        %get3A_733 = vector.shape_cast %get3A_732 : vector<1x1x16xf32> to vector<16xf32>
        %neg3A_734 = arith.constant 0.000000e+00 : f32
        %neg3A_735 = vector.broadcast %neg3A_734 : f32 to vector<16xf32>
        %neg3A_736 = arith.subf %neg3A_735, %get3A_733 : vector<16xf32>
        %swap3A_737 = arith.constant 0 : i32
        %swap3A_738 = arith.index_cast %swap3A_737 : i32 to index
        %swap3A_739 = arith.index_cast %scan3A_615 : i32 to index
        %swap3A_740 = arith.constant 112 : index
        %swap3A_741 = tpu.vector_load %arg8[%swap3A_738, %swap3A_739, %swap3A_740] {strides = array<i32>} : memref<3x128x128xf32, #tpu.memory_space<vmem>>, vector<1x1x16xf32>,
        %swap3A_742 = vector.shape_cast %swap3A_741 : vector<1x1x16xf32> to vector<16xf32>
        %swap3A_743 = vector.shape_cast %neg3A_736 : vector<16xf32> to vector<1x1x16xf32>
        tpu.vector_store %arg8[%swap3A_738, %swap3A_739, %swap3A_740], %swap3A_743 {add = true, strides = array<i32>} : memref<3x128x128xf32, #tpu.memory_space<vmem>>, vector<1x1x16xf32>,
        %scan3A_744 = arith.constant 3 : i32
        %scan3A_745 = arith.addi %scan3A_358, %scan3A_744 : i32
        %get3A_746 = arith.constant 0 : i32
        %get3A_747 = arith.index_cast %get3A_746 : i32 to index
        %get3A_748 = arith.index_cast %scan3A_745 : i32 to index
        %get3A_749 = arith.constant 0 : index
        %get3A_750 = tpu.vector_load %arg9[%get3A_747, %get3A_748, %get3A_749] {strides = array<i32>} : memref<3x128x128xf32, #tpu.memory_space<vmem>>, vector<1x1x16xf32>,
        %get3A_751 = vector.shape_cast %get3A_750 : vector<1x1x16xf32> to vector<16xf32>
        %neg3A_752 = arith.constant 0.000000e+00 : f32
        %neg3A_753 = vector.broadcast %neg3A_752 : f32 to vector<16xf32>
        %neg3A_754 = arith.subf %neg3A_753, %get3A_751 : vector<16xf32>
        %swap3A_755 = arith.constant 0 : i32
        %swap3A_756 = arith.index_cast %swap3A_755 : i32 to index
        %swap3A_757 = arith.index_cast %scan3A_745 : i32 to index
        %swap3A_758 = arith.constant 0 : index
        %swap3A_759 = tpu.vector_load %arg8[%swap3A_756, %swap3A_757, %swap3A_758] {strides = array<i32>} : memref<3x128x128xf32, #tpu.memory_space<vmem>>, vector<1x1x16xf32>,
        %swap3A_760 = vector.shape_cast %swap3A_759 : vector<1x1x16xf32> to vector<16xf32>
        %swap3A_761 = vector.shape_cast %neg3A_754 : vector<16xf32> to vector<1x1x16xf32>
        tpu.vector_store %arg8[%swap3A_756, %swap3A_757, %swap3A_758], %swap3A_761 {add = true, strides = array<i32>} : memref<3x128x128xf32, #tpu.memory_space<vmem>>, vector<1x1x16xf32>,
        %get3A_762 = arith.constant 0 : i32
        %get3A_763 = arith.index_cast %get3A_762 : i32 to index
        %get3A_764 = arith.index_cast %scan3A_745 : i32 to index
        %get3A_765 = arith.constant 16 : index
        %get3A_766 = tpu.vector_load %arg9[%get3A_763, %get3A_764, %get3A_765] {strides = array<i32>} : memref<3x128x128xf32, #tpu.memory_space<vmem>>, vector<1x1x16xf32>,
        %get3A_767 = vector.shape_cast %get3A_766 : vector<1x1x16xf32> to vector<16xf32>
        %neg3A_768 = arith.constant 0.000000e+00 : f32
        %neg3A_769 = vector.broadcast %neg3A_768 : f32 to vector<16xf32>
        %neg3A_770 = arith.subf %neg3A_769, %get3A_767 : vector<16xf32>
        %swap3A_771 = arith.constant 0 : i32
        %swap3A_772 = arith.index_cast %swap3A_771 : i32 to index
        %swap3A_773 = arith.index_cast %scan3A_745 : i32 to index
        %swap3A_774 = arith.constant 16 : index
        %swap3A_775 = tpu.vector_load %arg8[%swap3A_772, %swap3A_773, %swap3A_774] {strides = array<i32>} : memref<3x128x128xf32, #tpu.memory_space<vmem>>, vector<1x1x16xf32>,
        %swap3A_776 = vector.shape_cast %swap3A_775 : vector<1x1x16xf32> to vector<16xf32>
        %swap3A_777 = vector.shape_cast %neg3A_770 : vector<16xf32> to vector<1x1x16xf32>
        tpu.vector_store %arg8[%swap3A_772, %swap3A_773, %swap3A_774], %swap3A_777 {add = true, strides = array<i32>} : memref<3x128x128xf32, #tpu.memory_space<vmem>>, vector<1x1x16xf32>,
        %get3A_778 = arith.constant 0 : i32
        %get3A_779 = arith.index_cast %get3A_778 : i32 to index
        %get3A_780 = arith.index_cast %scan3A_745 : i32 to index
        %get3A_781 = arith.constant 32 : index
        %get3A_782 = tpu.vector_load %arg9[%get3A_779, %get3A_780, %get3A_781] {strides = array<i32>} : memref<3x128x128xf32, #tpu.memory_space<vmem>>, vector<1x1x16xf32>,
        %get3A_783 = vector.shape_cast %get3A_782 : vector<1x1x16xf32> to vector<16xf32>
        %neg3A_784 = arith.constant 0.000000e+00 : f32
        %neg3A_785 = vector.broadcast %neg3A_784 : f32 to vector<16xf32>
        %neg3A_786 = arith.subf %neg3A_785, %get3A_783 : vector<16xf32>
        %swap3A_787 = arith.constant 0 : i32
        %swap3A_788 = arith.index_cast %swap3A_787 : i32 to index
        %swap3A_789 = arith.index_cast %scan3A_745 : i32 to index
        %swap3A_790 = arith.constant 32 : index
        %swap3A_791 = tpu.vector_load %arg8[%swap3A_788, %swap3A_789, %swap3A_790] {strides = array<i32>} : memref<3x128x128xf32, #tpu.memory_space<vmem>>, vector<1x1x16xf32>,
        %swap3A_792 = vector.shape_cast %swap3A_791 : vector<1x1x16xf32> to vector<16xf32>
        %swap3A_793 = vector.shape_cast %neg3A_786 : vector<16xf32> to vector<1x1x16xf32>
        tpu.vector_store %arg8[%swap3A_788, %swap3A_789, %swap3A_790], %swap3A_793 {add = true, strides = array<i32>} : memref<3x128x128xf32, #tpu.memory_space<vmem>>, vector<1x1x16xf32>,
        %get3A_794 = arith.constant 0 : i32
        %get3A_795 = arith.index_cast %get3A_794 : i32 to index
        %get3A_796 = arith.index_cast %scan3A_745 : i32 to index
        %get3A_797 = arith.constant 48 : index
        %get3A_798 = tpu.vector_load %arg9[%get3A_795, %get3A_796, %get3A_797] {strides = array<i32>} : memref<3x128x128xf32, #tpu.memory_space<vmem>>, vector<1x1x16xf32>,
        %get3A_799 = vector.shape_cast %get3A_798 : vector<1x1x16xf32> to vector<16xf32>
        %neg3A_800 = arith.constant 0.000000e+00 : f32
        %neg3A_801 = vector.broadcast %neg3A_800 : f32 to vector<16xf32>
        %neg3A_802 = arith.subf %neg3A_801, %get3A_799 : vector<16xf32>
        %swap3A_803 = arith.constant 0 : i32
        %swap3A_804 = arith.index_cast %swap3A_803 : i32 to index
        %swap3A_805 = arith.index_cast %scan3A_745 : i32 to index
        %swap3A_806 = arith.constant 48 : index
        %swap3A_807 = tpu.vector_load %arg8[%swap3A_804, %swap3A_805, %swap3A_806] {strides = array<i32>} : memref<3x128x128xf32, #tpu.memory_space<vmem>>, vector<1x1x16xf32>,
        %swap3A_808 = vector.shape_cast %swap3A_807 : vector<1x1x16xf32> to vector<16xf32>
        %swap3A_809 = vector.shape_cast %neg3A_802 : vector<16xf32> to vector<1x1x16xf32>
        tpu.vector_store %arg8[%swap3A_804, %swap3A_805, %swap3A_806], %swap3A_809 {add = true, strides = array<i32>} : memref<3x128x128xf32, #tpu.memory_space<vmem>>, vector<1x1x16xf32>,
        %get3A_810 = arith.constant 0 : i32
        %get3A_811 = arith.index_cast %get3A_810 : i32 to index
        %get3A_812 = arith.index_cast %scan3A_745 : i32 to index
        %get3A_813 = arith.constant 64 : index
        %get3A_814 = tpu.vector_load %arg9[%get3A_811, %get3A_812, %get3A_813] {strides = array<i32>} : memref<3x128x128xf32, #tpu.memory_space<vmem>>, vector<1x1x16xf32>,
        %get3A_815 = vector.shape_cast %get3A_814 : vector<1x1x16xf32> to vector<16xf32>
        %neg3A_816 = arith.constant 0.000000e+00 : f32
        %neg3A_817 = vector.broadcast %neg3A_816 : f32 to vector<16xf32>
        %neg3A_818 = arith.subf %neg3A_817, %get3A_815 : vector<16xf32>
        %swap3A_819 = arith.constant 0 : i32
        %swap3A_820 = arith.index_cast %swap3A_819 : i32 to index
        %swap3A_821 = arith.index_cast %scan3A_745 : i32 to index
        %swap3A_822 = arith.constant 64 : index
        %swap3A_823 = tpu.vector_load %arg8[%swap3A_820, %swap3A_821, %swap3A_822] {strides = array<i32>} : memref<3x128x128xf32, #tpu.memory_space<vmem>>, vector<1x1x16xf32>,
        %swap3A_824 = vector.shape_cast %swap3A_823 : vector<1x1x16xf32> to vector<16xf32>
        %swap3A_825 = vector.shape_cast %neg3A_818 : vector<16xf32> to vector<1x1x16xf32>
        tpu.vector_store %arg8[%swap3A_820, %swap3A_821, %swap3A_822], %swap3A_825 {add = true, strides = array<i32>} : memref<3x128x128xf32, #tpu.memory_space<vmem>>, vector<1x1x16xf32>,
        %get3A_826 = arith.constant 0 : i32
        %get3A_827 = arith.index_cast %get3A_826 : i32 to index
        %get3A_828 = arith.index_cast %scan3A_745 : i32 to index
        %get3A_829 = arith.constant 80 : index
        %get3A_830 = tpu.vector_load %arg9[%get3A_827, %get3A_828, %get3A_829] {strides = array<i32>} : memref<3x128x128xf32, #tpu.memory_space<vmem>>, vector<1x1x16xf32>,
        %get3A_831 = vector.shape_cast %get3A_830 : vector<1x1x16xf32> to vector<16xf32>
        %neg3A_832 = arith.constant 0.000000e+00 : f32
        %neg3A_833 = vector.broadcast %neg3A_832 : f32 to vector<16xf32>
        %neg3A_834 = arith.subf %neg3A_833, %get3A_831 : vector<16xf32>
        %swap3A_835 = arith.constant 0 : i32
        %swap3A_836 = arith.index_cast %swap3A_835 : i32 to index
        %swap3A_837 = arith.index_cast %scan3A_745 : i32 to index
        %swap3A_838 = arith.constant 80 : index
        %swap3A_839 = tpu.vector_load %arg8[%swap3A_836, %swap3A_837, %swap3A_838] {strides = array<i32>} : memref<3x128x128xf32, #tpu.memory_space<vmem>>, vector<1x1x16xf32>,
        %swap3A_840 = vector.shape_cast %swap3A_839 : vector<1x1x16xf32> to vector<16xf32>
        %swap3A_841 = vector.shape_cast %neg3A_834 : vector<16xf32> to vector<1x1x16xf32>
        tpu.vector_store %arg8[%swap3A_836, %swap3A_837, %swap3A_838], %swap3A_841 {add = true, strides = array<i32>} : memref<3x128x128xf32, #tpu.memory_space<vmem>>, vector<1x1x16xf32>,
        %get3A_842 = arith.constant 0 : i32
        %get3A_843 = arith.index_cast %get3A_842 : i32 to index
        %get3A_844 = arith.index_cast %scan3A_745 : i32 to index
        %get3A_845 = arith.constant 96 : index
        %get3A_846 = tpu.vector_load %arg9[%get3A_843, %get3A_844, %get3A_845] {strides = array<i32>} : memref<3x128x128xf32, #tpu.memory_space<vmem>>, vector<1x1x16xf32>,
        %get3A_847 = vector.shape_cast %get3A_846 : vector<1x1x16xf32> to vector<16xf32>
        %neg3A_848 = arith.constant 0.000000e+00 : f32
        %neg3A_849 = vector.broadcast %neg3A_848 : f32 to vector<16xf32>
        %neg3A_850 = arith.subf %neg3A_849, %get3A_847 : vector<16xf32>
        %swap3A_851 = arith.constant 0 : i32
        %swap3A_852 = arith.index_cast %swap3A_851 : i32 to index
        %swap3A_853 = arith.index_cast %scan3A_745 : i32 to index
        %swap3A_854 = arith.constant 96 : index
        %swap3A_855 = tpu.vector_load %arg8[%swap3A_852, %swap3A_853, %swap3A_854] {strides = array<i32>} : memref<3x128x128xf32, #tpu.memory_space<vmem>>, vector<1x1x16xf32>,
        %swap3A_856 = vector.shape_cast %swap3A_855 : vector<1x1x16xf32> to vector<16xf32>
        %swap3A_857 = vector.shape_cast %neg3A_850 : vector<16xf32> to vector<1x1x16xf32>
        tpu.vector_store %arg8[%swap3A_852, %swap3A_853, %swap3A_854], %swap3A_857 {add = true, strides = array<i32>} : memref<3x128x128xf32, #tpu.memory_space<vmem>>, vector<1x1x16xf32>,
        %get3A_858 = arith.constant 0 : i32
        %get3A_859 = arith.index_cast %get3A_858 : i32 to index
        %get3A_860 = arith.index_cast %scan3A_745 : i32 to index
        %get3A_861 = arith.constant 112 : index
        %get3A_862 = tpu.vector_load %arg9[%get3A_859, %get3A_860, %get3A_861] {strides = array<i32>} : memref<3x128x128xf32, #tpu.memory_space<vmem>>, vector<1x1x16xf32>,
        %get3A_863 = vector.shape_cast %get3A_862 : vector<1x1x16xf32> to vector<16xf32>
        %neg3A_864 = arith.constant 0.000000e+00 : f32
        %neg3A_865 = vector.broadcast %neg3A_864 : f32 to vector<16xf32>
        %neg3A_866 = arith.subf %neg3A_865, %get3A_863 : vector<16xf32>
        %swap3A_867 = arith.constant 0 : i32
        %swap3A_868 = arith.index_cast %swap3A_867 : i32 to index
        %swap3A_869 = arith.index_cast %scan3A_745 : i32 to index
        %swap3A_870 = arith.constant 112 : index
        %swap3A_871 = tpu.vector_load %arg8[%swap3A_868, %swap3A_869, %swap3A_870] {strides = array<i32>} : memref<3x128x128xf32, #tpu.memory_space<vmem>>, vector<1x1x16xf32>,
        %swap3A_872 = vector.shape_cast %swap3A_871 : vector<1x1x16xf32> to vector<16xf32>
        %swap3A_873 = vector.shape_cast %neg3A_866 : vector<16xf32> to vector<1x1x16xf32>
        tpu.vector_store %arg8[%swap3A_868, %swap3A_869, %swap3A_870], %swap3A_873 {add = true, strides = array<i32>} : memref<3x128x128xf32, #tpu.memory_space<vmem>>, vector<1x1x16xf32>,
      }
      %scan3A_191 = arith.constant 128 : i32
      %mul3A_192 = arith.constant 128 : i32
      %mul3A_193 = arith.muli %add3A_145, %mul3A_192 : i32
      %add3A_194 = arith.addi %mul3A_2, %mul3A_193 : i32
      %dma_start3A_195 = arith.constant 0 : i32
      %dma_start3A_196 = arith.constant 0 : i32
      %dma_start3A_197 = arith.constant 0 : i32
      %dma_start3A_198 = tpu.memref_slice %arg8[%dma_start3A_195, %dma_start3A_196, %dma_start3A_197] : memref<3x128x128xf32, #tpu.memory_space<vmem>> -> memref<1x128x128xf32, #tpu.memory_space<vmem>>
      %dma_start3A_199 = tpu.memref_squeeze %dma_start3A_198 : memref<1x128x128xf32, #tpu.memory_space<vmem>> -> memref<128x128xf32, #tpu.memory_space<vmem>>
      %dma_start3A_200 = arith.constant 0 : i32
      %dma_start3A_201 = tpu.memref_slice %arg5[%add3A_194, %dma_start3A_200] : memref<320000x128xf32, #tpu.memory_space<hbm>> -> memref<128x128xf32, #tpu.memory_space<hbm>>
      %dma_start3A_202 = arith.constant 0 : i32
      %dma_start3A_203 = tpu.memref_slice %arg5[%add3A_194, %dma_start3A_202] : memref<320000x128xf32, #tpu.memory_space<hbm>> -> memref<128x128xf32, #tpu.memory_space<hbm>>
      %dma_start3A_204 = arith.constant 0 : i32
      %dma_start3A_205 = arith.constant 0 : i32
      %dma_start3A_206 = tpu.memref_slice %arg8[%dma_start3A_195, %dma_start3A_204, %dma_start3A_205] : memref<3x128x128xf32, #tpu.memory_space<vmem>> -> memref<1x128x128xf32, #tpu.memory_space<vmem>>
      %dma_start3A_207 = tpu.memref_squeeze %dma_start3A_206 : memref<1x128x128xf32, #tpu.memory_space<vmem>> -> memref<128x128xf32, #tpu.memory_space<vmem>>
      tpu.enqueue_dma source(%dma_start3A_207 : memref<128x128xf32, #tpu.memory_space<vmem>>) target(%dma_start3A_203 : memref<128x128xf32, #tpu.memory_space<hbm>>) target_semaphore(%arg16 : memref<!tpu.dma_semaphore, #tpu.memory_space<semaphore_mem>>)
      %add3A_208 = arith.constant 2 : i32
      %add3A_209 = arith.addi %add3A_145, %add3A_208 : i32
      %lt3A = arith.constant 78 : i32
      %lt3A_210 = arith.cmpi slt, %add3A_209, %lt3A : i32
      %convert_element_type3A = arith.extui %lt3A_210 : i1 to i32
      %cond3A = arith.constant 0 : i32
      %cond3A_211 = arith.cmpi ne, %convert_element_type3A, %cond3A : i32
      scf.if %cond3A_211 {
        %ge3A = arith.constant 1 : i32
        %ge3A_358 = arith.cmpi sge, %add3A_145, %ge3A : i32
        %convert_element_type3A_359 = arith.extui %ge3A_358 : i1 to i32
        %cond3A_360 = arith.constant 0 : i32
        %cond3A_361 = arith.cmpi ne, %convert_element_type3A_359, %cond3A_360 : i32
        scf.if %cond3A_361 {
          %dma_wait3A_406 = arith.constant 2 : i32
          %dma_wait3A_407 = arith.constant 0 : i32
          %dma_wait3A_408 = arith.constant 0 : i32
          %dma_wait3A_409 = tpu.memref_slice %arg8[%dma_wait3A_406, %dma_wait3A_407, %dma_wait3A_408] : memref<3x128x128xf32, #tpu.memory_space<vmem>> -> memref<1x128x128xf32, #tpu.memory_space<vmem>>
          %dma_wait3A_410 = tpu.memref_squeeze %dma_wait3A_409 : memref<1x128x128xf32, #tpu.memory_space<vmem>> -> memref<128x128xf32, #tpu.memory_space<vmem>>
          %dma_wait3A_411 = arith.constant 0 : i32
          %dma_wait3A_412 = arith.constant 0 : i32
          %dma_wait3A_413 = tpu.memref_slice %arg5[%dma_wait3A_411, %dma_wait3A_412] : memref<320000x128xf32, #tpu.memory_space<hbm>> -> memref<128x128xf32, #tpu.memory_space<hbm>>
          %dma_wait3A_414 = arith.constant 0 : i32
          %dma_wait3A_415 = arith.constant 0 : i32
          %dma_wait3A_416 = tpu.memref_slice %arg5[%dma_wait3A_414, %dma_wait3A_415] : memref<320000x128xf32, #tpu.memory_space<hbm>> -> memref<128x128xf32, #tpu.memory_space<hbm>>
          %dma_wait3A_417 = arith.constant 0 : i32
          %dma_wait3A_418 = arith.constant 0 : i32
          %dma_wait3A_419 = tpu.memref_slice %arg8[%dma_wait3A_406, %dma_wait3A_417, %dma_wait3A_418] : memref<3x128x128xf32, #tpu.memory_space<vmem>> -> memref<1x128x128xf32, #tpu.memory_space<vmem>>
          %dma_wait3A_420 = tpu.memref_squeeze %dma_wait3A_419 : memref<1x128x128xf32, #tpu.memory_space<vmem>> -> memref<128x128xf32, #tpu.memory_space<vmem>>
          tpu.wait_dma2 semaphore(%arg18 : memref<!tpu.dma_semaphore, #tpu.memory_space<semaphore_mem>>) src(%dma_wait3A_420 : memref<128x128xf32, #tpu.memory_space<vmem>>) dst(%dma_wait3A_416 : memref<128x128xf32, #tpu.memory_space<hbm>>)
        } else {
        }
        %add3A_362 = arith.constant 2 : i32
        %add3A_363 = arith.addi %add3A_145, %add3A_362 : i32
        %mul3A_364 = arith.constant 128 : i32
        %mul3A_365 = arith.muli %add3A_363, %mul3A_364 : i32
        %dma_start3A_366 = arith.constant 2 : i32
        %dma_start3A_367 = arith.constant 0 : i32
        %dma_start3A_368 = arith.constant 0 : i32
        %dma_start3A_369 = tpu.memref_slice %arg8[%dma_start3A_366, %dma_start3A_367, %dma_start3A_368] : memref<3x128x128xf32, #tpu.memory_space<vmem>> -> memref<1x64x128xf32, #tpu.memory_space<vmem>>
        %dma_start3A_370 = tpu.memref_squeeze %dma_start3A_369 : memref<1x64x128xf32, #tpu.memory_space<vmem>> -> memref<64x128xf32, #tpu.memory_space<vmem>>
        %dma_start3A_371 = tpu.memref_slice %arg6[%mul3A_365] : memref<10000xi32, #tpu.memory_space<vmem>> -> memref<64xi32, #tpu.memory_space<vmem>>
        %dma_start3A_372 = arith.constant 0 : i32
        %dma_start3A_373 = arith.constant 0 : i32
        %dma_start3A_374 = tpu.memref_slice %arg2[%dma_start3A_372, %dma_start3A_373] : memref<10000x128xf32, #tpu.memory_space<hbm>> -> memref<10000x128xf32, #tpu.memory_space<hbm>>
        tpu.enqueue_indirect_dma source(%dma_start3A_374 : memref<10000x128xf32, #tpu.memory_space<hbm>>) target(%dma_start3A_370 : memref<64x128xf32, #tpu.memory_space<vmem>>) offsets(%dma_start3A_371 : memref<64xi32, #tpu.memory_space<vmem>>) semaphore(%arg12 : memref<!tpu.dma_semaphore, #tpu.memory_space<semaphore_mem>>)
        %add3A_375 = arith.constant 64 : i32
        %add3A_376 = arith.addi %mul3A_365, %add3A_375 : i32
        %dma_start3A_377 = arith.constant 2 : i32
        %dma_start3A_378 = arith.constant 64 : i32
        %dma_start3A_379 = arith.constant 0 : i32
        %dma_start3A_380 = tpu.memref_slice %arg8[%dma_start3A_377, %dma_start3A_378, %dma_start3A_379] : memref<3x128x128xf32, #tpu.memory_space<vmem>> -> memref<1x64x128xf32, #tpu.memory_space<vmem>>
        %dma_start3A_381 = tpu.memref_squeeze %dma_start3A_380 : memref<1x64x128xf32, #tpu.memory_space<vmem>> -> memref<64x128xf32, #tpu.memory_space<vmem>>
        %dma_start3A_382 = tpu.memref_slice %arg6[%add3A_376] : memref<10000xi32, #tpu.memory_space<vmem>> -> memref<64xi32, #tpu.memory_space<vmem>>
        %dma_start3A_383 = arith.constant 0 : i32
        %dma_start3A_384 = arith.constant 0 : i32
        %dma_start3A_385 = tpu.memref_slice %arg2[%dma_start3A_383, %dma_start3A_384] : memref<10000x128xf32, #tpu.memory_space<hbm>> -> memref<10000x128xf32, #tpu.memory_space<hbm>>
        tpu.enqueue_indirect_dma source(%dma_start3A_385 : memref<10000x128xf32, #tpu.memory_space<hbm>>) target(%dma_start3A_381 : memref<64x128xf32, #tpu.memory_space<vmem>>) offsets(%dma_start3A_382 : memref<64xi32, #tpu.memory_space<vmem>>) semaphore(%arg12 : memref<!tpu.dma_semaphore, #tpu.memory_space<semaphore_mem>>)
        %dma_start3A_386 = arith.constant 2 : i32
        %dma_start3A_387 = arith.constant 0 : i32
        %dma_start3A_388 = arith.constant 0 : i32
        %dma_start3A_389 = tpu.memref_slice %arg9[%dma_start3A_386, %dma_start3A_387, %dma_start3A_388] : memref<3x128x128xf32, #tpu.memory_space<vmem>> -> memref<1x64x128xf32, #tpu.memory_space<vmem>>
        %dma_start3A_390 = tpu.memref_squeeze %dma_start3A_389 : memref<1x64x128xf32, #tpu.memory_space<vmem>> -> memref<64x128xf32, #tpu.memory_space<vmem>>
        %dma_start3A_391 = tpu.memref_slice %arg7[%mul3A_365] : memref<10000xi32, #tpu.memory_space<vmem>> -> memref<64xi32, #tpu.memory_space<vmem>>
        %dma_start3A_392 = arith.constant 0 : i32
        %dma_start3A_393 = arith.constant 0 : i32
        %dma_start3A_394 = tpu.memref_slice %arg2[%dma_start3A_392, %dma_start3A_393] : memref<10000x128xf32, #tpu.memory_space<hbm>> -> memref<10000x128xf32, #tpu.memory_space<hbm>>
        tpu.enqueue_indirect_dma source(%dma_start3A_394 : memref<10000x128xf32, #tpu.memory_space<hbm>>) target(%dma_start3A_390 : memref<64x128xf32, #tpu.memory_space<vmem>>) offsets(%dma_start3A_391 : memref<64xi32, #tpu.memory_space<vmem>>) semaphore(%arg15 : memref<!tpu.dma_semaphore, #tpu.memory_space<semaphore_mem>>)
        %add3A_395 = arith.constant 64 : i32
        %add3A_396 = arith.addi %mul3A_365, %add3A_395 : i32
        %dma_start3A_397 = arith.constant 2 : i32
        %dma_start3A_398 = arith.constant 64 : i32
        %dma_start3A_399 = arith.constant 0 : i32
        %dma_start3A_400 = tpu.memref_slice %arg9[%dma_start3A_397, %dma_start3A_398, %dma_start3A_399] : memref<3x128x128xf32, #tpu.memory_space<vmem>> -> memref<1x64x128xf32, #tpu.memory_space<vmem>>
        %dma_start3A_401 = tpu.memref_squeeze %dma_start3A_400 : memref<1x64x128xf32, #tpu.memory_space<vmem>> -> memref<64x128xf32, #tpu.memory_space<vmem>>
        %dma_start3A_402 = tpu.memref_slice %arg7[%add3A_396] : memref<10000xi32, #tpu.memory_space<vmem>> -> memref<64xi32, #tpu.memory_space<vmem>>
        %dma_start3A_403 = arith.constant 0 : i32
        %dma_start3A_404 = arith.constant 0 : i32
        %dma_start3A_405 = tpu.memref_slice %arg2[%dma_start3A_403, %dma_start3A_404] : memref<10000x128xf32, #tpu.memory_space<hbm>> -> memref<10000x128xf32, #tpu.memory_space<hbm>>
        tpu.enqueue_indirect_dma source(%dma_start3A_405 : memref<10000x128xf32, #tpu.memory_space<hbm>>) target(%dma_start3A_401 : memref<64x128xf32, #tpu.memory_space<vmem>>) offsets(%dma_start3A_402 : memref<64xi32, #tpu.memory_space<vmem>>) semaphore(%arg15 : memref<!tpu.dma_semaphore, #tpu.memory_space<semaphore_mem>>)
      } else {
      }
      %mul3A_212 = arith.constant 3 : i32
      %mul3A_213 = arith.muli %scan3A_141, %mul3A_212 : i32
      %add3A_214 = arith.constant 1 : i32
      %add3A_215 = arith.addi %mul3A_213, %add3A_214 : i32
      %dma_wait3A_216 = arith.constant 1 : i32
      %dma_wait3A_217 = arith.constant 0 : i32
      %dma_wait3A_218 = arith.constant 0 : i32
      %dma_wait3A_219 = tpu.memref_slice %arg8[%dma_wait3A_216, %dma_wait3A_217, %dma_wait3A_218] : memref<3x128x128xf32, #tpu.memory_space<vmem>> -> memref<1x64x128xf32, #tpu.memory_space<vmem>>
      %dma_wait3A_220 = tpu.memref_squeeze %dma_wait3A_219 : memref<1x64x128xf32, #tpu.memory_space<vmem>> -> memref<64x128xf32, #tpu.memory_space<vmem>>
      %dma_wait3A_221 = arith.constant 0 : i32
      %dma_wait3A_222 = tpu.memref_slice %arg6[%dma_wait3A_221] : memref<10000xi32, #tpu.memory_space<vmem>> -> memref<64xi32, #tpu.memory_space<vmem>>
      %dma_wait3A_223 = arith.constant 0 : i32
      %dma_wait3A_224 = arith.constant 0 : i32
      %dma_wait3A_225 = tpu.memref_slice %arg2[%dma_wait3A_223, %dma_wait3A_224] : memref<10000x128xf32, #tpu.memory_space<hbm>> -> memref<10000x128xf32, #tpu.memory_space<hbm>>
      tpu.wait_indirect_dma semaphore(%arg11 : memref<!tpu.dma_semaphore, #tpu.memory_space<semaphore_mem>>) src(%dma_wait3A_225 : memref<10000x128xf32, #tpu.memory_space<hbm>>) dst(%dma_wait3A_220 : memref<64x128xf32, #tpu.memory_space<vmem>>)
      %dma_wait3A_226 = arith.constant 1 : i32
      %dma_wait3A_227 = arith.constant 64 : i32
      %dma_wait3A_228 = arith.constant 0 : i32
      %dma_wait3A_229 = tpu.memref_slice %arg8[%dma_wait3A_226, %dma_wait3A_227, %dma_wait3A_228] : memref<3x128x128xf32, #tpu.memory_space<vmem>> -> memref<1x64x128xf32, #tpu.memory_space<vmem>>
      %dma_wait3A_230 = tpu.memref_squeeze %dma_wait3A_229 : memref<1x64x128xf32, #tpu.memory_space<vmem>> -> memref<64x128xf32, #tpu.memory_space<vmem>>
      %dma_wait3A_231 = arith.constant 0 : i32
      %dma_wait3A_232 = tpu.memref_slice %arg6[%dma_wait3A_231] : memref<10000xi32, #tpu.memory_space<vmem>> -> memref<64xi32, #tpu.memory_space<vmem>>
      %dma_wait3A_233 = arith.constant 0 : i32
      %dma_wait3A_234 = arith.constant 0 : i32
      %dma_wait3A_235 = tpu.memref_slice %arg2[%dma_wait3A_233, %dma_wait3A_234] : memref<10000x128xf32, #tpu.memory_space<hbm>> -> memref<10000x128xf32, #tpu.memory_space<hbm>>
      tpu.wait_indirect_dma semaphore(%arg11 : memref<!tpu.dma_semaphore, #tpu.memory_space<semaphore_mem>>) src(%dma_wait3A_235 : memref<10000x128xf32, #tpu.memory_space<hbm>>) dst(%dma_wait3A_230 : memref<64x128xf32, #tpu.memory_space<vmem>>)
      %dma_wait3A_236 = arith.constant 1 : i32
      %dma_wait3A_237 = arith.constant 0 : i32
      %dma_wait3A_238 = arith.constant 0 : i32
      %dma_wait3A_239 = tpu.memref_slice %arg9[%dma_wait3A_236, %dma_wait3A_237, %dma_wait3A_238] : memref<3x128x128xf32, #tpu.memory_space<vmem>> -> memref<1x64x128xf32, #tpu.memory_space<vmem>>
      %dma_wait3A_240 = tpu.memref_squeeze %dma_wait3A_239 : memref<1x64x128xf32, #tpu.memory_space<vmem>> -> memref<64x128xf32, #tpu.memory_space<vmem>>
      %dma_wait3A_241 = arith.constant 0 : i32
      %dma_wait3A_242 = tpu.memref_slice %arg7[%dma_wait3A_241] : memref<10000xi32, #tpu.memory_space<vmem>> -> memref<64xi32, #tpu.memory_space<vmem>>
      %dma_wait3A_243 = arith.constant 0 : i32
      %dma_wait3A_244 = arith.constant 0 : i32
      %dma_wait3A_245 = tpu.memref_slice %arg2[%dma_wait3A_243, %dma_wait3A_244] : memref<10000x128xf32, #tpu.memory_space<hbm>> -> memref<10000x128xf32, #tpu.memory_space<hbm>>
      tpu.wait_indirect_dma semaphore(%arg14 : memref<!tpu.dma_semaphore, #tpu.memory_space<semaphore_mem>>) src(%dma_wait3A_245 : memref<10000x128xf32, #tpu.memory_space<hbm>>) dst(%dma_wait3A_240 : memref<64x128xf32, #tpu.memory_space<vmem>>)
      %dma_wait3A_246 = arith.constant 1 : i32
      %dma_wait3A_247 = arith.constant 64 : i32
      %dma_wait3A_248 = arith.constant 0 : i32
      %dma_wait3A_249 = tpu.memref_slice %arg9[%dma_wait3A_246, %dma_wait3A_247, %dma_wait3A_248] : memref<3x128x128xf32, #tpu.memory_space<vmem>> -> memref<1x64x128xf32, #tpu.memory_space<vmem>>
      %dma_wait3A_250 = tpu.memref_squeeze %dma_wait3A_249 : memref<1x64x128xf32, #tpu.memory_space<vmem>> -> memref<64x128xf32, #tpu.memory_space<vmem>>
      %dma_wait3A_251 = arith.constant 0 : i32
      %dma_wait3A_252 = tpu.memref_slice %arg7[%dma_wait3A_251] : memref<10000xi32, #tpu.memory_space<vmem>> -> memref<64xi32, #tpu.memory_space<vmem>>
      %dma_wait3A_253 = arith.constant 0 : i32
      %dma_wait3A_254 = arith.constant 0 : i32
      %dma_wait3A_255 = tpu.memref_slice %arg2[%dma_wait3A_253, %dma_wait3A_254] : memref<10000x128xf32, #tpu.memory_space<hbm>> -> memref<10000x128xf32, #tpu.memory_space<hbm>>
      tpu.wait_indirect_dma semaphore(%arg14 : memref<!tpu.dma_semaphore, #tpu.memory_space<semaphore_mem>>) src(%dma_wait3A_255 : memref<10000x128xf32, #tpu.memory_space<hbm>>) dst(%dma_wait3A_250 : memref<64x128xf32, #tpu.memory_space<vmem>>)
      %scan3A_256 = arith.constant 0 : i32
      %scan3A_257 = arith.constant 0 : i32
      %scan3A_258 = arith.constant 128 : i32
      %scan3A_259 = arith.addi %scan3A_257, %scan3A_258 : i32
      %scan3A_260 = arith.constant 4 : i32
      scf.for %scan3A_358 = %scan3A_257 to %scan3A_259 step %scan3A_260  : i32 {
        %get3A = arith.constant 1 : i32
        %get3A_359 = arith.index_cast %get3A : i32 to index
        %get3A_360 = arith.index_cast %scan3A_358 : i32 to index
        %get3A_361 = arith.constant 0 : index
        %get3A_362 = tpu.vector_load %arg9[%get3A_359, %get3A_360, %get3A_361] {strides = array<i32>} : memref<3x128x128xf32, #tpu.memory_space<vmem>>, vector<1x1x16xf32>,
        %get3A_363 = vector.shape_cast %get3A_362 : vector<1x1x16xf32> to vector<16xf32>
        %neg3A = arith.constant 0.000000e+00 : f32
        %neg3A_364 = vector.broadcast %neg3A : f32 to vector<16xf32>
        %neg3A_365 = arith.subf %neg3A_364, %get3A_363 : vector<16xf32>
        %swap3A = arith.constant 1 : i32
        %swap3A_366 = arith.index_cast %swap3A : i32 to index
        %swap3A_367 = arith.index_cast %scan3A_358 : i32 to index
        %swap3A_368 = arith.constant 0 : index
        %swap3A_369 = tpu.vector_load %arg8[%swap3A_366, %swap3A_367, %swap3A_368] {strides = array<i32>} : memref<3x128x128xf32, #tpu.memory_space<vmem>>, vector<1x1x16xf32>,
        %swap3A_370 = vector.shape_cast %swap3A_369 : vector<1x1x16xf32> to vector<16xf32>
        %swap3A_371 = vector.shape_cast %neg3A_365 : vector<16xf32> to vector<1x1x16xf32>
        tpu.vector_store %arg8[%swap3A_366, %swap3A_367, %swap3A_368], %swap3A_371 {add = true, strides = array<i32>} : memref<3x128x128xf32, #tpu.memory_space<vmem>>, vector<1x1x16xf32>,
        %get3A_372 = arith.constant 1 : i32
        %get3A_373 = arith.index_cast %get3A_372 : i32 to index
        %get3A_374 = arith.index_cast %scan3A_358 : i32 to index
        %get3A_375 = arith.constant 16 : index
        %get3A_376 = tpu.vector_load %arg9[%get3A_373, %get3A_374, %get3A_375] {strides = array<i32>} : memref<3x128x128xf32, #tpu.memory_space<vmem>>, vector<1x1x16xf32>,
        %get3A_377 = vector.shape_cast %get3A_376 : vector<1x1x16xf32> to vector<16xf32>
        %neg3A_378 = arith.constant 0.000000e+00 : f32
        %neg3A_379 = vector.broadcast %neg3A_378 : f32 to vector<16xf32>
        %neg3A_380 = arith.subf %neg3A_379, %get3A_377 : vector<16xf32>
        %swap3A_381 = arith.constant 1 : i32
        %swap3A_382 = arith.index_cast %swap3A_381 : i32 to index
        %swap3A_383 = arith.index_cast %scan3A_358 : i32 to index
        %swap3A_384 = arith.constant 16 : index
        %swap3A_385 = tpu.vector_load %arg8[%swap3A_382, %swap3A_383, %swap3A_384] {strides = array<i32>} : memref<3x128x128xf32, #tpu.memory_space<vmem>>, vector<1x1x16xf32>,
        %swap3A_386 = vector.shape_cast %swap3A_385 : vector<1x1x16xf32> to vector<16xf32>
        %swap3A_387 = vector.shape_cast %neg3A_380 : vector<16xf32> to vector<1x1x16xf32>
        tpu.vector_store %arg8[%swap3A_382, %swap3A_383, %swap3A_384], %swap3A_387 {add = true, strides = array<i32>} : memref<3x128x128xf32, #tpu.memory_space<vmem>>, vector<1x1x16xf32>,
        %get3A_388 = arith.constant 1 : i32
        %get3A_389 = arith.index_cast %get3A_388 : i32 to index
        %get3A_390 = arith.index_cast %scan3A_358 : i32 to index
        %get3A_391 = arith.constant 32 : index
        %get3A_392 = tpu.vector_load %arg9[%get3A_389, %get3A_390, %get3A_391] {strides = array<i32>} : memref<3x128x128xf32, #tpu.memory_space<vmem>>, vector<1x1x16xf32>,
        %get3A_393 = vector.shape_cast %get3A_392 : vector<1x1x16xf32> to vector<16xf32>
        %neg3A_394 = arith.constant 0.000000e+00 : f32
        %neg3A_395 = vector.broadcast %neg3A_394 : f32 to vector<16xf32>
        %neg3A_396 = arith.subf %neg3A_395, %get3A_393 : vector<16xf32>
        %swap3A_397 = arith.constant 1 : i32
        %swap3A_398 = arith.index_cast %swap3A_397 : i32 to index
        %swap3A_399 = arith.index_cast %scan3A_358 : i32 to index
        %swap3A_400 = arith.constant 32 : index
        %swap3A_401 = tpu.vector_load %arg8[%swap3A_398, %swap3A_399, %swap3A_400] {strides = array<i32>} : memref<3x128x128xf32, #tpu.memory_space<vmem>>, vector<1x1x16xf32>,
        %swap3A_402 = vector.shape_cast %swap3A_401 : vector<1x1x16xf32> to vector<16xf32>
        %swap3A_403 = vector.shape_cast %neg3A_396 : vector<16xf32> to vector<1x1x16xf32>
        tpu.vector_store %arg8[%swap3A_398, %swap3A_399, %swap3A_400], %swap3A_403 {add = true, strides = array<i32>} : memref<3x128x128xf32, #tpu.memory_space<vmem>>, vector<1x1x16xf32>,
        %get3A_404 = arith.constant 1 : i32
        %get3A_405 = arith.index_cast %get3A_404 : i32 to index
        %get3A_406 = arith.index_cast %scan3A_358 : i32 to index
        %get3A_407 = arith.constant 48 : index
        %get3A_408 = tpu.vector_load %arg9[%get3A_405, %get3A_406, %get3A_407] {strides = array<i32>} : memref<3x128x128xf32, #tpu.memory_space<vmem>>, vector<1x1x16xf32>,
        %get3A_409 = vector.shape_cast %get3A_408 : vector<1x1x16xf32> to vector<16xf32>
        %neg3A_410 = arith.constant 0.000000e+00 : f32
        %neg3A_411 = vector.broadcast %neg3A_410 : f32 to vector<16xf32>
        %neg3A_412 = arith.subf %neg3A_411, %get3A_409 : vector<16xf32>
        %swap3A_413 = arith.constant 1 : i32
        %swap3A_414 = arith.index_cast %swap3A_413 : i32 to index
        %swap3A_415 = arith.index_cast %scan3A_358 : i32 to index
        %swap3A_416 = arith.constant 48 : index
        %swap3A_417 = tpu.vector_load %arg8[%swap3A_414, %swap3A_415, %swap3A_416] {strides = array<i32>} : memref<3x128x128xf32, #tpu.memory_space<vmem>>, vector<1x1x16xf32>,
        %swap3A_418 = vector.shape_cast %swap3A_417 : vector<1x1x16xf32> to vector<16xf32>
        %swap3A_419 = vector.shape_cast %neg3A_412 : vector<16xf32> to vector<1x1x16xf32>
        tpu.vector_store %arg8[%swap3A_414, %swap3A_415, %swap3A_416], %swap3A_419 {add = true, strides = array<i32>} : memref<3x128x128xf32, #tpu.memory_space<vmem>>, vector<1x1x16xf32>,
        %get3A_420 = arith.constant 1 : i32
        %get3A_421 = arith.index_cast %get3A_420 : i32 to index
        %get3A_422 = arith.index_cast %scan3A_358 : i32 to index
        %get3A_423 = arith.constant 64 : index
        %get3A_424 = tpu.vector_load %arg9[%get3A_421, %get3A_422, %get3A_423] {strides = array<i32>} : memref<3x128x128xf32, #tpu.memory_space<vmem>>, vector<1x1x16xf32>,
        %get3A_425 = vector.shape_cast %get3A_424 : vector<1x1x16xf32> to vector<16xf32>
        %neg3A_426 = arith.constant 0.000000e+00 : f32
        %neg3A_427 = vector.broadcast %neg3A_426 : f32 to vector<16xf32>
        %neg3A_428 = arith.subf %neg3A_427, %get3A_425 : vector<16xf32>
        %swap3A_429 = arith.constant 1 : i32
        %swap3A_430 = arith.index_cast %swap3A_429 : i32 to index
        %swap3A_431 = arith.index_cast %scan3A_358 : i32 to index
        %swap3A_432 = arith.constant 64 : index
        %swap3A_433 = tpu.vector_load %arg8[%swap3A_430, %swap3A_431, %swap3A_432] {strides = array<i32>} : memref<3x128x128xf32, #tpu.memory_space<vmem>>, vector<1x1x16xf32>,
        %swap3A_434 = vector.shape_cast %swap3A_433 : vector<1x1x16xf32> to vector<16xf32>
        %swap3A_435 = vector.shape_cast %neg3A_428 : vector<16xf32> to vector<1x1x16xf32>
        tpu.vector_store %arg8[%swap3A_430, %swap3A_431, %swap3A_432], %swap3A_435 {add = true, strides = array<i32>} : memref<3x128x128xf32, #tpu.memory_space<vmem>>, vector<1x1x16xf32>,
        %get3A_436 = arith.constant 1 : i32
        %get3A_437 = arith.index_cast %get3A_436 : i32 to index
        %get3A_438 = arith.index_cast %scan3A_358 : i32 to index
        %get3A_439 = arith.constant 80 : index
        %get3A_440 = tpu.vector_load %arg9[%get3A_437, %get3A_438, %get3A_439] {strides = array<i32>} : memref<3x128x128xf32, #tpu.memory_space<vmem>>, vector<1x1x16xf32>,
        %get3A_441 = vector.shape_cast %get3A_440 : vector<1x1x16xf32> to vector<16xf32>
        %neg3A_442 = arith.constant 0.000000e+00 : f32
        %neg3A_443 = vector.broadcast %neg3A_442 : f32 to vector<16xf32>
        %neg3A_444 = arith.subf %neg3A_443, %get3A_441 : vector<16xf32>
        %swap3A_445 = arith.constant 1 : i32
        %swap3A_446 = arith.index_cast %swap3A_445 : i32 to index
        %swap3A_447 = arith.index_cast %scan3A_358 : i32 to index
        %swap3A_448 = arith.constant 80 : index
        %swap3A_449 = tpu.vector_load %arg8[%swap3A_446, %swap3A_447, %swap3A_448] {strides = array<i32>} : memref<3x128x128xf32, #tpu.memory_space<vmem>>, vector<1x1x16xf32>,
        %swap3A_450 = vector.shape_cast %swap3A_449 : vector<1x1x16xf32> to vector<16xf32>
        %swap3A_451 = vector.shape_cast %neg3A_444 : vector<16xf32> to vector<1x1x16xf32>
        tpu.vector_store %arg8[%swap3A_446, %swap3A_447, %swap3A_448], %swap3A_451 {add = true, strides = array<i32>} : memref<3x128x128xf32, #tpu.memory_space<vmem>>, vector<1x1x16xf32>,
        %get3A_452 = arith.constant 1 : i32
        %get3A_453 = arith.index_cast %get3A_452 : i32 to index
        %get3A_454 = arith.index_cast %scan3A_358 : i32 to index
        %get3A_455 = arith.constant 96 : index
        %get3A_456 = tpu.vector_load %arg9[%get3A_453, %get3A_454, %get3A_455] {strides = array<i32>} : memref<3x128x128xf32, #tpu.memory_space<vmem>>, vector<1x1x16xf32>,
        %get3A_457 = vector.shape_cast %get3A_456 : vector<1x1x16xf32> to vector<16xf32>
        %neg3A_458 = arith.constant 0.000000e+00 : f32
        %neg3A_459 = vector.broadcast %neg3A_458 : f32 to vector<16xf32>
        %neg3A_460 = arith.subf %neg3A_459, %get3A_457 : vector<16xf32>
        %swap3A_461 = arith.constant 1 : i32
        %swap3A_462 = arith.index_cast %swap3A_461 : i32 to index
        %swap3A_463 = arith.index_cast %scan3A_358 : i32 to index
        %swap3A_464 = arith.constant 96 : index
        %swap3A_465 = tpu.vector_load %arg8[%swap3A_462, %swap3A_463, %swap3A_464] {strides = array<i32>} : memref<3x128x128xf32, #tpu.memory_space<vmem>>, vector<1x1x16xf32>,
        %swap3A_466 = vector.shape_cast %swap3A_465 : vector<1x1x16xf32> to vector<16xf32>
        %swap3A_467 = vector.shape_cast %neg3A_460 : vector<16xf32> to vector<1x1x16xf32>
        tpu.vector_store %arg8[%swap3A_462, %swap3A_463, %swap3A_464], %swap3A_467 {add = true, strides = array<i32>} : memref<3x128x128xf32, #tpu.memory_space<vmem>>, vector<1x1x16xf32>,
        %get3A_468 = arith.constant 1 : i32
        %get3A_469 = arith.index_cast %get3A_468 : i32 to index
        %get3A_470 = arith.index_cast %scan3A_358 : i32 to index
        %get3A_471 = arith.constant 112 : index
        %get3A_472 = tpu.vector_load %arg9[%get3A_469, %get3A_470, %get3A_471] {strides = array<i32>} : memref<3x128x128xf32, #tpu.memory_space<vmem>>, vector<1x1x16xf32>,
        %get3A_473 = vector.shape_cast %get3A_472 : vector<1x1x16xf32> to vector<16xf32>
        %neg3A_474 = arith.constant 0.000000e+00 : f32
        %neg3A_475 = vector.broadcast %neg3A_474 : f32 to vector<16xf32>
        %neg3A_476 = arith.subf %neg3A_475, %get3A_473 : vector<16xf32>
        %swap3A_477 = arith.constant 1 : i32
        %swap3A_478 = arith.index_cast %swap3A_477 : i32 to index
        %swap3A_479 = arith.index_cast %scan3A_358 : i32 to index
        %swap3A_480 = arith.constant 112 : index
        %swap3A_481 = tpu.vector_load %arg8[%swap3A_478, %swap3A_479, %swap3A_480] {strides = array<i32>} : memref<3x128x128xf32, #tpu.memory_space<vmem>>, vector<1x1x16xf32>,
        %swap3A_482 = vector.shape_cast %swap3A_481 : vector<1x1x16xf32> to vector<16xf32>
        %swap3A_483 = vector.shape_cast %neg3A_476 : vector<16xf32> to vector<1x1x16xf32>
        tpu.vector_store %arg8[%swap3A_478, %swap3A_479, %swap3A_480], %swap3A_483 {add = true, strides = array<i32>} : memref<3x128x128xf32, #tpu.memory_space<vmem>>, vector<1x1x16xf32>,
        %scan3A_484 = arith.constant 1 : i32
        %scan3A_485 = arith.addi %scan3A_358, %scan3A_484 : i32
        %get3A_486 = arith.constant 1 : i32
        %get3A_487 = arith.index_cast %get3A_486 : i32 to index
        %get3A_488 = arith.index_cast %scan3A_485 : i32 to index
        %get3A_489 = arith.constant 0 : index
        %get3A_490 = tpu.vector_load %arg9[%get3A_487, %get3A_488, %get3A_489] {strides = array<i32>} : memref<3x128x128xf32, #tpu.memory_space<vmem>>, vector<1x1x16xf32>,
        %get3A_491 = vector.shape_cast %get3A_490 : vector<1x1x16xf32> to vector<16xf32>
        %neg3A_492 = arith.constant 0.000000e+00 : f32
        %neg3A_493 = vector.broadcast %neg3A_492 : f32 to vector<16xf32>
        %neg3A_494 = arith.subf %neg3A_493, %get3A_491 : vector<16xf32>
        %swap3A_495 = arith.constant 1 : i32
        %swap3A_496 = arith.index_cast %swap3A_495 : i32 to index
        %swap3A_497 = arith.index_cast %scan3A_485 : i32 to index
        %swap3A_498 = arith.constant 0 : index
        %swap3A_499 = tpu.vector_load %arg8[%swap3A_496, %swap3A_497, %swap3A_498] {strides = array<i32>} : memref<3x128x128xf32, #tpu.memory_space<vmem>>, vector<1x1x16xf32>,
        %swap3A_500 = vector.shape_cast %swap3A_499 : vector<1x1x16xf32> to vector<16xf32>
        %swap3A_501 = vector.shape_cast %neg3A_494 : vector<16xf32> to vector<1x1x16xf32>
        tpu.vector_store %arg8[%swap3A_496, %swap3A_497, %swap3A_498], %swap3A_501 {add = true, strides = array<i32>} : memref<3x128x128xf32, #tpu.memory_space<vmem>>, vector<1x1x16xf32>,
        %get3A_502 = arith.constant 1 : i32
        %get3A_503 = arith.index_cast %get3A_502 : i32 to index
        %get3A_504 = arith.index_cast %scan3A_485 : i32 to index
        %get3A_505 = arith.constant 16 : index
        %get3A_506 = tpu.vector_load %arg9[%get3A_503, %get3A_504, %get3A_505] {strides = array<i32>} : memref<3x128x128xf32, #tpu.memory_space<vmem>>, vector<1x1x16xf32>,
        %get3A_507 = vector.shape_cast %get3A_506 : vector<1x1x16xf32> to vector<16xf32>
        %neg3A_508 = arith.constant 0.000000e+00 : f32
        %neg3A_509 = vector.broadcast %neg3A_508 : f32 to vector<16xf32>
        %neg3A_510 = arith.subf %neg3A_509, %get3A_507 : vector<16xf32>
        %swap3A_511 = arith.constant 1 : i32
        %swap3A_512 = arith.index_cast %swap3A_511 : i32 to index
        %swap3A_513 = arith.index_cast %scan3A_485 : i32 to index
        %swap3A_514 = arith.constant 16 : index
        %swap3A_515 = tpu.vector_load %arg8[%swap3A_512, %swap3A_513, %swap3A_514] {strides = array<i32>} : memref<3x128x128xf32, #tpu.memory_space<vmem>>, vector<1x1x16xf32>,
        %swap3A_516 = vector.shape_cast %swap3A_515 : vector<1x1x16xf32> to vector<16xf32>
        %swap3A_517 = vector.shape_cast %neg3A_510 : vector<16xf32> to vector<1x1x16xf32>
        tpu.vector_store %arg8[%swap3A_512, %swap3A_513, %swap3A_514], %swap3A_517 {add = true, strides = array<i32>} : memref<3x128x128xf32, #tpu.memory_space<vmem>>, vector<1x1x16xf32>,
        %get3A_518 = arith.constant 1 : i32
        %get3A_519 = arith.index_cast %get3A_518 : i32 to index
        %get3A_520 = arith.index_cast %scan3A_485 : i32 to index
        %get3A_521 = arith.constant 32 : index
        %get3A_522 = tpu.vector_load %arg9[%get3A_519, %get3A_520, %get3A_521] {strides = array<i32>} : memref<3x128x128xf32, #tpu.memory_space<vmem>>, vector<1x1x16xf32>,
        %get3A_523 = vector.shape_cast %get3A_522 : vector<1x1x16xf32> to vector<16xf32>
        %neg3A_524 = arith.constant 0.000000e+00 : f32
        %neg3A_525 = vector.broadcast %neg3A_524 : f32 to vector<16xf32>
        %neg3A_526 = arith.subf %neg3A_525, %get3A_523 : vector<16xf32>
        %swap3A_527 = arith.constant 1 : i32
        %swap3A_528 = arith.index_cast %swap3A_527 : i32 to index
        %swap3A_529 = arith.index_cast %scan3A_485 : i32 to index
        %swap3A_530 = arith.constant 32 : index
        %swap3A_531 = tpu.vector_load %arg8[%swap3A_528, %swap3A_529, %swap3A_530] {strides = array<i32>} : memref<3x128x128xf32, #tpu.memory_space<vmem>>, vector<1x1x16xf32>,
        %swap3A_532 = vector.shape_cast %swap3A_531 : vector<1x1x16xf32> to vector<16xf32>
        %swap3A_533 = vector.shape_cast %neg3A_526 : vector<16xf32> to vector<1x1x16xf32>
        tpu.vector_store %arg8[%swap3A_528, %swap3A_529, %swap3A_530], %swap3A_533 {add = true, strides = array<i32>} : memref<3x128x128xf32, #tpu.memory_space<vmem>>, vector<1x1x16xf32>,
        %get3A_534 = arith.constant 1 : i32
        %get3A_535 = arith.index_cast %get3A_534 : i32 to index
        %get3A_536 = arith.index_cast %scan3A_485 : i32 to index
        %get3A_537 = arith.constant 48 : index
        %get3A_538 = tpu.vector_load %arg9[%get3A_535, %get3A_536, %get3A_537] {strides = array<i32>} : memref<3x128x128xf32, #tpu.memory_space<vmem>>, vector<1x1x16xf32>,
        %get3A_539 = vector.shape_cast %get3A_538 : vector<1x1x16xf32> to vector<16xf32>
        %neg3A_540 = arith.constant 0.000000e+00 : f32
        %neg3A_541 = vector.broadcast %neg3A_540 : f32 to vector<16xf32>
        %neg3A_542 = arith.subf %neg3A_541, %get3A_539 : vector<16xf32>
        %swap3A_543 = arith.constant 1 : i32
        %swap3A_544 = arith.index_cast %swap3A_543 : i32 to index
        %swap3A_545 = arith.index_cast %scan3A_485 : i32 to index
        %swap3A_546 = arith.constant 48 : index
        %swap3A_547 = tpu.vector_load %arg8[%swap3A_544, %swap3A_545, %swap3A_546] {strides = array<i32>} : memref<3x128x128xf32, #tpu.memory_space<vmem>>, vector<1x1x16xf32>,
        %swap3A_548 = vector.shape_cast %swap3A_547 : vector<1x1x16xf32> to vector<16xf32>
        %swap3A_549 = vector.shape_cast %neg3A_542 : vector<16xf32> to vector<1x1x16xf32>
        tpu.vector_store %arg8[%swap3A_544, %swap3A_545, %swap3A_546], %swap3A_549 {add = true, strides = array<i32>} : memref<3x128x128xf32, #tpu.memory_space<vmem>>, vector<1x1x16xf32>,
        %get3A_550 = arith.constant 1 : i32
        %get3A_551 = arith.index_cast %get3A_550 : i32 to index
        %get3A_552 = arith.index_cast %scan3A_485 : i32 to index
        %get3A_553 = arith.constant 64 : index
        %get3A_554 = tpu.vector_load %arg9[%get3A_551, %get3A_552, %get3A_553] {strides = array<i32>} : memref<3x128x128xf32, #tpu.memory_space<vmem>>, vector<1x1x16xf32>,
        %get3A_555 = vector.shape_cast %get3A_554 : vector<1x1x16xf32> to vector<16xf32>
        %neg3A_556 = arith.constant 0.000000e+00 : f32
        %neg3A_557 = vector.broadcast %neg3A_556 : f32 to vector<16xf32>
        %neg3A_558 = arith.subf %neg3A_557, %get3A_555 : vector<16xf32>
        %swap3A_559 = arith.constant 1 : i32
        %swap3A_560 = arith.index_cast %swap3A_559 : i32 to index
        %swap3A_561 = arith.index_cast %scan3A_485 : i32 to index
        %swap3A_562 = arith.constant 64 : index
        %swap3A_563 = tpu.vector_load %arg8[%swap3A_560, %swap3A_561, %swap3A_562] {strides = array<i32>} : memref<3x128x128xf32, #tpu.memory_space<vmem>>, vector<1x1x16xf32>,
        %swap3A_564 = vector.shape_cast %swap3A_563 : vector<1x1x16xf32> to vector<16xf32>
        %swap3A_565 = vector.shape_cast %neg3A_558 : vector<16xf32> to vector<1x1x16xf32>
        tpu.vector_store %arg8[%swap3A_560, %swap3A_561, %swap3A_562], %swap3A_565 {add = true, strides = array<i32>} : memref<3x128x128xf32, #tpu.memory_space<vmem>>, vector<1x1x16xf32>,
        %get3A_566 = arith.constant 1 : i32
        %get3A_567 = arith.index_cast %get3A_566 : i32 to index
        %get3A_568 = arith.index_cast %scan3A_485 : i32 to index
        %get3A_569 = arith.constant 80 : index
        %get3A_570 = tpu.vector_load %arg9[%get3A_567, %get3A_568, %get3A_569] {strides = array<i32>} : memref<3x128x128xf32, #tpu.memory_space<vmem>>, vector<1x1x16xf32>,
        %get3A_571 = vector.shape_cast %get3A_570 : vector<1x1x16xf32> to vector<16xf32>
        %neg3A_572 = arith.constant 0.000000e+00 : f32
        %neg3A_573 = vector.broadcast %neg3A_572 : f32 to vector<16xf32>
        %neg3A_574 = arith.subf %neg3A_573, %get3A_571 : vector<16xf32>
        %swap3A_575 = arith.constant 1 : i32
        %swap3A_576 = arith.index_cast %swap3A_575 : i32 to index
        %swap3A_577 = arith.index_cast %scan3A_485 : i32 to index
        %swap3A_578 = arith.constant 80 : index
        %swap3A_579 = tpu.vector_load %arg8[%swap3A_576, %swap3A_577, %swap3A_578] {strides = array<i32>} : memref<3x128x128xf32, #tpu.memory_space<vmem>>, vector<1x1x16xf32>,
        %swap3A_580 = vector.shape_cast %swap3A_579 : vector<1x1x16xf32> to vector<16xf32>
        %swap3A_581 = vector.shape_cast %neg3A_574 : vector<16xf32> to vector<1x1x16xf32>
        tpu.vector_store %arg8[%swap3A_576, %swap3A_577, %swap3A_578], %swap3A_581 {add = true, strides = array<i32>} : memref<3x128x128xf32, #tpu.memory_space<vmem>>, vector<1x1x16xf32>,
        %get3A_582 = arith.constant 1 : i32
        %get3A_583 = arith.index_cast %get3A_582 : i32 to index
        %get3A_584 = arith.index_cast %scan3A_485 : i32 to index
        %get3A_585 = arith.constant 96 : index
        %get3A_586 = tpu.vector_load %arg9[%get3A_583, %get3A_584, %get3A_585] {strides = array<i32>} : memref<3x128x128xf32, #tpu.memory_space<vmem>>, vector<1x1x16xf32>,
        %get3A_587 = vector.shape_cast %get3A_586 : vector<1x1x16xf32> to vector<16xf32>
        %neg3A_588 = arith.constant 0.000000e+00 : f32
        %neg3A_589 = vector.broadcast %neg3A_588 : f32 to vector<16xf32>
        %neg3A_590 = arith.subf %neg3A_589, %get3A_587 : vector<16xf32>
        %swap3A_591 = arith.constant 1 : i32
        %swap3A_592 = arith.index_cast %swap3A_591 : i32 to index
        %swap3A_593 = arith.index_cast %scan3A_485 : i32 to index
        %swap3A_594 = arith.constant 96 : index
        %swap3A_595 = tpu.vector_load %arg8[%swap3A_592, %swap3A_593, %swap3A_594] {strides = array<i32>} : memref<3x128x128xf32, #tpu.memory_space<vmem>>, vector<1x1x16xf32>,
        %swap3A_596 = vector.shape_cast %swap3A_595 : vector<1x1x16xf32> to vector<16xf32>
        %swap3A_597 = vector.shape_cast %neg3A_590 : vector<16xf32> to vector<1x1x16xf32>
        tpu.vector_store %arg8[%swap3A_592, %swap3A_593, %swap3A_594], %swap3A_597 {add = true, strides = array<i32>} : memref<3x128x128xf32, #tpu.memory_space<vmem>>, vector<1x1x16xf32>,
        %get3A_598 = arith.constant 1 : i32
        %get3A_599 = arith.index_cast %get3A_598 : i32 to index
        %get3A_600 = arith.index_cast %scan3A_485 : i32 to index
        %get3A_601 = arith.constant 112 : index
        %get3A_602 = tpu.vector_load %arg9[%get3A_599, %get3A_600, %get3A_601] {strides = array<i32>} : memref<3x128x128xf32, #tpu.memory_space<vmem>>, vector<1x1x16xf32>,
        %get3A_603 = vector.shape_cast %get3A_602 : vector<1x1x16xf32> to vector<16xf32>
        %neg3A_604 = arith.constant 0.000000e+00 : f32
        %neg3A_605 = vector.broadcast %neg3A_604 : f32 to vector<16xf32>
        %neg3A_606 = arith.subf %neg3A_605, %get3A_603 : vector<16xf32>
        %swap3A_607 = arith.constant 1 : i32
        %swap3A_608 = arith.index_cast %swap3A_607 : i32 to index
        %swap3A_609 = arith.index_cast %scan3A_485 : i32 to index
        %swap3A_610 = arith.constant 112 : index
        %swap3A_611 = tpu.vector_load %arg8[%swap3A_608, %swap3A_609, %swap3A_610] {strides = array<i32>} : memref<3x128x128xf32, #tpu.memory_space<vmem>>, vector<1x1x16xf32>,
        %swap3A_612 = vector.shape_cast %swap3A_611 : vector<1x1x16xf32> to vector<16xf32>
        %swap3A_613 = vector.shape_cast %neg3A_606 : vector<16xf32> to vector<1x1x16xf32>
        tpu.vector_store %arg8[%swap3A_608, %swap3A_609, %swap3A_610], %swap3A_613 {add = true, strides = array<i32>} : memref<3x128x128xf32, #tpu.memory_space<vmem>>, vector<1x1x16xf32>,
        %scan3A_614 = arith.constant 2 : i32
        %scan3A_615 = arith.addi %scan3A_358, %scan3A_614 : i32
        %get3A_616 = arith.constant 1 : i32
        %get3A_617 = arith.index_cast %get3A_616 : i32 to index
        %get3A_618 = arith.index_cast %scan3A_615 : i32 to index
        %get3A_619 = arith.constant 0 : index
        %get3A_620 = tpu.vector_load %arg9[%get3A_617, %get3A_618, %get3A_619] {strides = array<i32>} : memref<3x128x128xf32, #tpu.memory_space<vmem>>, vector<1x1x16xf32>,
        %get3A_621 = vector.shape_cast %get3A_620 : vector<1x1x16xf32> to vector<16xf32>
        %neg3A_622 = arith.constant 0.000000e+00 : f32
        %neg3A_623 = vector.broadcast %neg3A_622 : f32 to vector<16xf32>
        %neg3A_624 = arith.subf %neg3A_623, %get3A_621 : vector<16xf32>
        %swap3A_625 = arith.constant 1 : i32
        %swap3A_626 = arith.index_cast %swap3A_625 : i32 to index
        %swap3A_627 = arith.index_cast %scan3A_615 : i32 to index
        %swap3A_628 = arith.constant 0 : index
        %swap3A_629 = tpu.vector_load %arg8[%swap3A_626, %swap3A_627, %swap3A_628] {strides = array<i32>} : memref<3x128x128xf32, #tpu.memory_space<vmem>>, vector<1x1x16xf32>,
        %swap3A_630 = vector.shape_cast %swap3A_629 : vector<1x1x16xf32> to vector<16xf32>
        %swap3A_631 = vector.shape_cast %neg3A_624 : vector<16xf32> to vector<1x1x16xf32>
        tpu.vector_store %arg8[%swap3A_626, %swap3A_627, %swap3A_628], %swap3A_631 {add = true, strides = array<i32>} : memref<3x128x128xf32, #tpu.memory_space<vmem>>, vector<1x1x16xf32>,
        %get3A_632 = arith.constant 1 : i32
        %get3A_633 = arith.index_cast %get3A_632 : i32 to index
        %get3A_634 = arith.index_cast %scan3A_615 : i32 to index
        %get3A_635 = arith.constant 16 : index
        %get3A_636 = tpu.vector_load %arg9[%get3A_633, %get3A_634, %get3A_635] {strides = array<i32>} : memref<3x128x128xf32, #tpu.memory_space<vmem>>, vector<1x1x16xf32>,
        %get3A_637 = vector.shape_cast %get3A_636 : vector<1x1x16xf32> to vector<16xf32>
        %neg3A_638 = arith.constant 0.000000e+00 : f32
        %neg3A_639 = vector.broadcast %neg3A_638 : f32 to vector<16xf32>
        %neg3A_640 = arith.subf %neg3A_639, %get3A_637 : vector<16xf32>
        %swap3A_641 = arith.constant 1 : i32
        %swap3A_642 = arith.index_cast %swap3A_641 : i32 to index
        %swap3A_643 = arith.index_cast %scan3A_615 : i32 to index
        %swap3A_644 = arith.constant 16 : index
        %swap3A_645 = tpu.vector_load %arg8[%swap3A_642, %swap3A_643, %swap3A_644] {strides = array<i32>} : memref<3x128x128xf32, #tpu.memory_space<vmem>>, vector<1x1x16xf32>,
        %swap3A_646 = vector.shape_cast %swap3A_645 : vector<1x1x16xf32> to vector<16xf32>
        %swap3A_647 = vector.shape_cast %neg3A_640 : vector<16xf32> to vector<1x1x16xf32>
        tpu.vector_store %arg8[%swap3A_642, %swap3A_643, %swap3A_644], %swap3A_647 {add = true, strides = array<i32>} : memref<3x128x128xf32, #tpu.memory_space<vmem>>, vector<1x1x16xf32>,
        %get3A_648 = arith.constant 1 : i32
        %get3A_649 = arith.index_cast %get3A_648 : i32 to index
        %get3A_650 = arith.index_cast %scan3A_615 : i32 to index
        %get3A_651 = arith.constant 32 : index
        %get3A_652 = tpu.vector_load %arg9[%get3A_649, %get3A_650, %get3A_651] {strides = array<i32>} : memref<3x128x128xf32, #tpu.memory_space<vmem>>, vector<1x1x16xf32>,
        %get3A_653 = vector.shape_cast %get3A_652 : vector<1x1x16xf32> to vector<16xf32>
        %neg3A_654 = arith.constant 0.000000e+00 : f32
        %neg3A_655 = vector.broadcast %neg3A_654 : f32 to vector<16xf32>
        %neg3A_656 = arith.subf %neg3A_655, %get3A_653 : vector<16xf32>
        %swap3A_657 = arith.constant 1 : i32
        %swap3A_658 = arith.index_cast %swap3A_657 : i32 to index
        %swap3A_659 = arith.index_cast %scan3A_615 : i32 to index
        %swap3A_660 = arith.constant 32 : index
        %swap3A_661 = tpu.vector_load %arg8[%swap3A_658, %swap3A_659, %swap3A_660] {strides = array<i32>} : memref<3x128x128xf32, #tpu.memory_space<vmem>>, vector<1x1x16xf32>,
        %swap3A_662 = vector.shape_cast %swap3A_661 : vector<1x1x16xf32> to vector<16xf32>
        %swap3A_663 = vector.shape_cast %neg3A_656 : vector<16xf32> to vector<1x1x16xf32>
        tpu.vector_store %arg8[%swap3A_658, %swap3A_659, %swap3A_660], %swap3A_663 {add = true, strides = array<i32>} : memref<3x128x128xf32, #tpu.memory_space<vmem>>, vector<1x1x16xf32>,
        %get3A_664 = arith.constant 1 : i32
        %get3A_665 = arith.index_cast %get3A_664 : i32 to index
        %get3A_666 = arith.index_cast %scan3A_615 : i32 to index
        %get3A_667 = arith.constant 48 : index
        %get3A_668 = tpu.vector_load %arg9[%get3A_665, %get3A_666, %get3A_667] {strides = array<i32>} : memref<3x128x128xf32, #tpu.memory_space<vmem>>, vector<1x1x16xf32>,
        %get3A_669 = vector.shape_cast %get3A_668 : vector<1x1x16xf32> to vector<16xf32>
        %neg3A_670 = arith.constant 0.000000e+00 : f32
        %neg3A_671 = vector.broadcast %neg3A_670 : f32 to vector<16xf32>
        %neg3A_672 = arith.subf %neg3A_671, %get3A_669 : vector<16xf32>
        %swap3A_673 = arith.constant 1 : i32
        %swap3A_674 = arith.index_cast %swap3A_673 : i32 to index
        %swap3A_675 = arith.index_cast %scan3A_615 : i32 to index
        %swap3A_676 = arith.constant 48 : index
        %swap3A_677 = tpu.vector_load %arg8[%swap3A_674, %swap3A_675, %swap3A_676] {strides = array<i32>} : memref<3x128x128xf32, #tpu.memory_space<vmem>>, vector<1x1x16xf32>,
        %swap3A_678 = vector.shape_cast %swap3A_677 : vector<1x1x16xf32> to vector<16xf32>
        %swap3A_679 = vector.shape_cast %neg3A_672 : vector<16xf32> to vector<1x1x16xf32>
        tpu.vector_store %arg8[%swap3A_674, %swap3A_675, %swap3A_676], %swap3A_679 {add = true, strides = array<i32>} : memref<3x128x128xf32, #tpu.memory_space<vmem>>, vector<1x1x16xf32>,
        %get3A_680 = arith.constant 1 : i32
        %get3A_681 = arith.index_cast %get3A_680 : i32 to index
        %get3A_682 = arith.index_cast %scan3A_615 : i32 to index
        %get3A_683 = arith.constant 64 : index
        %get3A_684 = tpu.vector_load %arg9[%get3A_681, %get3A_682, %get3A_683] {strides = array<i32>} : memref<3x128x128xf32, #tpu.memory_space<vmem>>, vector<1x1x16xf32>,
        %get3A_685 = vector.shape_cast %get3A_684 : vector<1x1x16xf32> to vector<16xf32>
        %neg3A_686 = arith.constant 0.000000e+00 : f32
        %neg3A_687 = vector.broadcast %neg3A_686 : f32 to vector<16xf32>
        %neg3A_688 = arith.subf %neg3A_687, %get3A_685 : vector<16xf32>
        %swap3A_689 = arith.constant 1 : i32
        %swap3A_690 = arith.index_cast %swap3A_689 : i32 to index
        %swap3A_691 = arith.index_cast %scan3A_615 : i32 to index
        %swap3A_692 = arith.constant 64 : index
        %swap3A_693 = tpu.vector_load %arg8[%swap3A_690, %swap3A_691, %swap3A_692] {strides = array<i32>} : memref<3x128x128xf32, #tpu.memory_space<vmem>>, vector<1x1x16xf32>,
        %swap3A_694 = vector.shape_cast %swap3A_693 : vector<1x1x16xf32> to vector<16xf32>
        %swap3A_695 = vector.shape_cast %neg3A_688 : vector<16xf32> to vector<1x1x16xf32>
        tpu.vector_store %arg8[%swap3A_690, %swap3A_691, %swap3A_692], %swap3A_695 {add = true, strides = array<i32>} : memref<3x128x128xf32, #tpu.memory_space<vmem>>, vector<1x1x16xf32>,
        %get3A_696 = arith.constant 1 : i32
        %get3A_697 = arith.index_cast %get3A_696 : i32 to index
        %get3A_698 = arith.index_cast %scan3A_615 : i32 to index
        %get3A_699 = arith.constant 80 : index
        %get3A_700 = tpu.vector_load %arg9[%get3A_697, %get3A_698, %get3A_699] {strides = array<i32>} : memref<3x128x128xf32, #tpu.memory_space<vmem>>, vector<1x1x16xf32>,
        %get3A_701 = vector.shape_cast %get3A_700 : vector<1x1x16xf32> to vector<16xf32>
        %neg3A_702 = arith.constant 0.000000e+00 : f32
        %neg3A_703 = vector.broadcast %neg3A_702 : f32 to vector<16xf32>
        %neg3A_704 = arith.subf %neg3A_703, %get3A_701 : vector<16xf32>
        %swap3A_705 = arith.constant 1 : i32
        %swap3A_706 = arith.index_cast %swap3A_705 : i32 to index
        %swap3A_707 = arith.index_cast %scan3A_615 : i32 to index
        %swap3A_708 = arith.constant 80 : index
        %swap3A_709 = tpu.vector_load %arg8[%swap3A_706, %swap3A_707, %swap3A_708] {strides = array<i32>} : memref<3x128x128xf32, #tpu.memory_space<vmem>>, vector<1x1x16xf32>,
        %swap3A_710 = vector.shape_cast %swap3A_709 : vector<1x1x16xf32> to vector<16xf32>
        %swap3A_711 = vector.shape_cast %neg3A_704 : vector<16xf32> to vector<1x1x16xf32>
        tpu.vector_store %arg8[%swap3A_706, %swap3A_707, %swap3A_708], %swap3A_711 {add = true, strides = array<i32>} : memref<3x128x128xf32, #tpu.memory_space<vmem>>, vector<1x1x16xf32>,
        %get3A_712 = arith.constant 1 : i32
        %get3A_713 = arith.index_cast %get3A_712 : i32 to index
        %get3A_714 = arith.index_cast %scan3A_615 : i32 to index
        %get3A_715 = arith.constant 96 : index
        %get3A_716 = tpu.vector_load %arg9[%get3A_713, %get3A_714, %get3A_715] {strides = array<i32>} : memref<3x128x128xf32, #tpu.memory_space<vmem>>, vector<1x1x16xf32>,
        %get3A_717 = vector.shape_cast %get3A_716 : vector<1x1x16xf32> to vector<16xf32>
        %neg3A_718 = arith.constant 0.000000e+00 : f32
        %neg3A_719 = vector.broadcast %neg3A_718 : f32 to vector<16xf32>
        %neg3A_720 = arith.subf %neg3A_719, %get3A_717 : vector<16xf32>
        %swap3A_721 = arith.constant 1 : i32
        %swap3A_722 = arith.index_cast %swap3A_721 : i32 to index
        %swap3A_723 = arith.index_cast %scan3A_615 : i32 to index
        %swap3A_724 = arith.constant 96 : index
        %swap3A_725 = tpu.vector_load %arg8[%swap3A_722, %swap3A_723, %swap3A_724] {strides = array<i32>} : memref<3x128x128xf32, #tpu.memory_space<vmem>>, vector<1x1x16xf32>,
        %swap3A_726 = vector.shape_cast %swap3A_725 : vector<1x1x16xf32> to vector<16xf32>
        %swap3A_727 = vector.shape_cast %neg3A_720 : vector<16xf32> to vector<1x1x16xf32>
        tpu.vector_store %arg8[%swap3A_722, %swap3A_723, %swap3A_724], %swap3A_727 {add = true, strides = array<i32>} : memref<3x128x128xf32, #tpu.memory_space<vmem>>, vector<1x1x16xf32>,
        %get3A_728 = arith.constant 1 : i32
        %get3A_729 = arith.index_cast %get3A_728 : i32 to index
        %get3A_730 = arith.index_cast %scan3A_615 : i32 to index
        %get3A_731 = arith.constant 112 : index
        %get3A_732 = tpu.vector_load %arg9[%get3A_729, %get3A_730, %get3A_731] {strides = array<i32>} : memref<3x128x128xf32, #tpu.memory_space<vmem>>, vector<1x1x16xf32>,
        %get3A_733 = vector.shape_cast %get3A_732 : vector<1x1x16xf32> to vector<16xf32>
        %neg3A_734 = arith.constant 0.000000e+00 : f32
        %neg3A_735 = vector.broadcast %neg3A_734 : f32 to vector<16xf32>
        %neg3A_736 = arith.subf %neg3A_735, %get3A_733 : vector<16xf32>
        %swap3A_737 = arith.constant 1 : i32
        %swap3A_738 = arith.index_cast %swap3A_737 : i32 to index
        %swap3A_739 = arith.index_cast %scan3A_615 : i32 to index
        %swap3A_740 = arith.constant 112 : index
        %swap3A_741 = tpu.vector_load %arg8[%swap3A_738, %swap3A_739, %swap3A_740] {strides = array<i32>} : memref<3x128x128xf32, #tpu.memory_space<vmem>>, vector<1x1x16xf32>,
        %swap3A_742 = vector.shape_cast %swap3A_741 : vector<1x1x16xf32> to vector<16xf32>
        %swap3A_743 = vector.shape_cast %neg3A_736 : vector<16xf32> to vector<1x1x16xf32>
        tpu.vector_store %arg8[%swap3A_738, %swap3A_739, %swap3A_740], %swap3A_743 {add = true, strides = array<i32>} : memref<3x128x128xf32, #tpu.memory_space<vmem>>, vector<1x1x16xf32>,
        %scan3A_744 = arith.constant 3 : i32
        %scan3A_745 = arith.addi %scan3A_358, %scan3A_744 : i32
        %get3A_746 = arith.constant 1 : i32
        %get3A_747 = arith.index_cast %get3A_746 : i32 to index
        %get3A_748 = arith.index_cast %scan3A_745 : i32 to index
        %get3A_749 = arith.constant 0 : index
        %get3A_750 = tpu.vector_load %arg9[%get3A_747, %get3A_748, %get3A_749] {strides = array<i32>} : memref<3x128x128xf32, #tpu.memory_space<vmem>>, vector<1x1x16xf32>,
        %get3A_751 = vector.shape_cast %get3A_750 : vector<1x1x16xf32> to vector<16xf32>
        %neg3A_752 = arith.constant 0.000000e+00 : f32
        %neg3A_753 = vector.broadcast %neg3A_752 : f32 to vector<16xf32>
        %neg3A_754 = arith.subf %neg3A_753, %get3A_751 : vector<16xf32>
        %swap3A_755 = arith.constant 1 : i32
        %swap3A_756 = arith.index_cast %swap3A_755 : i32 to index
        %swap3A_757 = arith.index_cast %scan3A_745 : i32 to index
        %swap3A_758 = arith.constant 0 : index
        %swap3A_759 = tpu.vector_load %arg8[%swap3A_756, %swap3A_757, %swap3A_758] {strides = array<i32>} : memref<3x128x128xf32, #tpu.memory_space<vmem>>, vector<1x1x16xf32>,
        %swap3A_760 = vector.shape_cast %swap3A_759 : vector<1x1x16xf32> to vector<16xf32>
        %swap3A_761 = vector.shape_cast %neg3A_754 : vector<16xf32> to vector<1x1x16xf32>
        tpu.vector_store %arg8[%swap3A_756, %swap3A_757, %swap3A_758], %swap3A_761 {add = true, strides = array<i32>} : memref<3x128x128xf32, #tpu.memory_space<vmem>>, vector<1x1x16xf32>,
        %get3A_762 = arith.constant 1 : i32
        %get3A_763 = arith.index_cast %get3A_762 : i32 to index
        %get3A_764 = arith.index_cast %scan3A_745 : i32 to index
        %get3A_765 = arith.constant 16 : index
        %get3A_766 = tpu.vector_load %arg9[%get3A_763, %get3A_764, %get3A_765] {strides = array<i32>} : memref<3x128x128xf32, #tpu.memory_space<vmem>>, vector<1x1x16xf32>,
        %get3A_767 = vector.shape_cast %get3A_766 : vector<1x1x16xf32> to vector<16xf32>
        %neg3A_768 = arith.constant 0.000000e+00 : f32
        %neg3A_769 = vector.broadcast %neg3A_768 : f32 to vector<16xf32>
        %neg3A_770 = arith.subf %neg3A_769, %get3A_767 : vector<16xf32>
        %swap3A_771 = arith.constant 1 : i32
        %swap3A_772 = arith.index_cast %swap3A_771 : i32 to index
        %swap3A_773 = arith.index_cast %scan3A_745 : i32 to index
        %swap3A_774 = arith.constant 16 : index
        %swap3A_775 = tpu.vector_load %arg8[%swap3A_772, %swap3A_773, %swap3A_774] {strides = array<i32>} : memref<3x128x128xf32, #tpu.memory_space<vmem>>, vector<1x1x16xf32>,
        %swap3A_776 = vector.shape_cast %swap3A_775 : vector<1x1x16xf32> to vector<16xf32>
        %swap3A_777 = vector.shape_cast %neg3A_770 : vector<16xf32> to vector<1x1x16xf32>
        tpu.vector_store %arg8[%swap3A_772, %swap3A_773, %swap3A_774], %swap3A_777 {add = true, strides = array<i32>} : memref<3x128x128xf32, #tpu.memory_space<vmem>>, vector<1x1x16xf32>,
        %get3A_778 = arith.constant 1 : i32
        %get3A_779 = arith.index_cast %get3A_778 : i32 to index
        %get3A_780 = arith.index_cast %scan3A_745 : i32 to index
        %get3A_781 = arith.constant 32 : index
        %get3A_782 = tpu.vector_load %arg9[%get3A_779, %get3A_780, %get3A_781] {strides = array<i32>} : memref<3x128x128xf32, #tpu.memory_space<vmem>>, vector<1x1x16xf32>,
        %get3A_783 = vector.shape_cast %get3A_782 : vector<1x1x16xf32> to vector<16xf32>
        %neg3A_784 = arith.constant 0.000000e+00 : f32
        %neg3A_785 = vector.broadcast %neg3A_784 : f32 to vector<16xf32>
        %neg3A_786 = arith.subf %neg3A_785, %get3A_783 : vector<16xf32>
        %swap3A_787 = arith.constant 1 : i32
        %swap3A_788 = arith.index_cast %swap3A_787 : i32 to index
        %swap3A_789 = arith.index_cast %scan3A_745 : i32 to index
        %swap3A_790 = arith.constant 32 : index
        %swap3A_791 = tpu.vector_load %arg8[%swap3A_788, %swap3A_789, %swap3A_790] {strides = array<i32>} : memref<3x128x128xf32, #tpu.memory_space<vmem>>, vector<1x1x16xf32>,
        %swap3A_792 = vector.shape_cast %swap3A_791 : vector<1x1x16xf32> to vector<16xf32>
        %swap3A_793 = vector.shape_cast %neg3A_786 : vector<16xf32> to vector<1x1x16xf32>
        tpu.vector_store %arg8[%swap3A_788, %swap3A_789, %swap3A_790], %swap3A_793 {add = true, strides = array<i32>} : memref<3x128x128xf32, #tpu.memory_space<vmem>>, vector<1x1x16xf32>,
        %get3A_794 = arith.constant 1 : i32
        %get3A_795 = arith.index_cast %get3A_794 : i32 to index
        %get3A_796 = arith.index_cast %scan3A_745 : i32 to index
        %get3A_797 = arith.constant 48 : index
        %get3A_798 = tpu.vector_load %arg9[%get3A_795, %get3A_796, %get3A_797] {strides = array<i32>} : memref<3x128x128xf32, #tpu.memory_space<vmem>>, vector<1x1x16xf32>,
        %get3A_799 = vector.shape_cast %get3A_798 : vector<1x1x16xf32> to vector<16xf32>
        %neg3A_800 = arith.constant 0.000000e+00 : f32
        %neg3A_801 = vector.broadcast %neg3A_800 : f32 to vector<16xf32>
        %neg3A_802 = arith.subf %neg3A_801, %get3A_799 : vector<16xf32>
        %swap3A_803 = arith.constant 1 : i32
        %swap3A_804 = arith.index_cast %swap3A_803 : i32 to index
        %swap3A_805 = arith.index_cast %scan3A_745 : i32 to index
        %swap3A_806 = arith.constant 48 : index
        %swap3A_807 = tpu.vector_load %arg8[%swap3A_804, %swap3A_805, %swap3A_806] {strides = array<i32>} : memref<3x128x128xf32, #tpu.memory_space<vmem>>, vector<1x1x16xf32>,
        %swap3A_808 = vector.shape_cast %swap3A_807 : vector<1x1x16xf32> to vector<16xf32>
        %swap3A_809 = vector.shape_cast %neg3A_802 : vector<16xf32> to vector<1x1x16xf32>
        tpu.vector_store %arg8[%swap3A_804, %swap3A_805, %swap3A_806], %swap3A_809 {add = true, strides = array<i32>} : memref<3x128x128xf32, #tpu.memory_space<vmem>>, vector<1x1x16xf32>,
        %get3A_810 = arith.constant 1 : i32
        %get3A_811 = arith.index_cast %get3A_810 : i32 to index
        %get3A_812 = arith.index_cast %scan3A_745 : i32 to index
        %get3A_813 = arith.constant 64 : index
        %get3A_814 = tpu.vector_load %arg9[%get3A_811, %get3A_812, %get3A_813] {strides = array<i32>} : memref<3x128x128xf32, #tpu.memory_space<vmem>>, vector<1x1x16xf32>,
        %get3A_815 = vector.shape_cast %get3A_814 : vector<1x1x16xf32> to vector<16xf32>
        %neg3A_816 = arith.constant 0.000000e+00 : f32
        %neg3A_817 = vector.broadcast %neg3A_816 : f32 to vector<16xf32>
        %neg3A_818 = arith.subf %neg3A_817, %get3A_815 : vector<16xf32>
        %swap3A_819 = arith.constant 1 : i32
        %swap3A_820 = arith.index_cast %swap3A_819 : i32 to index
        %swap3A_821 = arith.index_cast %scan3A_745 : i32 to index
        %swap3A_822 = arith.constant 64 : index
        %swap3A_823 = tpu.vector_load %arg8[%swap3A_820, %swap3A_821, %swap3A_822] {strides = array<i32>} : memref<3x128x128xf32, #tpu.memory_space<vmem>>, vector<1x1x16xf32>,
        %swap3A_824 = vector.shape_cast %swap3A_823 : vector<1x1x16xf32> to vector<16xf32>
        %swap3A_825 = vector.shape_cast %neg3A_818 : vector<16xf32> to vector<1x1x16xf32>
        tpu.vector_store %arg8[%swap3A_820, %swap3A_821, %swap3A_822], %swap3A_825 {add = true, strides = array<i32>} : memref<3x128x128xf32, #tpu.memory_space<vmem>>, vector<1x1x16xf32>,
        %get3A_826 = arith.constant 1 : i32
        %get3A_827 = arith.index_cast %get3A_826 : i32 to index
        %get3A_828 = arith.index_cast %scan3A_745 : i32 to index
        %get3A_829 = arith.constant 80 : index
        %get3A_830 = tpu.vector_load %arg9[%get3A_827, %get3A_828, %get3A_829] {strides = array<i32>} : memref<3x128x128xf32, #tpu.memory_space<vmem>>, vector<1x1x16xf32>,
        %get3A_831 = vector.shape_cast %get3A_830 : vector<1x1x16xf32> to vector<16xf32>
        %neg3A_832 = arith.constant 0.000000e+00 : f32
        %neg3A_833 = vector.broadcast %neg3A_832 : f32 to vector<16xf32>
        %neg3A_834 = arith.subf %neg3A_833, %get3A_831 : vector<16xf32>
        %swap3A_835 = arith.constant 1 : i32
        %swap3A_836 = arith.index_cast %swap3A_835 : i32 to index
        %swap3A_837 = arith.index_cast %scan3A_745 : i32 to index
        %swap3A_838 = arith.constant 80 : index
        %swap3A_839 = tpu.vector_load %arg8[%swap3A_836, %swap3A_837, %swap3A_838] {strides = array<i32>} : memref<3x128x128xf32, #tpu.memory_space<vmem>>, vector<1x1x16xf32>,
        %swap3A_840 = vector.shape_cast %swap3A_839 : vector<1x1x16xf32> to vector<16xf32>
        %swap3A_841 = vector.shape_cast %neg3A_834 : vector<16xf32> to vector<1x1x16xf32>
        tpu.vector_store %arg8[%swap3A_836, %swap3A_837, %swap3A_838], %swap3A_841 {add = true, strides = array<i32>} : memref<3x128x128xf32, #tpu.memory_space<vmem>>, vector<1x1x16xf32>,
        %get3A_842 = arith.constant 1 : i32
        %get3A_843 = arith.index_cast %get3A_842 : i32 to index
        %get3A_844 = arith.index_cast %scan3A_745 : i32 to index
        %get3A_845 = arith.constant 96 : index
        %get3A_846 = tpu.vector_load %arg9[%get3A_843, %get3A_844, %get3A_845] {strides = array<i32>} : memref<3x128x128xf32, #tpu.memory_space<vmem>>, vector<1x1x16xf32>,
        %get3A_847 = vector.shape_cast %get3A_846 : vector<1x1x16xf32> to vector<16xf32>
        %neg3A_848 = arith.constant 0.000000e+00 : f32
        %neg3A_849 = vector.broadcast %neg3A_848 : f32 to vector<16xf32>
        %neg3A_850 = arith.subf %neg3A_849, %get3A_847 : vector<16xf32>
        %swap3A_851 = arith.constant 1 : i32
        %swap3A_852 = arith.index_cast %swap3A_851 : i32 to index
        %swap3A_853 = arith.index_cast %scan3A_745 : i32 to index
        %swap3A_854 = arith.constant 96 : index
        %swap3A_855 = tpu.vector_load %arg8[%swap3A_852, %swap3A_853, %swap3A_854] {strides = array<i32>} : memref<3x128x128xf32, #tpu.memory_space<vmem>>, vector<1x1x16xf32>,
        %swap3A_856 = vector.shape_cast %swap3A_855 : vector<1x1x16xf32> to vector<16xf32>
        %swap3A_857 = vector.shape_cast %neg3A_850 : vector<16xf32> to vector<1x1x16xf32>
        tpu.vector_store %arg8[%swap3A_852, %swap3A_853, %swap3A_854], %swap3A_857 {add = true, strides = array<i32>} : memref<3x128x128xf32, #tpu.memory_space<vmem>>, vector<1x1x16xf32>,
        %get3A_858 = arith.constant 1 : i32
        %get3A_859 = arith.index_cast %get3A_858 : i32 to index
        %get3A_860 = arith.index_cast %scan3A_745 : i32 to index
        %get3A_861 = arith.constant 112 : index
        %get3A_862 = tpu.vector_load %arg9[%get3A_859, %get3A_860, %get3A_861] {strides = array<i32>} : memref<3x128x128xf32, #tpu.memory_space<vmem>>, vector<1x1x16xf32>,
        %get3A_863 = vector.shape_cast %get3A_862 : vector<1x1x16xf32> to vector<16xf32>
        %neg3A_864 = arith.constant 0.000000e+00 : f32
        %neg3A_865 = vector.broadcast %neg3A_864 : f32 to vector<16xf32>
        %neg3A_866 = arith.subf %neg3A_865, %get3A_863 : vector<16xf32>
        %swap3A_867 = arith.constant 1 : i32
        %swap3A_868 = arith.index_cast %swap3A_867 : i32 to index
        %swap3A_869 = arith.index_cast %scan3A_745 : i32 to index
        %swap3A_870 = arith.constant 112 : index
        %swap3A_871 = tpu.vector_load %arg8[%swap3A_868, %swap3A_869, %swap3A_870] {strides = array<i32>} : memref<3x128x128xf32, #tpu.memory_space<vmem>>, vector<1x1x16xf32>,
        %swap3A_872 = vector.shape_cast %swap3A_871 : vector<1x1x16xf32> to vector<16xf32>
        %swap3A_873 = vector.shape_cast %neg3A_866 : vector<16xf32> to vector<1x1x16xf32>
        tpu.vector_store %arg8[%swap3A_868, %swap3A_869, %swap3A_870], %swap3A_873 {add = true, strides = array<i32>} : memref<3x128x128xf32, #tpu.memory_space<vmem>>, vector<1x1x16xf32>,
      }
      %scan3A_261 = arith.constant 128 : i32
      %mul3A_262 = arith.constant 128 : i32
      %mul3A_263 = arith.muli %add3A_215, %mul3A_262 : i32
      %add3A_264 = arith.addi %mul3A_2, %mul3A_263 : i32
      %dma_start3A_265 = arith.constant 1 : i32
      %dma_start3A_266 = arith.constant 0 : i32
      %dma_start3A_267 = arith.constant 0 : i32
      %dma_start3A_268 = tpu.memref_slice %arg8[%dma_start3A_265, %dma_start3A_266, %dma_start3A_267] : memref<3x128x128xf32, #tpu.memory_space<vmem>> -> memref<1x128x128xf32, #tpu.memory_space<vmem>>
      %dma_start3A_269 = tpu.memref_squeeze %dma_start3A_268 : memref<1x128x128xf32, #tpu.memory_space<vmem>> -> memref<128x128xf32, #tpu.memory_space<vmem>>
      %dma_start3A_270 = arith.constant 0 : i32
      %dma_start3A_271 = tpu.memref_slice %arg5[%add3A_264, %dma_start3A_270] : memref<320000x128xf32, #tpu.memory_space<hbm>> -> memref<128x128xf32, #tpu.memory_space<hbm>>
      %dma_start3A_272 = arith.constant 0 : i32
      %dma_start3A_273 = tpu.memref_slice %arg5[%add3A_264, %dma_start3A_272] : memref<320000x128xf32, #tpu.memory_space<hbm>> -> memref<128x128xf32, #tpu.memory_space<hbm>>
      %dma_start3A_274 = arith.constant 0 : i32
      %dma_start3A_275 = arith.constant 0 : i32
      %dma_start3A_276 = tpu.memref_slice %arg8[%dma_start3A_265, %dma_start3A_274, %dma_start3A_275] : memref<3x128x128xf32, #tpu.memory_space<vmem>> -> memref<1x128x128xf32, #tpu.memory_space<vmem>>
      %dma_start3A_277 = tpu.memref_squeeze %dma_start3A_276 : memref<1x128x128xf32, #tpu.memory_space<vmem>> -> memref<128x128xf32, #tpu.memory_space<vmem>>
      tpu.enqueue_dma source(%dma_start3A_277 : memref<128x128xf32, #tpu.memory_space<vmem>>) target(%dma_start3A_273 : memref<128x128xf32, #tpu.memory_space<hbm>>) target_semaphore(%arg17 : memref<!tpu.dma_semaphore, #tpu.memory_space<semaphore_mem>>)
      %add3A_278 = arith.constant 2 : i32
      %add3A_279 = arith.addi %add3A_215, %add3A_278 : i32
      %lt3A_280 = arith.constant 78 : i32
      %lt3A_281 = arith.cmpi slt, %add3A_279, %lt3A_280 : i32
      %convert_element_type3A_282 = arith.extui %lt3A_281 : i1 to i32
      %cond3A_283 = arith.constant 0 : i32
      %cond3A_284 = arith.cmpi ne, %convert_element_type3A_282, %cond3A_283 : i32
      scf.if %cond3A_284 {
        %ge3A = arith.constant 1 : i32
        %ge3A_358 = arith.cmpi sge, %add3A_215, %ge3A : i32
        %convert_element_type3A_359 = arith.extui %ge3A_358 : i1 to i32
        %cond3A_360 = arith.constant 0 : i32
        %cond3A_361 = arith.cmpi ne, %convert_element_type3A_359, %cond3A_360 : i32
        scf.if %cond3A_361 {
          %dma_wait3A_406 = arith.constant 0 : i32
          %dma_wait3A_407 = arith.constant 0 : i32
          %dma_wait3A_408 = arith.constant 0 : i32
          %dma_wait3A_409 = tpu.memref_slice %arg8[%dma_wait3A_406, %dma_wait3A_407, %dma_wait3A_408] : memref<3x128x128xf32, #tpu.memory_space<vmem>> -> memref<1x128x128xf32, #tpu.memory_space<vmem>>
          %dma_wait3A_410 = tpu.memref_squeeze %dma_wait3A_409 : memref<1x128x128xf32, #tpu.memory_space<vmem>> -> memref<128x128xf32, #tpu.memory_space<vmem>>
          %dma_wait3A_411 = arith.constant 0 : i32
          %dma_wait3A_412 = arith.constant 0 : i32
          %dma_wait3A_413 = tpu.memref_slice %arg5[%dma_wait3A_411, %dma_wait3A_412] : memref<320000x128xf32, #tpu.memory_space<hbm>> -> memref<128x128xf32, #tpu.memory_space<hbm>>
          %dma_wait3A_414 = arith.constant 0 : i32
          %dma_wait3A_415 = arith.constant 0 : i32
          %dma_wait3A_416 = tpu.memref_slice %arg5[%dma_wait3A_414, %dma_wait3A_415] : memref<320000x128xf32, #tpu.memory_space<hbm>> -> memref<128x128xf32, #tpu.memory_space<hbm>>
          %dma_wait3A_417 = arith.constant 0 : i32
          %dma_wait3A_418 = arith.constant 0 : i32
          %dma_wait3A_419 = tpu.memref_slice %arg8[%dma_wait3A_406, %dma_wait3A_417, %dma_wait3A_418] : memref<3x128x128xf32, #tpu.memory_space<vmem>> -> memref<1x128x128xf32, #tpu.memory_space<vmem>>
          %dma_wait3A_420 = tpu.memref_squeeze %dma_wait3A_419 : memref<1x128x128xf32, #tpu.memory_space<vmem>> -> memref<128x128xf32, #tpu.memory_space<vmem>>
          tpu.wait_dma2 semaphore(%arg16 : memref<!tpu.dma_semaphore, #tpu.memory_space<semaphore_mem>>) src(%dma_wait3A_420 : memref<128x128xf32, #tpu.memory_space<vmem>>) dst(%dma_wait3A_416 : memref<128x128xf32, #tpu.memory_space<hbm>>)
        } else {
        }
        %add3A_362 = arith.constant 2 : i32
        %add3A_363 = arith.addi %add3A_215, %add3A_362 : i32
        %mul3A_364 = arith.constant 128 : i32
        %mul3A_365 = arith.muli %add3A_363, %mul3A_364 : i32
        %dma_start3A_366 = arith.constant 0 : i32
        %dma_start3A_367 = arith.constant 0 : i32
        %dma_start3A_368 = arith.constant 0 : i32
        %dma_start3A_369 = tpu.memref_slice %arg8[%dma_start3A_366, %dma_start3A_367, %dma_start3A_368] : memref<3x128x128xf32, #tpu.memory_space<vmem>> -> memref<1x64x128xf32, #tpu.memory_space<vmem>>
        %dma_start3A_370 = tpu.memref_squeeze %dma_start3A_369 : memref<1x64x128xf32, #tpu.memory_space<vmem>> -> memref<64x128xf32, #tpu.memory_space<vmem>>
        %dma_start3A_371 = tpu.memref_slice %arg6[%mul3A_365] : memref<10000xi32, #tpu.memory_space<vmem>> -> memref<64xi32, #tpu.memory_space<vmem>>
        %dma_start3A_372 = arith.constant 0 : i32
        %dma_start3A_373 = arith.constant 0 : i32
        %dma_start3A_374 = tpu.memref_slice %arg2[%dma_start3A_372, %dma_start3A_373] : memref<10000x128xf32, #tpu.memory_space<hbm>> -> memref<10000x128xf32, #tpu.memory_space<hbm>>
        tpu.enqueue_indirect_dma source(%dma_start3A_374 : memref<10000x128xf32, #tpu.memory_space<hbm>>) target(%dma_start3A_370 : memref<64x128xf32, #tpu.memory_space<vmem>>) offsets(%dma_start3A_371 : memref<64xi32, #tpu.memory_space<vmem>>) semaphore(%arg10 : memref<!tpu.dma_semaphore, #tpu.memory_space<semaphore_mem>>)
        %add3A_375 = arith.constant 64 : i32
        %add3A_376 = arith.addi %mul3A_365, %add3A_375 : i32
        %dma_start3A_377 = arith.constant 0 : i32
        %dma_start3A_378 = arith.constant 64 : i32
        %dma_start3A_379 = arith.constant 0 : i32
        %dma_start3A_380 = tpu.memref_slice %arg8[%dma_start3A_377, %dma_start3A_378, %dma_start3A_379] : memref<3x128x128xf32, #tpu.memory_space<vmem>> -> memref<1x64x128xf32, #tpu.memory_space<vmem>>
        %dma_start3A_381 = tpu.memref_squeeze %dma_start3A_380 : memref<1x64x128xf32, #tpu.memory_space<vmem>> -> memref<64x128xf32, #tpu.memory_space<vmem>>
        %dma_start3A_382 = tpu.memref_slice %arg6[%add3A_376] : memref<10000xi32, #tpu.memory_space<vmem>> -> memref<64xi32, #tpu.memory_space<vmem>>
        %dma_start3A_383 = arith.constant 0 : i32
        %dma_start3A_384 = arith.constant 0 : i32
        %dma_start3A_385 = tpu.memref_slice %arg2[%dma_start3A_383, %dma_start3A_384] : memref<10000x128xf32, #tpu.memory_space<hbm>> -> memref<10000x128xf32, #tpu.memory_space<hbm>>
        tpu.enqueue_indirect_dma source(%dma_start3A_385 : memref<10000x128xf32, #tpu.memory_space<hbm>>) target(%dma_start3A_381 : memref<64x128xf32, #tpu.memory_space<vmem>>) offsets(%dma_start3A_382 : memref<64xi32, #tpu.memory_space<vmem>>) semaphore(%arg10 : memref<!tpu.dma_semaphore, #tpu.memory_space<semaphore_mem>>)
        %dma_start3A_386 = arith.constant 0 : i32
        %dma_start3A_387 = arith.constant 0 : i32
        %dma_start3A_388 = arith.constant 0 : i32
        %dma_start3A_389 = tpu.memref_slice %arg9[%dma_start3A_386, %dma_start3A_387, %dma_start3A_388] : memref<3x128x128xf32, #tpu.memory_space<vmem>> -> memref<1x64x128xf32, #tpu.memory_space<vmem>>
        %dma_start3A_390 = tpu.memref_squeeze %dma_start3A_389 : memref<1x64x128xf32, #tpu.memory_space<vmem>> -> memref<64x128xf32, #tpu.memory_space<vmem>>
        %dma_start3A_391 = tpu.memref_slice %arg7[%mul3A_365] : memref<10000xi32, #tpu.memory_space<vmem>> -> memref<64xi32, #tpu.memory_space<vmem>>
        %dma_start3A_392 = arith.constant 0 : i32
        %dma_start3A_393 = arith.constant 0 : i32
        %dma_start3A_394 = tpu.memref_slice %arg2[%dma_start3A_392, %dma_start3A_393] : memref<10000x128xf32, #tpu.memory_space<hbm>> -> memref<10000x128xf32, #tpu.memory_space<hbm>>
        tpu.enqueue_indirect_dma source(%dma_start3A_394 : memref<10000x128xf32, #tpu.memory_space<hbm>>) target(%dma_start3A_390 : memref<64x128xf32, #tpu.memory_space<vmem>>) offsets(%dma_start3A_391 : memref<64xi32, #tpu.memory_space<vmem>>) semaphore(%arg13 : memref<!tpu.dma_semaphore, #tpu.memory_space<semaphore_mem>>)
        %add3A_395 = arith.constant 64 : i32
        %add3A_396 = arith.addi %mul3A_365, %add3A_395 : i32
        %dma_start3A_397 = arith.constant 0 : i32
        %dma_start3A_398 = arith.constant 64 : i32
        %dma_start3A_399 = arith.constant 0 : i32
        %dma_start3A_400 = tpu.memref_slice %arg9[%dma_start3A_397, %dma_start3A_398, %dma_start3A_399] : memref<3x128x128xf32, #tpu.memory_space<vmem>> -> memref<1x64x128xf32, #tpu.memory_space<vmem>>
        %dma_start3A_401 = tpu.memref_squeeze %dma_start3A_400 : memref<1x64x128xf32, #tpu.memory_space<vmem>> -> memref<64x128xf32, #tpu.memory_space<vmem>>
        %dma_start3A_402 = tpu.memref_slice %arg7[%add3A_396] : memref<10000xi32, #tpu.memory_space<vmem>> -> memref<64xi32, #tpu.memory_space<vmem>>
        %dma_start3A_403 = arith.constant 0 : i32
        %dma_start3A_404 = arith.constant 0 : i32
        %dma_start3A_405 = tpu.memref_slice %arg2[%dma_start3A_403, %dma_start3A_404] : memref<10000x128xf32, #tpu.memory_space<hbm>> -> memref<10000x128xf32, #tpu.memory_space<hbm>>
        tpu.enqueue_indirect_dma source(%dma_start3A_405 : memref<10000x128xf32, #tpu.memory_space<hbm>>) target(%dma_start3A_401 : memref<64x128xf32, #tpu.memory_space<vmem>>) offsets(%dma_start3A_402 : memref<64xi32, #tpu.memory_space<vmem>>) semaphore(%arg13 : memref<!tpu.dma_semaphore, #tpu.memory_space<semaphore_mem>>)
      } else {
      }
      %mul3A_285 = arith.constant 3 : i32
      %mul3A_286 = arith.muli %scan3A_141, %mul3A_285 : i32
      %add3A_287 = arith.constant 2 : i32
      %add3A_288 = arith.addi %mul3A_286, %add3A_287 : i32
      %dma_wait3A_289 = arith.constant 2 : i32
      %dma_wait3A_290 = arith.constant 0 : i32
      %dma_wait3A_291 = arith.constant 0 : i32
      %dma_wait3A_292 = tpu.memref_slice %arg8[%dma_wait3A_289, %dma_wait3A_290, %dma_wait3A_291] : memref<3x128x128xf32, #tpu.memory_space<vmem>> -> memref<1x64x128xf32, #tpu.memory_space<vmem>>
      %dma_wait3A_293 = tpu.memref_squeeze %dma_wait3A_292 : memref<1x64x128xf32, #tpu.memory_space<vmem>> -> memref<64x128xf32, #tpu.memory_space<vmem>>
      %dma_wait3A_294 = arith.constant 0 : i32
      %dma_wait3A_295 = tpu.memref_slice %arg6[%dma_wait3A_294] : memref<10000xi32, #tpu.memory_space<vmem>> -> memref<64xi32, #tpu.memory_space<vmem>>
      %dma_wait3A_296 = arith.constant 0 : i32
      %dma_wait3A_297 = arith.constant 0 : i32
      %dma_wait3A_298 = tpu.memref_slice %arg2[%dma_wait3A_296, %dma_wait3A_297] : memref<10000x128xf32, #tpu.memory_space<hbm>> -> memref<10000x128xf32, #tpu.memory_space<hbm>>
      tpu.wait_indirect_dma semaphore(%arg12 : memref<!tpu.dma_semaphore, #tpu.memory_space<semaphore_mem>>) src(%dma_wait3A_298 : memref<10000x128xf32, #tpu.memory_space<hbm>>) dst(%dma_wait3A_293 : memref<64x128xf32, #tpu.memory_space<vmem>>)
      %dma_wait3A_299 = arith.constant 2 : i32
      %dma_wait3A_300 = arith.constant 64 : i32
      %dma_wait3A_301 = arith.constant 0 : i32
      %dma_wait3A_302 = tpu.memref_slice %arg8[%dma_wait3A_299, %dma_wait3A_300, %dma_wait3A_301] : memref<3x128x128xf32, #tpu.memory_space<vmem>> -> memref<1x64x128xf32, #tpu.memory_space<vmem>>
      %dma_wait3A_303 = tpu.memref_squeeze %dma_wait3A_302 : memref<1x64x128xf32, #tpu.memory_space<vmem>> -> memref<64x128xf32, #tpu.memory_space<vmem>>
      %dma_wait3A_304 = arith.constant 0 : i32
      %dma_wait3A_305 = tpu.memref_slice %arg6[%dma_wait3A_304] : memref<10000xi32, #tpu.memory_space<vmem>> -> memref<64xi32, #tpu.memory_space<vmem>>
      %dma_wait3A_306 = arith.constant 0 : i32
      %dma_wait3A_307 = arith.constant 0 : i32
      %dma_wait3A_308 = tpu.memref_slice %arg2[%dma_wait3A_306, %dma_wait3A_307] : memref<10000x128xf32, #tpu.memory_space<hbm>> -> memref<10000x128xf32, #tpu.memory_space<hbm>>
      tpu.wait_indirect_dma semaphore(%arg12 : memref<!tpu.dma_semaphore, #tpu.memory_space<semaphore_mem>>) src(%dma_wait3A_308 : memref<10000x128xf32, #tpu.memory_space<hbm>>) dst(%dma_wait3A_303 : memref<64x128xf32, #tpu.memory_space<vmem>>)
      %dma_wait3A_309 = arith.constant 2 : i32
      %dma_wait3A_310 = arith.constant 0 : i32
      %dma_wait3A_311 = arith.constant 0 : i32
      %dma_wait3A_312 = tpu.memref_slice %arg9[%dma_wait3A_309, %dma_wait3A_310, %dma_wait3A_311] : memref<3x128x128xf32, #tpu.memory_space<vmem>> -> memref<1x64x128xf32, #tpu.memory_space<vmem>>
      %dma_wait3A_313 = tpu.memref_squeeze %dma_wait3A_312 : memref<1x64x128xf32, #tpu.memory_space<vmem>> -> memref<64x128xf32, #tpu.memory_space<vmem>>
      %dma_wait3A_314 = arith.constant 0 : i32
      %dma_wait3A_315 = tpu.memref_slice %arg7[%dma_wait3A_314] : memref<10000xi32, #tpu.memory_space<vmem>> -> memref<64xi32, #tpu.memory_space<vmem>>
      %dma_wait3A_316 = arith.constant 0 : i32
      %dma_wait3A_317 = arith.constant 0 : i32
      %dma_wait3A_318 = tpu.memref_slice %arg2[%dma_wait3A_316, %dma_wait3A_317] : memref<10000x128xf32, #tpu.memory_space<hbm>> -> memref<10000x128xf32, #tpu.memory_space<hbm>>
      tpu.wait_indirect_dma semaphore(%arg15 : memref<!tpu.dma_semaphore, #tpu.memory_space<semaphore_mem>>) src(%dma_wait3A_318 : memref<10000x128xf32, #tpu.memory_space<hbm>>) dst(%dma_wait3A_313 : memref<64x128xf32, #tpu.memory_space<vmem>>)
      %dma_wait3A_319 = arith.constant 2 : i32
      %dma_wait3A_320 = arith.constant 64 : i32
      %dma_wait3A_321 = arith.constant 0 : i32
      %dma_wait3A_322 = tpu.memref_slice %arg9[%dma_wait3A_319, %dma_wait3A_320, %dma_wait3A_321] : memref<3x128x128xf32, #tpu.memory_space<vmem>> -> memref<1x64x128xf32, #tpu.memory_space<vmem>>
      %dma_wait3A_323 = tpu.memref_squeeze %dma_wait3A_322 : memref<1x64x128xf32, #tpu.memory_space<vmem>> -> memref<64x128xf32, #tpu.memory_space<vmem>>
      %dma_wait3A_324 = arith.constant 0 : i32
      %dma_wait3A_325 = tpu.memref_slice %arg7[%dma_wait3A_324] : memref<10000xi32, #tpu.memory_space<vmem>> -> memref<64xi32, #tpu.memory_space<vmem>>
      %dma_wait3A_326 = arith.constant 0 : i32
      %dma_wait3A_327 = arith.constant 0 : i32
      %dma_wait3A_328 = tpu.memref_slice %arg2[%dma_wait3A_326, %dma_wait3A_327] : memref<10000x128xf32, #tpu.memory_space<hbm>> -> memref<10000x128xf32, #tpu.memory_space<hbm>>
      tpu.wait_indirect_dma semaphore(%arg15 : memref<!tpu.dma_semaphore, #tpu.memory_space<semaphore_mem>>) src(%dma_wait3A_328 : memref<10000x128xf32, #tpu.memory_space<hbm>>) dst(%dma_wait3A_323 : memref<64x128xf32, #tpu.memory_space<vmem>>)
      %scan3A_329 = arith.constant 0 : i32
      %scan3A_330 = arith.constant 0 : i32
      %scan3A_331 = arith.constant 128 : i32
      %scan3A_332 = arith.addi %scan3A_330, %scan3A_331 : i32
      %scan3A_333 = arith.constant 4 : i32
      scf.for %scan3A_358 = %scan3A_330 to %scan3A_332 step %scan3A_333  : i32 {
        %get3A = arith.constant 2 : i32
        %get3A_359 = arith.index_cast %get3A : i32 to index
        %get3A_360 = arith.index_cast %scan3A_358 : i32 to index
        %get3A_361 = arith.constant 0 : index
        %get3A_362 = tpu.vector_load %arg9[%get3A_359, %get3A_360, %get3A_361] {strides = array<i32>} : memref<3x128x128xf32, #tpu.memory_space<vmem>>, vector<1x1x16xf32>,
        %get3A_363 = vector.shape_cast %get3A_362 : vector<1x1x16xf32> to vector<16xf32>
        %neg3A = arith.constant 0.000000e+00 : f32
        %neg3A_364 = vector.broadcast %neg3A : f32 to vector<16xf32>
        %neg3A_365 = arith.subf %neg3A_364, %get3A_363 : vector<16xf32>
        %swap3A = arith.constant 2 : i32
        %swap3A_366 = arith.index_cast %swap3A : i32 to index
        %swap3A_367 = arith.index_cast %scan3A_358 : i32 to index
        %swap3A_368 = arith.constant 0 : index
        %swap3A_369 = tpu.vector_load %arg8[%swap3A_366, %swap3A_367, %swap3A_368] {strides = array<i32>} : memref<3x128x128xf32, #tpu.memory_space<vmem>>, vector<1x1x16xf32>,
        %swap3A_370 = vector.shape_cast %swap3A_369 : vector<1x1x16xf32> to vector<16xf32>
        %swap3A_371 = vector.shape_cast %neg3A_365 : vector<16xf32> to vector<1x1x16xf32>
        tpu.vector_store %arg8[%swap3A_366, %swap3A_367, %swap3A_368], %swap3A_371 {add = true, strides = array<i32>} : memref<3x128x128xf32, #tpu.memory_space<vmem>>, vector<1x1x16xf32>,
        %get3A_372 = arith.constant 2 : i32
        %get3A_373 = arith.index_cast %get3A_372 : i32 to index
        %get3A_374 = arith.index_cast %scan3A_358 : i32 to index
        %get3A_375 = arith.constant 16 : index
        %get3A_376 = tpu.vector_load %arg9[%get3A_373, %get3A_374, %get3A_375] {strides = array<i32>} : memref<3x128x128xf32, #tpu.memory_space<vmem>>, vector<1x1x16xf32>,
        %get3A_377 = vector.shape_cast %get3A_376 : vector<1x1x16xf32> to vector<16xf32>
        %neg3A_378 = arith.constant 0.000000e+00 : f32
        %neg3A_379 = vector.broadcast %neg3A_378 : f32 to vector<16xf32>
        %neg3A_380 = arith.subf %neg3A_379, %get3A_377 : vector<16xf32>
        %swap3A_381 = arith.constant 2 : i32
        %swap3A_382 = arith.index_cast %swap3A_381 : i32 to index
        %swap3A_383 = arith.index_cast %scan3A_358 : i32 to index
        %swap3A_384 = arith.constant 16 : index
        %swap3A_385 = tpu.vector_load %arg8[%swap3A_382, %swap3A_383, %swap3A_384] {strides = array<i32>} : memref<3x128x128xf32, #tpu.memory_space<vmem>>, vector<1x1x16xf32>,
        %swap3A_386 = vector.shape_cast %swap3A_385 : vector<1x1x16xf32> to vector<16xf32>
        %swap3A_387 = vector.shape_cast %neg3A_380 : vector<16xf32> to vector<1x1x16xf32>
        tpu.vector_store %arg8[%swap3A_382, %swap3A_383, %swap3A_384], %swap3A_387 {add = true, strides = array<i32>} : memref<3x128x128xf32, #tpu.memory_space<vmem>>, vector<1x1x16xf32>,
        %get3A_388 = arith.constant 2 : i32
        %get3A_389 = arith.index_cast %get3A_388 : i32 to index
        %get3A_390 = arith.index_cast %scan3A_358 : i32 to index
        %get3A_391 = arith.constant 32 : index
        %get3A_392 = tpu.vector_load %arg9[%get3A_389, %get3A_390, %get3A_391] {strides = array<i32>} : memref<3x128x128xf32, #tpu.memory_space<vmem>>, vector<1x1x16xf32>,
        %get3A_393 = vector.shape_cast %get3A_392 : vector<1x1x16xf32> to vector<16xf32>
        %neg3A_394 = arith.constant 0.000000e+00 : f32
        %neg3A_395 = vector.broadcast %neg3A_394 : f32 to vector<16xf32>
        %neg3A_396 = arith.subf %neg3A_395, %get3A_393 : vector<16xf32>
        %swap3A_397 = arith.constant 2 : i32
        %swap3A_398 = arith.index_cast %swap3A_397 : i32 to index
        %swap3A_399 = arith.index_cast %scan3A_358 : i32 to index
        %swap3A_400 = arith.constant 32 : index
        %swap3A_401 = tpu.vector_load %arg8[%swap3A_398, %swap3A_399, %swap3A_400] {strides = array<i32>} : memref<3x128x128xf32, #tpu.memory_space<vmem>>, vector<1x1x16xf32>,
        %swap3A_402 = vector.shape_cast %swap3A_401 : vector<1x1x16xf32> to vector<16xf32>
        %swap3A_403 = vector.shape_cast %neg3A_396 : vector<16xf32> to vector<1x1x16xf32>
        tpu.vector_store %arg8[%swap3A_398, %swap3A_399, %swap3A_400], %swap3A_403 {add = true, strides = array<i32>} : memref<3x128x128xf32, #tpu.memory_space<vmem>>, vector<1x1x16xf32>,
        %get3A_404 = arith.constant 2 : i32
        %get3A_405 = arith.index_cast %get3A_404 : i32 to index
        %get3A_406 = arith.index_cast %scan3A_358 : i32 to index
        %get3A_407 = arith.constant 48 : index
        %get3A_408 = tpu.vector_load %arg9[%get3A_405, %get3A_406, %get3A_407] {strides = array<i32>} : memref<3x128x128xf32, #tpu.memory_space<vmem>>, vector<1x1x16xf32>,
        %get3A_409 = vector.shape_cast %get3A_408 : vector<1x1x16xf32> to vector<16xf32>
        %neg3A_410 = arith.constant 0.000000e+00 : f32
        %neg3A_411 = vector.broadcast %neg3A_410 : f32 to vector<16xf32>
        %neg3A_412 = arith.subf %neg3A_411, %get3A_409 : vector<16xf32>
        %swap3A_413 = arith.constant 2 : i32
        %swap3A_414 = arith.index_cast %swap3A_413 : i32 to index
        %swap3A_415 = arith.index_cast %scan3A_358 : i32 to index
        %swap3A_416 = arith.constant 48 : index
        %swap3A_417 = tpu.vector_load %arg8[%swap3A_414, %swap3A_415, %swap3A_416] {strides = array<i32>} : memref<3x128x128xf32, #tpu.memory_space<vmem>>, vector<1x1x16xf32>,
        %swap3A_418 = vector.shape_cast %swap3A_417 : vector<1x1x16xf32> to vector<16xf32>
        %swap3A_419 = vector.shape_cast %neg3A_412 : vector<16xf32> to vector<1x1x16xf32>
        tpu.vector_store %arg8[%swap3A_414, %swap3A_415, %swap3A_416], %swap3A_419 {add = true, strides = array<i32>} : memref<3x128x128xf32, #tpu.memory_space<vmem>>, vector<1x1x16xf32>,
        %get3A_420 = arith.constant 2 : i32
        %get3A_421 = arith.index_cast %get3A_420 : i32 to index
        %get3A_422 = arith.index_cast %scan3A_358 : i32 to index
        %get3A_423 = arith.constant 64 : index
        %get3A_424 = tpu.vector_load %arg9[%get3A_421, %get3A_422, %get3A_423] {strides = array<i32>} : memref<3x128x128xf32, #tpu.memory_space<vmem>>, vector<1x1x16xf32>,
        %get3A_425 = vector.shape_cast %get3A_424 : vector<1x1x16xf32> to vector<16xf32>
        %neg3A_426 = arith.constant 0.000000e+00 : f32
        %neg3A_427 = vector.broadcast %neg3A_426 : f32 to vector<16xf32>
        %neg3A_428 = arith.subf %neg3A_427, %get3A_425 : vector<16xf32>
        %swap3A_429 = arith.constant 2 : i32
        %swap3A_430 = arith.index_cast %swap3A_429 : i32 to index
        %swap3A_431 = arith.index_cast %scan3A_358 : i32 to index
        %swap3A_432 = arith.constant 64 : index
        %swap3A_433 = tpu.vector_load %arg8[%swap3A_430, %swap3A_431, %swap3A_432] {strides = array<i32>} : memref<3x128x128xf32, #tpu.memory_space<vmem>>, vector<1x1x16xf32>,
        %swap3A_434 = vector.shape_cast %swap3A_433 : vector<1x1x16xf32> to vector<16xf32>
        %swap3A_435 = vector.shape_cast %neg3A_428 : vector<16xf32> to vector<1x1x16xf32>
        tpu.vector_store %arg8[%swap3A_430, %swap3A_431, %swap3A_432], %swap3A_435 {add = true, strides = array<i32>} : memref<3x128x128xf32, #tpu.memory_space<vmem>>, vector<1x1x16xf32>,
        %get3A_436 = arith.constant 2 : i32
        %get3A_437 = arith.index_cast %get3A_436 : i32 to index
        %get3A_438 = arith.index_cast %scan3A_358 : i32 to index
        %get3A_439 = arith.constant 80 : index
        %get3A_440 = tpu.vector_load %arg9[%get3A_437, %get3A_438, %get3A_439] {strides = array<i32>} : memref<3x128x128xf32, #tpu.memory_space<vmem>>, vector<1x1x16xf32>,
        %get3A_441 = vector.shape_cast %get3A_440 : vector<1x1x16xf32> to vector<16xf32>
        %neg3A_442 = arith.constant 0.000000e+00 : f32
        %neg3A_443 = vector.broadcast %neg3A_442 : f32 to vector<16xf32>
        %neg3A_444 = arith.subf %neg3A_443, %get3A_441 : vector<16xf32>
        %swap3A_445 = arith.constant 2 : i32
        %swap3A_446 = arith.index_cast %swap3A_445 : i32 to index
        %swap3A_447 = arith.index_cast %scan3A_358 : i32 to index
        %swap3A_448 = arith.constant 80 : index
        %swap3A_449 = tpu.vector_load %arg8[%swap3A_446, %swap3A_447, %swap3A_448] {strides = array<i32>} : memref<3x128x128xf32, #tpu.memory_space<vmem>>, vector<1x1x16xf32>,
        %swap3A_450 = vector.shape_cast %swap3A_449 : vector<1x1x16xf32> to vector<16xf32>
        %swap3A_451 = vector.shape_cast %neg3A_444 : vector<16xf32> to vector<1x1x16xf32>
        tpu.vector_store %arg8[%swap3A_446, %swap3A_447, %swap3A_448], %swap3A_451 {add = true, strides = array<i32>} : memref<3x128x128xf32, #tpu.memory_space<vmem>>, vector<1x1x16xf32>,
        %get3A_452 = arith.constant 2 : i32
        %get3A_453 = arith.index_cast %get3A_452 : i32 to index
        %get3A_454 = arith.index_cast %scan3A_358 : i32 to index
        %get3A_455 = arith.constant 96 : index
        %get3A_456 = tpu.vector_load %arg9[%get3A_453, %get3A_454, %get3A_455] {strides = array<i32>} : memref<3x128x128xf32, #tpu.memory_space<vmem>>, vector<1x1x16xf32>,
        %get3A_457 = vector.shape_cast %get3A_456 : vector<1x1x16xf32> to vector<16xf32>
        %neg3A_458 = arith.constant 0.000000e+00 : f32
        %neg3A_459 = vector.broadcast %neg3A_458 : f32 to vector<16xf32>
        %neg3A_460 = arith.subf %neg3A_459, %get3A_457 : vector<16xf32>
        %swap3A_461 = arith.constant 2 : i32
        %swap3A_462 = arith.index_cast %swap3A_461 : i32 to index
        %swap3A_463 = arith.index_cast %scan3A_358 : i32 to index
        %swap3A_464 = arith.constant 96 : index
        %swap3A_465 = tpu.vector_load %arg8[%swap3A_462, %swap3A_463, %swap3A_464] {strides = array<i32>} : memref<3x128x128xf32, #tpu.memory_space<vmem>>, vector<1x1x16xf32>,
        %swap3A_466 = vector.shape_cast %swap3A_465 : vector<1x1x16xf32> to vector<16xf32>
        %swap3A_467 = vector.shape_cast %neg3A_460 : vector<16xf32> to vector<1x1x16xf32>
        tpu.vector_store %arg8[%swap3A_462, %swap3A_463, %swap3A_464], %swap3A_467 {add = true, strides = array<i32>} : memref<3x128x128xf32, #tpu.memory_space<vmem>>, vector<1x1x16xf32>,
        %get3A_468 = arith.constant 2 : i32
        %get3A_469 = arith.index_cast %get3A_468 : i32 to index
        %get3A_470 = arith.index_cast %scan3A_358 : i32 to index
        %get3A_471 = arith.constant 112 : index
        %get3A_472 = tpu.vector_load %arg9[%get3A_469, %get3A_470, %get3A_471] {strides = array<i32>} : memref<3x128x128xf32, #tpu.memory_space<vmem>>, vector<1x1x16xf32>,
        %get3A_473 = vector.shape_cast %get3A_472 : vector<1x1x16xf32> to vector<16xf32>
        %neg3A_474 = arith.constant 0.000000e+00 : f32
        %neg3A_475 = vector.broadcast %neg3A_474 : f32 to vector<16xf32>
        %neg3A_476 = arith.subf %neg3A_475, %get3A_473 : vector<16xf32>
        %swap3A_477 = arith.constant 2 : i32
        %swap3A_478 = arith.index_cast %swap3A_477 : i32 to index
        %swap3A_479 = arith.index_cast %scan3A_358 : i32 to index
        %swap3A_480 = arith.constant 112 : index
        %swap3A_481 = tpu.vector_load %arg8[%swap3A_478, %swap3A_479, %swap3A_480] {strides = array<i32>} : memref<3x128x128xf32, #tpu.memory_space<vmem>>, vector<1x1x16xf32>,
        %swap3A_482 = vector.shape_cast %swap3A_481 : vector<1x1x16xf32> to vector<16xf32>
        %swap3A_483 = vector.shape_cast %neg3A_476 : vector<16xf32> to vector<1x1x16xf32>
        tpu.vector_store %arg8[%swap3A_478, %swap3A_479, %swap3A_480], %swap3A_483 {add = true, strides = array<i32>} : memref<3x128x128xf32, #tpu.memory_space<vmem>>, vector<1x1x16xf32>,
        %scan3A_484 = arith.constant 1 : i32
        %scan3A_485 = arith.addi %scan3A_358, %scan3A_484 : i32
        %get3A_486 = arith.constant 2 : i32
        %get3A_487 = arith.index_cast %get3A_486 : i32 to index
        %get3A_488 = arith.index_cast %scan3A_485 : i32 to index
        %get3A_489 = arith.constant 0 : index
        %get3A_490 = tpu.vector_load %arg9[%get3A_487, %get3A_488, %get3A_489] {strides = array<i32>} : memref<3x128x128xf32, #tpu.memory_space<vmem>>, vector<1x1x16xf32>,
        %get3A_491 = vector.shape_cast %get3A_490 : vector<1x1x16xf32> to vector<16xf32>
        %neg3A_492 = arith.constant 0.000000e+00 : f32
        %neg3A_493 = vector.broadcast %neg3A_492 : f32 to vector<16xf32>
        %neg3A_494 = arith.subf %neg3A_493, %get3A_491 : vector<16xf32>
        %swap3A_495 = arith.constant 2 : i32
        %swap3A_496 = arith.index_cast %swap3A_495 : i32 to index
        %swap3A_497 = arith.index_cast %scan3A_485 : i32 to index
        %swap3A_498 = arith.constant 0 : index
        %swap3A_499 = tpu.vector_load %arg8[%swap3A_496, %swap3A_497, %swap3A_498] {strides = array<i32>} : memref<3x128x128xf32, #tpu.memory_space<vmem>>, vector<1x1x16xf32>,
        %swap3A_500 = vector.shape_cast %swap3A_499 : vector<1x1x16xf32> to vector<16xf32>
        %swap3A_501 = vector.shape_cast %neg3A_494 : vector<16xf32> to vector<1x1x16xf32>
        tpu.vector_store %arg8[%swap3A_496, %swap3A_497, %swap3A_498], %swap3A_501 {add = true, strides = array<i32>} : memref<3x128x128xf32, #tpu.memory_space<vmem>>, vector<1x1x16xf32>,
        %get3A_502 = arith.constant 2 : i32
        %get3A_503 = arith.index_cast %get3A_502 : i32 to index
        %get3A_504 = arith.index_cast %scan3A_485 : i32 to index
        %get3A_505 = arith.constant 16 : index
        %get3A_506 = tpu.vector_load %arg9[%get3A_503, %get3A_504, %get3A_505] {strides = array<i32>} : memref<3x128x128xf32, #tpu.memory_space<vmem>>, vector<1x1x16xf32>,
        %get3A_507 = vector.shape_cast %get3A_506 : vector<1x1x16xf32> to vector<16xf32>
        %neg3A_508 = arith.constant 0.000000e+00 : f32
        %neg3A_509 = vector.broadcast %neg3A_508 : f32 to vector<16xf32>
        %neg3A_510 = arith.subf %neg3A_509, %get3A_507 : vector<16xf32>
        %swap3A_511 = arith.constant 2 : i32
        %swap3A_512 = arith.index_cast %swap3A_511 : i32 to index
        %swap3A_513 = arith.index_cast %scan3A_485 : i32 to index
        %swap3A_514 = arith.constant 16 : index
        %swap3A_515 = tpu.vector_load %arg8[%swap3A_512, %swap3A_513, %swap3A_514] {strides = array<i32>} : memref<3x128x128xf32, #tpu.memory_space<vmem>>, vector<1x1x16xf32>,
        %swap3A_516 = vector.shape_cast %swap3A_515 : vector<1x1x16xf32> to vector<16xf32>
        %swap3A_517 = vector.shape_cast %neg3A_510 : vector<16xf32> to vector<1x1x16xf32>
        tpu.vector_store %arg8[%swap3A_512, %swap3A_513, %swap3A_514], %swap3A_517 {add = true, strides = array<i32>} : memref<3x128x128xf32, #tpu.memory_space<vmem>>, vector<1x1x16xf32>,
        %get3A_518 = arith.constant 2 : i32
        %get3A_519 = arith.index_cast %get3A_518 : i32 to index
        %get3A_520 = arith.index_cast %scan3A_485 : i32 to index
        %get3A_521 = arith.constant 32 : index
        %get3A_522 = tpu.vector_load %arg9[%get3A_519, %get3A_520, %get3A_521] {strides = array<i32>} : memref<3x128x128xf32, #tpu.memory_space<vmem>>, vector<1x1x16xf32>,
        %get3A_523 = vector.shape_cast %get3A_522 : vector<1x1x16xf32> to vector<16xf32>
        %neg3A_524 = arith.constant 0.000000e+00 : f32
        %neg3A_525 = vector.broadcast %neg3A_524 : f32 to vector<16xf32>
        %neg3A_526 = arith.subf %neg3A_525, %get3A_523 : vector<16xf32>
        %swap3A_527 = arith.constant 2 : i32
        %swap3A_528 = arith.index_cast %swap3A_527 : i32 to index
        %swap3A_529 = arith.index_cast %scan3A_485 : i32 to index
        %swap3A_530 = arith.constant 32 : index
        %swap3A_531 = tpu.vector_load %arg8[%swap3A_528, %swap3A_529, %swap3A_530] {strides = array<i32>} : memref<3x128x128xf32, #tpu.memory_space<vmem>>, vector<1x1x16xf32>,
        %swap3A_532 = vector.shape_cast %swap3A_531 : vector<1x1x16xf32> to vector<16xf32>
        %swap3A_533 = vector.shape_cast %neg3A_526 : vector<16xf32> to vector<1x1x16xf32>
        tpu.vector_store %arg8[%swap3A_528, %swap3A_529, %swap3A_530], %swap3A_533 {add = true, strides = array<i32>} : memref<3x128x128xf32, #tpu.memory_space<vmem>>, vector<1x1x16xf32>,
        %get3A_534 = arith.constant 2 : i32
        %get3A_535 = arith.index_cast %get3A_534 : i32 to index
        %get3A_536 = arith.index_cast %scan3A_485 : i32 to index
        %get3A_537 = arith.constant 48 : index
        %get3A_538 = tpu.vector_load %arg9[%get3A_535, %get3A_536, %get3A_537] {strides = array<i32>} : memref<3x128x128xf32, #tpu.memory_space<vmem>>, vector<1x1x16xf32>,
        %get3A_539 = vector.shape_cast %get3A_538 : vector<1x1x16xf32> to vector<16xf32>
        %neg3A_540 = arith.constant 0.000000e+00 : f32
        %neg3A_541 = vector.broadcast %neg3A_540 : f32 to vector<16xf32>
        %neg3A_542 = arith.subf %neg3A_541, %get3A_539 : vector<16xf32>
        %swap3A_543 = arith.constant 2 : i32
        %swap3A_544 = arith.index_cast %swap3A_543 : i32 to index
        %swap3A_545 = arith.index_cast %scan3A_485 : i32 to index
        %swap3A_546 = arith.constant 48 : index
        %swap3A_547 = tpu.vector_load %arg8[%swap3A_544, %swap3A_545, %swap3A_546] {strides = array<i32>} : memref<3x128x128xf32, #tpu.memory_space<vmem>>, vector<1x1x16xf32>,
        %swap3A_548 = vector.shape_cast %swap3A_547 : vector<1x1x16xf32> to vector<16xf32>
        %swap3A_549 = vector.shape_cast %neg3A_542 : vector<16xf32> to vector<1x1x16xf32>
        tpu.vector_store %arg8[%swap3A_544, %swap3A_545, %swap3A_546], %swap3A_549 {add = true, strides = array<i32>} : memref<3x128x128xf32, #tpu.memory_space<vmem>>, vector<1x1x16xf32>,
        %get3A_550 = arith.constant 2 : i32
        %get3A_551 = arith.index_cast %get3A_550 : i32 to index
        %get3A_552 = arith.index_cast %scan3A_485 : i32 to index
        %get3A_553 = arith.constant 64 : index
        %get3A_554 = tpu.vector_load %arg9[%get3A_551, %get3A_552, %get3A_553] {strides = array<i32>} : memref<3x128x128xf32, #tpu.memory_space<vmem>>, vector<1x1x16xf32>,
        %get3A_555 = vector.shape_cast %get3A_554 : vector<1x1x16xf32> to vector<16xf32>
        %neg3A_556 = arith.constant 0.000000e+00 : f32
        %neg3A_557 = vector.broadcast %neg3A_556 : f32 to vector<16xf32>
        %neg3A_558 = arith.subf %neg3A_557, %get3A_555 : vector<16xf32>
        %swap3A_559 = arith.constant 2 : i32
        %swap3A_560 = arith.index_cast %swap3A_559 : i32 to index
        %swap3A_561 = arith.index_cast %scan3A_485 : i32 to index
        %swap3A_562 = arith.constant 64 : index
        %swap3A_563 = tpu.vector_load %arg8[%swap3A_560, %swap3A_561, %swap3A_562] {strides = array<i32>} : memref<3x128x128xf32, #tpu.memory_space<vmem>>, vector<1x1x16xf32>,
        %swap3A_564 = vector.shape_cast %swap3A_563 : vector<1x1x16xf32> to vector<16xf32>
        %swap3A_565 = vector.shape_cast %neg3A_558 : vector<16xf32> to vector<1x1x16xf32>
        tpu.vector_store %arg8[%swap3A_560, %swap3A_561, %swap3A_562], %swap3A_565 {add = true, strides = array<i32>} : memref<3x128x128xf32, #tpu.memory_space<vmem>>, vector<1x1x16xf32>,
        %get3A_566 = arith.constant 2 : i32
        %get3A_567 = arith.index_cast %get3A_566 : i32 to index
        %get3A_568 = arith.index_cast %scan3A_485 : i32 to index
        %get3A_569 = arith.constant 80 : index
        %get3A_570 = tpu.vector_load %arg9[%get3A_567, %get3A_568, %get3A_569] {strides = array<i32>} : memref<3x128x128xf32, #tpu.memory_space<vmem>>, vector<1x1x16xf32>,
        %get3A_571 = vector.shape_cast %get3A_570 : vector<1x1x16xf32> to vector<16xf32>
        %neg3A_572 = arith.constant 0.000000e+00 : f32
        %neg3A_573 = vector.broadcast %neg3A_572 : f32 to vector<16xf32>
        %neg3A_574 = arith.subf %neg3A_573, %get3A_571 : vector<16xf32>
        %swap3A_575 = arith.constant 2 : i32
        %swap3A_576 = arith.index_cast %swap3A_575 : i32 to index
        %swap3A_577 = arith.index_cast %scan3A_485 : i32 to index
        %swap3A_578 = arith.constant 80 : index
        %swap3A_579 = tpu.vector_load %arg8[%swap3A_576, %swap3A_577, %swap3A_578] {strides = array<i32>} : memref<3x128x128xf32, #tpu.memory_space<vmem>>, vector<1x1x16xf32>,
        %swap3A_580 = vector.shape_cast %swap3A_579 : vector<1x1x16xf32> to vector<16xf32>
        %swap3A_581 = vector.shape_cast %neg3A_574 : vector<16xf32> to vector<1x1x16xf32>
        tpu.vector_store %arg8[%swap3A_576, %swap3A_577, %swap3A_578], %swap3A_581 {add = true, strides = array<i32>} : memref<3x128x128xf32, #tpu.memory_space<vmem>>, vector<1x1x16xf32>,
        %get3A_582 = arith.constant 2 : i32
        %get3A_583 = arith.index_cast %get3A_582 : i32 to index
        %get3A_584 = arith.index_cast %scan3A_485 : i32 to index
        %get3A_585 = arith.constant 96 : index
        %get3A_586 = tpu.vector_load %arg9[%get3A_583, %get3A_584, %get3A_585] {strides = array<i32>} : memref<3x128x128xf32, #tpu.memory_space<vmem>>, vector<1x1x16xf32>,
        %get3A_587 = vector.shape_cast %get3A_586 : vector<1x1x16xf32> to vector<16xf32>
        %neg3A_588 = arith.constant 0.000000e+00 : f32
        %neg3A_589 = vector.broadcast %neg3A_588 : f32 to vector<16xf32>
        %neg3A_590 = arith.subf %neg3A_589, %get3A_587 : vector<16xf32>
        %swap3A_591 = arith.constant 2 : i32
        %swap3A_592 = arith.index_cast %swap3A_591 : i32 to index
        %swap3A_593 = arith.index_cast %scan3A_485 : i32 to index
        %swap3A_594 = arith.constant 96 : index
        %swap3A_595 = tpu.vector_load %arg8[%swap3A_592, %swap3A_593, %swap3A_594] {strides = array<i32>} : memref<3x128x128xf32, #tpu.memory_space<vmem>>, vector<1x1x16xf32>,
        %swap3A_596 = vector.shape_cast %swap3A_595 : vector<1x1x16xf32> to vector<16xf32>
        %swap3A_597 = vector.shape_cast %neg3A_590 : vector<16xf32> to vector<1x1x16xf32>
        tpu.vector_store %arg8[%swap3A_592, %swap3A_593, %swap3A_594], %swap3A_597 {add = true, strides = array<i32>} : memref<3x128x128xf32, #tpu.memory_space<vmem>>, vector<1x1x16xf32>,
        %get3A_598 = arith.constant 2 : i32
        %get3A_599 = arith.index_cast %get3A_598 : i32 to index
        %get3A_600 = arith.index_cast %scan3A_485 : i32 to index
        %get3A_601 = arith.constant 112 : index
        %get3A_602 = tpu.vector_load %arg9[%get3A_599, %get3A_600, %get3A_601] {strides = array<i32>} : memref<3x128x128xf32, #tpu.memory_space<vmem>>, vector<1x1x16xf32>,
        %get3A_603 = vector.shape_cast %get3A_602 : vector<1x1x16xf32> to vector<16xf32>
        %neg3A_604 = arith.constant 0.000000e+00 : f32
        %neg3A_605 = vector.broadcast %neg3A_604 : f32 to vector<16xf32>
        %neg3A_606 = arith.subf %neg3A_605, %get3A_603 : vector<16xf32>
        %swap3A_607 = arith.constant 2 : i32
        %swap3A_608 = arith.index_cast %swap3A_607 : i32 to index
        %swap3A_609 = arith.index_cast %scan3A_485 : i32 to index
        %swap3A_610 = arith.constant 112 : index
        %swap3A_611 = tpu.vector_load %arg8[%swap3A_608, %swap3A_609, %swap3A_610] {strides = array<i32>} : memref<3x128x128xf32, #tpu.memory_space<vmem>>, vector<1x1x16xf32>,
        %swap3A_612 = vector.shape_cast %swap3A_611 : vector<1x1x16xf32> to vector<16xf32>
        %swap3A_613 = vector.shape_cast %neg3A_606 : vector<16xf32> to vector<1x1x16xf32>
        tpu.vector_store %arg8[%swap3A_608, %swap3A_609, %swap3A_610], %swap3A_613 {add = true, strides = array<i32>} : memref<3x128x128xf32, #tpu.memory_space<vmem>>, vector<1x1x16xf32>,
        %scan3A_614 = arith.constant 2 : i32
        %scan3A_615 = arith.addi %scan3A_358, %scan3A_614 : i32
        %get3A_616 = arith.constant 2 : i32
        %get3A_617 = arith.index_cast %get3A_616 : i32 to index
        %get3A_618 = arith.index_cast %scan3A_615 : i32 to index
        %get3A_619 = arith.constant 0 : index
        %get3A_620 = tpu.vector_load %arg9[%get3A_617, %get3A_618, %get3A_619] {strides = array<i32>} : memref<3x128x128xf32, #tpu.memory_space<vmem>>, vector<1x1x16xf32>,
        %get3A_621 = vector.shape_cast %get3A_620 : vector<1x1x16xf32> to vector<16xf32>
        %neg3A_622 = arith.constant 0.000000e+00 : f32
        %neg3A_623 = vector.broadcast %neg3A_622 : f32 to vector<16xf32>
        %neg3A_624 = arith.subf %neg3A_623, %get3A_621 : vector<16xf32>
        %swap3A_625 = arith.constant 2 : i32
        %swap3A_626 = arith.index_cast %swap3A_625 : i32 to index
        %swap3A_627 = arith.index_cast %scan3A_615 : i32 to index
        %swap3A_628 = arith.constant 0 : index
        %swap3A_629 = tpu.vector_load %arg8[%swap3A_626, %swap3A_627, %swap3A_628] {strides = array<i32>} : memref<3x128x128xf32, #tpu.memory_space<vmem>>, vector<1x1x16xf32>,
        %swap3A_630 = vector.shape_cast %swap3A_629 : vector<1x1x16xf32> to vector<16xf32>
        %swap3A_631 = vector.shape_cast %neg3A_624 : vector<16xf32> to vector<1x1x16xf32>
        tpu.vector_store %arg8[%swap3A_626, %swap3A_627, %swap3A_628], %swap3A_631 {add = true, strides = array<i32>} : memref<3x128x128xf32, #tpu.memory_space<vmem>>, vector<1x1x16xf32>,
        %get3A_632 = arith.constant 2 : i32
        %get3A_633 = arith.index_cast %get3A_632 : i32 to index
        %get3A_634 = arith.index_cast %scan3A_615 : i32 to index
        %get3A_635 = arith.constant 16 : index
        %get3A_636 = tpu.vector_load %arg9[%get3A_633, %get3A_634, %get3A_635] {strides = array<i32>} : memref<3x128x128xf32, #tpu.memory_space<vmem>>, vector<1x1x16xf32>,
        %get3A_637 = vector.shape_cast %get3A_636 : vector<1x1x16xf32> to vector<16xf32>
        %neg3A_638 = arith.constant 0.000000e+00 : f32
        %neg3A_639 = vector.broadcast %neg3A_638 : f32 to vector<16xf32>
        %neg3A_640 = arith.subf %neg3A_639, %get3A_637 : vector<16xf32>
        %swap3A_641 = arith.constant 2 : i32
        %swap3A_642 = arith.index_cast %swap3A_641 : i32 to index
        %swap3A_643 = arith.index_cast %scan3A_615 : i32 to index
        %swap3A_644 = arith.constant 16 : index
        %swap3A_645 = tpu.vector_load %arg8[%swap3A_642, %swap3A_643, %swap3A_644] {strides = array<i32>} : memref<3x128x128xf32, #tpu.memory_space<vmem>>, vector<1x1x16xf32>,
        %swap3A_646 = vector.shape_cast %swap3A_645 : vector<1x1x16xf32> to vector<16xf32>
        %swap3A_647 = vector.shape_cast %neg3A_640 : vector<16xf32> to vector<1x1x16xf32>
        tpu.vector_store %arg8[%swap3A_642, %swap3A_643, %swap3A_644], %swap3A_647 {add = true, strides = array<i32>} : memref<3x128x128xf32, #tpu.memory_space<vmem>>, vector<1x1x16xf32>,
        %get3A_648 = arith.constant 2 : i32
        %get3A_649 = arith.index_cast %get3A_648 : i32 to index
        %get3A_650 = arith.index_cast %scan3A_615 : i32 to index
        %get3A_651 = arith.constant 32 : index
        %get3A_652 = tpu.vector_load %arg9[%get3A_649, %get3A_650, %get3A_651] {strides = array<i32>} : memref<3x128x128xf32, #tpu.memory_space<vmem>>, vector<1x1x16xf32>,
        %get3A_653 = vector.shape_cast %get3A_652 : vector<1x1x16xf32> to vector<16xf32>
        %neg3A_654 = arith.constant 0.000000e+00 : f32
        %neg3A_655 = vector.broadcast %neg3A_654 : f32 to vector<16xf32>
        %neg3A_656 = arith.subf %neg3A_655, %get3A_653 : vector<16xf32>
        %swap3A_657 = arith.constant 2 : i32
        %swap3A_658 = arith.index_cast %swap3A_657 : i32 to index
        %swap3A_659 = arith.index_cast %scan3A_615 : i32 to index
        %swap3A_660 = arith.constant 32 : index
        %swap3A_661 = tpu.vector_load %arg8[%swap3A_658, %swap3A_659, %swap3A_660] {strides = array<i32>} : memref<3x128x128xf32, #tpu.memory_space<vmem>>, vector<1x1x16xf32>,
        %swap3A_662 = vector.shape_cast %swap3A_661 : vector<1x1x16xf32> to vector<16xf32>
        %swap3A_663 = vector.shape_cast %neg3A_656 : vector<16xf32> to vector<1x1x16xf32>
        tpu.vector_store %arg8[%swap3A_658, %swap3A_659, %swap3A_660], %swap3A_663 {add = true, strides = array<i32>} : memref<3x128x128xf32, #tpu.memory_space<vmem>>, vector<1x1x16xf32>,
        %get3A_664 = arith.constant 2 : i32
        %get3A_665 = arith.index_cast %get3A_664 : i32 to index
        %get3A_666 = arith.index_cast %scan3A_615 : i32 to index
        %get3A_667 = arith.constant 48 : index
        %get3A_668 = tpu.vector_load %arg9[%get3A_665, %get3A_666, %get3A_667] {strides = array<i32>} : memref<3x128x128xf32, #tpu.memory_space<vmem>>, vector<1x1x16xf32>,
        %get3A_669 = vector.shape_cast %get3A_668 : vector<1x1x16xf32> to vector<16xf32>
        %neg3A_670 = arith.constant 0.000000e+00 : f32
        %neg3A_671 = vector.broadcast %neg3A_670 : f32 to vector<16xf32>
        %neg3A_672 = arith.subf %neg3A_671, %get3A_669 : vector<16xf32>
        %swap3A_673 = arith.constant 2 : i32
        %swap3A_674 = arith.index_cast %swap3A_673 : i32 to index
        %swap3A_675 = arith.index_cast %scan3A_615 : i32 to index
        %swap3A_676 = arith.constant 48 : index
        %swap3A_677 = tpu.vector_load %arg8[%swap3A_674, %swap3A_675, %swap3A_676] {strides = array<i32>} : memref<3x128x128xf32, #tpu.memory_space<vmem>>, vector<1x1x16xf32>,
        %swap3A_678 = vector.shape_cast %swap3A_677 : vector<1x1x16xf32> to vector<16xf32>
        %swap3A_679 = vector.shape_cast %neg3A_672 : vector<16xf32> to vector<1x1x16xf32>
        tpu.vector_store %arg8[%swap3A_674, %swap3A_675, %swap3A_676], %swap3A_679 {add = true, strides = array<i32>} : memref<3x128x128xf32, #tpu.memory_space<vmem>>, vector<1x1x16xf32>,
        %get3A_680 = arith.constant 2 : i32
        %get3A_681 = arith.index_cast %get3A_680 : i32 to index
        %get3A_682 = arith.index_cast %scan3A_615 : i32 to index
        %get3A_683 = arith.constant 64 : index
        %get3A_684 = tpu.vector_load %arg9[%get3A_681, %get3A_682, %get3A_683] {strides = array<i32>} : memref<3x128x128xf32, #tpu.memory_space<vmem>>, vector<1x1x16xf32>,
        %get3A_685 = vector.shape_cast %get3A_684 : vector<1x1x16xf32> to vector<16xf32>
        %neg3A_686 = arith.constant 0.000000e+00 : f32
        %neg3A_687 = vector.broadcast %neg3A_686 : f32 to vector<16xf32>
        %neg3A_688 = arith.subf %neg3A_687, %get3A_685 : vector<16xf32>
        %swap3A_689 = arith.constant 2 : i32
        %swap3A_690 = arith.index_cast %swap3A_689 : i32 to index
        %swap3A_691 = arith.index_cast %scan3A_615 : i32 to index
        %swap3A_692 = arith.constant 64 : index
        %swap3A_693 = tpu.vector_load %arg8[%swap3A_690, %swap3A_691, %swap3A_692] {strides = array<i32>} : memref<3x128x128xf32, #tpu.memory_space<vmem>>, vector<1x1x16xf32>,
        %swap3A_694 = vector.shape_cast %swap3A_693 : vector<1x1x16xf32> to vector<16xf32>
        %swap3A_695 = vector.shape_cast %neg3A_688 : vector<16xf32> to vector<1x1x16xf32>
        tpu.vector_store %arg8[%swap3A_690, %swap3A_691, %swap3A_692], %swap3A_695 {add = true, strides = array<i32>} : memref<3x128x128xf32, #tpu.memory_space<vmem>>, vector<1x1x16xf32>,
        %get3A_696 = arith.constant 2 : i32
        %get3A_697 = arith.index_cast %get3A_696 : i32 to index
        %get3A_698 = arith.index_cast %scan3A_615 : i32 to index
        %get3A_699 = arith.constant 80 : index
        %get3A_700 = tpu.vector_load %arg9[%get3A_697, %get3A_698, %get3A_699] {strides = array<i32>} : memref<3x128x128xf32, #tpu.memory_space<vmem>>, vector<1x1x16xf32>,
        %get3A_701 = vector.shape_cast %get3A_700 : vector<1x1x16xf32> to vector<16xf32>
        %neg3A_702 = arith.constant 0.000000e+00 : f32
        %neg3A_703 = vector.broadcast %neg3A_702 : f32 to vector<16xf32>
        %neg3A_704 = arith.subf %neg3A_703, %get3A_701 : vector<16xf32>
        %swap3A_705 = arith.constant 2 : i32
        %swap3A_706 = arith.index_cast %swap3A_705 : i32 to index
        %swap3A_707 = arith.index_cast %scan3A_615 : i32 to index
        %swap3A_708 = arith.constant 80 : index
        %swap3A_709 = tpu.vector_load %arg8[%swap3A_706, %swap3A_707, %swap3A_708] {strides = array<i32>} : memref<3x128x128xf32, #tpu.memory_space<vmem>>, vector<1x1x16xf32>,
        %swap3A_710 = vector.shape_cast %swap3A_709 : vector<1x1x16xf32> to vector<16xf32>
        %swap3A_711 = vector.shape_cast %neg3A_704 : vector<16xf32> to vector<1x1x16xf32>
        tpu.vector_store %arg8[%swap3A_706, %swap3A_707, %swap3A_708], %swap3A_711 {add = true, strides = array<i32>} : memref<3x128x128xf32, #tpu.memory_space<vmem>>, vector<1x1x16xf32>,
        %get3A_712 = arith.constant 2 : i32
        %get3A_713 = arith.index_cast %get3A_712 : i32 to index
        %get3A_714 = arith.index_cast %scan3A_615 : i32 to index
        %get3A_715 = arith.constant 96 : index
        %get3A_716 = tpu.vector_load %arg9[%get3A_713, %get3A_714, %get3A_715] {strides = array<i32>} : memref<3x128x128xf32, #tpu.memory_space<vmem>>, vector<1x1x16xf32>,
        %get3A_717 = vector.shape_cast %get3A_716 : vector<1x1x16xf32> to vector<16xf32>
        %neg3A_718 = arith.constant 0.000000e+00 : f32
        %neg3A_719 = vector.broadcast %neg3A_718 : f32 to vector<16xf32>
        %neg3A_720 = arith.subf %neg3A_719, %get3A_717 : vector<16xf32>
        %swap3A_721 = arith.constant 2 : i32
        %swap3A_722 = arith.index_cast %swap3A_721 : i32 to index
        %swap3A_723 = arith.index_cast %scan3A_615 : i32 to index
        %swap3A_724 = arith.constant 96 : index
        %swap3A_725 = tpu.vector_load %arg8[%swap3A_722, %swap3A_723, %swap3A_724] {strides = array<i32>} : memref<3x128x128xf32, #tpu.memory_space<vmem>>, vector<1x1x16xf32>,
        %swap3A_726 = vector.shape_cast %swap3A_725 : vector<1x1x16xf32> to vector<16xf32>
        %swap3A_727 = vector.shape_cast %neg3A_720 : vector<16xf32> to vector<1x1x16xf32>
        tpu.vector_store %arg8[%swap3A_722, %swap3A_723, %swap3A_724], %swap3A_727 {add = true, strides = array<i32>} : memref<3x128x128xf32, #tpu.memory_space<vmem>>, vector<1x1x16xf32>,
        %get3A_728 = arith.constant 2 : i32
        %get3A_729 = arith.index_cast %get3A_728 : i32 to index
        %get3A_730 = arith.index_cast %scan3A_615 : i32 to index
        %get3A_731 = arith.constant 112 : index
        %get3A_732 = tpu.vector_load %arg9[%get3A_729, %get3A_730, %get3A_731] {strides = array<i32>} : memref<3x128x128xf32, #tpu.memory_space<vmem>>, vector<1x1x16xf32>,
        %get3A_733 = vector.shape_cast %get3A_732 : vector<1x1x16xf32> to vector<16xf32>
        %neg3A_734 = arith.constant 0.000000e+00 : f32
        %neg3A_735 = vector.broadcast %neg3A_734 : f32 to vector<16xf32>
        %neg3A_736 = arith.subf %neg3A_735, %get3A_733 : vector<16xf32>
        %swap3A_737 = arith.constant 2 : i32
        %swap3A_738 = arith.index_cast %swap3A_737 : i32 to index
        %swap3A_739 = arith.index_cast %scan3A_615 : i32 to index
        %swap3A_740 = arith.constant 112 : index
        %swap3A_741 = tpu.vector_load %arg8[%swap3A_738, %swap3A_739, %swap3A_740] {strides = array<i32>} : memref<3x128x128xf32, #tpu.memory_space<vmem>>, vector<1x1x16xf32>,
        %swap3A_742 = vector.shape_cast %swap3A_741 : vector<1x1x16xf32> to vector<16xf32>
        %swap3A_743 = vector.shape_cast %neg3A_736 : vector<16xf32> to vector<1x1x16xf32>
        tpu.vector_store %arg8[%swap3A_738, %swap3A_739, %swap3A_740], %swap3A_743 {add = true, strides = array<i32>} : memref<3x128x128xf32, #tpu.memory_space<vmem>>, vector<1x1x16xf32>,
        %scan3A_744 = arith.constant 3 : i32
        %scan3A_745 = arith.addi %scan3A_358, %scan3A_744 : i32
        %get3A_746 = arith.constant 2 : i32
        %get3A_747 = arith.index_cast %get3A_746 : i32 to index
        %get3A_748 = arith.index_cast %scan3A_745 : i32 to index
        %get3A_749 = arith.constant 0 : index
        %get3A_750 = tpu.vector_load %arg9[%get3A_747, %get3A_748, %get3A_749] {strides = array<i32>} : memref<3x128x128xf32, #tpu.memory_space<vmem>>, vector<1x1x16xf32>,
        %get3A_751 = vector.shape_cast %get3A_750 : vector<1x1x16xf32> to vector<16xf32>
        %neg3A_752 = arith.constant 0.000000e+00 : f32
        %neg3A_753 = vector.broadcast %neg3A_752 : f32 to vector<16xf32>
        %neg3A_754 = arith.subf %neg3A_753, %get3A_751 : vector<16xf32>
        %swap3A_755 = arith.constant 2 : i32
        %swap3A_756 = arith.index_cast %swap3A_755 : i32 to index
        %swap3A_757 = arith.index_cast %scan3A_745 : i32 to index
        %swap3A_758 = arith.constant 0 : index
        %swap3A_759 = tpu.vector_load %arg8[%swap3A_756, %swap3A_757, %swap3A_758] {strides = array<i32>} : memref<3x128x128xf32, #tpu.memory_space<vmem>>, vector<1x1x16xf32>,
        %swap3A_760 = vector.shape_cast %swap3A_759 : vector<1x1x16xf32> to vector<16xf32>
        %swap3A_761 = vector.shape_cast %neg3A_754 : vector<16xf32> to vector<1x1x16xf32>
        tpu.vector_store %arg8[%swap3A_756, %swap3A_757, %swap3A_758], %swap3A_761 {add = true, strides = array<i32>} : memref<3x128x128xf32, #tpu.memory_space<vmem>>, vector<1x1x16xf32>,
        %get3A_762 = arith.constant 2 : i32
        %get3A_763 = arith.index_cast %get3A_762 : i32 to index
        %get3A_764 = arith.index_cast %scan3A_745 : i32 to index
        %get3A_765 = arith.constant 16 : index
        %get3A_766 = tpu.vector_load %arg9[%get3A_763, %get3A_764, %get3A_765] {strides = array<i32>} : memref<3x128x128xf32, #tpu.memory_space<vmem>>, vector<1x1x16xf32>,
        %get3A_767 = vector.shape_cast %get3A_766 : vector<1x1x16xf32> to vector<16xf32>
        %neg3A_768 = arith.constant 0.000000e+00 : f32
        %neg3A_769 = vector.broadcast %neg3A_768 : f32 to vector<16xf32>
        %neg3A_770 = arith.subf %neg3A_769, %get3A_767 : vector<16xf32>
        %swap3A_771 = arith.constant 2 : i32
        %swap3A_772 = arith.index_cast %swap3A_771 : i32 to index
        %swap3A_773 = arith.index_cast %scan3A_745 : i32 to index
        %swap3A_774 = arith.constant 16 : index
        %swap3A_775 = tpu.vector_load %arg8[%swap3A_772, %swap3A_773, %swap3A_774] {strides = array<i32>} : memref<3x128x128xf32, #tpu.memory_space<vmem>>, vector<1x1x16xf32>,
        %swap3A_776 = vector.shape_cast %swap3A_775 : vector<1x1x16xf32> to vector<16xf32>
        %swap3A_777 = vector.shape_cast %neg3A_770 : vector<16xf32> to vector<1x1x16xf32>
        tpu.vector_store %arg8[%swap3A_772, %swap3A_773, %swap3A_774], %swap3A_777 {add = true, strides = array<i32>} : memref<3x128x128xf32, #tpu.memory_space<vmem>>, vector<1x1x16xf32>,
        %get3A_778 = arith.constant 2 : i32
        %get3A_779 = arith.index_cast %get3A_778 : i32 to index
        %get3A_780 = arith.index_cast %scan3A_745 : i32 to index
        %get3A_781 = arith.constant 32 : index
        %get3A_782 = tpu.vector_load %arg9[%get3A_779, %get3A_780, %get3A_781] {strides = array<i32>} : memref<3x128x128xf32, #tpu.memory_space<vmem>>, vector<1x1x16xf32>,
        %get3A_783 = vector.shape_cast %get3A_782 : vector<1x1x16xf32> to vector<16xf32>
        %neg3A_784 = arith.constant 0.000000e+00 : f32
        %neg3A_785 = vector.broadcast %neg3A_784 : f32 to vector<16xf32>
        %neg3A_786 = arith.subf %neg3A_785, %get3A_783 : vector<16xf32>
        %swap3A_787 = arith.constant 2 : i32
        %swap3A_788 = arith.index_cast %swap3A_787 : i32 to index
        %swap3A_789 = arith.index_cast %scan3A_745 : i32 to index
        %swap3A_790 = arith.constant 32 : index
        %swap3A_791 = tpu.vector_load %arg8[%swap3A_788, %swap3A_789, %swap3A_790] {strides = array<i32>} : memref<3x128x128xf32, #tpu.memory_space<vmem>>, vector<1x1x16xf32>,
        %swap3A_792 = vector.shape_cast %swap3A_791 : vector<1x1x16xf32> to vector<16xf32>
        %swap3A_793 = vector.shape_cast %neg3A_786 : vector<16xf32> to vector<1x1x16xf32>
        tpu.vector_store %arg8[%swap3A_788, %swap3A_789, %swap3A_790], %swap3A_793 {add = true, strides = array<i32>} : memref<3x128x128xf32, #tpu.memory_space<vmem>>, vector<1x1x16xf32>,
        %get3A_794 = arith.constant 2 : i32
        %get3A_795 = arith.index_cast %get3A_794 : i32 to index
        %get3A_796 = arith.index_cast %scan3A_745 : i32 to index
        %get3A_797 = arith.constant 48 : index
        %get3A_798 = tpu.vector_load %arg9[%get3A_795, %get3A_796, %get3A_797] {strides = array<i32>} : memref<3x128x128xf32, #tpu.memory_space<vmem>>, vector<1x1x16xf32>,
        %get3A_799 = vector.shape_cast %get3A_798 : vector<1x1x16xf32> to vector<16xf32>
        %neg3A_800 = arith.constant 0.000000e+00 : f32
        %neg3A_801 = vector.broadcast %neg3A_800 : f32 to vector<16xf32>
        %neg3A_802 = arith.subf %neg3A_801, %get3A_799 : vector<16xf32>
        %swap3A_803 = arith.constant 2 : i32
        %swap3A_804 = arith.index_cast %swap3A_803 : i32 to index
        %swap3A_805 = arith.index_cast %scan3A_745 : i32 to index
        %swap3A_806 = arith.constant 48 : index
        %swap3A_807 = tpu.vector_load %arg8[%swap3A_804, %swap3A_805, %swap3A_806] {strides = array<i32>} : memref<3x128x128xf32, #tpu.memory_space<vmem>>, vector<1x1x16xf32>,
        %swap3A_808 = vector.shape_cast %swap3A_807 : vector<1x1x16xf32> to vector<16xf32>
        %swap3A_809 = vector.shape_cast %neg3A_802 : vector<16xf32> to vector<1x1x16xf32>
        tpu.vector_store %arg8[%swap3A_804, %swap3A_805, %swap3A_806], %swap3A_809 {add = true, strides = array<i32>} : memref<3x128x128xf32, #tpu.memory_space<vmem>>, vector<1x1x16xf32>,
        %get3A_810 = arith.constant 2 : i32
        %get3A_811 = arith.index_cast %get3A_810 : i32 to index
        %get3A_812 = arith.index_cast %scan3A_745 : i32 to index
        %get3A_813 = arith.constant 64 : index
        %get3A_814 = tpu.vector_load %arg9[%get3A_811, %get3A_812, %get3A_813] {strides = array<i32>} : memref<3x128x128xf32, #tpu.memory_space<vmem>>, vector<1x1x16xf32>,
        %get3A_815 = vector.shape_cast %get3A_814 : vector<1x1x16xf32> to vector<16xf32>
        %neg3A_816 = arith.constant 0.000000e+00 : f32
        %neg3A_817 = vector.broadcast %neg3A_816 : f32 to vector<16xf32>
        %neg3A_818 = arith.subf %neg3A_817, %get3A_815 : vector<16xf32>
        %swap3A_819 = arith.constant 2 : i32
        %swap3A_820 = arith.index_cast %swap3A_819 : i32 to index
        %swap3A_821 = arith.index_cast %scan3A_745 : i32 to index
        %swap3A_822 = arith.constant 64 : index
        %swap3A_823 = tpu.vector_load %arg8[%swap3A_820, %swap3A_821, %swap3A_822] {strides = array<i32>} : memref<3x128x128xf32, #tpu.memory_space<vmem>>, vector<1x1x16xf32>,
        %swap3A_824 = vector.shape_cast %swap3A_823 : vector<1x1x16xf32> to vector<16xf32>
        %swap3A_825 = vector.shape_cast %neg3A_818 : vector<16xf32> to vector<1x1x16xf32>
        tpu.vector_store %arg8[%swap3A_820, %swap3A_821, %swap3A_822], %swap3A_825 {add = true, strides = array<i32>} : memref<3x128x128xf32, #tpu.memory_space<vmem>>, vector<1x1x16xf32>,
        %get3A_826 = arith.constant 2 : i32
        %get3A_827 = arith.index_cast %get3A_826 : i32 to index
        %get3A_828 = arith.index_cast %scan3A_745 : i32 to index
        %get3A_829 = arith.constant 80 : index
        %get3A_830 = tpu.vector_load %arg9[%get3A_827, %get3A_828, %get3A_829] {strides = array<i32>} : memref<3x128x128xf32, #tpu.memory_space<vmem>>, vector<1x1x16xf32>,
        %get3A_831 = vector.shape_cast %get3A_830 : vector<1x1x16xf32> to vector<16xf32>
        %neg3A_832 = arith.constant 0.000000e+00 : f32
        %neg3A_833 = vector.broadcast %neg3A_832 : f32 to vector<16xf32>
        %neg3A_834 = arith.subf %neg3A_833, %get3A_831 : vector<16xf32>
        %swap3A_835 = arith.constant 2 : i32
        %swap3A_836 = arith.index_cast %swap3A_835 : i32 to index
        %swap3A_837 = arith.index_cast %scan3A_745 : i32 to index
        %swap3A_838 = arith.constant 80 : index
        %swap3A_839 = tpu.vector_load %arg8[%swap3A_836, %swap3A_837, %swap3A_838] {strides = array<i32>} : memref<3x128x128xf32, #tpu.memory_space<vmem>>, vector<1x1x16xf32>,
        %swap3A_840 = vector.shape_cast %swap3A_839 : vector<1x1x16xf32> to vector<16xf32>
        %swap3A_841 = vector.shape_cast %neg3A_834 : vector<16xf32> to vector<1x1x16xf32>
        tpu.vector_store %arg8[%swap3A_836, %swap3A_837, %swap3A_838], %swap3A_841 {add = true, strides = array<i32>} : memref<3x128x128xf32, #tpu.memory_space<vmem>>, vector<1x1x16xf32>,
        %get3A_842 = arith.constant 2 : i32
        %get3A_843 = arith.index_cast %get3A_842 : i32 to index
        %get3A_844 = arith.index_cast %scan3A_745 : i32 to index
        %get3A_845 = arith.constant 96 : index
        %get3A_846 = tpu.vector_load %arg9[%get3A_843, %get3A_844, %get3A_845] {strides = array<i32>} : memref<3x128x128xf32, #tpu.memory_space<vmem>>, vector<1x1x16xf32>,
        %get3A_847 = vector.shape_cast %get3A_846 : vector<1x1x16xf32> to vector<16xf32>
        %neg3A_848 = arith.constant 0.000000e+00 : f32
        %neg3A_849 = vector.broadcast %neg3A_848 : f32 to vector<16xf32>
        %neg3A_850 = arith.subf %neg3A_849, %get3A_847 : vector<16xf32>
        %swap3A_851 = arith.constant 2 : i32
        %swap3A_852 = arith.index_cast %swap3A_851 : i32 to index
        %swap3A_853 = arith.index_cast %scan3A_745 : i32 to index
        %swap3A_854 = arith.constant 96 : index
        %swap3A_855 = tpu.vector_load %arg8[%swap3A_852, %swap3A_853, %swap3A_854] {strides = array<i32>} : memref<3x128x128xf32, #tpu.memory_space<vmem>>, vector<1x1x16xf32>,
        %swap3A_856 = vector.shape_cast %swap3A_855 : vector<1x1x16xf32> to vector<16xf32>
        %swap3A_857 = vector.shape_cast %neg3A_850 : vector<16xf32> to vector<1x1x16xf32>
        tpu.vector_store %arg8[%swap3A_852, %swap3A_853, %swap3A_854], %swap3A_857 {add = true, strides = array<i32>} : memref<3x128x128xf32, #tpu.memory_space<vmem>>, vector<1x1x16xf32>,
        %get3A_858 = arith.constant 2 : i32
        %get3A_859 = arith.index_cast %get3A_858 : i32 to index
        %get3A_860 = arith.index_cast %scan3A_745 : i32 to index
        %get3A_861 = arith.constant 112 : index
        %get3A_862 = tpu.vector_load %arg9[%get3A_859, %get3A_860, %get3A_861] {strides = array<i32>} : memref<3x128x128xf32, #tpu.memory_space<vmem>>, vector<1x1x16xf32>,
        %get3A_863 = vector.shape_cast %get3A_862 : vector<1x1x16xf32> to vector<16xf32>
        %neg3A_864 = arith.constant 0.000000e+00 : f32
        %neg3A_865 = vector.broadcast %neg3A_864 : f32 to vector<16xf32>
        %neg3A_866 = arith.subf %neg3A_865, %get3A_863 : vector<16xf32>
        %swap3A_867 = arith.constant 2 : i32
        %swap3A_868 = arith.index_cast %swap3A_867 : i32 to index
        %swap3A_869 = arith.index_cast %scan3A_745 : i32 to index
        %swap3A_870 = arith.constant 112 : index
        %swap3A_871 = tpu.vector_load %arg8[%swap3A_868, %swap3A_869, %swap3A_870] {strides = array<i32>} : memref<3x128x128xf32, #tpu.memory_space<vmem>>, vector<1x1x16xf32>,
        %swap3A_872 = vector.shape_cast %swap3A_871 : vector<1x1x16xf32> to vector<16xf32>
        %swap3A_873 = vector.shape_cast %neg3A_866 : vector<16xf32> to vector<1x1x16xf32>
        tpu.vector_store %arg8[%swap3A_868, %swap3A_869, %swap3A_870], %swap3A_873 {add = true, strides = array<i32>} : memref<3x128x128xf32, #tpu.memory_space<vmem>>, vector<1x1x16xf32>,
      }
      %scan3A_334 = arith.constant 128 : i32
      %mul3A_335 = arith.constant 128 : i32
      %mul3A_336 = arith.muli %add3A_288, %mul3A_335 : i32
      %add3A_337 = arith.addi %mul3A_2, %mul3A_336 : i32
      %dma_start3A_338 = arith.constant 2 : i32
      %dma_start3A_339 = arith.constant 0 : i32
      %dma_start3A_340 = arith.constant 0 : i32
      %dma_start3A_341 = tpu.memref_slice %arg8[%dma_start3A_338, %dma_start3A_339, %dma_start3A_340] : memref<3x128x128xf32, #tpu.memory_space<vmem>> -> memref<1x128x128xf32, #tpu.memory_space<vmem>>
      %dma_start3A_342 = tpu.memref_squeeze %dma_start3A_341 : memref<1x128x128xf32, #tpu.memory_space<vmem>> -> memref<128x128xf32, #tpu.memory_space<vmem>>
      %dma_start3A_343 = arith.constant 0 : i32
      %dma_start3A_344 = tpu.memref_slice %arg5[%add3A_337, %dma_start3A_343] : memref<320000x128xf32, #tpu.memory_space<hbm>> -> memref<128x128xf32, #tpu.memory_space<hbm>>
      %dma_start3A_345 = arith.constant 0 : i32
      %dma_start3A_346 = tpu.memref_slice %arg5[%add3A_337, %dma_start3A_345] : memref<320000x128xf32, #tpu.memory_space<hbm>> -> memref<128x128xf32, #tpu.memory_space<hbm>>
      %dma_start3A_347 = arith.constant 0 : i32
      %dma_start3A_348 = arith.constant 0 : i32
      %dma_start3A_349 = tpu.memref_slice %arg8[%dma_start3A_338, %dma_start3A_347, %dma_start3A_348] : memref<3x128x128xf32, #tpu.memory_space<vmem>> -> memref<1x128x128xf32, #tpu.memory_space<vmem>>
      %dma_start3A_350 = tpu.memref_squeeze %dma_start3A_349 : memref<1x128x128xf32, #tpu.memory_space<vmem>> -> memref<128x128xf32, #tpu.memory_space<vmem>>
      tpu.enqueue_dma source(%dma_start3A_350 : memref<128x128xf32, #tpu.memory_space<vmem>>) target(%dma_start3A_346 : memref<128x128xf32, #tpu.memory_space<hbm>>) target_semaphore(%arg18 : memref<!tpu.dma_semaphore, #tpu.memory_space<semaphore_mem>>)
      %add3A_351 = arith.constant 2 : i32
      %add3A_352 = arith.addi %add3A_288, %add3A_351 : i32
      %lt3A_353 = arith.constant 78 : i32
      %lt3A_354 = arith.cmpi slt, %add3A_352, %lt3A_353 : i32
      %convert_element_type3A_355 = arith.extui %lt3A_354 : i1 to i32
      %cond3A_356 = arith.constant 0 : i32
      %cond3A_357 = arith.cmpi ne, %convert_element_type3A_355, %cond3A_356 : i32
      scf.if %cond3A_357 {
        %ge3A = arith.constant 1 : i32
        %ge3A_358 = arith.cmpi sge, %add3A_288, %ge3A : i32
        %convert_element_type3A_359 = arith.extui %ge3A_358 : i1 to i32
        %cond3A_360 = arith.constant 0 : i32
        %cond3A_361 = arith.cmpi ne, %convert_element_type3A_359, %cond3A_360 : i32
        scf.if %cond3A_361 {
          %dma_wait3A_406 = arith.constant 1 : i32
          %dma_wait3A_407 = arith.constant 0 : i32
          %dma_wait3A_408 = arith.constant 0 : i32
          %dma_wait3A_409 = tpu.memref_slice %arg8[%dma_wait3A_406, %dma_wait3A_407, %dma_wait3A_408] : memref<3x128x128xf32, #tpu.memory_space<vmem>> -> memref<1x128x128xf32, #tpu.memory_space<vmem>>
          %dma_wait3A_410 = tpu.memref_squeeze %dma_wait3A_409 : memref<1x128x128xf32, #tpu.memory_space<vmem>> -> memref<128x128xf32, #tpu.memory_space<vmem>>
          %dma_wait3A_411 = arith.constant 0 : i32
          %dma_wait3A_412 = arith.constant 0 : i32
          %dma_wait3A_413 = tpu.memref_slice %arg5[%dma_wait3A_411, %dma_wait3A_412] : memref<320000x128xf32, #tpu.memory_space<hbm>> -> memref<128x128xf32, #tpu.memory_space<hbm>>
          %dma_wait3A_414 = arith.constant 0 : i32
          %dma_wait3A_415 = arith.constant 0 : i32
          %dma_wait3A_416 = tpu.memref_slice %arg5[%dma_wait3A_414, %dma_wait3A_415] : memref<320000x128xf32, #tpu.memory_space<hbm>> -> memref<128x128xf32, #tpu.memory_space<hbm>>
          %dma_wait3A_417 = arith.constant 0 : i32
          %dma_wait3A_418 = arith.constant 0 : i32
          %dma_wait3A_419 = tpu.memref_slice %arg8[%dma_wait3A_406, %dma_wait3A_417, %dma_wait3A_418] : memref<3x128x128xf32, #tpu.memory_space<vmem>> -> memref<1x128x128xf32, #tpu.memory_space<vmem>>
          %dma_wait3A_420 = tpu.memref_squeeze %dma_wait3A_419 : memref<1x128x128xf32, #tpu.memory_space<vmem>> -> memref<128x128xf32, #tpu.memory_space<vmem>>
          tpu.wait_dma2 semaphore(%arg17 : memref<!tpu.dma_semaphore, #tpu.memory_space<semaphore_mem>>) src(%dma_wait3A_420 : memref<128x128xf32, #tpu.memory_space<vmem>>) dst(%dma_wait3A_416 : memref<128x128xf32, #tpu.memory_space<hbm>>)
        } else {
        }
        %add3A_362 = arith.constant 2 : i32
        %add3A_363 = arith.addi %add3A_288, %add3A_362 : i32
        %mul3A_364 = arith.constant 128 : i32
        %mul3A_365 = arith.muli %add3A_363, %mul3A_364 : i32
        %dma_start3A_366 = arith.constant 1 : i32
        %dma_start3A_367 = arith.constant 0 : i32
        %dma_start3A_368 = arith.constant 0 : i32
        %dma_start3A_369 = tpu.memref_slice %arg8[%dma_start3A_366, %dma_start3A_367, %dma_start3A_368] : memref<3x128x128xf32, #tpu.memory_space<vmem>> -> memref<1x64x128xf32, #tpu.memory_space<vmem>>
        %dma_start3A_370 = tpu.memref_squeeze %dma_start3A_369 : memref<1x64x128xf32, #tpu.memory_space<vmem>> -> memref<64x128xf32, #tpu.memory_space<vmem>>
        %dma_start3A_371 = tpu.memref_slice %arg6[%mul3A_365] : memref<10000xi32, #tpu.memory_space<vmem>> -> memref<64xi32, #tpu.memory_space<vmem>>
        %dma_start3A_372 = arith.constant 0 : i32
        %dma_start3A_373 = arith.constant 0 : i32
        %dma_start3A_374 = tpu.memref_slice %arg2[%dma_start3A_372, %dma_start3A_373] : memref<10000x128xf32, #tpu.memory_space<hbm>> -> memref<10000x128xf32, #tpu.memory_space<hbm>>
        tpu.enqueue_indirect_dma source(%dma_start3A_374 : memref<10000x128xf32, #tpu.memory_space<hbm>>) target(%dma_start3A_370 : memref<64x128xf32, #tpu.memory_space<vmem>>) offsets(%dma_start3A_371 : memref<64xi32, #tpu.memory_space<vmem>>) semaphore(%arg11 : memref<!tpu.dma_semaphore, #tpu.memory_space<semaphore_mem>>)
        %add3A_375 = arith.constant 64 : i32
        %add3A_376 = arith.addi %mul3A_365, %add3A_375 : i32
        %dma_start3A_377 = arith.constant 1 : i32
        %dma_start3A_378 = arith.constant 64 : i32
        %dma_start3A_379 = arith.constant 0 : i32
        %dma_start3A_380 = tpu.memref_slice %arg8[%dma_start3A_377, %dma_start3A_378, %dma_start3A_379] : memref<3x128x128xf32, #tpu.memory_space<vmem>> -> memref<1x64x128xf32, #tpu.memory_space<vmem>>
        %dma_start3A_381 = tpu.memref_squeeze %dma_start3A_380 : memref<1x64x128xf32, #tpu.memory_space<vmem>> -> memref<64x128xf32, #tpu.memory_space<vmem>>
        %dma_start3A_382 = tpu.memref_slice %arg6[%add3A_376] : memref<10000xi32, #tpu.memory_space<vmem>> -> memref<64xi32, #tpu.memory_space<vmem>>
        %dma_start3A_383 = arith.constant 0 : i32
        %dma_start3A_384 = arith.constant 0 : i32
        %dma_start3A_385 = tpu.memref_slice %arg2[%dma_start3A_383, %dma_start3A_384] : memref<10000x128xf32, #tpu.memory_space<hbm>> -> memref<10000x128xf32, #tpu.memory_space<hbm>>
        tpu.enqueue_indirect_dma source(%dma_start3A_385 : memref<10000x128xf32, #tpu.memory_space<hbm>>) target(%dma_start3A_381 : memref<64x128xf32, #tpu.memory_space<vmem>>) offsets(%dma_start3A_382 : memref<64xi32, #tpu.memory_space<vmem>>) semaphore(%arg11 : memref<!tpu.dma_semaphore, #tpu.memory_space<semaphore_mem>>)
        %dma_start3A_386 = arith.constant 1 : i32
        %dma_start3A_387 = arith.constant 0 : i32
        %dma_start3A_388 = arith.constant 0 : i32
        %dma_start3A_389 = tpu.memref_slice %arg9[%dma_start3A_386, %dma_start3A_387, %dma_start3A_388] : memref<3x128x128xf32, #tpu.memory_space<vmem>> -> memref<1x64x128xf32, #tpu.memory_space<vmem>>
        %dma_start3A_390 = tpu.memref_squeeze %dma_start3A_389 : memref<1x64x128xf32, #tpu.memory_space<vmem>> -> memref<64x128xf32, #tpu.memory_space<vmem>>
        %dma_start3A_391 = tpu.memref_slice %arg7[%mul3A_365] : memref<10000xi32, #tpu.memory_space<vmem>> -> memref<64xi32, #tpu.memory_space<vmem>>
        %dma_start3A_392 = arith.constant 0 : i32
        %dma_start3A_393 = arith.constant 0 : i32
        %dma_start3A_394 = tpu.memref_slice %arg2[%dma_start3A_392, %dma_start3A_393] : memref<10000x128xf32, #tpu.memory_space<hbm>> -> memref<10000x128xf32, #tpu.memory_space<hbm>>
        tpu.enqueue_indirect_dma source(%dma_start3A_394 : memref<10000x128xf32, #tpu.memory_space<hbm>>) target(%dma_start3A_390 : memref<64x128xf32, #tpu.memory_space<vmem>>) offsets(%dma_start3A_391 : memref<64xi32, #tpu.memory_space<vmem>>) semaphore(%arg14 : memref<!tpu.dma_semaphore, #tpu.memory_space<semaphore_mem>>)
        %add3A_395 = arith.constant 64 : i32
        %add3A_396 = arith.addi %mul3A_365, %add3A_395 : i32
        %dma_start3A_397 = arith.constant 1 : i32
        %dma_start3A_398 = arith.constant 64 : i32
        %dma_start3A_399 = arith.constant 0 : i32
        %dma_start3A_400 = tpu.memref_slice %arg9[%dma_start3A_397, %dma_start3A_398, %dma_start3A_399] : memref<3x128x128xf32, #tpu.memory_space<vmem>> -> memref<1x64x128xf32, #tpu.memory_space<vmem>>
        %dma_start3A_401 = tpu.memref_squeeze %dma_start3A_400 : memref<1x64x128xf32, #tpu.memory_space<vmem>> -> memref<64x128xf32, #tpu.memory_space<vmem>>
        %dma_start3A_402 = tpu.memref_slice %arg7[%add3A_396] : memref<10000xi32, #tpu.memory_space<vmem>> -> memref<64xi32, #tpu.memory_space<vmem>>
        %dma_start3A_403 = arith.constant 0 : i32
        %dma_start3A_404 = arith.constant 0 : i32
        %dma_start3A_405 = tpu.memref_slice %arg2[%dma_start3A_403, %dma_start3A_404] : memref<10000x128xf32, #tpu.memory_space<hbm>> -> memref<10000x128xf32, #tpu.memory_space<hbm>>
        tpu.enqueue_indirect_dma source(%dma_start3A_405 : memref<10000x128xf32, #tpu.memory_space<hbm>>) target(%dma_start3A_401 : memref<64x128xf32, #tpu.memory_space<vmem>>) offsets(%dma_start3A_402 : memref<64xi32, #tpu.memory_space<vmem>>) semaphore(%arg14 : memref<!tpu.dma_semaphore, #tpu.memory_space<semaphore_mem>>)
      } else {
      }
    }
    %scan3A_96 = arith.constant 26 : i32
    %dma_wait3A = arith.constant 0 : i32
    %dma_wait3A_97 = arith.constant 0 : i32
    %dma_wait3A_98 = arith.constant 0 : i32
    %dma_wait3A_99 = tpu.memref_slice %arg8[%dma_wait3A, %dma_wait3A_97, %dma_wait3A_98] : memref<3x128x128xf32, #tpu.memory_space<vmem>> -> memref<1x128x128xf32, #tpu.memory_space<vmem>>
    %dma_wait3A_100 = tpu.memref_squeeze %dma_wait3A_99 : memref<1x128x128xf32, #tpu.memory_space<vmem>> -> memref<128x128xf32, #tpu.memory_space<vmem>>
    %dma_wait3A_101 = arith.constant 0 : i32
    %dma_wait3A_102 = arith.constant 0 : i32
    %dma_wait3A_103 = tpu.memref_slice %arg5[%dma_wait3A_101, %dma_wait3A_102] : memref<320000x128xf32, #tpu.memory_space<hbm>> -> memref<128x128xf32, #tpu.memory_space<hbm>>
    %dma_wait3A_104 = arith.constant 0 : i32
    %dma_wait3A_105 = arith.constant 0 : i32
    %dma_wait3A_106 = tpu.memref_slice %arg5[%dma_wait3A_104, %dma_wait3A_105] : memref<320000x128xf32, #tpu.memory_space<hbm>> -> memref<128x128xf32, #tpu.memory_space<hbm>>
    %dma_wait3A_107 = arith.constant 0 : i32
    %dma_wait3A_108 = arith.constant 0 : i32
    %dma_wait3A_109 = tpu.memref_slice %arg8[%dma_wait3A, %dma_wait3A_107, %dma_wait3A_108] : memref<3x128x128xf32, #tpu.memory_space<vmem>> -> memref<1x128x128xf32, #tpu.memory_space<vmem>>
    %dma_wait3A_110 = tpu.memref_squeeze %dma_wait3A_109 : memref<1x128x128xf32, #tpu.memory_space<vmem>> -> memref<128x128xf32, #tpu.memory_space<vmem>>
    tpu.wait_dma2 semaphore(%arg16 : memref<!tpu.dma_semaphore, #tpu.memory_space<semaphore_mem>>) src(%dma_wait3A_110 : memref<128x128xf32, #tpu.memory_space<vmem>>) dst(%dma_wait3A_106 : memref<128x128xf32, #tpu.memory_space<hbm>>)
    %dma_wait3A_111 = arith.constant 1 : i32
    %dma_wait3A_112 = arith.constant 0 : i32
    %dma_wait3A_113 = arith.constant 0 : i32
    %dma_wait3A_114 = tpu.memref_slice %arg8[%dma_wait3A_111, %dma_wait3A_112, %dma_wait3A_113] : memref<3x128x128xf32, #tpu.memory_space<vmem>> -> memref<1x128x128xf32, #tpu.memory_space<vmem>>
    %dma_wait3A_115 = tpu.memref_squeeze %dma_wait3A_114 : memref<1x128x128xf32, #tpu.memory_space<vmem>> -> memref<128x128xf32, #tpu.memory_space<vmem>>
    %dma_wait3A_116 = arith.constant 0 : i32
    %dma_wait3A_117 = arith.constant 0 : i32
    %dma_wait3A_118 = tpu.memref_slice %arg5[%dma_wait3A_116, %dma_wait3A_117] : memref<320000x128xf32, #tpu.memory_space<hbm>> -> memref<128x128xf32, #tpu.memory_space<hbm>>
    %dma_wait3A_119 = arith.constant 0 : i32
    %dma_wait3A_120 = arith.constant 0 : i32
    %dma_wait3A_121 = tpu.memref_slice %arg5[%dma_wait3A_119, %dma_wait3A_120] : memref<320000x128xf32, #tpu.memory_space<hbm>> -> memref<128x128xf32, #tpu.memory_space<hbm>>
    %dma_wait3A_122 = arith.constant 0 : i32
    %dma_wait3A_123 = arith.constant 0 : i32
    %dma_wait3A_124 = tpu.memref_slice %arg8[%dma_wait3A_111, %dma_wait3A_122, %dma_wait3A_123] : memref<3x128x128xf32, #tpu.memory_space<vmem>> -> memref<1x128x128xf32, #tpu.memory_space<vmem>>
    %dma_wait3A_125 = tpu.memref_squeeze %dma_wait3A_124 : memref<1x128x128xf32, #tpu.memory_space<vmem>> -> memref<128x128xf32, #tpu.memory_space<vmem>>
    tpu.wait_dma2 semaphore(%arg17 : memref<!tpu.dma_semaphore, #tpu.memory_space<semaphore_mem>>) src(%dma_wait3A_125 : memref<128x128xf32, #tpu.memory_space<vmem>>) dst(%dma_wait3A_121 : memref<128x128xf32, #tpu.memory_space<hbm>>)
    %dma_wait3A_126 = arith.constant 2 : i32
    %dma_wait3A_127 = arith.constant 0 : i32
    %dma_wait3A_128 = arith.constant 0 : i32
    %dma_wait3A_129 = tpu.memref_slice %arg8[%dma_wait3A_126, %dma_wait3A_127, %dma_wait3A_128] : memref<3x128x128xf32, #tpu.memory_space<vmem>> -> memref<1x128x128xf32, #tpu.memory_space<vmem>>
    %dma_wait3A_130 = tpu.memref_squeeze %dma_wait3A_129 : memref<1x128x128xf32, #tpu.memory_space<vmem>> -> memref<128x128xf32, #tpu.memory_space<vmem>>
    %dma_wait3A_131 = arith.constant 0 : i32
    %dma_wait3A_132 = arith.constant 0 : i32
    %dma_wait3A_133 = tpu.memref_slice %arg5[%dma_wait3A_131, %dma_wait3A_132] : memref<320000x128xf32, #tpu.memory_space<hbm>> -> memref<128x128xf32, #tpu.memory_space<hbm>>
    %dma_wait3A_134 = arith.constant 0 : i32
    %dma_wait3A_135 = arith.constant 0 : i32
    %dma_wait3A_136 = tpu.memref_slice %arg5[%dma_wait3A_134, %dma_wait3A_135] : memref<320000x128xf32, #tpu.memory_space<hbm>> -> memref<128x128xf32, #tpu.memory_space<hbm>>
    %dma_wait3A_137 = arith.constant 0 : i32
    %dma_wait3A_138 = arith.constant 0 : i32
    %dma_wait3A_139 = tpu.memref_slice %arg8[%dma_wait3A_126, %dma_wait3A_137, %dma_wait3A_138] : memref<3x128x128xf32, #tpu.memory_space<vmem>> -> memref<1x128x128xf32, #tpu.memory_space<vmem>>
    %dma_wait3A_140 = tpu.memref_squeeze %dma_wait3A_139 : memref<1x128x128xf32, #tpu.memory_space<vmem>> -> memref<128x128xf32, #tpu.memory_space<vmem>>
    tpu.wait_dma2 semaphore(%arg18 : memref<!tpu.dma_semaphore, #tpu.memory_space<semaphore_mem>>) src(%dma_wait3A_140 : memref<128x128xf32, #tpu.memory_space<vmem>>) dst(%dma_wait3A_136 : memref<128x128xf32, #tpu.memory_space<hbm>>)
    return
  }
}

module attributes {stable_mosaic.version = 14 : i64} {
  func.func @_weights_tc_body(%arg0: i32, %arg1: memref<1x128xf32, #tpu.memory_space<vmem>>, %arg2: memref<8000x128xf32, #tpu.memory_space<vmem>>) attributes {dimension_semantics = [#tpu.dimension_semantics<arbitrary>], iteration_bounds = array<i64: 40>, scalar_prefetch = 0 : i64, scratch_operands = 0 : i64, tpu.core_type = #tpu.core_type<tc>, window_params = [{pipeline_mode = #tpu.pipeline_mode<synchronous>, transform_indices = @transform_0, window_bounds = array<i64: 1, 128>}, {transform_indices = @transform_1, window_bounds = array<i64: 8000, 128>}]} {
    %get3A = arith.constant 0 : index
    %get3A_0 = arith.constant 0 : index
    %get3A_1 = vector.load %arg1[%get3A, %get3A_0] : memref<1x128xf32, #tpu.memory_space<vmem>>, vector<1x128xf32>
    %broadcast_in_dim3A = vector.shape_cast %get3A_1 : vector<1x128xf32> to vector<1x128xf32>
    %broadcast_in_dim3A_2 = vector.broadcast %broadcast_in_dim3A : vector<1x128xf32> to vector<8000x128xf32>
    %swap3A = arith.constant 0 : index
    %swap3A_3 = arith.constant 0 : index
    %swap3A_4 = vector.load %arg2[%swap3A, %swap3A_3] : memref<8000x128xf32, #tpu.memory_space<vmem>>, vector<8000x128xf32>
    tpu.vector_store %arg2[%swap3A, %swap3A_3], %broadcast_in_dim3A_2 {strides = array<i32>} : memref<8000x128xf32, #tpu.memory_space<vmem>>, vector<8000x128xf32>,
    return
  }
  func.func @transform_0(%arg0: i32) -> (i32, i32) {
    %c0_i32 = arith.constant 0 : i32
    %c0_i32_0 = arith.constant 0 : i32
    %c0_i32_1 = arith.constant 0 : i32
    return %c0_i32, %c0_i32_0 : i32, i32
  }
  func.func @transform_1(%arg0: i32) -> (i32, i32) {
    %c0_i32 = arith.constant 0 : i32
    %c0_i32_0 = arith.constant 0 : i32
    return %arg0, %c0_i32 : i32, i32
  }
}

</mosaic_0001>

<sc_bundles>
// kernel: kernel.4.cloned.1.call-start
scs
__scs_entry_jumppad:
0x0: {  	(pc) =	sbr.rel $0x88, $3  }
0x1: {  	(tag) =	ssettag $0x0;
	lr =	simm.s32 $0x1  }
0x2: {  	[smem:$0x3F9E] =	sst lr;
	_ =	strace $0xD0000000  }
0x3: {  	_ = 	snop  }
0x4: {  	_ = 	snop  }
0x5: {  	_ = 	snop  }
0x6: {  	_ = 	snop  }
0x7: {  	_ = 	snop  }
__scs_overlays_trampoline_lowered:
0x8: {  	[smem:$0x3FAD] =	sst s0  }
0x9: {  	[smem:$0x3FAE] =	sst s1  }
0xa: {  	[smem:$0x3FAF] =	sst s2  }
0xb: {  	[smem:$0x3FB0] =	sst s3  }
0xc: {  	[smem:$0x3FB1] =	sst s4  }
0xd: {  	[smem:$0x3FB2] =	sst s5  }
0xe: {  	[smem:$0x3FB3] =	sst s6  }
0xf: {  	[smem:$0x3FB4] =	sst s7  }
0x10: {  	[smem:$0x3FB5] =	sst s8  }
0x11: {  	[smem:$0x3FB6] =	sst s9;
	s0 =	simm.s32 @!p0 $0x0  }
0x12: {  	s1 =	sld [smem:$0x3F9C];
	s0 =	simm.s32 @p0 $0x1  }
0x13: {  	[smem:$0x3FB7] =	sst s0;
	s0 =	simm.s32 @!p1 $0x0  }
0x14: {  	s2 =	sld [smem:$0x3F9B];
	s0 =	simm.s32 @p1 $0x1  }
0x15: {  	[smem:$0x3FB8] =	sst s0;
	s0 =	simm.s32 @!p2 $0x0  }
0x16: {  	s3 =	sld [smem:$0x3FDB];
	s0 =	simm.s32 @p2 $0x1  }
0x17: {  	s4 =	simm.s32 $0x1BF5;
	[smem:$0x3FBA] =	sst s0  }
0x18: {  	s0 =	sld [smem:$0x3F9D];
	_ =	swait.ge [sflag:s4], $0x0  }
0x19: {  	s7 =	sld [smem:$0x3F9E]  }
0x1a: {  	s8 =	sadd.s32 $0xFFFFE003, lr  }
0x1b: {  	s9 =	sadd.s32 $0xFFFFFEF7, lr;
	s5 =	simm.s32 $0xFFFFFFFF;
	p2 =	slt.u32 s8, $0xFFFFF086  }
0x1c: {  	p1 =	slt.u32 s9, $0xF7A;
	s5 =	simm.s32 @!p2 $0x0  }
0x1d: {  	s5 =	simm.s32 @p1 $0x1;
	p0 =	seq.s32 s7, s2  }
0x1e: {  	s7 =	smul.u32 @!p0 $0xF7A, s2;
	p2 =	seq.s32 @!p0 s5, $0x0  }
0x1f: {  	s9 =	smul.u32 $0xF7A, s1;
	s8 =	simm.s32 @!p0 $0x1BF5;
	p2 =	por !p2, p0  }
0x20: {  	[sflag:s8] =	ssyncset.s32 @!p0 $0xFFFFF086;
	s6 =	sadd.s32 @!p0 s3, s7;
	s7 =	simm.s32 @!p0 $0x108  }
0x21: {  	s3 =	sadd.s32 s3, s9;
	s6 =	sadd.s32 @!p0 $0x88, s6;
	s7 =	simm.s32 @p2 $0x1082  }
0x22: {  	[simem:s7], [sflag:s8] =	dma.local @!p0 [hbm:s6], $0xF7A  }
0x23: {  	s9 =	sor.u32 $0xD0000000, s2;
	s6 =	simm.s32 $0x108;
	_ =	swait.ge @!p0 [sflag:s8], $0x0  }
0x24: {  	s3 =	sadd.s32 $0x88, s3;
	s6 =	simm.s32 @!p1 $0x1082;
	[sflag:s4] =	ssyncset.s32 $0xFFFFF086  }
0x25: {  	[simem:s6], [sflag:s4] =	dma.local [hbm:s3], $0xF7A  }
0x26: {  	[smem:$0x3F9E] =	sst s1;
	(tag) =	ssettag s2;
	_ =	strace s9  }
0x27: {  	s1 =	sld [smem:$0x3FAE]  }
0x28: {  	s2 =	sld [smem:$0x3FAF]  }
0x29: {  	s4 =	sld [smem:$0x3FB1]  }
0x2a: {  	p0 =	seq.s32 s5, $0x0;
	s5 =	sld [smem:$0x3FB2]  }
0x2b: {  	s6 =	sld [smem:$0x3FB3]  }
0x2c: {  	s7 =	sld [smem:$0x3FB4]  }
0x2d: {  	s3 =	simm.s32 $0x108;
	s8 =	sld [smem:$0x3FB5]  }
0x2e: {  	s3 =	simm.s32 @!p0 $0x1082;
	s9 =	sld [smem:$0x3FB6]  }
0x2f: {  	lr =	sadd.s32 s0, s3;
	s0 =	sld [smem:$0x3FAD]  }
0x30: {  	s3 =	sld [smem:$0x3FB0]  }
0x31: {  	[smem:$0x3FB9] =	sst s10  }
0x32: {  	s10 =	sld [smem:$0x3FB7];
	_ =	sdelay $0x3  }
0x33: {  	p0 =	seq.s32 s10, $0x1;
	s10 =	sld [smem:$0x3FB9];
	_ =	sdelay $0x3  }
0x34: {  	[smem:$0x3FB9] =	sst s10  }
0x35: {  	s10 =	sld [smem:$0x3FB8];
	_ =	sdelay $0x3  }
0x36: {  	p1 =	seq.s32 s10, $0x1;
	s10 =	sld [smem:$0x3FB9];
	_ =	sdelay $0x3  }
0x37: {  	[smem:$0x3FB9] =	sst s10  }
0x38: {  	s10 =	sld [smem:$0x3FBA]  }
0x39: {  	_ = 	snop;
	(pc) =	sbr.ind lr, $3  }
0x3a: {  	_ = 	snop  }
0x3b: {  	_ = 	snop  }
0x3c: {  	p2 =	seq.s32 s10, $0x1;
	s10 =	sld [smem:$0x3FB9]  }
0x3d: {  	_ =	shalt  }
0x3e: {  	_ =	shalt  }
0x3f: {  	_ =	shalt  }
0x40: {  	_ =	shalt  }
0x41: {  	_ =	shalt  }
0x42: {  	_ =	shalt  }
0x43: {  	_ =	shalt  }
0x44: {  	_ =	shalt  }
0x45: {  	_ =	shalt  }
0x46: {  	_ =	shalt  }
0x47: {  	_ =	shalt  }
0x48: {  	_ =	shalt  }
0x49: {  	_ =	shalt  }
0x4a: {  	_ =	shalt  }
0x4b: {  	_ =	shalt  }
0x4c: {  	_ =	shalt  }
0x4d: {  	_ =	shalt  }
0x4e: {  	_ =	shalt  }
0x4f: {  	_ =	shalt  }
0x50: {  	_ =	shalt  }
0x51: {  	_ =	shalt  }
0x52: {  	_ =	shalt  }
0x53: {  	_ =	shalt  }
0x54: {  	_ =	shalt  }
0x55: {  	_ =	shalt  }
0x56: {  	_ =	shalt  }
0x57: {  	_ =	shalt  }
0x58: {  	_ =	shalt  }
0x59: {  	_ =	shalt  }
0x5a: {  	_ =	shalt  }
0x5b: {  	_ =	shalt  }
0x5c: {  	_ =	shalt  }
0x5d: {  	_ =	shalt  }
0x5e: {  	_ =	shalt  }
0x5f: {  	_ =	shalt  }
0x60: {  	_ =	shalt  }
0x61: {  	_ =	shalt  }
0x62: {  	_ =	shalt  }
0x63: {  	_ =	shalt  }
0x64: {  	_ =	shalt  }
0x65: {  	_ =	shalt  }
0x66: {  	_ =	shalt  }
0x67: {  	_ =	shalt  }
0x68: {  	_ =	shalt  }
0x69: {  	_ =	shalt  }
0x6a: {  	_ =	shalt  }
0x6b: {  	_ =	shalt  }
0x6c: {  	_ =	shalt  }
0x6d: {  	_ =	shalt  }
0x6e: {  	_ =	shalt  }
0x6f: {  	_ =	shalt  }
0x70: {  	_ =	shalt  }
0x71: {  	_ =	shalt  }
0x72: {  	_ =	shalt  }
0x73: {  	_ =	shalt  }
0x74: {  	_ =	shalt  }
0x75: {  	_ =	shalt  }
0x76: {  	_ =	shalt  }
0x77: {  	_ =	shalt  }
0x78: {  	_ =	shalt  }
0x79: {  	_ =	shalt  }
0x7a: {  	_ =	shalt  }
0x7b: {  	_ =	shalt  }
0x7c: {  	_ =	shalt  }
0x7d: {  	_ =	shalt  }
0x7e: {  	_ =	shalt  }
0x7f: {  	_ =	shalt  }
0x80: {  	_ =	shalt  }
0x81: {  	_ =	shalt  }
0x82: {  	_ =	shalt  }
0x83: {  	_ =	shalt  }
0x84: {  	_ =	shalt  }
0x85: {  	_ =	shalt  }
0x86: {  	_ =	shalt  }
0x87: {  	_ =	shalt  }
.Lfunc_end0:
.L_simem_size_0:
called_computation_lowered:
.L_overlay_start_0:
0x88: {  	s2 =	sld [smem:$0x3FD9]  }
0x89: {  	s3 =	sld [smem:$0x3FFE];
	_ =	sdelay $0x1  }
0x8a: {  	s1 =	srdreg.scid  }
0x8b: {  	s0 =	sand.u32 $0x1, s1  }
0x8c: {  	s14 =	sshll.u32 s0, $0xA;
	s2 =	sadd.s32 s3, s2  }
0x8d: {  	s2 =	sadd.s32 s2, s14  }
0x8e: {  	[smem:$0x3FC5] =	sst s2  }
0x8f: {  	_ = 	snop  }
0x90: {  	s2 =	sld [smem:$0x3FD0];
	_ =	sdelay $0x2  }
0x91: {  	s4 =	simm.s32 $0xA;
	s5 =	simm.s32 $0x10;
	s15 =	sld [smem:$0x3FC9]  }
0x92: {  	[smem:s5], [sflag:s4] =	dma.local [hbm:s2], $0x1  }
0x93: {  	_ =	swait.eq [sflag:s4], $0x1  }
0x94: {  	[sflag:s4] =	ssyncset.done $0x0  }
0x95: {  	[sflag:s4] =	ssyncadd.s32 $0xFFFFFFFF  }
0x96: {  	s16 =	sld [smem:$0x10];
	(tm) =	ssettm $0x1  }
0x97: {  	s17 =	sld [smem:$0x3FFB];
	_ =	sdelay $0x3  }
0x98: {  	_ =	strace s17  }
0x99: {  	s4 =	sld [smem:$0x3FFC];
	_ =	sdelay $0x3  }
0x9a: {  	_ =	strace s4  }
0x9b: {  	s4 =	sld [smem:$0x3FFD];
	_ =	sdelay $0x3  }
0x9c: {  	_ =	strace s4  }
0x9d: {  	_ =	strace $0x8FFFFFFF  }
0x9e: {  	s18 =	sld [smem:$0x3FDB];
	_ =	sdelay $0x1  }
0x9f: {  	s19 =	simm.s32 $_scs_section_size  }
0xa0: {  	s6 =	simm.s32 $_size__tile_overlayer_lowered;
	s7 =	simm.s32 $_tile_overlayer_lowered  }
0xa1: {  	s22 =	simm.s32 $0x1BFF;
	s21 =	sshll.u32 s7, $0x1;
	s4 =	sadd.s32 s19, s18  }
0xa2: {  	s8 =	simm.s32 $0x0;
	s20 =	sshll.u32 s6, $0x1;
	s6 =	sadd.s32 s21, s4  }
0xa3: {  	[timem:s8], [sflag:s22] =	dma.local [hbm:s6], s20  }
0xa4: {  	_ =	swait.ge [sflag:s22], s20  }
0xa5: {  	s5 =	ssub.s32 $0x0, s20;
	[sflag:s22] =	ssyncset.done $0x0  }
0xa6: {  	[sflag:s22] =	ssyncadd.s32 s5;
	_ =	sdelay $0x1  }
0xa7: {  	s23 =	simm.s32 $0x1B8B  }
0xa8: {  	_ =	swait.ge [sflag:s23], $0x1  }
0xa9: {  	[sflag:s23] =	ssyncset.done $0x0  }
0xaa: {  	s25 =	simm.s32 $0x1B8E;
	s24 =	sld [smem:$0x3FFE];
	[sflag:s23] =	ssyncadd.s32 $0xFFFFFFFF  }
0xab: {  	s26 =	simm.s32 $execute0_lowered;
	[smem:$0x3FD2] =	sst s25  }
0xac: {  	s6 =	sshll.u32 s26, $0x1;
	_ =	strace $0x80000046;
	[dreg:$0x1] =	wrdreg $0xFFFFFFFF  }
0xad: {  	s28 =	simm.s32 $_size_execute0_lowered;
	s4 =	sadd.s32 s4, s6;
	[dreg:$0x0] =	wrdreg $0x0  }
0xae: {  	s6 =	sshll.u32 s28, $0x1;
	[dreg:$0x2] =	wrdreg s4  }
0xaf: {  	[dreg:$0x3] =	wrdreg s6  }
0xb0: {  	[dreg:$0x4] =	wrdreg $0xC0  }
0xb1: {  	_ =	task [dreg:s8], $0x5FFFF  }
0xb2: {  	[dreg:$0x1] =	wrdreg $0xFFFFFFFF  }
0xb3: {  	[dreg:$0x0] =	wrdreg $0x60  }
0xb4: {  	[dreg:$0x2] =	wrdreg s15  }
0xb5: {  	[dreg:$0x3] =	wrdreg s24  }
0xb6: {  	[dreg:$0x4] =	wrdreg s16  }
0xb7: {  	[dreg:$0x5] =	wrdreg $0x9  }
0xb8: {  	_ =	task.clear_ibuf [dreg:s8], $0x6FFFF;
	_ =	strace $0x90000046  }
0xb9: {  	s29 =	simm.s32 $0x9;
	_ =	strace $0x80000048  }
0xba: {  	_ =	swait.ge [sflag:s29], $0x1  }
0xbb: {  	[sflag:s29] =	ssyncadd.s32 $0xFFFFFFFF  }
0xbc: {  	_ =	strace $0x90000048  }
0xbd: {  	_ =	sfence  }
0xbe: {  	s30 =	sld [smem:$0x0];
	_ =	sdelay $0x2  }
0xbf: {  	s31 =	sshll.u32 s1, $0xD;
	s1 =	sshrl.u32 s1, $0x2  }
0xc0: {  	s3 =	sand.u32 $0x4000, s31;
	s1 =	sadd.s32 s1, s30  }
0xc1: {  	s0 =	sor.u32 s3, s0;
	s1 =	sshll.u32 s1, $0x11  }
0xc2: {  	s0 =	sor.u32 s1, s0  }
0xc3: {  	s0 =	sadd.s32 $0x8F2B, s0  }
0xc4: {  	[sflag:s0] =	ssyncadd.remote.s32 $0x1  }
0xc5: {  	_ =	sfence.sel $0xFFFF  }
0xc6: {  	[dreg:$0x0] =	wrdreg $0xFFFFFFFF;
	(pc) =	sbr.abs _section_cstart, $3  }
0xc7: {  	[dreg:$0x1] =	wrdreg $0xFFFFFFFF  }
0xc8: {  	_ =	task.clear_ibuf [dreg:s8], $0x2FFFF;
	_ =	strace $0x9FFFFFFF  }
0xc9: {  	(tm) =	ssettm $0x7FFFFFFF  }
tec
execute0_lowered:
.L_overlay_start_1:
0x0: {  	(tag) =	ssettag $0x1  }
0x1: {  	s1 =	rddreg [dreg:$0x0];
	s0 =	srdreg.scid  }
0x2: {  	s3 =	stileid.u32;
	s2 =	rddreg [dreg:$0x1]  }
0x3: {  	s12 =	simm.s32 $0xA;
	s11 =	simm.s32 $0x2780;
	s16 =	simm.s32 $0x4F00  }
0x4: {  	s19 =	simm.s32 $0x40;
	s24 =	simm.s32 $0x8F00;
	s26 =	simm.s32 $0xAF00  }
0x5: {  	s29 =	simm.s32 $0x14F00;
	s31 =	simm.s32 $0x16F00;
	s15 =	simm.s32 $0xCF00  }
0x6: {  	s17 =	simm.s32 $0xEF00;
	s20 =	simm.s32 $0x18F00;
	s21 =	simm.s32 $0x1AF00  }
0x7: {  	s22 =	simm.s32 $0x2;
	s23 =	simm.s32 $0x5;
	s25 =	simm.s32 $0x3  }
0x8: {  	s28 =	simm.s32 $0x6;
	s13 =	simm.s32 $0x8;
	s18 =	simm.s32 $0x0  }
0x9: {  	s0 =	sand.u32 $0x1, s0;
	s4 =	sshll.u32 s3, $0x1;
	s3 =	rddreg [dreg:$0x2]  }
0xa: {  	s6 =	sor.u32 s0, s4;
	s4 =	simm.s32 $0x0;
	s0 =	ssub.s32 $0x2, s0  }
0xb: {  	s5 =	smul.u32 $0x2710, s6;
	[smem:$0x7FF] =	sst s4;
	s8 =	sshrl.u32 s0, $0x1  }
0xc: {  	s6 =	smul.u32 $0x138800, s6;
	_ =	strace $0x80000047;
	s0 =	ssub.s32 s0, s8  }
.Ltmp0:
0xd: {  	s7 =	sshrl.u32 s5, $0x3;
	s0 =	smax.u32 s0, $0x1;
	(pc) =	sbr.rel .LBB2_1-.Ltmp0, $4  }
0xe: {  	s30 =	sshrl.u32 s6, $0x3;
	s7 =	sadd.s32 s2, s7;
	[dreg:$0x7] =	wrdreg s0  }
0xf: {  	s2 =	sadd.s32 s3, s30;
	[dreg:$0x4] =	wrdreg s7;
	s7 =	sadd.s32 $0x9E00, s7  }
0x10: {  	s10 =	sadd.s32 $0x4000, s6;
	s2 =	sadd.s32 $0x27000, s2;
	[dreg:$0x5] =	wrdreg s7  }
0x11: {  	s0 =	simm.s32 $0x4;
	[dreg:$0x6] =	wrdreg s2;
	s2 =	simm.s32 $0x1  }
.LBB2_12:
0x12: {  	s7 =	simm.s32 $0x7  }
0x13: {  	_ =	swait.ge [sflag:s7], $0x4000  }
0x14: {  	[sflag:s7] =	ssyncset.done $0x0  }
0x15: {  	[sflag:s7] =	ssyncadd.s32 $0xFFFFC000  }
0x16: {  	_ =	swait.ge [sflag:s13], $0x4000  }
0x17: {  	[sflag:s13] =	ssyncset.done $0x0  }
0x18: {  	s8 =	simm.s32 $0x9;
	[sflag:s13] =	ssyncadd.s32 $0xFFFFC000  }
0x19: {  	_ =	swait.ge [sflag:s8], $0x4000  }
0x1a: {  	s18 =	sadd.s32 $0x1, s18;
	s30 =	rddreg [dreg:$0x7]  }
0x1b: {  	p0 =	sne.s32 s18, s30  }
.Ltmp1:
0x1c: {  	_ = 	snop;
	(pc) =	sbr.rel @!p0 .LBB2_13-.Ltmp1, $3  }
0x1d: {  	_ =	sdelay $0x1  }
0x1e: {  	[sflag:s8] =	ssyncset.done $0x0  }
0x1f: {  	s11 =	simm.s32 $0x2780;
	[sflag:s8] =	ssyncadd.s32 $0xFFFFC000  }
.LBB2_1:
0x20: {  	s7 =	rddreg [dreg:$0x5]  }
0x21: {  	[tilespmem:s4], [sflag:$0xA] =	stream.linear.gather [hbm4b:s7+s4], $0x2710, $0x38;
	[tilespmem:$0x1CF00] =	vst v63  }
0x22: {  	_ =	swait.ge [sflag:s12], $0x2710  }
0x23: {  	[sflag:s12] =	ssyncset.done $0x0  }
0x24: {  	s9 =	rddreg [dreg:$0x4];
	[sflag:s12] =	ssyncadd.s32 $0xFFFFD8F0  }
0x25: {  	[tilespmem:s11], [sflag:$0xA] =	stream.linear.gather [hbm4b:s9+s4], $0x2710, $0x38;
	[tilespmem:$0x1CF00] =	vst v63  }
0x26: {  	_ =	swait.ge [sflag:s12], $0x2710  }
0x27: {  	[sflag:s12] =	ssyncset.done $0x0  }
0x28: {  	s14 =	simm.s32 $0x10;
	s8 =	simm.s32 $0x2700;
	[sflag:s12] =	ssyncadd.s32 $0xFFFFD8F0  }
0x29: {  	[tilespmem:s16], [sflag:$0xA] =	stream.indirect.gather [hbm4b:s1+s14], $0x80, s8, s14, $0xb8;
	[tilespmem:$0x1CF00] =	vst v63  }
0x2a: {  	_ =	swait.ge [sflag:s12], $0x800  }
0x2b: {  	[sflag:s12] =	ssyncset.done $0x0  }
0x2c: {  	s30 =	simm.s32 $0x4E80;
	s9 =	simm.s32 $0x10F00;
	[sflag:s12] =	ssyncadd.s32 $0xFFFFF800  }
0x2d: {  	[tilespmem:s9], [sflag:$0xA] =	stream.indirect.gather [hbm4b:s1+s14], $0x80, s30, s14, $0xb8;
	[tilespmem:$0x1CF00] =	vst v63  }
0x2e: {  	_ =	swait.ge [sflag:s12], $0x800  }
0x2f: {  	[sflag:s12] =	ssyncset.done $0x0  }
0x30: {  	s7 =	simm.s32 $0x0;
	[sflag:s12] =	ssyncadd.s32 $0xFFFFF800  }
0x31: {  	v0 =	vld [tilespmem:s7+$0x110F0]  }
0x32: {  	v1 =	vld [tilespmem:s7+$0x10F00]  }
0x33: {  	v2 =	vld [tilespmem:s7+$0x10F10]  }
0x34: {  	v3 =	vld [tilespmem:s7+$0x10F20]  }
0x35: {  	v4 =	vld [tilespmem:s7+$0x10F30]  }
0x36: {  	v5 =	vld [tilespmem:s7+$0x10F40]  }
0x37: {  	v6 =	vld [tilespmem:s7+$0x10F50]  }
0x38: {  	v7 =	vld [tilespmem:s7+$0x10F70]  }
0x39: {  	v8 =	vld [tilespmem:s7+$0x10F80]  }
0x3a: {  	v9 =	vld [tilespmem:s7+$0x10F90]  }
0x3b: {  	v10 =	vld [tilespmem:s7+$0x10FA0]  }
0x3c: {  	v11 =	vld [tilespmem:s7+$0x10FB0]  }
0x3d: {  	v12 =	vld [tilespmem:s7+$0x10FC0]  }
0x3e: {  	v13 =	vld [tilespmem:s7+$0x10FD0]  }
0x3f: {  	v14 =	vld [tilespmem:s7+$0x10FE0]  }
0x40: {  	v15 =	vld [tilespmem:s7+$0x10FF0]  }
0x41: {  	v16 =	vld [tilespmem:s7+$0x11000]  }
0x42: {  	v17 =	vld [tilespmem:s7+$0x11010]  }
0x43: {  	v18 =	vld [tilespmem:s7+$0x11020]  }
0x44: {  	v19 =	vld [tilespmem:s7+$0x11030]  }
0x45: {  	v20 =	vld [tilespmem:s7+$0x11040]  }
0x46: {  	v21 =	vld [tilespmem:s7+$0x11050]  }
0x47: {  	v22 =	vld [tilespmem:s7+$0x11060]  }
0x48: {  	v23 =	vld [tilespmem:s7+$0x11070]  }
0x49: {  	v24 =	vld [tilespmem:s7+$0x11080]  }
0x4a: {  	v25 =	vld [tilespmem:s7+$0x11090]  }
0x4b: {  	v26 =	vld [tilespmem:s7+$0x110A0]  }
0x4c: {  	v27 =	vld [tilespmem:s7+$0x110B0]  }
0x4d: {  	v28 =	vld [tilespmem:s7+$0x110C0]  }
0x4e: {  	v29 =	vld [tilespmem:s7+$0x110D0];
	v0 =	vsub.f32 $0.0e+00, v0  }
0x4f: {  	v30 =	vld [tilespmem:s7+$0x110E0]  }
0x50: {  	v1 =	vsub.f32 $0.0e+00, v1;
	[tilespmem:s7+$0x50F0] =	vst.add.f32.msk $0xffff, v0  }
0x51: {  	v2 =	vsub.f32 $0.0e+00, v2;
	v0 =	vld [tilespmem:s7+$0x10F60]  }
0x52: {  	v3 =	vsub.f32 $0.0e+00, v3;
	[tilespmem:s7+$0x4F00] =	vst.add.f32.msk $0xffff, v1  }
0x53: {  	v1 =	vsub.f32 $0.0e+00, v4;
	[tilespmem:s7+$0x4F10] =	vst.add.f32.msk $0xffff, v2  }
0x54: {  	v2 =	vsub.f32 $0.0e+00, v5;
	[tilespmem:s7+$0x4F20] =	vst.add.f32.msk $0xffff, v3  }
0x55: {  	v3 =	vsub.f32 $0.0e+00, v6;
	[tilespmem:s7+$0x4F30] =	vst.add.f32.msk $0xffff, v1  }
0x56: {  	[tilespmem:s7+$0x4F40] =	vst.add.f32.msk $0xffff, v2;
	v1 =	vsub.f32 $0.0e+00, v7  }
0x57: {  	[tilespmem:s7+$0x4F50] =	vst.add.f32.msk $0xffff, v3;
	v2 =	vsub.f32 $0.0e+00, v8  }
0x58: {  	[tilespmem:s7+$0x4F70] =	vst.add.f32.msk $0xffff, v1;
	v1 =	vsub.f32 $0.0e+00, v10  }
0x59: {  	[tilespmem:s7+$0x4F80] =	vst.add.f32.msk $0xffff, v2;
	v2 =	vsub.f32 $0.0e+00, v11  }
0x5a: {  	v0 =	vsub.f32 $0.0e+00, v0;
	[tilespmem:s7+$0x4FA0] =	vst.add.f32.msk $0xffff, v1  }
0x5b: {  	v1 =	vsub.f32 $0.0e+00, v13;
	[tilespmem:s7+$0x4FB0] =	vst.add.f32.msk $0xffff, v2  }
0x5c: {  	v2 =	vsub.f32 $0.0e+00, v14;
	[tilespmem:s7+$0x4F60] =	vst.add.f32.msk $0xffff, v0  }
0x5d: {  	v0 =	vsub.f32 $0.0e+00, v9;
	[tilespmem:s7+$0x4FD0] =	vst.add.f32.msk $0xffff, v1  }
0x5e: {  	v1 =	vsub.f32 $0.0e+00, v16;
	[tilespmem:s7+$0x4FE0] =	vst.add.f32.msk $0xffff, v2  }
0x5f: {  	v2 =	vsub.f32 $0.0e+00, v17;
	[tilespmem:s7+$0x4F90] =	vst.add.f32.msk $0xffff, v0  }
0x60: {  	v0 =	vsub.f32 $0.0e+00, v12;
	[tilespmem:s7+$0x5000] =	vst.add.f32.msk $0xffff, v1  }
0x61: {  	v1 =	vsub.f32 $0.0e+00, v19;
	[tilespmem:s7+$0x5010] =	vst.add.f32.msk $0xffff, v2  }
0x62: {  	v2 =	vsub.f32 $0.0e+00, v20;
	[tilespmem:s7+$0x4FC0] =	vst.add.f32.msk $0xffff, v0  }
0x63: {  	v0 =	vsub.f32 $0.0e+00, v15;
	[tilespmem:s7+$0x5030] =	vst.add.f32.msk $0xffff, v1  }
0x64: {  	v1 =	vsub.f32 $0.0e+00, v22;
	[tilespmem:s7+$0x5040] =	vst.add.f32.msk $0xffff, v2  }
0x65: {  	v2 =	vsub.f32 $0.0e+00, v23;
	[tilespmem:s7+$0x4FF0] =	vst.add.f32.msk $0xffff, v0  }
0x66: {  	v0 =	vsub.f32 $0.0e+00, v18;
	[tilespmem:s7+$0x5060] =	vst.add.f32.msk $0xffff, v1  }
0x67: {  	v1 =	vsub.f32 $0.0e+00, v25;
	[tilespmem:s7+$0x5070] =	vst.add.f32.msk $0xffff, v2  }
0x68: {  	[tilespmem:s7+$0x5020] =	vst.add.f32.msk $0xffff, v0;
	v0 =	vsub.f32 $0.0e+00, v21  }
0x69: {  	v2 =	vsub.f32 $0.0e+00, v26;
	[tilespmem:s7+$0x5090] =	vst.add.f32.msk $0xffff, v1  }
0x6a: {  	[tilespmem:s7+$0x5050] =	vst.add.f32.msk $0xffff, v0;
	v0 =	vsub.f32 $0.0e+00, v24  }
0x6b: {  	v1 =	vsub.f32 $0.0e+00, v28;
	[tilespmem:s7+$0x50A0] =	vst.add.f32.msk $0xffff, v2  }
0x6c: {  	[tilespmem:s7+$0x5080] =	vst.add.f32.msk $0xffff, v0;
	v0 =	vsub.f32 $0.0e+00, v27  }
0x6d: {  	v2 =	vsub.f32 $0.0e+00, v29;
	[tilespmem:s7+$0x50C0] =	vst.add.f32.msk $0xffff, v1  }
0x6e: {  	[tilespmem:s7+$0x50B0] =	vst.add.f32.msk $0xffff, v0;
	v0 =	vsub.f32 $0.0e+00, v30  }
0x6f: {  	s8 =	simm.s32 $0x0;
	s9 =	simm.s32 $0x800;
	[tilespmem:s7+$0x50D0] =	vst.add.f32.msk $0xffff, v2  }
.LBB2_2:
0x70: {  	s8 =	sadd.s32 $0x4, s8;
	[tilespmem:s7+$0x50E0] =	vst.add.f32.msk $0xffff, v0;
	s7 =	sshra.s32 s9, $0x2  }
0x71: {  	v0 =	vld [tilespmem:s7+$0x110F0];
	p0 =	slt.u32 s8, $0xC  }
0x72: {  	v1 =	vld [tilespmem:s7+$0x10F00]  }
0x73: {  	v2 =	vld [tilespmem:s7+$0x10F10]  }
0x74: {  	v3 =	vld [tilespmem:s7+$0x10F20]  }
0x75: {  	v4 =	vld [tilespmem:s7+$0x10F30]  }
0x76: {  	v5 =	vld [tilespmem:s7+$0x10F40];
	v0 =	vsub.f32 $0.0e+00, v0  }
0x77: {  	v1 =	vsub.f32 $0.0e+00, v1;
	v6 =	vld [tilespmem:s7+$0x10F50]  }
0x78: {  	v2 =	vsub.f32 $0.0e+00, v2;
	[tilespmem:s7+$0x50F0] =	vst.add.f32.msk $0xffff, v0  }
0x79: {  	v0 =	vsub.f32 $0.0e+00, v3;
	v3 =	vld [tilespmem:s7+$0x10F60]  }
0x7a: {  	v4 =	vsub.f32 $0.0e+00, v4;
	v7 =	vld [tilespmem:s7+$0x10F70]  }
0x7b: {  	v5 =	vsub.f32 $0.0e+00, v5;
	v8 =	vld [tilespmem:s7+$0x10F80]  }
0x7c: {  	v6 =	vsub.f32 $0.0e+00, v6;
	v9 =	vld [tilespmem:s7+$0x10F90]  }
0x7d: {  	v10 =	vld [tilespmem:s7+$0x10FA0]  }
0x7e: {  	v3 =	vsub.f32 $0.0e+00, v3;
	v11 =	vld [tilespmem:s7+$0x10FB0]  }
0x7f: {  	v7 =	vsub.f32 $0.0e+00, v7;
	v12 =	vld [tilespmem:s7+$0x10FC0]  }
0x80: {  	v8 =	vsub.f32 $0.0e+00, v8;
	v13 =	vld [tilespmem:s7+$0x10FD0]  }
0x81: {  	v9 =	vsub.f32 $0.0e+00, v9;
	v14 =	vld [tilespmem:s7+$0x10FE0]  }
0x82: {  	v10 =	vsub.f32 $0.0e+00, v10;
	v15 =	vld [tilespmem:s7+$0x10FF0]  }
0x83: {  	v11 =	vsub.f32 $0.0e+00, v11;
	v16 =	vld [tilespmem:s7+$0x11000]  }
0x84: {  	v12 =	vsub.f32 $0.0e+00, v12;
	v17 =	vld [tilespmem:s7+$0x11010]  }
0x85: {  	v13 =	vsub.f32 $0.0e+00, v13;
	v18 =	vld [tilespmem:s7+$0x11020]  }
0x86: {  	v14 =	vsub.f32 $0.0e+00, v14;
	v19 =	vld [tilespmem:s7+$0x11030]  }
0x87: {  	v15 =	vsub.f32 $0.0e+00, v15;
	v20 =	vld [tilespmem:s7+$0x11040]  }
0x88: {  	v16 =	vsub.f32 $0.0e+00, v16;
	v21 =	vld [tilespmem:s7+$0x11050]  }
0x89: {  	v17 =	vsub.f32 $0.0e+00, v17;
	v22 =	vld [tilespmem:s7+$0x11060]  }
0x8a: {  	v18 =	vsub.f32 $0.0e+00, v18;
	v23 =	vld [tilespmem:s7+$0x11070]  }
0x8b: {  	v19 =	vsub.f32 $0.0e+00, v19;
	v24 =	vld [tilespmem:s7+$0x11080]  }
0x8c: {  	v20 =	vsub.f32 $0.0e+00, v20;
	v25 =	vld [tilespmem:s7+$0x11090]  }
0x8d: {  	v21 =	vsub.f32 $0.0e+00, v21;
	v26 =	vld [tilespmem:s7+$0x110A0]  }
0x8e: {  	v22 =	vsub.f32 $0.0e+00, v22;
	v27 =	vld [tilespmem:s7+$0x110B0]  }
0x8f: {  	v23 =	vsub.f32 $0.0e+00, v23;
	v28 =	vld [tilespmem:s7+$0x110C0]  }
0x90: {  	v24 =	vsub.f32 $0.0e+00, v24;
	v29 =	vld [tilespmem:s7+$0x110D0]  }
0x91: {  	v25 =	vsub.f32 $0.0e+00, v25;
	v30 =	vld [tilespmem:s7+$0x110E0]  }
0x92: {  	[tilespmem:s7+$0x4F00] =	vst.add.f32.msk $0xffff, v1;
	v1 =	vsub.f32 $0.0e+00, v26  }
0x93: {  	[tilespmem:s7+$0x4F10] =	vst.add.f32.msk $0xffff, v2;
	v2 =	vsub.f32 $0.0e+00, v27  }
0x94: {  	[tilespmem:s7+$0x4F20] =	vst.add.f32.msk $0xffff, v0;
	v26 =	vsub.f32 $0.0e+00, v28  }
0x95: {  	[tilespmem:s7+$0x4F30] =	vst.add.f32.msk $0xffff, v4;
	v4 =	vsub.f32 $0.0e+00, v29  }
0x96: {  	[tilespmem:s7+$0x4F40] =	vst.add.f32.msk $0xffff, v5;
	v0 =	vsub.f32 $0.0e+00, v30  }
0x97: {  	[tilespmem:s7+$0x4F50] =	vst.add.f32.msk $0xffff, v6  }
0x98: {  	[tilespmem:s7+$0x4F60] =	vst.add.f32.msk $0xffff, v3  }
0x99: {  	[tilespmem:s7+$0x4F70] =	vst.add.f32.msk $0xffff, v7  }
0x9a: {  	[tilespmem:s7+$0x4F80] =	vst.add.f32.msk $0xffff, v8  }
0x9b: {  	[tilespmem:s7+$0x4F90] =	vst.add.f32.msk $0xffff, v9  }
0x9c: {  	[tilespmem:s7+$0x4FA0] =	vst.add.f32.msk $0xffff, v10  }
0x9d: {  	[tilespmem:s7+$0x4FB0] =	vst.add.f32.msk $0xffff, v11  }
0x9e: {  	[tilespmem:s7+$0x4FC0] =	vst.add.f32.msk $0xffff, v12  }
0x9f: {  	[tilespmem:s7+$0x4FD0] =	vst.add.f32.msk $0xffff, v13  }
0xa0: {  	[tilespmem:s7+$0x4FE0] =	vst.add.f32.msk $0xffff, v14  }
0xa1: {  	[tilespmem:s7+$0x4FF0] =	vst.add.f32.msk $0xffff, v15  }
0xa2: {  	[tilespmem:s7+$0x5000] =	vst.add.f32.msk $0xffff, v16  }
0xa3: {  	[tilespmem:s7+$0x5010] =	vst.add.f32.msk $0xffff, v17  }
0xa4: {  	[tilespmem:s7+$0x5020] =	vst.add.f32.msk $0xffff, v18  }
0xa5: {  	[tilespmem:s7+$0x5030] =	vst.add.f32.msk $0xffff, v19  }
0xa6: {  	[tilespmem:s7+$0x5040] =	vst.add.f32.msk $0xffff, v20  }
0xa7: {  	[tilespmem:s7+$0x5050] =	vst.add.f32.msk $0xffff, v21  }
0xa8: {  	[tilespmem:s7+$0x5060] =	vst.add.f32.msk $0xffff, v22  }
0xa9: {  	[tilespmem:s7+$0x5070] =	vst.add.f32.msk $0xffff, v23  }
0xaa: {  	[tilespmem:s7+$0x5080] =	vst.add.f32.msk $0xffff, v24  }
.Ltmp2:
0xab: {  	[tilespmem:s7+$0x5090] =	vst.add.f32.msk $0xffff, v25;
	(pc) =	sbr.rel @p0 .LBB2_2-.Ltmp2, $4  }
0xac: {  	[tilespmem:s7+$0x50A0] =	vst.add.f32.msk $0xffff, v1  }
0xad: {  	[tilespmem:s7+$0x50B0] =	vst.add.f32.msk $0xffff, v2  }
0xae: {  	[tilespmem:s7+$0x50C0] =	vst.add.f32.msk $0xffff, v26  }
0xaf: {  	s9 =	sadd.s32 $0x800, s9;
	[tilespmem:s7+$0x50D0] =	vst.add.f32.msk $0xffff, v4  }
0xb0: {  	[tilespmem:s7+$0x50E0] =	vst.add.f32.msk $0xffff, v0;
	s8 =	simm.s32 $0x0;
	s30 =	rddreg [dreg:$0x6]  }
0xb1: {  	[hbm4b:s30+s8] =	stream.linear.scatter [tilespmem:s16], [sflag:$0xA], $0x800, $0x38;
	[tilespmem:$0x1CF00] =	vst v63  }
0xb2: {  	_ =	swait.ge [sflag:s12], $0x800  }
0xb3: {  	[sflag:s12] =	ssyncset.done $0x0  }
0xb4: {  	[sflag:s12] =	ssyncadd.s32 $0xFFFFF800  }
0xb5: {  	[tilespmem:s16], [sflag:$0x1] =	stream.indirect.gather [hbm4b:s1+s19], $0x80, s8, s19, $0xb8;
	[tilespmem:$0x1CF00] =	vst v63  }
0xb6: {  	s9 =	simm.s32 $0x6F00  }
0xb7: {  	[tilespmem:s9], [sflag:$0x1] =	stream.indirect.gather [hbm4b:s1+s19], $0x80, s19, s19, $0xb8;
	[tilespmem:$0x1CF00] =	vst v63  }
0xb8: {  	s14 =	simm.s32 $0x10F00  }
0xb9: {  	[tilespmem:s14], [sflag:$0x4] =	stream.indirect.gather [hbm4b:s1+s19], $0x80, s11, s19, $0xb8;
	[tilespmem:$0x1CF00] =	vst v63  }
0xba: {  	s30 =	simm.s32 $0x27C0;
	s9 =	simm.s32 $0x12F00  }
0xbb: {  	[tilespmem:s9], [sflag:$0x4] =	stream.indirect.gather [hbm4b:s1+s19], $0x80, s30, s19, $0xb8;
	[tilespmem:$0x1CF00] =	vst v63  }
0xbc: {  	s9 =	simm.s32 $0x80  }
0xbd: {  	[tilespmem:s24], [sflag:$0x2] =	stream.indirect.gather [hbm4b:s1+s19], $0x80, s9, s19, $0xb8;
	[tilespmem:$0x1CF00] =	vst v63  }
0xbe: {  	s11 =	simm.s32 $0xC0  }
0xbf: {  	[tilespmem:s26], [sflag:$0x2] =	stream.indirect.gather [hbm4b:s1+s19], $0x80, s11, s19, $0xb8;
	[tilespmem:$0x1CF00] =	vst v63  }
0xc0: {  	s14 =	simm.s32 $0x2800  }
0xc1: {  	[tilespmem:s29], [sflag:$0x5] =	stream.indirect.gather [hbm4b:s1+s19], $0x80, s14, s19, $0xb8;
	[tilespmem:$0x1CF00] =	vst v63  }
0xc2: {  	s30 =	simm.s32 $0x2840  }
0xc3: {  	[tilespmem:s31], [sflag:$0x5] =	stream.indirect.gather [hbm4b:s1+s19], $0x80, s30, s19, $0xb8;
	[tilespmem:$0x1CF00] =	vst v63  }
.LBB2_4:
0xc4: {  	_ =	swait.ge [sflag:s2], $0x2000  }
0xc5: {  	[sflag:s2] =	ssyncset.done $0x0  }
0xc6: {  	[sflag:s2] =	ssyncadd.s32 $0xFFFFE000  }
0xc7: {  	_ =	swait.ge [sflag:s2], $0x2000  }
0xc8: {  	[sflag:s2] =	ssyncset.done $0x0  }
0xc9: {  	[sflag:s2] =	ssyncadd.s32 $0xFFFFE000  }
0xca: {  	_ =	swait.ge [sflag:s0], $0x2000  }
0xcb: {  	[sflag:s0] =	ssyncset.done $0x0  }
0xcc: {  	[sflag:s0] =	ssyncadd.s32 $0xFFFFE000  }
0xcd: {  	_ =	swait.ge [sflag:s0], $0x2000  }
0xce: {  	[sflag:s0] =	ssyncset.done $0x0  }
0xcf: {  	s11 =	simm.s32 $0x0;
	[sflag:s0] =	ssyncadd.s32 $0xFFFFE000  }
0xd0: {  	v0 =	vld [tilespmem:s11+$0x110F0]  }
0xd1: {  	v1 =	vld [tilespmem:s11+$0x10F00]  }
0xd2: {  	v2 =	vld [tilespmem:s11+$0x10F10]  }
0xd3: {  	v3 =	vld [tilespmem:s11+$0x10F20]  }
0xd4: {  	v4 =	vld [tilespmem:s11+$0x10F30]  }
0xd5: {  	v5 =	vld [tilespmem:s11+$0x10F40]  }
0xd6: {  	v6 =	vld [tilespmem:s11+$0x10F50]  }
0xd7: {  	v7 =	vld [tilespmem:s11+$0x10F70]  }
0xd8: {  	v8 =	vld [tilespmem:s11+$0x10F80]  }
0xd9: {  	v9 =	vld [tilespmem:s11+$0x10F90]  }
0xda: {  	v10 =	vld [tilespmem:s11+$0x10FA0]  }
0xdb: {  	v11 =	vld [tilespmem:s11+$0x10FB0]  }
0xdc: {  	v12 =	vld [tilespmem:s11+$0x10FC0]  }
0xdd: {  	v13 =	vld [tilespmem:s11+$0x10FD0]  }
0xde: {  	v14 =	vld [tilespmem:s11+$0x10FE0]  }
0xdf: {  	v15 =	vld [tilespmem:s11+$0x10FF0]  }
0xe0: {  	v16 =	vld [tilespmem:s11+$0x11000]  }
0xe1: {  	v17 =	vld [tilespmem:s11+$0x11010]  }
0xe2: {  	v18 =	vld [tilespmem:s11+$0x11020]  }
0xe3: {  	v19 =	vld [tilespmem:s11+$0x11030]  }
0xe4: {  	v20 =	vld [tilespmem:s11+$0x11040]  }
0xe5: {  	v21 =	vld [tilespmem:s11+$0x11050]  }
0xe6: {  	v22 =	vld [tilespmem:s11+$0x11060]  }
0xe7: {  	v23 =	vld [tilespmem:s11+$0x11070]  }
0xe8: {  	v24 =	vld [tilespmem:s11+$0x11080]  }
0xe9: {  	v25 =	vld [tilespmem:s11+$0x11090]  }
0xea: {  	v26 =	vld [tilespmem:s11+$0x110A0]  }
0xeb: {  	v27 =	vld [tilespmem:s11+$0x110B0]  }
0xec: {  	v28 =	vld [tilespmem:s11+$0x110C0]  }
0xed: {  	v29 =	vld [tilespmem:s11+$0x110D0];
	v0 =	vsub.f32 $0.0e+00, v0  }
0xee: {  	v30 =	vld [tilespmem:s11+$0x110E0]  }
0xef: {  	v1 =	vsub.f32 $0.0e+00, v1;
	[tilespmem:s11+$0x50F0] =	vst.add.f32.msk $0xffff, v0  }
0xf0: {  	v2 =	vsub.f32 $0.0e+00, v2;
	v0 =	vld [tilespmem:s11+$0x10F60]  }
0xf1: {  	v3 =	vsub.f32 $0.0e+00, v3;
	[tilespmem:s11+$0x4F00] =	vst.add.f32.msk $0xffff, v1  }
0xf2: {  	v1 =	vsub.f32 $0.0e+00, v4;
	[tilespmem:s11+$0x4F10] =	vst.add.f32.msk $0xffff, v2  }
0xf3: {  	v2 =	vsub.f32 $0.0e+00, v5;
	[tilespmem:s11+$0x4F20] =	vst.add.f32.msk $0xffff, v3  }
0xf4: {  	v3 =	vsub.f32 $0.0e+00, v6;
	[tilespmem:s11+$0x4F30] =	vst.add.f32.msk $0xffff, v1  }
0xf5: {  	[tilespmem:s11+$0x4F40] =	vst.add.f32.msk $0xffff, v2;
	v1 =	vsub.f32 $0.0e+00, v7  }
0xf6: {  	[tilespmem:s11+$0x4F50] =	vst.add.f32.msk $0xffff, v3;
	v2 =	vsub.f32 $0.0e+00, v8  }
0xf7: {  	[tilespmem:s11+$0x4F70] =	vst.add.f32.msk $0xffff, v1;
	v1 =	vsub.f32 $0.0e+00, v10  }
0xf8: {  	[tilespmem:s11+$0x4F80] =	vst.add.f32.msk $0xffff, v2;
	v2 =	vsub.f32 $0.0e+00, v11  }
0xf9: {  	v0 =	vsub.f32 $0.0e+00, v0;
	[tilespmem:s11+$0x4FA0] =	vst.add.f32.msk $0xffff, v1  }
0xfa: {  	v1 =	vsub.f32 $0.0e+00, v13;
	[tilespmem:s11+$0x4FB0] =	vst.add.f32.msk $0xffff, v2  }
0xfb: {  	v2 =	vsub.f32 $0.0e+00, v14;
	[tilespmem:s11+$0x4F60] =	vst.add.f32.msk $0xffff, v0  }
0xfc: {  	v0 =	vsub.f32 $0.0e+00, v9;
	[tilespmem:s11+$0x4FD0] =	vst.add.f32.msk $0xffff, v1  }
0xfd: {  	v1 =	vsub.f32 $0.0e+00, v16;
	[tilespmem:s11+$0x4FE0] =	vst.add.f32.msk $0xffff, v2  }
0xfe: {  	v2 =	vsub.f32 $0.0e+00, v17;
	[tilespmem:s11+$0x4F90] =	vst.add.f32.msk $0xffff, v0  }
0xff: {  	v0 =	vsub.f32 $0.0e+00, v12;
	[tilespmem:s11+$0x5000] =	vst.add.f32.msk $0xffff, v1  }
0x100: {  	v1 =	vsub.f32 $0.0e+00, v19;
	[tilespmem:s11+$0x5010] =	vst.add.f32.msk $0xffff, v2  }
0x101: {  	v2 =	vsub.f32 $0.0e+00, v20;
	[tilespmem:s11+$0x4FC0] =	vst.add.f32.msk $0xffff, v0  }
0x102: {  	v0 =	vsub.f32 $0.0e+00, v15;
	[tilespmem:s11+$0x5030] =	vst.add.f32.msk $0xffff, v1  }
0x103: {  	v1 =	vsub.f32 $0.0e+00, v22;
	[tilespmem:s11+$0x5040] =	vst.add.f32.msk $0xffff, v2  }
0x104: {  	v2 =	vsub.f32 $0.0e+00, v23;
	[tilespmem:s11+$0x4FF0] =	vst.add.f32.msk $0xffff, v0  }
0x105: {  	v0 =	vsub.f32 $0.0e+00, v18;
	[tilespmem:s11+$0x5060] =	vst.add.f32.msk $0xffff, v1  }
0x106: {  	v1 =	vsub.f32 $0.0e+00, v25;
	[tilespmem:s11+$0x5070] =	vst.add.f32.msk $0xffff, v2  }
0x107: {  	[tilespmem:s11+$0x5020] =	vst.add.f32.msk $0xffff, v0;
	v0 =	vsub.f32 $0.0e+00, v21  }
0x108: {  	v2 =	vsub.f32 $0.0e+00, v26;
	[tilespmem:s11+$0x5090] =	vst.add.f32.msk $0xffff, v1  }
0x109: {  	[tilespmem:s11+$0x5050] =	vst.add.f32.msk $0xffff, v0;
	v0 =	vsub.f32 $0.0e+00, v24  }
0x10a: {  	v1 =	vsub.f32 $0.0e+00, v28;
	[tilespmem:s11+$0x50A0] =	vst.add.f32.msk $0xffff, v2  }
0x10b: {  	[tilespmem:s11+$0x5080] =	vst.add.f32.msk $0xffff, v0;
	v0 =	vsub.f32 $0.0e+00, v27  }
0x10c: {  	v2 =	vsub.f32 $0.0e+00, v29;
	[tilespmem:s11+$0x50C0] =	vst.add.f32.msk $0xffff, v1  }
0x10d: {  	[tilespmem:s11+$0x50B0] =	vst.add.f32.msk $0xffff, v0;
	v0 =	vsub.f32 $0.0e+00, v30  }
0x10e: {  	s7 =	simm.s32 $0x0;
	s9 =	simm.s32 $0x800;
	[tilespmem:s11+$0x50D0] =	vst.add.f32.msk $0xffff, v2  }
.LBB2_5:
0x10f: {  	s7 =	sadd.s32 $0x4, s7;
	[tilespmem:s11+$0x50E0] =	vst.add.f32.msk $0xffff, v0;
	s11 =	sshra.s32 s9, $0x2  }
0x110: {  	v0 =	vld [tilespmem:s11+$0x110F0];
	p0 =	slt.u32 s7, $0x7C  }
0x111: {  	v1 =	vld [tilespmem:s11+$0x10F00]  }
0x112: {  	v2 =	vld [tilespmem:s11+$0x10F10]  }
0x113: {  	v3 =	vld [tilespmem:s11+$0x10F20]  }
0x114: {  	v4 =	vld [tilespmem:s11+$0x10F30]  }
0x115: {  	v5 =	vld [tilespmem:s11+$0x10F40];
	v0 =	vsub.f32 $0.0e+00, v0  }
0x116: {  	v1 =	vsub.f32 $0.0e+00, v1;
	v6 =	vld [tilespmem:s11+$0x10F50]  }
0x117: {  	v2 =	vsub.f32 $0.0e+00, v2;
	[tilespmem:s11+$0x50F0] =	vst.add.f32.msk $0xffff, v0  }
0x118: {  	v0 =	vsub.f32 $0.0e+00, v3;
	v3 =	vld [tilespmem:s11+$0x10F60]  }
0x119: {  	v4 =	vsub.f32 $0.0e+00, v4;
	v7 =	vld [tilespmem:s11+$0x10F70]  }
0x11a: {  	v5 =	vsub.f32 $0.0e+00, v5;
	v8 =	vld [tilespmem:s11+$0x10F80]  }
0x11b: {  	v6 =	vsub.f32 $0.0e+00, v6;
	v9 =	vld [tilespmem:s11+$0x10F90]  }
0x11c: {  	v10 =	vld [tilespmem:s11+$0x10FA0]  }
0x11d: {  	v3 =	vsub.f32 $0.0e+00, v3;
	v11 =	vld [tilespmem:s11+$0x10FB0]  }
0x11e: {  	v7 =	vsub.f32 $0.0e+00, v7;
	v12 =	vld [tilespmem:s11+$0x10FC0]  }
0x11f: {  	v8 =	vsub.f32 $0.0e+00, v8;
	v13 =	vld [tilespmem:s11+$0x10FD0]  }
0x120: {  	v9 =	vsub.f32 $0.0e+00, v9;
	v14 =	vld [tilespmem:s11+$0x10FE0]  }
0x121: {  	v10 =	vsub.f32 $0.0e+00, v10;
	v15 =	vld [tilespmem:s11+$0x10FF0]  }
0x122: {  	v11 =	vsub.f32 $0.0e+00, v11;
	v16 =	vld [tilespmem:s11+$0x11000]  }
0x123: {  	v12 =	vsub.f32 $0.0e+00, v12;
	v17 =	vld [tilespmem:s11+$0x11010]  }
0x124: {  	v13 =	vsub.f32 $0.0e+00, v13;
	v18 =	vld [tilespmem:s11+$0x11020]  }
0x125: {  	v14 =	vsub.f32 $0.0e+00, v14;
	v19 =	vld [tilespmem:s11+$0x11030]  }
0x126: {  	v15 =	vsub.f32 $0.0e+00, v15;
	v20 =	vld [tilespmem:s11+$0x11040]  }
0x127: {  	v16 =	vsub.f32 $0.0e+00, v16;
	v21 =	vld [tilespmem:s11+$0x11050]  }
0x128: {  	v17 =	vsub.f32 $0.0e+00, v17;
	v22 =	vld [tilespmem:s11+$0x11060]  }
0x129: {  	v18 =	vsub.f32 $0.0e+00, v18;
	v23 =	vld [tilespmem:s11+$0x11070]  }
0x12a: {  	v19 =	vsub.f32 $0.0e+00, v19;
	v24 =	vld [tilespmem:s11+$0x11080]  }
0x12b: {  	v20 =	vsub.f32 $0.0e+00, v20;
	v25 =	vld [tilespmem:s11+$0x11090]  }
0x12c: {  	v21 =	vsub.f32 $0.0e+00, v21;
	v26 =	vld [tilespmem:s11+$0x110A0]  }
0x12d: {  	v22 =	vsub.f32 $0.0e+00, v22;
	v27 =	vld [tilespmem:s11+$0x110B0]  }
0x12e: {  	v23 =	vsub.f32 $0.0e+00, v23;
	v28 =	vld [tilespmem:s11+$0x110C0]  }
0x12f: {  	v24 =	vsub.f32 $0.0e+00, v24;
	v29 =	vld [tilespmem:s11+$0x110D0]  }
0x130: {  	v25 =	vsub.f32 $0.0e+00, v25;
	v30 =	vld [tilespmem:s11+$0x110E0]  }
0x131: {  	[tilespmem:s11+$0x4F00] =	vst.add.f32.msk $0xffff, v1;
	v1 =	vsub.f32 $0.0e+00, v26  }
0x132: {  	[tilespmem:s11+$0x4F10] =	vst.add.f32.msk $0xffff, v2;
	v2 =	vsub.f32 $0.0e+00, v27  }
0x133: {  	[tilespmem:s11+$0x4F20] =	vst.add.f32.msk $0xffff, v0;
	v26 =	vsub.f32 $0.0e+00, v28  }
0x134: {  	[tilespmem:s11+$0x4F30] =	vst.add.f32.msk $0xffff, v4;
	v4 =	vsub.f32 $0.0e+00, v29  }
0x135: {  	[tilespmem:s11+$0x4F40] =	vst.add.f32.msk $0xffff, v5;
	v0 =	vsub.f32 $0.0e+00, v30  }
0x136: {  	[tilespmem:s11+$0x4F50] =	vst.add.f32.msk $0xffff, v6  }
0x137: {  	[tilespmem:s11+$0x4F60] =	vst.add.f32.msk $0xffff, v3  }
0x138: {  	[tilespmem:s11+$0x4F70] =	vst.add.f32.msk $0xffff, v7  }
0x139: {  	[tilespmem:s11+$0x4F80] =	vst.add.f32.msk $0xffff, v8  }
0x13a: {  	[tilespmem:s11+$0x4F90] =	vst.add.f32.msk $0xffff, v9  }
0x13b: {  	[tilespmem:s11+$0x4FA0] =	vst.add.f32.msk $0xffff, v10  }
0x13c: {  	[tilespmem:s11+$0x4FB0] =	vst.add.f32.msk $0xffff, v11  }
0x13d: {  	[tilespmem:s11+$0x4FC0] =	vst.add.f32.msk $0xffff, v12  }
0x13e: {  	[tilespmem:s11+$0x4FD0] =	vst.add.f32.msk $0xffff, v13  }
0x13f: {  	[tilespmem:s11+$0x4FE0] =	vst.add.f32.msk $0xffff, v14  }
0x140: {  	[tilespmem:s11+$0x4FF0] =	vst.add.f32.msk $0xffff, v15  }
0x141: {  	[tilespmem:s11+$0x5000] =	vst.add.f32.msk $0xffff, v16  }
0x142: {  	[tilespmem:s11+$0x5010] =	vst.add.f32.msk $0xffff, v17  }
0x143: {  	[tilespmem:s11+$0x5020] =	vst.add.f32.msk $0xffff, v18  }
0x144: {  	[tilespmem:s11+$0x5030] =	vst.add.f32.msk $0xffff, v19  }
0x145: {  	[tilespmem:s11+$0x5040] =	vst.add.f32.msk $0xffff, v20  }
0x146: {  	[tilespmem:s11+$0x5050] =	vst.add.f32.msk $0xffff, v21  }
0x147: {  	[tilespmem:s11+$0x5060] =	vst.add.f32.msk $0xffff, v22  }
0x148: {  	[tilespmem:s11+$0x5070] =	vst.add.f32.msk $0xffff, v23  }
0x149: {  	[tilespmem:s11+$0x5080] =	vst.add.f32.msk $0xffff, v24  }
.Ltmp3:
0x14a: {  	[tilespmem:s11+$0x5090] =	vst.add.f32.msk $0xffff, v25;
	(pc) =	sbr.rel @p0 .LBB2_5-.Ltmp3, $4  }
0x14b: {  	[tilespmem:s11+$0x50A0] =	vst.add.f32.msk $0xffff, v1  }
0x14c: {  	[tilespmem:s11+$0x50B0] =	vst.add.f32.msk $0xffff, v2  }
0x14d: {  	[tilespmem:s11+$0x50C0] =	vst.add.f32.msk $0xffff, v26  }
0x14e: {  	s9 =	sadd.s32 $0x800, s9;
	[tilespmem:s11+$0x50D0] =	vst.add.f32.msk $0xffff, v4  }
0x14f: {  	s9 =	smul.u32 $0x180, s8;
	_ =	sdelay $0x1  }
0x150: {  	s7 =	sadd.s32 s5, s9  }
0x151: {  	p0 =	seq.s32 s8, $0x0;
	s7 =	sshll.u32 s7, $0x4  }
0x152: {  	[tilespmem:s11+$0x50E0] =	vst.add.f32.msk $0xffff, v0;
	s11 =	smul.u32 $0x3, s8;
	s14 =	simm.s32 @!p0 $0x9;
	s7 =	sadd.s32 s3, s7  }
0x153: {  	[hbm4b:s7+s4] =	stream.linear.scatter [tilespmem:s16], [sflag:$0x7], $0x4000, $0x38;
	[tilespmem:$0x1CF00] =	vst v63  }
0x154: {  	_ =	swait.ge @!p0 [sflag:s14], $0x4000  }
0x155: {  	s11 =	sadd.s32 $0x2, s11;
	[sflag:s14] =	ssyncset.done @!p0 $0x0  }
0x156: {  	s7 =	sshll.u32 s11, $0x7;
	[sflag:s14] =	ssyncadd.s32 @!p0 $0xFFFFC000  }
0x157: {  	[tilespmem:s15], [sflag:$0x3] =	stream.indirect.gather [hbm4b:s1+s19], $0x80, s7, s19, $0xb8;
	[tilespmem:$0x1CF00] =	vst v63  }
0x158: {  	s14 =	sor.u32 $0x40, s7  }
0x159: {  	[tilespmem:s17], [sflag:$0x3] =	stream.indirect.gather [hbm4b:s1+s19], $0x80, s14, s19, $0xb8;
	[tilespmem:$0x1CF00] =	vst v63  }
0x15a: {  	s14 =	sadd.s32 $0x2780, s7  }
0x15b: {  	[tilespmem:s20], [sflag:$0x6] =	stream.indirect.gather [hbm4b:s1+s19], $0x80, s14, s19, $0xb8;
	[tilespmem:$0x1CF00] =	vst v63  }
0x15c: {  	s7 =	sadd.s32 $0x27C0, s7  }
0x15d: {  	[tilespmem:s21], [sflag:$0x6] =	stream.indirect.gather [hbm4b:s1+s19], $0x80, s7, s19, $0xb8;
	[tilespmem:$0x1CF00] =	vst v63  }
0x15e: {  	_ =	swait.ge [sflag:s22], $0x2000  }
0x15f: {  	[sflag:s22] =	ssyncset.done $0x0  }
0x160: {  	[sflag:s22] =	ssyncadd.s32 $0xFFFFE000  }
0x161: {  	_ =	swait.ge [sflag:s22], $0x2000  }
0x162: {  	[sflag:s22] =	ssyncset.done $0x0  }
0x163: {  	[sflag:s22] =	ssyncadd.s32 $0xFFFFE000  }
0x164: {  	_ =	swait.ge [sflag:s23], $0x2000  }
0x165: {  	[sflag:s23] =	ssyncset.done $0x0  }
0x166: {  	[sflag:s23] =	ssyncadd.s32 $0xFFFFE000  }
0x167: {  	_ =	swait.ge [sflag:s23], $0x2000  }
0x168: {  	[sflag:s23] =	ssyncset.done $0x0  }
0x169: {  	s7 =	simm.s32 $0x0;
	[sflag:s23] =	ssyncadd.s32 $0xFFFFE000  }
0x16a: {  	v0 =	vld [tilespmem:s7+$0x150F0]  }
0x16b: {  	v1 =	vld [tilespmem:s7+$0x14F00]  }
0x16c: {  	v2 =	vld [tilespmem:s7+$0x14F10]  }
0x16d: {  	v3 =	vld [tilespmem:s7+$0x14F20]  }
0x16e: {  	v4 =	vld [tilespmem:s7+$0x14F30]  }
0x16f: {  	v5 =	vld [tilespmem:s7+$0x14F40]  }
0x170: {  	v6 =	vld [tilespmem:s7+$0x14F50]  }
0x171: {  	v7 =	vld [tilespmem:s7+$0x14F70]  }
0x172: {  	v8 =	vld [tilespmem:s7+$0x14F80]  }
0x173: {  	v9 =	vld [tilespmem:s7+$0x14F90]  }
0x174: {  	v10 =	vld [tilespmem:s7+$0x14FA0]  }
0x175: {  	v11 =	vld [tilespmem:s7+$0x14FB0]  }
0x176: {  	v12 =	vld [tilespmem:s7+$0x14FC0]  }
0x177: {  	v13 =	vld [tilespmem:s7+$0x14FD0]  }
0x178: {  	v14 =	vld [tilespmem:s7+$0x14FE0]  }
0x179: {  	v15 =	vld [tilespmem:s7+$0x14FF0]  }
0x17a: {  	v16 =	vld [tilespmem:s7+$0x15000]  }
0x17b: {  	v17 =	vld [tilespmem:s7+$0x15010]  }
0x17c: {  	v18 =	vld [tilespmem:s7+$0x15020]  }
0x17d: {  	v19 =	vld [tilespmem:s7+$0x15030]  }
0x17e: {  	v20 =	vld [tilespmem:s7+$0x15040]  }
0x17f: {  	v21 =	vld [tilespmem:s7+$0x15050]  }
0x180: {  	v22 =	vld [tilespmem:s7+$0x15060]  }
0x181: {  	v23 =	vld [tilespmem:s7+$0x15070]  }
0x182: {  	v24 =	vld [tilespmem:s7+$0x15080]  }
0x183: {  	v25 =	vld [tilespmem:s7+$0x15090]  }
0x184: {  	v26 =	vld [tilespmem:s7+$0x150A0]  }
0x185: {  	v27 =	vld [tilespmem:s7+$0x150B0]  }
0x186: {  	v28 =	vld [tilespmem:s7+$0x150C0]  }
0x187: {  	v29 =	vld [tilespmem:s7+$0x150D0];
	v0 =	vsub.f32 $0.0e+00, v0  }
0x188: {  	v30 =	vld [tilespmem:s7+$0x150E0]  }
0x189: {  	v1 =	vsub.f32 $0.0e+00, v1;
	[tilespmem:s7+$0x90F0] =	vst.add.f32.msk $0xffff, v0  }
0x18a: {  	v2 =	vsub.f32 $0.0e+00, v2;
	v0 =	vld [tilespmem:s7+$0x14F60]  }
0x18b: {  	v3 =	vsub.f32 $0.0e+00, v3;
	[tilespmem:s7+$0x8F00] =	vst.add.f32.msk $0xffff, v1  }
0x18c: {  	v1 =	vsub.f32 $0.0e+00, v4;
	[tilespmem:s7+$0x8F10] =	vst.add.f32.msk $0xffff, v2  }
0x18d: {  	v2 =	vsub.f32 $0.0e+00, v5;
	[tilespmem:s7+$0x8F20] =	vst.add.f32.msk $0xffff, v3  }
0x18e: {  	v3 =	vsub.f32 $0.0e+00, v6;
	[tilespmem:s7+$0x8F30] =	vst.add.f32.msk $0xffff, v1  }
0x18f: {  	[tilespmem:s7+$0x8F40] =	vst.add.f32.msk $0xffff, v2;
	v1 =	vsub.f32 $0.0e+00, v7  }
0x190: {  	[tilespmem:s7+$0x8F50] =	vst.add.f32.msk $0xffff, v3;
	v2 =	vsub.f32 $0.0e+00, v8  }
0x191: {  	[tilespmem:s7+$0x8F70] =	vst.add.f32.msk $0xffff, v1;
	v1 =	vsub.f32 $0.0e+00, v10  }
0x192: {  	[tilespmem:s7+$0x8F80] =	vst.add.f32.msk $0xffff, v2;
	v2 =	vsub.f32 $0.0e+00, v11  }
0x193: {  	v0 =	vsub.f32 $0.0e+00, v0;
	[tilespmem:s7+$0x8FA0] =	vst.add.f32.msk $0xffff, v1  }
0x194: {  	v1 =	vsub.f32 $0.0e+00, v13;
	[tilespmem:s7+$0x8FB0] =	vst.add.f32.msk $0xffff, v2  }
0x195: {  	v2 =	vsub.f32 $0.0e+00, v14;
	[tilespmem:s7+$0x8F60] =	vst.add.f32.msk $0xffff, v0  }
0x196: {  	v0 =	vsub.f32 $0.0e+00, v9;
	[tilespmem:s7+$0x8FD0] =	vst.add.f32.msk $0xffff, v1  }
0x197: {  	v1 =	vsub.f32 $0.0e+00, v16;
	[tilespmem:s7+$0x8FE0] =	vst.add.f32.msk $0xffff, v2  }
0x198: {  	v2 =	vsub.f32 $0.0e+00, v17;
	[tilespmem:s7+$0x8F90] =	vst.add.f32.msk $0xffff, v0  }
0x199: {  	v0 =	vsub.f32 $0.0e+00, v12;
	[tilespmem:s7+$0x9000] =	vst.add.f32.msk $0xffff, v1  }
0x19a: {  	v1 =	vsub.f32 $0.0e+00, v19;
	[tilespmem:s7+$0x9010] =	vst.add.f32.msk $0xffff, v2  }
0x19b: {  	v2 =	vsub.f32 $0.0e+00, v20;
	[tilespmem:s7+$0x8FC0] =	vst.add.f32.msk $0xffff, v0  }
0x19c: {  	v0 =	vsub.f32 $0.0e+00, v15;
	[tilespmem:s7+$0x9030] =	vst.add.f32.msk $0xffff, v1  }
0x19d: {  	v1 =	vsub.f32 $0.0e+00, v22;
	[tilespmem:s7+$0x9040] =	vst.add.f32.msk $0xffff, v2  }
0x19e: {  	v2 =	vsub.f32 $0.0e+00, v23;
	[tilespmem:s7+$0x8FF0] =	vst.add.f32.msk $0xffff, v0  }
0x19f: {  	v0 =	vsub.f32 $0.0e+00, v18;
	[tilespmem:s7+$0x9060] =	vst.add.f32.msk $0xffff, v1  }
0x1a0: {  	v1 =	vsub.f32 $0.0e+00, v25;
	[tilespmem:s7+$0x9070] =	vst.add.f32.msk $0xffff, v2  }
0x1a1: {  	[tilespmem:s7+$0x9020] =	vst.add.f32.msk $0xffff, v0;
	v0 =	vsub.f32 $0.0e+00, v21  }
0x1a2: {  	v2 =	vsub.f32 $0.0e+00, v26;
	[tilespmem:s7+$0x9090] =	vst.add.f32.msk $0xffff, v1  }
0x1a3: {  	[tilespmem:s7+$0x9050] =	vst.add.f32.msk $0xffff, v0;
	v0 =	vsub.f32 $0.0e+00, v24  }
0x1a4: {  	v1 =	vsub.f32 $0.0e+00, v28;
	[tilespmem:s7+$0x90A0] =	vst.add.f32.msk $0xffff, v2  }
0x1a5: {  	[tilespmem:s7+$0x9080] =	vst.add.f32.msk $0xffff, v0;
	v0 =	vsub.f32 $0.0e+00, v27  }
0x1a6: {  	v2 =	vsub.f32 $0.0e+00, v29;
	[tilespmem:s7+$0x90C0] =	vst.add.f32.msk $0xffff, v1  }
0x1a7: {  	[tilespmem:s7+$0x90B0] =	vst.add.f32.msk $0xffff, v0;
	v0 =	vsub.f32 $0.0e+00, v30  }
0x1a8: {  	s30 =	simm.s32 $0x0;
	s14 =	simm.s32 $0x800;
	[tilespmem:s7+$0x90D0] =	vst.add.f32.msk $0xffff, v2  }
.LBB2_7:
0x1a9: {  	s30 =	sadd.s32 $0x4, s30;
	[tilespmem:s7+$0x90E0] =	vst.add.f32.msk $0xffff, v0;
	s7 =	sshra.s32 s14, $0x2  }
0x1aa: {  	v0 =	vld [tilespmem:s7+$0x150F0];
	p0 =	slt.u32 s30, $0x7C  }
0x1ab: {  	v1 =	vld [tilespmem:s7+$0x14F00]  }
0x1ac: {  	v2 =	vld [tilespmem:s7+$0x14F10]  }
0x1ad: {  	v3 =	vld [tilespmem:s7+$0x14F20]  }
0x1ae: {  	v4 =	vld [tilespmem:s7+$0x14F30]  }
0x1af: {  	v5 =	vld [tilespmem:s7+$0x14F40];
	v0 =	vsub.f32 $0.0e+00, v0  }
0x1b0: {  	v1 =	vsub.f32 $0.0e+00, v1;
	v6 =	vld [tilespmem:s7+$0x14F50]  }
0x1b1: {  	v2 =	vsub.f32 $0.0e+00, v2;
	[tilespmem:s7+$0x90F0] =	vst.add.f32.msk $0xffff, v0  }
0x1b2: {  	v0 =	vsub.f32 $0.0e+00, v3;
	v3 =	vld [tilespmem:s7+$0x14F60]  }
0x1b3: {  	v4 =	vsub.f32 $0.0e+00, v4;
	v7 =	vld [tilespmem:s7+$0x14F70]  }
0x1b4: {  	v5 =	vsub.f32 $0.0e+00, v5;
	v8 =	vld [tilespmem:s7+$0x14F80]  }
0x1b5: {  	v6 =	vsub.f32 $0.0e+00, v6;
	v9 =	vld [tilespmem:s7+$0x14F90]  }
0x1b6: {  	v10 =	vld [tilespmem:s7+$0x14FA0]  }
0x1b7: {  	v3 =	vsub.f32 $0.0e+00, v3;
	v11 =	vld [tilespmem:s7+$0x14FB0]  }
0x1b8: {  	v7 =	vsub.f32 $0.0e+00, v7;
	v12 =	vld [tilespmem:s7+$0x14FC0]  }
0x1b9: {  	v8 =	vsub.f32 $0.0e+00, v8;
	v13 =	vld [tilespmem:s7+$0x14FD0]  }
0x1ba: {  	v9 =	vsub.f32 $0.0e+00, v9;
	v14 =	vld [tilespmem:s7+$0x14FE0]  }
0x1bb: {  	v10 =	vsub.f32 $0.0e+00, v10;
	v15 =	vld [tilespmem:s7+$0x14FF0]  }
0x1bc: {  	v11 =	vsub.f32 $0.0e+00, v11;
	v16 =	vld [tilespmem:s7+$0x15000]  }
0x1bd: {  	v12 =	vsub.f32 $0.0e+00, v12;
	v17 =	vld [tilespmem:s7+$0x15010]  }
0x1be: {  	v13 =	vsub.f32 $0.0e+00, v13;
	v18 =	vld [tilespmem:s7+$0x15020]  }
0x1bf: {  	v14 =	vsub.f32 $0.0e+00, v14;
	v19 =	vld [tilespmem:s7+$0x15030]  }
0x1c0: {  	v15 =	vsub.f32 $0.0e+00, v15;
	v20 =	vld [tilespmem:s7+$0x15040]  }
0x1c1: {  	v16 =	vsub.f32 $0.0e+00, v16;
	v21 =	vld [tilespmem:s7+$0x15050]  }
0x1c2: {  	v17 =	vsub.f32 $0.0e+00, v17;
	v22 =	vld [tilespmem:s7+$0x15060]  }
0x1c3: {  	v18 =	vsub.f32 $0.0e+00, v18;
	v23 =	vld [tilespmem:s7+$0x15070]  }
0x1c4: {  	v19 =	vsub.f32 $0.0e+00, v19;
	v24 =	vld [tilespmem:s7+$0x15080]  }
0x1c5: {  	v20 =	vsub.f32 $0.0e+00, v20;
	v25 =	vld [tilespmem:s7+$0x15090]  }
0x1c6: {  	v21 =	vsub.f32 $0.0e+00, v21;
	v26 =	vld [tilespmem:s7+$0x150A0]  }
0x1c7: {  	v22 =	vsub.f32 $0.0e+00, v22;
	v27 =	vld [tilespmem:s7+$0x150B0]  }
0x1c8: {  	v23 =	vsub.f32 $0.0e+00, v23;
	v28 =	vld [tilespmem:s7+$0x150C0]  }
0x1c9: {  	v24 =	vsub.f32 $0.0e+00, v24;
	v29 =	vld [tilespmem:s7+$0x150D0]  }
0x1ca: {  	v25 =	vsub.f32 $0.0e+00, v25;
	v30 =	vld [tilespmem:s7+$0x150E0]  }
0x1cb: {  	[tilespmem:s7+$0x8F00] =	vst.add.f32.msk $0xffff, v1;
	v1 =	vsub.f32 $0.0e+00, v26  }
0x1cc: {  	[tilespmem:s7+$0x8F10] =	vst.add.f32.msk $0xffff, v2;
	v2 =	vsub.f32 $0.0e+00, v27  }
0x1cd: {  	[tilespmem:s7+$0x8F20] =	vst.add.f32.msk $0xffff, v0;
	v26 =	vsub.f32 $0.0e+00, v28  }
0x1ce: {  	[tilespmem:s7+$0x8F30] =	vst.add.f32.msk $0xffff, v4;
	v4 =	vsub.f32 $0.0e+00, v29  }
0x1cf: {  	[tilespmem:s7+$0x8F40] =	vst.add.f32.msk $0xffff, v5;
	v0 =	vsub.f32 $0.0e+00, v30  }
0x1d0: {  	[tilespmem:s7+$0x8F50] =	vst.add.f32.msk $0xffff, v6  }
0x1d1: {  	[tilespmem:s7+$0x8F60] =	vst.add.f32.msk $0xffff, v3  }
0x1d2: {  	[tilespmem:s7+$0x8F70] =	vst.add.f32.msk $0xffff, v7  }
0x1d3: {  	[tilespmem:s7+$0x8F80] =	vst.add.f32.msk $0xffff, v8  }
0x1d4: {  	[tilespmem:s7+$0x8F90] =	vst.add.f32.msk $0xffff, v9  }
0x1d5: {  	[tilespmem:s7+$0x8FA0] =	vst.add.f32.msk $0xffff, v10  }
0x1d6: {  	[tilespmem:s7+$0x8FB0] =	vst.add.f32.msk $0xffff, v11  }
0x1d7: {  	[tilespmem:s7+$0x8FC0] =	vst.add.f32.msk $0xffff, v12  }
0x1d8: {  	[tilespmem:s7+$0x8FD0] =	vst.add.f32.msk $0xffff, v13  }
0x1d9: {  	[tilespmem:s7+$0x8FE0] =	vst.add.f32.msk $0xffff, v14  }
0x1da: {  	[tilespmem:s7+$0x8FF0] =	vst.add.f32.msk $0xffff, v15  }
0x1db: {  	[tilespmem:s7+$0x9000] =	vst.add.f32.msk $0xffff, v16  }
0x1dc: {  	[tilespmem:s7+$0x9010] =	vst.add.f32.msk $0xffff, v17  }
0x1dd: {  	[tilespmem:s7+$0x9020] =	vst.add.f32.msk $0xffff, v18  }
0x1de: {  	[tilespmem:s7+$0x9030] =	vst.add.f32.msk $0xffff, v19  }
0x1df: {  	[tilespmem:s7+$0x9040] =	vst.add.f32.msk $0xffff, v20  }
0x1e0: {  	[tilespmem:s7+$0x9050] =	vst.add.f32.msk $0xffff, v21  }
0x1e1: {  	[tilespmem:s7+$0x9060] =	vst.add.f32.msk $0xffff, v22  }
0x1e2: {  	[tilespmem:s7+$0x9070] =	vst.add.f32.msk $0xffff, v23  }
0x1e3: {  	[tilespmem:s7+$0x9080] =	vst.add.f32.msk $0xffff, v24  }
.Ltmp4:
0x1e4: {  	[tilespmem:s7+$0x9090] =	vst.add.f32.msk $0xffff, v25;
	(pc) =	sbr.rel @p0 .LBB2_7-.Ltmp4, $4  }
0x1e5: {  	[tilespmem:s7+$0x90A0] =	vst.add.f32.msk $0xffff, v1  }
0x1e6: {  	[tilespmem:s7+$0x90B0] =	vst.add.f32.msk $0xffff, v2  }
0x1e7: {  	[tilespmem:s7+$0x90C0] =	vst.add.f32.msk $0xffff, v26  }
0x1e8: {  	s14 =	sadd.s32 $0x800, s14;
	[tilespmem:s7+$0x90D0] =	vst.add.f32.msk $0xffff, v4  }
0x1e9: {  	s14 =	smul.u32 $0xC000, s8;
	_ =	sdelay $0x1  }
0x1ea: {  	s14 =	sadd.s32 s14, s10  }
0x1eb: {  	p0 =	seq.s32 s8, $0x19;
	s14 =	sshrl.u32 s14, $0x3  }
0x1ec: {  	[tilespmem:s7+$0x90E0] =	vst.add.f32.msk $0xffff, v0;
	s7 =	simm.s32 @!p0 $0x7;
	s14 =	sadd.s32 s3, s14  }
0x1ed: {  	[hbm4b:s14+s4] =	stream.linear.scatter [tilespmem:s24], [sflag:$0x8], $0x4000, $0x38;
	[tilespmem:$0x1CF00] =	vst v63  }
0x1ee: {  	_ =	swait.ge @!p0 [sflag:s7], $0x4000  }
0x1ef: {  	s30 =	simm.s32 @!p0 $0x4F00;
	[sflag:s7] =	ssyncset.done @!p0 $0x0  }
0x1f0: {  	s14 =	simm.s32 @!p0 $0x40;
	[sflag:s7] =	ssyncadd.s32 @!p0 $0xFFFFC000;
	s7 =	sadd.s32 @!p0 $0x180, s9  }
0x1f1: {  	[tilespmem:s30], [sflag:$0x1] =	stream.indirect.gather @!p0 [hbm4b:s1+s14], $0x80, s7, s14, $0xb8;
	[tilespmem:$0x1CF00] =	vst v63  }
0x1f2: {  	s7 =	sadd.s32 @!p0 $0x1C0, s9;
	s30 =	simm.s32 @!p0 $0x6F00  }
0x1f3: {  	[tilespmem:s30], [sflag:$0x1] =	stream.indirect.gather @!p0 [hbm4b:s1+s14], $0x80, s7, s14, $0xb8;
	[tilespmem:$0x1CF00] =	vst v63  }
0x1f4: {  	s7 =	sadd.s32 @!p0 $0x2900, s9;
	s30 =	simm.s32 @!p0 $0x10F00  }
0x1f5: {  	[tilespmem:s30], [sflag:$0x4] =	stream.indirect.gather @!p0 [hbm4b:s1+s14], $0x80, s7, s14, $0xb8;
	[tilespmem:$0x1CF00] =	vst v63  }
0x1f6: {  	s7 =	sadd.s32 @!p0 $0x2940, s9;
	s30 =	simm.s32 @!p0 $0x12F00  }
0x1f7: {  	[tilespmem:s30], [sflag:$0x4] =	stream.indirect.gather @!p0 [hbm4b:s1+s14], $0x80, s7, s14, $0xb8;
	[tilespmem:$0x1CF00] =	vst v63  }
0x1f8: {  	_ =	swait.ge [sflag:s25], $0x2000  }
0x1f9: {  	[sflag:s25] =	ssyncset.done $0x0  }
0x1fa: {  	[sflag:s25] =	ssyncadd.s32 $0xFFFFE000  }
0x1fb: {  	_ =	swait.ge [sflag:s25], $0x2000  }
0x1fc: {  	[sflag:s25] =	ssyncset.done $0x0  }
0x1fd: {  	[sflag:s25] =	ssyncadd.s32 $0xFFFFE000  }
0x1fe: {  	_ =	swait.ge [sflag:s28], $0x2000  }
0x1ff: {  	[sflag:s28] =	ssyncset.done $0x0  }
0x200: {  	[sflag:s28] =	ssyncadd.s32 $0xFFFFE000  }
0x201: {  	_ =	swait.ge [sflag:s28], $0x2000  }
0x202: {  	[sflag:s28] =	ssyncset.done $0x0  }
0x203: {  	s7 =	simm.s32 $0x0;
	[sflag:s28] =	ssyncadd.s32 $0xFFFFE000  }
0x204: {  	v0 =	vld [tilespmem:s7+$0x190F0]  }
0x205: {  	v1 =	vld [tilespmem:s7+$0x18F00]  }
0x206: {  	v2 =	vld [tilespmem:s7+$0x18F10]  }
0x207: {  	v3 =	vld [tilespmem:s7+$0x18F20]  }
0x208: {  	v4 =	vld [tilespmem:s7+$0x18F30]  }
0x209: {  	v5 =	vld [tilespmem:s7+$0x18F40]  }
0x20a: {  	v6 =	vld [tilespmem:s7+$0x18F50]  }
0x20b: {  	v7 =	vld [tilespmem:s7+$0x18F70]  }
0x20c: {  	v8 =	vld [tilespmem:s7+$0x18F80]  }
0x20d: {  	v9 =	vld [tilespmem:s7+$0x18F90]  }
0x20e: {  	v10 =	vld [tilespmem:s7+$0x18FA0]  }
0x20f: {  	v11 =	vld [tilespmem:s7+$0x18FB0]  }
0x210: {  	v12 =	vld [tilespmem:s7+$0x18FC0]  }
0x211: {  	v13 =	vld [tilespmem:s7+$0x18FD0]  }
0x212: {  	v14 =	vld [tilespmem:s7+$0x18FE0]  }
0x213: {  	v15 =	vld [tilespmem:s7+$0x18FF0]  }
0x214: {  	v16 =	vld [tilespmem:s7+$0x19000]  }
0x215: {  	v17 =	vld [tilespmem:s7+$0x19010]  }
0x216: {  	v18 =	vld [tilespmem:s7+$0x19020]  }
0x217: {  	v19 =	vld [tilespmem:s7+$0x19030]  }
0x218: {  	v20 =	vld [tilespmem:s7+$0x19040]  }
0x219: {  	v21 =	vld [tilespmem:s7+$0x19050]  }
0x21a: {  	v22 =	vld [tilespmem:s7+$0x19060]  }
0x21b: {  	v23 =	vld [tilespmem:s7+$0x19070]  }
0x21c: {  	v24 =	vld [tilespmem:s7+$0x19080]  }
0x21d: {  	v25 =	vld [tilespmem:s7+$0x19090]  }
0x21e: {  	v26 =	vld [tilespmem:s7+$0x190A0]  }
0x21f: {  	v27 =	vld [tilespmem:s7+$0x190B0]  }
0x220: {  	v28 =	vld [tilespmem:s7+$0x190C0]  }
0x221: {  	v29 =	vld [tilespmem:s7+$0x190D0];
	v0 =	vsub.f32 $0.0e+00, v0  }
0x222: {  	v30 =	vld [tilespmem:s7+$0x190E0]  }
0x223: {  	v1 =	vsub.f32 $0.0e+00, v1;
	[tilespmem:s7+$0xD0F0] =	vst.add.f32.msk $0xffff, v0  }
0x224: {  	v2 =	vsub.f32 $0.0e+00, v2;
	v0 =	vld [tilespmem:s7+$0x18F60]  }
0x225: {  	v3 =	vsub.f32 $0.0e+00, v3;
	[tilespmem:s7+$0xCF00] =	vst.add.f32.msk $0xffff, v1  }
0x226: {  	v1 =	vsub.f32 $0.0e+00, v4;
	[tilespmem:s7+$0xCF10] =	vst.add.f32.msk $0xffff, v2  }
0x227: {  	v2 =	vsub.f32 $0.0e+00, v5;
	[tilespmem:s7+$0xCF20] =	vst.add.f32.msk $0xffff, v3  }
0x228: {  	v3 =	vsub.f32 $0.0e+00, v6;
	[tilespmem:s7+$0xCF30] =	vst.add.f32.msk $0xffff, v1  }
0x229: {  	[tilespmem:s7+$0xCF40] =	vst.add.f32.msk $0xffff, v2;
	v1 =	vsub.f32 $0.0e+00, v7  }
0x22a: {  	[tilespmem:s7+$0xCF50] =	vst.add.f32.msk $0xffff, v3;
	v2 =	vsub.f32 $0.0e+00, v8  }
0x22b: {  	[tilespmem:s7+$0xCF70] =	vst.add.f32.msk $0xffff, v1;
	v1 =	vsub.f32 $0.0e+00, v10  }
0x22c: {  	[tilespmem:s7+$0xCF80] =	vst.add.f32.msk $0xffff, v2;
	v2 =	vsub.f32 $0.0e+00, v11  }
0x22d: {  	v0 =	vsub.f32 $0.0e+00, v0;
	[tilespmem:s7+$0xCFA0] =	vst.add.f32.msk $0xffff, v1  }
0x22e: {  	v1 =	vsub.f32 $0.0e+00, v13;
	[tilespmem:s7+$0xCFB0] =	vst.add.f32.msk $0xffff, v2  }
0x22f: {  	v2 =	vsub.f32 $0.0e+00, v14;
	[tilespmem:s7+$0xCF60] =	vst.add.f32.msk $0xffff, v0  }
0x230: {  	v0 =	vsub.f32 $0.0e+00, v9;
	[tilespmem:s7+$0xCFD0] =	vst.add.f32.msk $0xffff, v1  }
0x231: {  	v1 =	vsub.f32 $0.0e+00, v16;
	[tilespmem:s7+$0xCFE0] =	vst.add.f32.msk $0xffff, v2  }
0x232: {  	v2 =	vsub.f32 $0.0e+00, v17;
	[tilespmem:s7+$0xCF90] =	vst.add.f32.msk $0xffff, v0  }
0x233: {  	v0 =	vsub.f32 $0.0e+00, v12;
	[tilespmem:s7+$0xD000] =	vst.add.f32.msk $0xffff, v1  }
0x234: {  	v1 =	vsub.f32 $0.0e+00, v19;
	[tilespmem:s7+$0xD010] =	vst.add.f32.msk $0xffff, v2  }
0x235: {  	v2 =	vsub.f32 $0.0e+00, v20;
	[tilespmem:s7+$0xCFC0] =	vst.add.f32.msk $0xffff, v0  }
0x236: {  	v0 =	vsub.f32 $0.0e+00, v15;
	[tilespmem:s7+$0xD030] =	vst.add.f32.msk $0xffff, v1  }
0x237: {  	v1 =	vsub.f32 $0.0e+00, v22;
	[tilespmem:s7+$0xD040] =	vst.add.f32.msk $0xffff, v2  }
0x238: {  	v2 =	vsub.f32 $0.0e+00, v23;
	[tilespmem:s7+$0xCFF0] =	vst.add.f32.msk $0xffff, v0  }
0x239: {  	v0 =	vsub.f32 $0.0e+00, v18;
	[tilespmem:s7+$0xD060] =	vst.add.f32.msk $0xffff, v1  }
0x23a: {  	v1 =	vsub.f32 $0.0e+00, v25;
	[tilespmem:s7+$0xD070] =	vst.add.f32.msk $0xffff, v2  }
0x23b: {  	[tilespmem:s7+$0xD020] =	vst.add.f32.msk $0xffff, v0;
	v0 =	vsub.f32 $0.0e+00, v21  }
0x23c: {  	v2 =	vsub.f32 $0.0e+00, v26;
	[tilespmem:s7+$0xD090] =	vst.add.f32.msk $0xffff, v1  }
0x23d: {  	[tilespmem:s7+$0xD050] =	vst.add.f32.msk $0xffff, v0;
	v0 =	vsub.f32 $0.0e+00, v24  }
0x23e: {  	v1 =	vsub.f32 $0.0e+00, v28;
	[tilespmem:s7+$0xD0A0] =	vst.add.f32.msk $0xffff, v2  }
0x23f: {  	[tilespmem:s7+$0xD080] =	vst.add.f32.msk $0xffff, v0;
	v0 =	vsub.f32 $0.0e+00, v27  }
0x240: {  	v2 =	vsub.f32 $0.0e+00, v29;
	[tilespmem:s7+$0xD0C0] =	vst.add.f32.msk $0xffff, v1  }
0x241: {  	[tilespmem:s7+$0xD0B0] =	vst.add.f32.msk $0xffff, v0;
	v0 =	vsub.f32 $0.0e+00, v30  }
0x242: {  	s30 =	simm.s32 $0x0;
	s14 =	simm.s32 $0x800;
	[tilespmem:s7+$0xD0D0] =	vst.add.f32.msk $0xffff, v2  }
.LBB2_9:
0x243: {  	s30 =	sadd.s32 $0x4, s30;
	[tilespmem:s7+$0xD0E0] =	vst.add.f32.msk $0xffff, v0;
	s7 =	sshra.s32 s14, $0x2  }
0x244: {  	v0 =	vld [tilespmem:s7+$0x190F0];
	p1 =	slt.u32 s30, $0x7C  }
0x245: {  	v1 =	vld [tilespmem:s7+$0x18F00]  }
0x246: {  	v2 =	vld [tilespmem:s7+$0x18F10]  }
0x247: {  	v3 =	vld [tilespmem:s7+$0x18F20]  }
0x248: {  	v4 =	vld [tilespmem:s7+$0x18F30]  }
0x249: {  	v5 =	vld [tilespmem:s7+$0x18F40];
	v0 =	vsub.f32 $0.0e+00, v0  }
0x24a: {  	v1 =	vsub.f32 $0.0e+00, v1;
	v6 =	vld [tilespmem:s7+$0x18F50]  }
0x24b: {  	v2 =	vsub.f32 $0.0e+00, v2;
	[tilespmem:s7+$0xD0F0] =	vst.add.f32.msk $0xffff, v0  }
0x24c: {  	v0 =	vsub.f32 $0.0e+00, v3;
	v3 =	vld [tilespmem:s7+$0x18F60]  }
0x24d: {  	v4 =	vsub.f32 $0.0e+00, v4;
	v7 =	vld [tilespmem:s7+$0x18F70]  }
0x24e: {  	v5 =	vsub.f32 $0.0e+00, v5;
	v8 =	vld [tilespmem:s7+$0x18F80]  }
0x24f: {  	v6 =	vsub.f32 $0.0e+00, v6;
	v9 =	vld [tilespmem:s7+$0x18F90]  }
0x250: {  	v10 =	vld [tilespmem:s7+$0x18FA0]  }
0x251: {  	v3 =	vsub.f32 $0.0e+00, v3;
	v11 =	vld [tilespmem:s7+$0x18FB0]  }
0x252: {  	v7 =	vsub.f32 $0.0e+00, v7;
	v12 =	vld [tilespmem:s7+$0x18FC0]  }
0x253: {  	v8 =	vsub.f32 $0.0e+00, v8;
	v13 =	vld [tilespmem:s7+$0x18FD0]  }
0x254: {  	v9 =	vsub.f32 $0.0e+00, v9;
	v14 =	vld [tilespmem:s7+$0x18FE0]  }
0x255: {  	v10 =	vsub.f32 $0.0e+00, v10;
	v15 =	vld [tilespmem:s7+$0x18FF0]  }
0x256: {  	v11 =	vsub.f32 $0.0e+00, v11;
	v16 =	vld [tilespmem:s7+$0x19000]  }
0x257: {  	v12 =	vsub.f32 $0.0e+00, v12;
	v17 =	vld [tilespmem:s7+$0x19010]  }
0x258: {  	v13 =	vsub.f32 $0.0e+00, v13;
	v18 =	vld [tilespmem:s7+$0x19020]  }
0x259: {  	v14 =	vsub.f32 $0.0e+00, v14;
	v19 =	vld [tilespmem:s7+$0x19030]  }
0x25a: {  	v15 =	vsub.f32 $0.0e+00, v15;
	v20 =	vld [tilespmem:s7+$0x19040]  }
0x25b: {  	v16 =	vsub.f32 $0.0e+00, v16;
	v21 =	vld [tilespmem:s7+$0x19050]  }
0x25c: {  	v17 =	vsub.f32 $0.0e+00, v17;
	v22 =	vld [tilespmem:s7+$0x19060]  }
0x25d: {  	v18 =	vsub.f32 $0.0e+00, v18;
	v23 =	vld [tilespmem:s7+$0x19070]  }
0x25e: {  	v19 =	vsub.f32 $0.0e+00, v19;
	v24 =	vld [tilespmem:s7+$0x19080]  }
0x25f: {  	v20 =	vsub.f32 $0.0e+00, v20;
	v25 =	vld [tilespmem:s7+$0x19090]  }
0x260: {  	v21 =	vsub.f32 $0.0e+00, v21;
	v26 =	vld [tilespmem:s7+$0x190A0]  }
0x261: {  	v22 =	vsub.f32 $0.0e+00, v22;
	v27 =	vld [tilespmem:s7+$0x190B0]  }
0x262: {  	v23 =	vsub.f32 $0.0e+00, v23;
	v28 =	vld [tilespmem:s7+$0x190C0]  }
0x263: {  	v24 =	vsub.f32 $0.0e+00, v24;
	v29 =	vld [tilespmem:s7+$0x190D0]  }
0x264: {  	v25 =	vsub.f32 $0.0e+00, v25;
	v30 =	vld [tilespmem:s7+$0x190E0]  }
0x265: {  	[tilespmem:s7+$0xCF00] =	vst.add.f32.msk $0xffff, v1;
	v1 =	vsub.f32 $0.0e+00, v26  }
0x266: {  	[tilespmem:s7+$0xCF10] =	vst.add.f32.msk $0xffff, v2;
	v2 =	vsub.f32 $0.0e+00, v27  }
0x267: {  	[tilespmem:s7+$0xCF20] =	vst.add.f32.msk $0xffff, v0;
	v26 =	vsub.f32 $0.0e+00, v28  }
0x268: {  	[tilespmem:s7+$0xCF30] =	vst.add.f32.msk $0xffff, v4;
	v4 =	vsub.f32 $0.0e+00, v29  }
0x269: {  	[tilespmem:s7+$0xCF40] =	vst.add.f32.msk $0xffff, v5;
	v0 =	vsub.f32 $0.0e+00, v30  }
0x26a: {  	[tilespmem:s7+$0xCF50] =	vst.add.f32.msk $0xffff, v6  }
0x26b: {  	[tilespmem:s7+$0xCF60] =	vst.add.f32.msk $0xffff, v3  }
0x26c: {  	[tilespmem:s7+$0xCF70] =	vst.add.f32.msk $0xffff, v7  }
0x26d: {  	[tilespmem:s7+$0xCF80] =	vst.add.f32.msk $0xffff, v8  }
0x26e: {  	[tilespmem:s7+$0xCF90] =	vst.add.f32.msk $0xffff, v9  }
0x26f: {  	[tilespmem:s7+$0xCFA0] =	vst.add.f32.msk $0xffff, v10  }
0x270: {  	[tilespmem:s7+$0xCFB0] =	vst.add.f32.msk $0xffff, v11  }
0x271: {  	[tilespmem:s7+$0xCFC0] =	vst.add.f32.msk $0xffff, v12  }
0x272: {  	[tilespmem:s7+$0xCFD0] =	vst.add.f32.msk $0xffff, v13  }
0x273: {  	[tilespmem:s7+$0xCFE0] =	vst.add.f32.msk $0xffff, v14  }
0x274: {  	[tilespmem:s7+$0xCFF0] =	vst.add.f32.msk $0xffff, v15  }
0x275: {  	[tilespmem:s7+$0xD000] =	vst.add.f32.msk $0xffff, v16  }
0x276: {  	[tilespmem:s7+$0xD010] =	vst.add.f32.msk $0xffff, v17  }
0x277: {  	[tilespmem:s7+$0xD020] =	vst.add.f32.msk $0xffff, v18  }
0x278: {  	[tilespmem:s7+$0xD030] =	vst.add.f32.msk $0xffff, v19  }
0x279: {  	[tilespmem:s7+$0xD040] =	vst.add.f32.msk $0xffff, v20  }
0x27a: {  	[tilespmem:s7+$0xD050] =	vst.add.f32.msk $0xffff, v21  }
0x27b: {  	[tilespmem:s7+$0xD060] =	vst.add.f32.msk $0xffff, v22  }
0x27c: {  	[tilespmem:s7+$0xD070] =	vst.add.f32.msk $0xffff, v23  }
0x27d: {  	[tilespmem:s7+$0xD080] =	vst.add.f32.msk $0xffff, v24  }
.Ltmp5:
0x27e: {  	[tilespmem:s7+$0xD090] =	vst.add.f32.msk $0xffff, v25;
	(pc) =	sbr.rel @p1 .LBB2_9-.Ltmp5, $4  }
0x27f: {  	[tilespmem:s7+$0xD0A0] =	vst.add.f32.msk $0xffff, v1  }
0x280: {  	[tilespmem:s7+$0xD0B0] =	vst.add.f32.msk $0xffff, v2  }
0x281: {  	[tilespmem:s7+$0xD0C0] =	vst.add.f32.msk $0xffff, v26  }
0x282: {  	s14 =	sadd.s32 $0x800, s14;
	[tilespmem:s7+$0xD0D0] =	vst.add.f32.msk $0xffff, v4  }
.Ltmp6:
0x283: {  	s11 =	sshll.u32 s11, $0xE;
	(pc) =	sbr.rel @p0 .LBB2_12-.Ltmp6, $4  }
0x284: {  	s11 =	sadd.s32 s6, s11  }
0x285: {  	s11 =	sshrl.u32 s11, $0x3  }
0x286: {  	[tilespmem:s7+$0xD0E0] =	vst.add.f32.msk $0xffff, v0;
	s30 =	sadd.s32 s3, s11  }
0x287: {  	[hbm4b:s30+s4] =	stream.linear.scatter [tilespmem:s15], [sflag:$0x9], $0x4000, $0x38;
	[tilespmem:$0x1CF00] =	vst v63  }
0x288: {  	_ =	swait.ge [sflag:s13], $0x4000  }
0x289: {  	[sflag:s13] =	ssyncset.done $0x0  }
0x28a: {  	s7 =	sadd.s32 $0x200, s9;
	[sflag:s13] =	ssyncadd.s32 $0xFFFFC000  }
0x28b: {  	[tilespmem:s24], [sflag:$0x2] =	stream.indirect.gather [hbm4b:s1+s19], $0x80, s7, s19, $0xb8;
	[tilespmem:$0x1CF00] =	vst v63  }
0x28c: {  	s11 =	sadd.s32 $0x240, s9  }
0x28d: {  	[tilespmem:s26], [sflag:$0x2] =	stream.indirect.gather [hbm4b:s1+s19], $0x80, s11, s19, $0xb8;
	[tilespmem:$0x1CF00] =	vst v63  }
.Ltmp7:
0x28e: {  	_ = 	snop;
	(pc) =	sbr.rel .LBB2_4-.Ltmp7, $4  }
0x28f: {  	s14 =	sadd.s32 $0x2980, s9  }
0x290: {  	[tilespmem:s29], [sflag:$0x5] =	stream.indirect.gather [hbm4b:s1+s19], $0x80, s14, s19, $0xb8;
	[tilespmem:$0x1CF00] =	vst v63  }
0x291: {  	s30 =	sadd.s32 $0x29C0, s9;
	s8 =	sadd.s32 $0x1, s8  }
0x292: {  	[tilespmem:s31], [sflag:$0x5] =	stream.indirect.gather [hbm4b:s1+s19], $0x80, s30, s19, $0xb8;
	[tilespmem:$0x1CF00] =	vst v63  }
.LBB2_13:
0x293: {  	_ =	sfence.sel $0x180000  }
0x294: {  	[bflag:$0x0] =	sbarrier.arrive $0xFFFF  }
0x295: {  	_ =	strace $0x90000047  }
0x296: {  	s0 =	stileid.u32;
	[bflag:$0x2] =	sbarrier.arrive $0xFFFF  }
0x297: {  	p0 =	sne.s32 s0, $0x0;
	s0 =	rddreg [dreg:$0x3]  }
0x298: {  	s0 =	sadd.s32 @!p0 $0x100000, s0  }
0x299: {  	[sflag:s0] =	ssyncadd.tile.s32 @!p0 $0x1;
	_ =	shalt  }
.Lfunc_end2:
_tile_overlayer_lowered:
.L_overlay_start_2:
0x29a: {  	(tag) =	ssettag $0x2  }
0x29b: {  	s0 =	rddreg [dreg:$0x0];
	s2 =	stileid.u32  }
0x29c: {  	s1 =	rddreg [dreg:$0x1];
	p0 =	sne.s32 s2, $0x0  }
0x29d: {  	s3 =	rddreg [dreg:$0x2];
	[bflag:$0x3] =	sbarrier.arrive $0xFFFF;
	s2 =	simm.s32 @!p0 $0x1C0A  }
0x29e: {  	[timem:s3], [sflag:s2] =	dma.local @!p0 [hbm:s0], s1  }
0x29f: {  	s0 =	simm.s32 @!p0 $0xA  }
0x2a0: {  	_ =	swait.ge @!p0 [sflag:s0], s1  }
0x2a1: {  	s1 =	ssub.s32 @!p0 $0x0, s1;
	[sflag:s0] =	ssyncset.done @!p0 $0x0  }
0x2a2: {  	[sflag:s0] =	ssyncadd.s32 @!p0 s1  }
0x2a3: {  	[bflag:$0x3] =	sbarrier.arrive $0xFFFF  }
0x2a4: {  	_ =	shalt  }

</sc_bundles>
